<compile_context>
chip_gen: v7x
topology: tpu7x:2x2x1
jax: 0.10.2.dev20260603
libtpu: 0.0.44.dev20260713+nightly
codegen_flags: <defaults>
</compile_context>

<pallas_src>
import functools

import jax
import jax.numpy as jnp
from jax import lax
from jax.experimental import pallas as pl
from jax.experimental.pallas import tpu as pltpu
from jax.experimental.pallas import tpu_sc as plsc

_L = 16
_NT = 16
_NC = 2
_U = 128
_CH = 8


def _acc_rows(n):
    rpt = -(-(n + 1) // _NT)
    rpt = -(-rpt // 8) * 8
    return rpt, rpt * _NT


@functools.lru_cache(maxsize=None)
def _build_sc_agg(n, dh, k_units):
    rpt, npad = _acc_rows(n)
    nfull = n // rpt
    tail = n - nfull * rpt

    mesh = plsc.VectorSubcoreMesh(core_axis_name="c", subcore_axis_name="s")

    @functools.partial(
        pl.kernel,
        out_type=[
            jax.ShapeDtypeStruct((_NC, n, dh), jnp.bfloat16),
            jax.ShapeDtypeStruct((_NC, n, 2 * _L), jnp.bfloat16),
        ],
        mesh=mesh,
        compiler_params=pltpu.CompilerParams(use_tc_tiling_on_sc=False,
                                             needs_layout_passes=False),
        scratch_types=[
            pltpu.VMEM((_CH, _U), jnp.int32),
            pltpu.VMEM((_CH, _U), jnp.int32),
            pltpu.VMEM((_CH, _U), jnp.int32),
            pltpu.VMEM((_CH, _U), jnp.int32),
            pltpu.VMEM((_U, dh), jnp.bfloat16),
            pltpu.VMEM((_U, dh), jnp.bfloat16),
            pltpu.VMEM((_U, 2 * _L), jnp.bfloat16),
            pltpu.VMEM_SHARED((npad, dh), jnp.bfloat16),
            pltpu.VMEM_SHARED((npad, 2 * _L), jnp.bfloat16),
            pltpu.SemaphoreType.DMA,
            pltpu.SemaphoreType.DMA,
        ],
    )
    def sc_agg(xs_hbm, src_hbm, dst_hbm, agg_hbm, deg_hbm,
               src_a, dst_a, src_b, dst_b, raw_0, raw_1, ones_v,
               agg_sh, deg_sh, sem_a, sem_b):
        cid = lax.axis_index("c")
        sid = lax.axis_index("s")
        base = sid * rpt
        zb32 = jnp.zeros((2 * _L,), jnp.bfloat16)
        ob32 = jnp.ones((2 * _L,), jnp.bfloat16)

        def fill_row(i, carry):
            for kk in range(dh // (2 * _L)):
                raw_0[i, pl.ds(2 * kk * _L, 2 * _L)] = zb32
            ones_v[i] = ob32
            return carry
        lax.fori_loop(0, _U, fill_row, 0)

        for q in range(rpt // _U):
            pltpu.sync_copy(raw_0, agg_sh.at[pl.ds(base + q * _U, _U)])
        rtail = rpt - (rpt // _U) * _U
        if rtail:
            pltpu.sync_copy(raw_0.at[pl.ds(0, rtail)],
                            agg_sh.at[pl.ds(base + (rpt // _U) * _U, rtail)])
        zsrc = raw_0.at[pl.ds(0, _U), pl.ds(0, 2 * _L)]
        for q in range(rpt // _U):
            pltpu.sync_copy(zsrc, deg_sh.at[pl.ds(base + q * _U, _U)])
        if rtail:
            pltpu.sync_copy(raw_0.at[pl.ds(0, rtail), pl.ds(0, 2 * _L)],
                            deg_sh.at[pl.ds(base + (rpt // _U) * _U, rtail)])

        ubase = sid * k_units
        cvec = jnp.full((_L,), 0, jnp.int32) + cid
        npair = k_units // (2 * _CH)
        raws = (raw_0, raw_1)
        sems = (sem_a, sem_b)
        srcs = (src_a, src_b)
        dsts = (dst_a, dst_b)

        def load_idx(c, s_v, d_v):
            pltpu.sync_copy(src_hbm.at[pl.ds(ubase + c * _CH, _CH)], s_v)
            pltpu.sync_copy(dst_hbm.at[pl.ds(ubase + c * _CH, _CH)], d_v)

            def xf(i, c2):
                for kk in range(_U // _L):
                    v = s_v[i, pl.ds(kk * _L, _L)]
                    s_v[i, pl.ds(kk * _L, _L)] = v + v + cvec
                return c2
            lax.fori_loop(0, _CH, xf, 0)

        load_idx(0, src_a, dst_a)
        pltpu.async_copy(xs_hbm.at[src_a.at[0]], raw_0, sem_a)

        plsc.subcore_barrier()

        def pair(m, carry):
            load_idx(2 * m + 1, src_b, dst_b)
            for u in range(2 * _CH):
                half, j = divmod(u, _CH)
                cur, csem = raws[u % 2], sems[u % 2]
                nxt, nsem = raws[(u + 1) % 2], sems[(u + 1) % 2]
                if u < 2 * _CH - 1:
                    nhalf, nj = divmod(u + 1, _CH)
                    pltpu.async_copy(xs_hbm.at[srcs[nhalf].at[nj]], nxt, nsem)
                else:
                    @pl.when(m != npair - 1)
                    def _():
                        pltpu.async_copy(xs_hbm.at[src_a.at[0]], nxt, nsem)
                gidx = srcs[half].at[j]
                didx = dsts[half].at[j]
                pltpu.make_async_copy(xs_hbm.at[gidx], cur, csem).wait()

                pltpu.sync_copy(cur, agg_sh.at[didx], add=True)

                @pl.when((u % 2) == cid)
                def _():
                    pltpu.sync_copy(ones_v, deg_sh.at[didx], add=True)

                if u == _CH - 1:
                    @pl.when(m != npair - 1)
                    def _():
                        load_idx(2 * m + 2, src_a, dst_a)
            return carry
        lax.fori_loop(0, npair, pair, 0)

        plsc.subcore_barrier()

        @pl.when(sid < nfull)
        def _():
            pltpu.sync_copy(agg_sh.at[pl.ds(base, rpt)],
                            agg_hbm.at[cid, pl.ds(base, rpt)])
            pltpu.sync_copy(deg_sh.at[pl.ds(base, rpt)],
                            deg_hbm.at[cid, pl.ds(base, rpt)])

        if tail:
            @pl.when(sid == nfull)
            def _():
                pltpu.sync_copy(agg_sh.at[pl.ds(base, tail)],
                                agg_hbm.at[cid, pl.ds(base, tail)])
                pltpu.sync_copy(deg_sh.at[pl.ds(base, tail)],
                                deg_hbm.at[cid, pl.ds(base, tail)])

    return sc_agg


def _pack_table(x, n, dh):
    return x.reshape(2 * n, dh).astype(jnp.bfloat16)


def _sc_aggregate(x, edge_index):
    n, d = x.shape
    dh = d // 2
    e = edge_index.shape[1]
    k_units = -(-e // (_NT * _U))
    k_units = -(-k_units // (2 * _CH)) * (2 * _CH)
    ep = k_units * _NT * _U
    src = edge_index[0]
    dst = edge_index[1]
    npad = _acc_rows(n)[1]
    pad = jnp.arange(ep - e, dtype=jnp.int32)
    src_p = jnp.concatenate([src.astype(jnp.int32), pad % n])
    dst_p = jnp.concatenate([dst.astype(jnp.int32), n + pad % (npad - n)])
    agg, deg = _build_sc_agg(n, dh, k_units)(
        _pack_table(x, n, dh),
        src_p.reshape(-1, _U),
        dst_p.reshape(-1, _U),
    )
    return agg, deg


def _mlp_body(agg0_ref, agg1_ref, deg0_ref, deg1_ref, w_ref, b_ref, out_ref):
    dh = agg0_ref.shape[2]
    deg = (jnp.sum(deg0_ref[0].astype(jnp.float32), axis=1)
           + jnp.sum(deg1_ref[0].astype(jnp.float32), axis=1)) * (1.0 / (2 * _L))
    r = 1.0 / jnp.maximum(deg, 1.0)
    h0 = agg0_ref[0].astype(jnp.float32) * r[:, None]
    h1 = agg1_ref[0].astype(jnp.float32) * r[:, None]
    y = (jnp.dot(h0, w_ref[0:dh, :], preferred_element_type=jnp.float32)
         + jnp.dot(h1, w_ref[dh:, :], preferred_element_type=jnp.float32)
         + b_ref[...])
    out_ref[...] = jnp.maximum(y, 0.0)


@functools.lru_cache(maxsize=None)
def _build_mlp(n, d, rows):
    grid = (n // rows,)
    return pl.pallas_call(
        _mlp_body,
        grid=grid,
        in_specs=[
            pl.BlockSpec((1, rows, d // 2), lambda i: (0, i, 0)),
            pl.BlockSpec((1, rows, d // 2), lambda i: (1, i, 0)),
            pl.BlockSpec((1, rows, 2 * _L), lambda i: (0, i, 0)),
            pl.BlockSpec((1, rows, 2 * _L), lambda i: (1, i, 0)),
            pl.BlockSpec((d, d), lambda i: (0, 0)),
            pl.BlockSpec((1, d), lambda i: (0, 0)),
        ],
        out_specs=pl.BlockSpec((rows, d), lambda i: (i, 0)),
        out_shape=jax.ShapeDtypeStruct((n, d), jnp.float32),
    )


def _mlp(agg, deg, w, b):
    _, n, dh = agg.shape
    d = 2 * dh
    return _build_mlp(n, d, 1000)(agg, agg, deg, deg, w, b.reshape(1, d))


def kernel(x_q, edge_index_q, x_t, edge_index_t, W_q, b_q, W_t, b_t):
    agg_q, deg_q = _sc_aggregate(x_q, edge_index_q)
    agg_t, deg_t = _sc_aggregate(x_t, edge_index_t)
    out_q = _mlp(agg_q, deg_q, W_q, b_q)
    out_t = _mlp(agg_t, deg_t, W_t, b_t)
    return out_q, out_t

# --- scband reference (transcript-rebuilt; emitter-appended) ---
"""Pipeline reference for scband-our-gmncustom-intra-8924942041963 (READ-ONLY COPY).

The authoritative reference and input builder live on the scoring server;
editing this copy changes nothing except your own understanding.
"""

import jax, jax.numpy as jnp
import numpy as np

N = 10000
E = 160000
D = 256


def setup_inputs(seed: int = 0) -> dict:
    key = jax.random.key(seed)
    ks = jax.random.split(key, 8)
    x_q = jax.random.normal(ks[0], (N, D), dtype=jnp.float32)
    x_t = jax.random.normal(ks[1], (N, D), dtype=jnp.float32)
    edge_index_q = jax.random.randint(ks[2], (2, E), 0, N)
    edge_index_t = jax.random.randint(ks[3], (2, E), 0, N)
    scale = 1.0 / np.sqrt(D)
    W_q = jax.random.normal(ks[4], (D, D), dtype=jnp.float32) * scale
    b_q = jnp.zeros((D,), dtype=jnp.float32)
    W_t = jax.random.normal(ks[5], (D, D), dtype=jnp.float32) * scale
    b_t = jnp.zeros((D,), dtype=jnp.float32)
    return {
        "x_q": x_q,
        "edge_index_q": edge_index_q,
        "x_t": x_t,
        "edge_index_t": edge_index_t,
        "W_q": W_q,
        "b_q": b_q,
        "W_t": W_t,
        "b_t": b_t,
    }


def _gcn_mean(x, edge_index, W, b):
    # message passing: gather features from src nodes, mean-aggregate at dst nodes,
    # then linear transform + relu (faithful to a standard GCN-style conv used as gnn_q/gnn_t)
    src = edge_index[0]
    dst = edge_index[1]
    msgs = jnp.take(x, src, axis=0)
    agg = jax.ops.segment_sum(msgs, dst, num_segments=x.shape[0])
    deg = jax.ops.segment_sum(jnp.ones((edge_index.shape[1],), dtype=x.dtype), dst, num_segments=x.shape[0])
    deg = jnp.clip(deg, 1.0, None)
    h = agg / deg[:, None]
    return jax.nn.relu(h @ W + b)


def reference(x_q, edge_index_q, x_t, edge_index_t, W_q, b_q, W_t, b_t):
    # OurGMNCustomIntra.forward: pyg_data_q = self.gnn_q(pyg_data_q); pyg_data_t = self.gnn_t(pyg_data_t)
    out_q = _gcn_mean(x_q, edge_index_q, W_q, b_q)
    out_t = _gcn_mean(x_t, edge_index_t, W_t, b_t)
    return (out_q, out_t)

if __name__ == "__main__":
    import jax
    _d = setup_inputs()
    print(jax.jit(kernel)(*tuple(_d.values())))

</pallas_src>

<mosaic_0001>
#map = affine_map<(d0, d1) -> (0, 0)>
#map1 = affine_map<(d0, d1) -> (0, 0, 0)>
module attributes {stable_mosaic.version = 14 : i64} {
  func.func @sc_agg(%arg0: i32, %arg1: i32, %arg2: memref<20000x128xbf16, #tpu.memory_space<hbm>>, %arg3: memref<1280x128xi32, #tpu.memory_space<hbm>>, %arg4: memref<1280x128xi32, #tpu.memory_space<hbm>>, %arg5: memref<2x10000x128xbf16, #tpu.memory_space<hbm>>, %arg6: memref<2x10000x32xbf16, #tpu.memory_space<hbm>>, %arg7: memref<8x128xi32, #tpu.memory_space<vmem>>, %arg8: memref<8x128xi32, #tpu.memory_space<vmem>>, %arg9: memref<8x128xi32, #tpu.memory_space<vmem>>, %arg10: memref<8x128xi32, #tpu.memory_space<vmem>>, %arg11: memref<128x128xbf16, #tpu.memory_space<vmem>>, %arg12: memref<128x128xbf16, #tpu.memory_space<vmem>>, %arg13: memref<128x32xbf16, #tpu.memory_space<vmem>>, %arg14: memref<10112x128xbf16, #tpu.memory_space<vmem_shared>>, %arg15: memref<10112x32xbf16, #tpu.memory_space<vmem_shared>>, %arg16: memref<!tpu.dma_semaphore, #tpu.memory_space<semaphore_mem>>, %arg17: memref<!tpu.dma_semaphore, #tpu.memory_space<semaphore_mem>>) attributes {dimension_semantics = [#tpu.dimension_semantics<core_parallel>, #tpu.dimension_semantics<subcore_parallel>], iteration_bounds = array<i64: 2, 16>, scalar_prefetch = 0 : i64, scratch_operands = 11 : i64, tpu.core_type = #tpu.core_type<sc_vector_subcore>, window_params = [{transform_indices = #map}, {transform_indices = #map}, {transform_indices = #map}, {transform_indices = #map1}, {transform_indices = #map1}]} {
    %mul3A = arith.constant 632 : i32
    %mul3A_0 = arith.muli %arg1, %mul3A : i32
    %broadcast_in_dim3A = arith.constant 0.000000e+00 : bf16
    %broadcast_in_dim3A_1 = vector.broadcast %broadcast_in_dim3A : bf16 to vector<32xbf16>
    %broadcast_in_dim3A_2 = arith.constant 1.000000e+00 : bf16
    %broadcast_in_dim3A_3 = vector.broadcast %broadcast_in_dim3A_2 : bf16 to vector<32xbf16>
    %scan3A = arith.constant 0 : i32
    %scan3A_4 = arith.constant 0 : i32
    %scan3A_5 = arith.constant 128 : i32
    %scan3A_6 = arith.addi %scan3A_4, %scan3A_5 : i32
    %scan3A_7 = arith.constant 1 : i32
    scf.for %scan3A_63 = %scan3A_4 to %scan3A_6 step %scan3A_7  : i32 {
      %swap3A = arith.index_cast %scan3A_63 : i32 to index
      %swap3A_64 = arith.constant 0 : index
      %swap3A_65 = tpu.vector_load %arg11[%swap3A, %swap3A_64] {strides = array<i32>} : memref<128x128xbf16, #tpu.memory_space<vmem>>, vector<32xbf16>,
      tpu.vector_store %arg11[%swap3A, %swap3A_64], %broadcast_in_dim3A_1 {strides = array<i32>} : memref<128x128xbf16, #tpu.memory_space<vmem>>, vector<32xbf16>,
      %swap3A_66 = arith.index_cast %scan3A_63 : i32 to index
      %swap3A_67 = arith.constant 32 : index
      %swap3A_68 = tpu.vector_load %arg11[%swap3A_66, %swap3A_67] {strides = array<i32>} : memref<128x128xbf16, #tpu.memory_space<vmem>>, vector<32xbf16>,
      tpu.vector_store %arg11[%swap3A_66, %swap3A_67], %broadcast_in_dim3A_1 {strides = array<i32>} : memref<128x128xbf16, #tpu.memory_space<vmem>>, vector<32xbf16>,
      %swap3A_69 = arith.index_cast %scan3A_63 : i32 to index
      %swap3A_70 = arith.constant 64 : index
      %swap3A_71 = tpu.vector_load %arg11[%swap3A_69, %swap3A_70] {strides = array<i32>} : memref<128x128xbf16, #tpu.memory_space<vmem>>, vector<32xbf16>,
      tpu.vector_store %arg11[%swap3A_69, %swap3A_70], %broadcast_in_dim3A_1 {strides = array<i32>} : memref<128x128xbf16, #tpu.memory_space<vmem>>, vector<32xbf16>,
      %swap3A_72 = arith.index_cast %scan3A_63 : i32 to index
      %swap3A_73 = arith.constant 96 : index
      %swap3A_74 = tpu.vector_load %arg11[%swap3A_72, %swap3A_73] {strides = array<i32>} : memref<128x128xbf16, #tpu.memory_space<vmem>>, vector<32xbf16>,
      tpu.vector_store %arg11[%swap3A_72, %swap3A_73], %broadcast_in_dim3A_1 {strides = array<i32>} : memref<128x128xbf16, #tpu.memory_space<vmem>>, vector<32xbf16>,
      %swap3A_75 = arith.index_cast %scan3A_63 : i32 to index
      %swap3A_76 = arith.constant 0 : index
      %swap3A_77 = tpu.vector_load %arg13[%swap3A_75, %swap3A_76] {strides = array<i32>} : memref<128x32xbf16, #tpu.memory_space<vmem>>, vector<32xbf16>,
      tpu.vector_store %arg13[%swap3A_75, %swap3A_76], %broadcast_in_dim3A_3 {strides = array<i32>} : memref<128x32xbf16, #tpu.memory_space<vmem>>, vector<32xbf16>,
    }
    %scan3A_8 = arith.constant 128 : i32
    %add3A = arith.constant 0 : i32
    %add3A_9 = arith.addi %mul3A_0, %add3A : i32
    "tpu.region"() ({
      %run_scoped3A = tpu.sem_alloc : memref<!tpu.dma_semaphore, #tpu.memory_space<semaphore_mem>>
      %dma_start3A_63 = arith.constant 0 : i32
      %dma_start3A_64 = tpu.memref_slice %arg14[%add3A_9, %dma_start3A_63] : memref<10112x128xbf16, #tpu.memory_space<vmem_shared>> -> memref<128x128xbf16, #tpu.memory_space<vmem_shared>>
      %dma_start3A_65 = arith.constant 0 : i32
      %dma_start3A_66 = tpu.memref_slice %arg14[%add3A_9, %dma_start3A_65] : memref<10112x128xbf16, #tpu.memory_space<vmem_shared>> -> memref<128x128xbf16, #tpu.memory_space<vmem_shared>>
      tpu.enqueue_dma source(%arg11 : memref<128x128xbf16, #tpu.memory_space<vmem>>) target(%dma_start3A_66 : memref<128x128xbf16, #tpu.memory_space<vmem_shared>>) target_semaphore(%run_scoped3A : memref<!tpu.dma_semaphore, #tpu.memory_space<semaphore_mem>>)
      %dma_wait3A = arith.constant 0 : i32
      %dma_wait3A_67 = tpu.memref_slice %arg14[%add3A_9, %dma_wait3A] : memref<10112x128xbf16, #tpu.memory_space<vmem_shared>> -> memref<128x128xbf16, #tpu.memory_space<vmem_shared>>
      %dma_wait3A_68 = arith.constant 0 : i32
      %dma_wait3A_69 = tpu.memref_slice %arg14[%add3A_9, %dma_wait3A_68] : memref<10112x128xbf16, #tpu.memory_space<vmem_shared>> -> memref<128x128xbf16, #tpu.memory_space<vmem_shared>>
      tpu.wait_dma2 semaphore(%run_scoped3A : memref<!tpu.dma_semaphore, #tpu.memory_space<semaphore_mem>>) src(%arg11 : memref<128x128xbf16, #tpu.memory_space<vmem>>) dst(%dma_wait3A_69 : memref<128x128xbf16, #tpu.memory_space<vmem_shared>>)
      tpu.yield
    }) : () -> ()
    %add3A_10 = arith.constant 128 : i32
    %add3A_11 = arith.addi %mul3A_0, %add3A_10 : i32
    "tpu.region"() ({
      %run_scoped3A = tpu.sem_alloc : memref<!tpu.dma_semaphore, #tpu.memory_space<semaphore_mem>>
      %dma_start3A_63 = arith.constant 0 : i32
      %dma_start3A_64 = tpu.memref_slice %arg14[%add3A_11, %dma_start3A_63] : memref<10112x128xbf16, #tpu.memory_space<vmem_shared>> -> memref<128x128xbf16, #tpu.memory_space<vmem_shared>>
      %dma_start3A_65 = arith.constant 0 : i32
      %dma_start3A_66 = tpu.memref_slice %arg14[%add3A_11, %dma_start3A_65] : memref<10112x128xbf16, #tpu.memory_space<vmem_shared>> -> memref<128x128xbf16, #tpu.memory_space<vmem_shared>>
      tpu.enqueue_dma source(%arg11 : memref<128x128xbf16, #tpu.memory_space<vmem>>) target(%dma_start3A_66 : memref<128x128xbf16, #tpu.memory_space<vmem_shared>>) target_semaphore(%run_scoped3A : memref<!tpu.dma_semaphore, #tpu.memory_space<semaphore_mem>>)
      %dma_wait3A = arith.constant 0 : i32
      %dma_wait3A_67 = tpu.memref_slice %arg14[%add3A_11, %dma_wait3A] : memref<10112x128xbf16, #tpu.memory_space<vmem_shared>> -> memref<128x128xbf16, #tpu.memory_space<vmem_shared>>
      %dma_wait3A_68 = arith.constant 0 : i32
      %dma_wait3A_69 = tpu.memref_slice %arg14[%add3A_11, %dma_wait3A_68] : memref<10112x128xbf16, #tpu.memory_space<vmem_shared>> -> memref<128x128xbf16, #tpu.memory_space<vmem_shared>>
      tpu.wait_dma2 semaphore(%run_scoped3A : memref<!tpu.dma_semaphore, #tpu.memory_space<semaphore_mem>>) src(%arg11 : memref<128x128xbf16, #tpu.memory_space<vmem>>) dst(%dma_wait3A_69 : memref<128x128xbf16, #tpu.memory_space<vmem_shared>>)
      tpu.yield
    }) : () -> ()
    %add3A_12 = arith.constant 256 : i32
    %add3A_13 = arith.addi %mul3A_0, %add3A_12 : i32
    "tpu.region"() ({
      %run_scoped3A = tpu.sem_alloc : memref<!tpu.dma_semaphore, #tpu.memory_space<semaphore_mem>>
      %dma_start3A_63 = arith.constant 0 : i32
      %dma_start3A_64 = tpu.memref_slice %arg14[%add3A_13, %dma_start3A_63] : memref<10112x128xbf16, #tpu.memory_space<vmem_shared>> -> memref<128x128xbf16, #tpu.memory_space<vmem_shared>>
      %dma_start3A_65 = arith.constant 0 : i32
      %dma_start3A_66 = tpu.memref_slice %arg14[%add3A_13, %dma_start3A_65] : memref<10112x128xbf16, #tpu.memory_space<vmem_shared>> -> memref<128x128xbf16, #tpu.memory_space<vmem_shared>>
      tpu.enqueue_dma source(%arg11 : memref<128x128xbf16, #tpu.memory_space<vmem>>) target(%dma_start3A_66 : memref<128x128xbf16, #tpu.memory_space<vmem_shared>>) target_semaphore(%run_scoped3A : memref<!tpu.dma_semaphore, #tpu.memory_space<semaphore_mem>>)
      %dma_wait3A = arith.constant 0 : i32
      %dma_wait3A_67 = tpu.memref_slice %arg14[%add3A_13, %dma_wait3A] : memref<10112x128xbf16, #tpu.memory_space<vmem_shared>> -> memref<128x128xbf16, #tpu.memory_space<vmem_shared>>
      %dma_wait3A_68 = arith.constant 0 : i32
      %dma_wait3A_69 = tpu.memref_slice %arg14[%add3A_13, %dma_wait3A_68] : memref<10112x128xbf16, #tpu.memory_space<vmem_shared>> -> memref<128x128xbf16, #tpu.memory_space<vmem_shared>>
      tpu.wait_dma2 semaphore(%run_scoped3A : memref<!tpu.dma_semaphore, #tpu.memory_space<semaphore_mem>>) src(%arg11 : memref<128x128xbf16, #tpu.memory_space<vmem>>) dst(%dma_wait3A_69 : memref<128x128xbf16, #tpu.memory_space<vmem_shared>>)
      tpu.yield
    }) : () -> ()
    %add3A_14 = arith.constant 384 : i32
    %add3A_15 = arith.addi %mul3A_0, %add3A_14 : i32
    "tpu.region"() ({
      %run_scoped3A = tpu.sem_alloc : memref<!tpu.dma_semaphore, #tpu.memory_space<semaphore_mem>>
      %dma_start3A_63 = arith.constant 0 : i32
      %dma_start3A_64 = tpu.memref_slice %arg14[%add3A_15, %dma_start3A_63] : memref<10112x128xbf16, #tpu.memory_space<vmem_shared>> -> memref<128x128xbf16, #tpu.memory_space<vmem_shared>>
      %dma_start3A_65 = arith.constant 0 : i32
      %dma_start3A_66 = tpu.memref_slice %arg14[%add3A_15, %dma_start3A_65] : memref<10112x128xbf16, #tpu.memory_space<vmem_shared>> -> memref<128x128xbf16, #tpu.memory_space<vmem_shared>>
      tpu.enqueue_dma source(%arg11 : memref<128x128xbf16, #tpu.memory_space<vmem>>) target(%dma_start3A_66 : memref<128x128xbf16, #tpu.memory_space<vmem_shared>>) target_semaphore(%run_scoped3A : memref<!tpu.dma_semaphore, #tpu.memory_space<semaphore_mem>>)
      %dma_wait3A = arith.constant 0 : i32
      %dma_wait3A_67 = tpu.memref_slice %arg14[%add3A_15, %dma_wait3A] : memref<10112x128xbf16, #tpu.memory_space<vmem_shared>> -> memref<128x128xbf16, #tpu.memory_space<vmem_shared>>
      %dma_wait3A_68 = arith.constant 0 : i32
      %dma_wait3A_69 = tpu.memref_slice %arg14[%add3A_15, %dma_wait3A_68] : memref<10112x128xbf16, #tpu.memory_space<vmem_shared>> -> memref<128x128xbf16, #tpu.memory_space<vmem_shared>>
      tpu.wait_dma2 semaphore(%run_scoped3A : memref<!tpu.dma_semaphore, #tpu.memory_space<semaphore_mem>>) src(%arg11 : memref<128x128xbf16, #tpu.memory_space<vmem>>) dst(%dma_wait3A_69 : memref<128x128xbf16, #tpu.memory_space<vmem_shared>>)
      tpu.yield
    }) : () -> ()
    %add3A_16 = arith.constant 512 : i32
    %add3A_17 = arith.addi %mul3A_0, %add3A_16 : i32
    "tpu.region"() ({
      %run_scoped3A = tpu.sem_alloc : memref<!tpu.dma_semaphore, #tpu.memory_space<semaphore_mem>>
      %dma_start3A_63 = arith.constant 0 : i32
      %dma_start3A_64 = arith.constant 0 : i32
      %dma_start3A_65 = tpu.memref_slice %arg11[%dma_start3A_63, %dma_start3A_64] : memref<128x128xbf16, #tpu.memory_space<vmem>> -> memref<120x128xbf16, #tpu.memory_space<vmem>>
      %dma_start3A_66 = arith.constant 0 : i32
      %dma_start3A_67 = tpu.memref_slice %arg14[%add3A_17, %dma_start3A_66] : memref<10112x128xbf16, #tpu.memory_space<vmem_shared>> -> memref<120x128xbf16, #tpu.memory_space<vmem_shared>>
      %dma_start3A_68 = arith.constant 0 : i32
      %dma_start3A_69 = tpu.memref_slice %arg14[%add3A_17, %dma_start3A_68] : memref<10112x128xbf16, #tpu.memory_space<vmem_shared>> -> memref<120x128xbf16, #tpu.memory_space<vmem_shared>>
      %dma_start3A_70 = arith.constant 0 : i32
      %dma_start3A_71 = arith.constant 0 : i32
      %dma_start3A_72 = tpu.memref_slice %arg11[%dma_start3A_70, %dma_start3A_71] : memref<128x128xbf16, #tpu.memory_space<vmem>> -> memref<120x128xbf16, #tpu.memory_space<vmem>>
      tpu.enqueue_dma source(%dma_start3A_72 : memref<120x128xbf16, #tpu.memory_space<vmem>>) target(%dma_start3A_69 : memref<120x128xbf16, #tpu.memory_space<vmem_shared>>) target_semaphore(%run_scoped3A : memref<!tpu.dma_semaphore, #tpu.memory_space<semaphore_mem>>)
      %dma_wait3A = arith.constant 0 : i32
      %dma_wait3A_73 = arith.constant 0 : i32
      %dma_wait3A_74 = tpu.memref_slice %arg11[%dma_wait3A, %dma_wait3A_73] : memref<128x128xbf16, #tpu.memory_space<vmem>> -> memref<120x128xbf16, #tpu.memory_space<vmem>>
      %dma_wait3A_75 = arith.constant 0 : i32
      %dma_wait3A_76 = tpu.memref_slice %arg14[%add3A_17, %dma_wait3A_75] : memref<10112x128xbf16, #tpu.memory_space<vmem_shared>> -> memref<120x128xbf16, #tpu.memory_space<vmem_shared>>
      %dma_wait3A_77 = arith.constant 0 : i32
      %dma_wait3A_78 = tpu.memref_slice %arg14[%add3A_17, %dma_wait3A_77] : memref<10112x128xbf16, #tpu.memory_space<vmem_shared>> -> memref<120x128xbf16, #tpu.memory_space<vmem_shared>>
      %dma_wait3A_79 = arith.constant 0 : i32
      %dma_wait3A_80 = arith.constant 0 : i32
      %dma_wait3A_81 = tpu.memref_slice %arg11[%dma_wait3A_79, %dma_wait3A_80] : memref<128x128xbf16, #tpu.memory_space<vmem>> -> memref<120x128xbf16, #tpu.memory_space<vmem>>
      tpu.wait_dma2 semaphore(%run_scoped3A : memref<!tpu.dma_semaphore, #tpu.memory_space<semaphore_mem>>) src(%dma_wait3A_81 : memref<120x128xbf16, #tpu.memory_space<vmem>>) dst(%dma_wait3A_78 : memref<120x128xbf16, #tpu.memory_space<vmem_shared>>)
      tpu.yield
    }) : () -> ()
    %add3A_18 = arith.constant 0 : i32
    %add3A_19 = arith.addi %mul3A_0, %add3A_18 : i32
    "tpu.region"() ({
      %run_scoped3A = tpu.sem_alloc : memref<!tpu.dma_semaphore, #tpu.memory_space<semaphore_mem>>
      %dma_start3A_63 = arith.constant 0 : i32
      %dma_start3A_64 = arith.constant 0 : i32
      %dma_start3A_65 = tpu.memref_slice %arg11[%dma_start3A_63, %dma_start3A_64] : memref<128x128xbf16, #tpu.memory_space<vmem>> -> memref<128x32xbf16, #tpu.memory_space<vmem>>
      %dma_start3A_66 = arith.constant 0 : i32
      %dma_start3A_67 = tpu.memref_slice %arg15[%add3A_19, %dma_start3A_66] : memref<10112x32xbf16, #tpu.memory_space<vmem_shared>> -> memref<128x32xbf16, #tpu.memory_space<vmem_shared>>
      %dma_start3A_68 = arith.constant 0 : i32
      %dma_start3A_69 = tpu.memref_slice %arg15[%add3A_19, %dma_start3A_68] : memref<10112x32xbf16, #tpu.memory_space<vmem_shared>> -> memref<128x32xbf16, #tpu.memory_space<vmem_shared>>
      %dma_start3A_70 = arith.constant 0 : i32
      %dma_start3A_71 = arith.constant 0 : i32
      %dma_start3A_72 = tpu.memref_slice %arg11[%dma_start3A_70, %dma_start3A_71] : memref<128x128xbf16, #tpu.memory_space<vmem>> -> memref<128x32xbf16, #tpu.memory_space<vmem>>
      tpu.enqueue_dma source(%dma_start3A_72 : memref<128x32xbf16, #tpu.memory_space<vmem>>) target(%dma_start3A_69 : memref<128x32xbf16, #tpu.memory_space<vmem_shared>>) target_semaphore(%run_scoped3A : memref<!tpu.dma_semaphore, #tpu.memory_space<semaphore_mem>>)
      %dma_wait3A = arith.constant 0 : i32
      %dma_wait3A_73 = arith.constant 0 : i32
      %dma_wait3A_74 = tpu.memref_slice %arg11[%dma_wait3A, %dma_wait3A_73] : memref<128x128xbf16, #tpu.memory_space<vmem>> -> memref<128x32xbf16, #tpu.memory_space<vmem>>
      %dma_wait3A_75 = arith.constant 0 : i32
      %dma_wait3A_76 = tpu.memref_slice %arg15[%add3A_19, %dma_wait3A_75] : memref<10112x32xbf16, #tpu.memory_space<vmem_shared>> -> memref<128x32xbf16, #tpu.memory_space<vmem_shared>>
      %dma_wait3A_77 = arith.constant 0 : i32
      %dma_wait3A_78 = tpu.memref_slice %arg15[%add3A_19, %dma_wait3A_77] : memref<10112x32xbf16, #tpu.memory_space<vmem_shared>> -> memref<128x32xbf16, #tpu.memory_space<vmem_shared>>
      %dma_wait3A_79 = arith.constant 0 : i32
      %dma_wait3A_80 = arith.constant 0 : i32
      %dma_wait3A_81 = tpu.memref_slice %arg11[%dma_wait3A_79, %dma_wait3A_80] : memref<128x128xbf16, #tpu.memory_space<vmem>> -> memref<128x32xbf16, #tpu.memory_space<vmem>>
      tpu.wait_dma2 semaphore(%run_scoped3A : memref<!tpu.dma_semaphore, #tpu.memory_space<semaphore_mem>>) src(%dma_wait3A_81 : memref<128x32xbf16, #tpu.memory_space<vmem>>) dst(%dma_wait3A_78 : memref<128x32xbf16, #tpu.memory_space<vmem_shared>>)
      tpu.yield
    }) : () -> ()
    %add3A_20 = arith.constant 128 : i32
    %add3A_21 = arith.addi %mul3A_0, %add3A_20 : i32
    "tpu.region"() ({
      %run_scoped3A = tpu.sem_alloc : memref<!tpu.dma_semaphore, #tpu.memory_space<semaphore_mem>>
      %dma_start3A_63 = arith.constant 0 : i32
      %dma_start3A_64 = arith.constant 0 : i32
      %dma_start3A_65 = tpu.memref_slice %arg11[%dma_start3A_63, %dma_start3A_64] : memref<128x128xbf16, #tpu.memory_space<vmem>> -> memref<128x32xbf16, #tpu.memory_space<vmem>>
      %dma_start3A_66 = arith.constant 0 : i32
      %dma_start3A_67 = tpu.memref_slice %arg15[%add3A_21, %dma_start3A_66] : memref<10112x32xbf16, #tpu.memory_space<vmem_shared>> -> memref<128x32xbf16, #tpu.memory_space<vmem_shared>>
      %dma_start3A_68 = arith.constant 0 : i32
      %dma_start3A_69 = tpu.memref_slice %arg15[%add3A_21, %dma_start3A_68] : memref<10112x32xbf16, #tpu.memory_space<vmem_shared>> -> memref<128x32xbf16, #tpu.memory_space<vmem_shared>>
      %dma_start3A_70 = arith.constant 0 : i32
      %dma_start3A_71 = arith.constant 0 : i32
      %dma_start3A_72 = tpu.memref_slice %arg11[%dma_start3A_70, %dma_start3A_71] : memref<128x128xbf16, #tpu.memory_space<vmem>> -> memref<128x32xbf16, #tpu.memory_space<vmem>>
      tpu.enqueue_dma source(%dma_start3A_72 : memref<128x32xbf16, #tpu.memory_space<vmem>>) target(%dma_start3A_69 : memref<128x32xbf16, #tpu.memory_space<vmem_shared>>) target_semaphore(%run_scoped3A : memref<!tpu.dma_semaphore, #tpu.memory_space<semaphore_mem>>)
      %dma_wait3A = arith.constant 0 : i32
      %dma_wait3A_73 = arith.constant 0 : i32
      %dma_wait3A_74 = tpu.memref_slice %arg11[%dma_wait3A, %dma_wait3A_73] : memref<128x128xbf16, #tpu.memory_space<vmem>> -> memref<128x32xbf16, #tpu.memory_space<vmem>>
      %dma_wait3A_75 = arith.constant 0 : i32
      %dma_wait3A_76 = tpu.memref_slice %arg15[%add3A_21, %dma_wait3A_75] : memref<10112x32xbf16, #tpu.memory_space<vmem_shared>> -> memref<128x32xbf16, #tpu.memory_space<vmem_shared>>
      %dma_wait3A_77 = arith.constant 0 : i32
      %dma_wait3A_78 = tpu.memref_slice %arg15[%add3A_21, %dma_wait3A_77] : memref<10112x32xbf16, #tpu.memory_space<vmem_shared>> -> memref<128x32xbf16, #tpu.memory_space<vmem_shared>>
      %dma_wait3A_79 = arith.constant 0 : i32
      %dma_wait3A_80 = arith.constant 0 : i32
      %dma_wait3A_81 = tpu.memref_slice %arg11[%dma_wait3A_79, %dma_wait3A_80] : memref<128x128xbf16, #tpu.memory_space<vmem>> -> memref<128x32xbf16, #tpu.memory_space<vmem>>
      tpu.wait_dma2 semaphore(%run_scoped3A : memref<!tpu.dma_semaphore, #tpu.memory_space<semaphore_mem>>) src(%dma_wait3A_81 : memref<128x32xbf16, #tpu.memory_space<vmem>>) dst(%dma_wait3A_78 : memref<128x32xbf16, #tpu.memory_space<vmem_shared>>)
      tpu.yield
    }) : () -> ()
    %add3A_22 = arith.constant 256 : i32
    %add3A_23 = arith.addi %mul3A_0, %add3A_22 : i32
    "tpu.region"() ({
      %run_scoped3A = tpu.sem_alloc : memref<!tpu.dma_semaphore, #tpu.memory_space<semaphore_mem>>
      %dma_start3A_63 = arith.constant 0 : i32
      %dma_start3A_64 = arith.constant 0 : i32
      %dma_start3A_65 = tpu.memref_slice %arg11[%dma_start3A_63, %dma_start3A_64] : memref<128x128xbf16, #tpu.memory_space<vmem>> -> memref<128x32xbf16, #tpu.memory_space<vmem>>
      %dma_start3A_66 = arith.constant 0 : i32
      %dma_start3A_67 = tpu.memref_slice %arg15[%add3A_23, %dma_start3A_66] : memref<10112x32xbf16, #tpu.memory_space<vmem_shared>> -> memref<128x32xbf16, #tpu.memory_space<vmem_shared>>
      %dma_start3A_68 = arith.constant 0 : i32
      %dma_start3A_69 = tpu.memref_slice %arg15[%add3A_23, %dma_start3A_68] : memref<10112x32xbf16, #tpu.memory_space<vmem_shared>> -> memref<128x32xbf16, #tpu.memory_space<vmem_shared>>
      %dma_start3A_70 = arith.constant 0 : i32
      %dma_start3A_71 = arith.constant 0 : i32
      %dma_start3A_72 = tpu.memref_slice %arg11[%dma_start3A_70, %dma_start3A_71] : memref<128x128xbf16, #tpu.memory_space<vmem>> -> memref<128x32xbf16, #tpu.memory_space<vmem>>
      tpu.enqueue_dma source(%dma_start3A_72 : memref<128x32xbf16, #tpu.memory_space<vmem>>) target(%dma_start3A_69 : memref<128x32xbf16, #tpu.memory_space<vmem_shared>>) target_semaphore(%run_scoped3A : memref<!tpu.dma_semaphore, #tpu.memory_space<semaphore_mem>>)
      %dma_wait3A = arith.constant 0 : i32
      %dma_wait3A_73 = arith.constant 0 : i32
      %dma_wait3A_74 = tpu.memref_slice %arg11[%dma_wait3A, %dma_wait3A_73] : memref<128x128xbf16, #tpu.memory_space<vmem>> -> memref<128x32xbf16, #tpu.memory_space<vmem>>
      %dma_wait3A_75 = arith.constant 0 : i32
      %dma_wait3A_76 = tpu.memref_slice %arg15[%add3A_23, %dma_wait3A_75] : memref<10112x32xbf16, #tpu.memory_space<vmem_shared>> -> memref<128x32xbf16, #tpu.memory_space<vmem_shared>>
      %dma_wait3A_77 = arith.constant 0 : i32
      %dma_wait3A_78 = tpu.memref_slice %arg15[%add3A_23, %dma_wait3A_77] : memref<10112x32xbf16, #tpu.memory_space<vmem_shared>> -> memref<128x32xbf16, #tpu.memory_space<vmem_shared>>
      %dma_wait3A_79 = arith.constant 0 : i32
      %dma_wait3A_80 = arith.constant 0 : i32
      %dma_wait3A_81 = tpu.memref_slice %arg11[%dma_wait3A_79, %dma_wait3A_80] : memref<128x128xbf16, #tpu.memory_space<vmem>> -> memref<128x32xbf16, #tpu.memory_space<vmem>>
      tpu.wait_dma2 semaphore(%run_scoped3A : memref<!tpu.dma_semaphore, #tpu.memory_space<semaphore_mem>>) src(%dma_wait3A_81 : memref<128x32xbf16, #tpu.memory_space<vmem>>) dst(%dma_wait3A_78 : memref<128x32xbf16, #tpu.memory_space<vmem_shared>>)
      tpu.yield
    }) : () -> ()
    %add3A_24 = arith.constant 384 : i32
    %add3A_25 = arith.addi %mul3A_0, %add3A_24 : i32
    "tpu.region"() ({
      %run_scoped3A = tpu.sem_alloc : memref<!tpu.dma_semaphore, #tpu.memory_space<semaphore_mem>>
      %dma_start3A_63 = arith.constant 0 : i32
      %dma_start3A_64 = arith.constant 0 : i32
      %dma_start3A_65 = tpu.memref_slice %arg11[%dma_start3A_63, %dma_start3A_64] : memref<128x128xbf16, #tpu.memory_space<vmem>> -> memref<128x32xbf16, #tpu.memory_space<vmem>>
      %dma_start3A_66 = arith.constant 0 : i32
      %dma_start3A_67 = tpu.memref_slice %arg15[%add3A_25, %dma_start3A_66] : memref<10112x32xbf16, #tpu.memory_space<vmem_shared>> -> memref<128x32xbf16, #tpu.memory_space<vmem_shared>>
      %dma_start3A_68 = arith.constant 0 : i32
      %dma_start3A_69 = tpu.memref_slice %arg15[%add3A_25, %dma_start3A_68] : memref<10112x32xbf16, #tpu.memory_space<vmem_shared>> -> memref<128x32xbf16, #tpu.memory_space<vmem_shared>>
      %dma_start3A_70 = arith.constant 0 : i32
      %dma_start3A_71 = arith.constant 0 : i32
      %dma_start3A_72 = tpu.memref_slice %arg11[%dma_start3A_70, %dma_start3A_71] : memref<128x128xbf16, #tpu.memory_space<vmem>> -> memref<128x32xbf16, #tpu.memory_space<vmem>>
      tpu.enqueue_dma source(%dma_start3A_72 : memref<128x32xbf16, #tpu.memory_space<vmem>>) target(%dma_start3A_69 : memref<128x32xbf16, #tpu.memory_space<vmem_shared>>) target_semaphore(%run_scoped3A : memref<!tpu.dma_semaphore, #tpu.memory_space<semaphore_mem>>)
      %dma_wait3A = arith.constant 0 : i32
      %dma_wait3A_73 = arith.constant 0 : i32
      %dma_wait3A_74 = tpu.memref_slice %arg11[%dma_wait3A, %dma_wait3A_73] : memref<128x128xbf16, #tpu.memory_space<vmem>> -> memref<128x32xbf16, #tpu.memory_space<vmem>>
      %dma_wait3A_75 = arith.constant 0 : i32
      %dma_wait3A_76 = tpu.memref_slice %arg15[%add3A_25, %dma_wait3A_75] : memref<10112x32xbf16, #tpu.memory_space<vmem_shared>> -> memref<128x32xbf16, #tpu.memory_space<vmem_shared>>
      %dma_wait3A_77 = arith.constant 0 : i32
      %dma_wait3A_78 = tpu.memref_slice %arg15[%add3A_25, %dma_wait3A_77] : memref<10112x32xbf16, #tpu.memory_space<vmem_shared>> -> memref<128x32xbf16, #tpu.memory_space<vmem_shared>>
      %dma_wait3A_79 = arith.constant 0 : i32
      %dma_wait3A_80 = arith.constant 0 : i32
      %dma_wait3A_81 = tpu.memref_slice %arg11[%dma_wait3A_79, %dma_wait3A_80] : memref<128x128xbf16, #tpu.memory_space<vmem>> -> memref<128x32xbf16, #tpu.memory_space<vmem>>
      tpu.wait_dma2 semaphore(%run_scoped3A : memref<!tpu.dma_semaphore, #tpu.memory_space<semaphore_mem>>) src(%dma_wait3A_81 : memref<128x32xbf16, #tpu.memory_space<vmem>>) dst(%dma_wait3A_78 : memref<128x32xbf16, #tpu.memory_space<vmem_shared>>)
      tpu.yield
    }) : () -> ()
    %add3A_26 = arith.constant 512 : i32
    %add3A_27 = arith.addi %mul3A_0, %add3A_26 : i32
    "tpu.region"() ({
      %run_scoped3A = tpu.sem_alloc : memref<!tpu.dma_semaphore, #tpu.memory_space<semaphore_mem>>
      %dma_start3A_63 = arith.constant 0 : i32
      %dma_start3A_64 = arith.constant 0 : i32
      %dma_start3A_65 = tpu.memref_slice %arg11[%dma_start3A_63, %dma_start3A_64] : memref<128x128xbf16, #tpu.memory_space<vmem>> -> memref<120x32xbf16, #tpu.memory_space<vmem>>
      %dma_start3A_66 = arith.constant 0 : i32
      %dma_start3A_67 = tpu.memref_slice %arg15[%add3A_27, %dma_start3A_66] : memref<10112x32xbf16, #tpu.memory_space<vmem_shared>> -> memref<120x32xbf16, #tpu.memory_space<vmem_shared>>
      %dma_start3A_68 = arith.constant 0 : i32
      %dma_start3A_69 = tpu.memref_slice %arg15[%add3A_27, %dma_start3A_68] : memref<10112x32xbf16, #tpu.memory_space<vmem_shared>> -> memref<120x32xbf16, #tpu.memory_space<vmem_shared>>
      %dma_start3A_70 = arith.constant 0 : i32
      %dma_start3A_71 = arith.constant 0 : i32
      %dma_start3A_72 = tpu.memref_slice %arg11[%dma_start3A_70, %dma_start3A_71] : memref<128x128xbf16, #tpu.memory_space<vmem>> -> memref<120x32xbf16, #tpu.memory_space<vmem>>
      tpu.enqueue_dma source(%dma_start3A_72 : memref<120x32xbf16, #tpu.memory_space<vmem>>) target(%dma_start3A_69 : memref<120x32xbf16, #tpu.memory_space<vmem_shared>>) target_semaphore(%run_scoped3A : memref<!tpu.dma_semaphore, #tpu.memory_space<semaphore_mem>>)
      %dma_wait3A = arith.constant 0 : i32
      %dma_wait3A_73 = arith.constant 0 : i32
      %dma_wait3A_74 = tpu.memref_slice %arg11[%dma_wait3A, %dma_wait3A_73] : memref<128x128xbf16, #tpu.memory_space<vmem>> -> memref<120x32xbf16, #tpu.memory_space<vmem>>
      %dma_wait3A_75 = arith.constant 0 : i32
      %dma_wait3A_76 = tpu.memref_slice %arg15[%add3A_27, %dma_wait3A_75] : memref<10112x32xbf16, #tpu.memory_space<vmem_shared>> -> memref<120x32xbf16, #tpu.memory_space<vmem_shared>>
      %dma_wait3A_77 = arith.constant 0 : i32
      %dma_wait3A_78 = tpu.memref_slice %arg15[%add3A_27, %dma_wait3A_77] : memref<10112x32xbf16, #tpu.memory_space<vmem_shared>> -> memref<120x32xbf16, #tpu.memory_space<vmem_shared>>
      %dma_wait3A_79 = arith.constant 0 : i32
      %dma_wait3A_80 = arith.constant 0 : i32
      %dma_wait3A_81 = tpu.memref_slice %arg11[%dma_wait3A_79, %dma_wait3A_80] : memref<128x128xbf16, #tpu.memory_space<vmem>> -> memref<120x32xbf16, #tpu.memory_space<vmem>>
      tpu.wait_dma2 semaphore(%run_scoped3A : memref<!tpu.dma_semaphore, #tpu.memory_space<semaphore_mem>>) src(%dma_wait3A_81 : memref<120x32xbf16, #tpu.memory_space<vmem>>) dst(%dma_wait3A_78 : memref<120x32xbf16, #tpu.memory_space<vmem_shared>>)
      tpu.yield
    }) : () -> ()
    %mul3A_28 = arith.constant 80 : i32
    %mul3A_29 = arith.muli %arg1, %mul3A_28 : i32
    %broadcast_in_dim3A_30 = arith.constant 0 : i32
    %broadcast_in_dim3A_31 = vector.broadcast %broadcast_in_dim3A_30 : i32 to vector<16xi32>
    %add3A_32 = vector.broadcast %arg0 : i32 to vector<16xi32>
    %add3A_33 = arith.addi %broadcast_in_dim3A_31, %add3A_32 : vector<16xi32>
    %add3A_34 = arith.constant 0 : i32
    %add3A_35 = arith.addi %mul3A_29, %add3A_34 : i32
    "tpu.region"() ({
      %run_scoped3A = tpu.sem_alloc : memref<!tpu.dma_semaphore, #tpu.memory_space<semaphore_mem>>
      %dma_start3A_63 = arith.constant 0 : i32
      %dma_start3A_64 = tpu.memref_slice %arg3[%add3A_35, %dma_start3A_63] : memref<1280x128xi32, #tpu.memory_space<hbm>> -> memref<8x128xi32, #tpu.memory_space<hbm>>
      %dma_start3A_65 = arith.constant 0 : i32
      %dma_start3A_66 = tpu.memref_slice %arg3[%add3A_35, %dma_start3A_65] : memref<1280x128xi32, #tpu.memory_space<hbm>> -> memref<8x128xi32, #tpu.memory_space<hbm>>
      tpu.enqueue_dma source(%dma_start3A_66 : memref<8x128xi32, #tpu.memory_space<hbm>>) target(%arg7 : memref<8x128xi32, #tpu.memory_space<vmem>>) target_semaphore(%run_scoped3A : memref<!tpu.dma_semaphore, #tpu.memory_space<semaphore_mem>>)
      %dma_wait3A = arith.constant 0 : i32
      %dma_wait3A_67 = tpu.memref_slice %arg3[%add3A_35, %dma_wait3A] : memref<1280x128xi32, #tpu.memory_space<hbm>> -> memref<8x128xi32, #tpu.memory_space<hbm>>
      %dma_wait3A_68 = arith.constant 0 : i32
      %dma_wait3A_69 = tpu.memref_slice %arg3[%add3A_35, %dma_wait3A_68] : memref<1280x128xi32, #tpu.memory_space<hbm>> -> memref<8x128xi32, #tpu.memory_space<hbm>>
      tpu.wait_dma2 semaphore(%run_scoped3A : memref<!tpu.dma_semaphore, #tpu.memory_space<semaphore_mem>>) src(%dma_wait3A_69 : memref<8x128xi32, #tpu.memory_space<hbm>>) dst(%arg7 : memref<8x128xi32, #tpu.memory_space<vmem>>)
      tpu.yield
    }) : () -> ()
    %add3A_36 = arith.constant 0 : i32
    %add3A_37 = arith.addi %mul3A_29, %add3A_36 : i32
    "tpu.region"() ({
      %run_scoped3A = tpu.sem_alloc : memref<!tpu.dma_semaphore, #tpu.memory_space<semaphore_mem>>
      %dma_start3A_63 = arith.constant 0 : i32
      %dma_start3A_64 = tpu.memref_slice %arg4[%add3A_37, %dma_start3A_63] : memref<1280x128xi32, #tpu.memory_space<hbm>> -> memref<8x128xi32, #tpu.memory_space<hbm>>
      %dma_start3A_65 = arith.constant 0 : i32
      %dma_start3A_66 = tpu.memref_slice %arg4[%add3A_37, %dma_start3A_65] : memref<1280x128xi32, #tpu.memory_space<hbm>> -> memref<8x128xi32, #tpu.memory_space<hbm>>
      tpu.enqueue_dma source(%dma_start3A_66 : memref<8x128xi32, #tpu.memory_space<hbm>>) target(%arg8 : memref<8x128xi32, #tpu.memory_space<vmem>>) target_semaphore(%run_scoped3A : memref<!tpu.dma_semaphore, #tpu.memory_space<semaphore_mem>>)
      %dma_wait3A = arith.constant 0 : i32
      %dma_wait3A_67 = tpu.memref_slice %arg4[%add3A_37, %dma_wait3A] : memref<1280x128xi32, #tpu.memory_space<hbm>> -> memref<8x128xi32, #tpu.memory_space<hbm>>
      %dma_wait3A_68 = arith.constant 0 : i32
      %dma_wait3A_69 = tpu.memref_slice %arg4[%add3A_37, %dma_wait3A_68] : memref<1280x128xi32, #tpu.memory_space<hbm>> -> memref<8x128xi32, #tpu.memory_space<hbm>>
      tpu.wait_dma2 semaphore(%run_scoped3A : memref<!tpu.dma_semaphore, #tpu.memory_space<semaphore_mem>>) src(%dma_wait3A_69 : memref<8x128xi32, #tpu.memory_space<hbm>>) dst(%arg8 : memref<8x128xi32, #tpu.memory_space<vmem>>)
      tpu.yield
    }) : () -> ()
    %scan3A_38 = arith.constant 0 : i32
    %scan3A_39 = arith.constant 0 : i32
    %scan3A_40 = arith.constant 8 : i32
    %scan3A_41 = arith.addi %scan3A_39, %scan3A_40 : i32
    %scan3A_42 = arith.constant 1 : i32
    scf.for %scan3A_63 = %scan3A_39 to %scan3A_41 step %scan3A_42  : i32 {
      %get3A = arith.index_cast %scan3A_63 : i32 to index
      %get3A_64 = arith.constant 0 : index
      %get3A_65 = tpu.vector_load %arg7[%get3A, %get3A_64] {strides = array<i32>} : memref<8x128xi32, #tpu.memory_space<vmem>>, vector<16xi32>,
      %add3A_66 = arith.addi %get3A_65, %get3A_65 : vector<16xi32>
      %add3A_67 = arith.addi %add3A_66, %add3A_33 : vector<16xi32>
      %swap3A = arith.index_cast %scan3A_63 : i32 to index
      %swap3A_68 = arith.constant 0 : index
      %swap3A_69 = tpu.vector_load %arg7[%swap3A, %swap3A_68] {strides = array<i32>} : memref<8x128xi32, #tpu.memory_space<vmem>>, vector<16xi32>,
      tpu.vector_store %arg7[%swap3A, %swap3A_68], %add3A_67 {strides = array<i32>} : memref<8x128xi32, #tpu.memory_space<vmem>>, vector<16xi32>,
      %get3A_70 = arith.index_cast %scan3A_63 : i32 to index
      %get3A_71 = arith.constant 16 : index
      %get3A_72 = tpu.vector_load %arg7[%get3A_70, %get3A_71] {strides = array<i32>} : memref<8x128xi32, #tpu.memory_space<vmem>>, vector<16xi32>,
      %add3A_73 = arith.addi %get3A_72, %get3A_72 : vector<16xi32>
      %add3A_74 = arith.addi %add3A_73, %add3A_33 : vector<16xi32>
      %swap3A_75 = arith.index_cast %scan3A_63 : i32 to index
      %swap3A_76 = arith.constant 16 : index
      %swap3A_77 = tpu.vector_load %arg7[%swap3A_75, %swap3A_76] {strides = array<i32>} : memref<8x128xi32, #tpu.memory_space<vmem>>, vector<16xi32>,
      tpu.vector_store %arg7[%swap3A_75, %swap3A_76], %add3A_74 {strides = array<i32>} : memref<8x128xi32, #tpu.memory_space<vmem>>, vector<16xi32>,
      %get3A_78 = arith.index_cast %scan3A_63 : i32 to index
      %get3A_79 = arith.constant 32 : index
      %get3A_80 = tpu.vector_load %arg7[%get3A_78, %get3A_79] {strides = array<i32>} : memref<8x128xi32, #tpu.memory_space<vmem>>, vector<16xi32>,
      %add3A_81 = arith.addi %get3A_80, %get3A_80 : vector<16xi32>
      %add3A_82 = arith.addi %add3A_81, %add3A_33 : vector<16xi32>
      %swap3A_83 = arith.index_cast %scan3A_63 : i32 to index
      %swap3A_84 = arith.constant 32 : index
      %swap3A_85 = tpu.vector_load %arg7[%swap3A_83, %swap3A_84] {strides = array<i32>} : memref<8x128xi32, #tpu.memory_space<vmem>>, vector<16xi32>,
      tpu.vector_store %arg7[%swap3A_83, %swap3A_84], %add3A_82 {strides = array<i32>} : memref<8x128xi32, #tpu.memory_space<vmem>>, vector<16xi32>,
      %get3A_86 = arith.index_cast %scan3A_63 : i32 to index
      %get3A_87 = arith.constant 48 : index
      %get3A_88 = tpu.vector_load %arg7[%get3A_86, %get3A_87] {strides = array<i32>} : memref<8x128xi32, #tpu.memory_space<vmem>>, vector<16xi32>,
      %add3A_89 = arith.addi %get3A_88, %get3A_88 : vector<16xi32>
      %add3A_90 = arith.addi %add3A_89, %add3A_33 : vector<16xi32>
      %swap3A_91 = arith.index_cast %scan3A_63 : i32 to index
      %swap3A_92 = arith.constant 48 : index
      %swap3A_93 = tpu.vector_load %arg7[%swap3A_91, %swap3A_92] {strides = array<i32>} : memref<8x128xi32, #tpu.memory_space<vmem>>, vector<16xi32>,
      tpu.vector_store %arg7[%swap3A_91, %swap3A_92], %add3A_90 {strides = array<i32>} : memref<8x128xi32, #tpu.memory_space<vmem>>, vector<16xi32>,
      %get3A_94 = arith.index_cast %scan3A_63 : i32 to index
      %get3A_95 = arith.constant 64 : index
      %get3A_96 = tpu.vector_load %arg7[%get3A_94, %get3A_95] {strides = array<i32>} : memref<8x128xi32, #tpu.memory_space<vmem>>, vector<16xi32>,
      %add3A_97 = arith.addi %get3A_96, %get3A_96 : vector<16xi32>
      %add3A_98 = arith.addi %add3A_97, %add3A_33 : vector<16xi32>
      %swap3A_99 = arith.index_cast %scan3A_63 : i32 to index
      %swap3A_100 = arith.constant 64 : index
      %swap3A_101 = tpu.vector_load %arg7[%swap3A_99, %swap3A_100] {strides = array<i32>} : memref<8x128xi32, #tpu.memory_space<vmem>>, vector<16xi32>,
      tpu.vector_store %arg7[%swap3A_99, %swap3A_100], %add3A_98 {strides = array<i32>} : memref<8x128xi32, #tpu.memory_space<vmem>>, vector<16xi32>,
      %get3A_102 = arith.index_cast %scan3A_63 : i32 to index
      %get3A_103 = arith.constant 80 : index
      %get3A_104 = tpu.vector_load %arg7[%get3A_102, %get3A_103] {strides = array<i32>} : memref<8x128xi32, #tpu.memory_space<vmem>>, vector<16xi32>,
      %add3A_105 = arith.addi %get3A_104, %get3A_104 : vector<16xi32>
      %add3A_106 = arith.addi %add3A_105, %add3A_33 : vector<16xi32>
      %swap3A_107 = arith.index_cast %scan3A_63 : i32 to index
      %swap3A_108 = arith.constant 80 : index
      %swap3A_109 = tpu.vector_load %arg7[%swap3A_107, %swap3A_108] {strides = array<i32>} : memref<8x128xi32, #tpu.memory_space<vmem>>, vector<16xi32>,
      tpu.vector_store %arg7[%swap3A_107, %swap3A_108], %add3A_106 {strides = array<i32>} : memref<8x128xi32, #tpu.memory_space<vmem>>, vector<16xi32>,
      %get3A_110 = arith.index_cast %scan3A_63 : i32 to index
      %get3A_111 = arith.constant 96 : index
      %get3A_112 = tpu.vector_load %arg7[%get3A_110, %get3A_111] {strides = array<i32>} : memref<8x128xi32, #tpu.memory_space<vmem>>, vector<16xi32>,
      %add3A_113 = arith.addi %get3A_112, %get3A_112 : vector<16xi32>
      %add3A_114 = arith.addi %add3A_113, %add3A_33 : vector<16xi32>
      %swap3A_115 = arith.index_cast %scan3A_63 : i32 to index
      %swap3A_116 = arith.constant 96 : index
      %swap3A_117 = tpu.vector_load %arg7[%swap3A_115, %swap3A_116] {strides = array<i32>} : memref<8x128xi32, #tpu.memory_space<vmem>>, vector<16xi32>,
      tpu.vector_store %arg7[%swap3A_115, %swap3A_116], %add3A_114 {strides = array<i32>} : memref<8x128xi32, #tpu.memory_space<vmem>>, vector<16xi32>,
      %get3A_118 = arith.index_cast %scan3A_63 : i32 to index
      %get3A_119 = arith.constant 112 : index
      %get3A_120 = tpu.vector_load %arg7[%get3A_118, %get3A_119] {strides = array<i32>} : memref<8x128xi32, #tpu.memory_space<vmem>>, vector<16xi32>,
      %add3A_121 = arith.addi %get3A_120, %get3A_120 : vector<16xi32>
      %add3A_122 = arith.addi %add3A_121, %add3A_33 : vector<16xi32>
      %swap3A_123 = arith.index_cast %scan3A_63 : i32 to index
      %swap3A_124 = arith.constant 112 : index
      %swap3A_125 = tpu.vector_load %arg7[%swap3A_123, %swap3A_124] {strides = array<i32>} : memref<8x128xi32, #tpu.memory_space<vmem>>, vector<16xi32>,
      tpu.vector_store %arg7[%swap3A_123, %swap3A_124], %add3A_122 {strides = array<i32>} : memref<8x128xi32, #tpu.memory_space<vmem>>, vector<16xi32>,
    }
    %scan3A_43 = arith.constant 8 : i32
    %dma_start3A = arith.constant 0 : i32
    %dma_start3A_44 = arith.constant 0 : i32
    %dma_start3A_45 = tpu.memref_slice %arg7[%dma_start3A, %dma_start3A_44] : memref<8x128xi32, #tpu.memory_space<vmem>> -> memref<1x128xi32, #tpu.memory_space<vmem>>
    %dma_start3A_46 = tpu.memref_squeeze %dma_start3A_45 : memref<1x128xi32, #tpu.memory_space<vmem>> -> memref<128xi32, #tpu.memory_space<vmem>>
    %dma_start3A_47 = arith.constant 0 : i32
    %dma_start3A_48 = arith.constant 0 : i32
    %dma_start3A_49 = tpu.memref_slice %arg2[%dma_start3A_47, %dma_start3A_48] : memref<20000x128xbf16, #tpu.memory_space<hbm>> -> memref<20000x128xbf16, #tpu.memory_space<hbm>>
    tpu.enqueue_indirect_dma source(%dma_start3A_49 : memref<20000x128xbf16, #tpu.memory_space<hbm>>) target(%arg11 : memref<128x128xbf16, #tpu.memory_space<vmem>>) offsets(%dma_start3A_46 : memref<128xi32, #tpu.memory_space<vmem>>) semaphore(%arg16 : memref<!tpu.dma_semaphore, #tpu.memory_space<semaphore_mem>>)
    %barrier3A = arith.constant 0 : index
    tpu.barrier barrier_id(%barrier3A)
    %scan3A_50 = arith.constant 0 : i32
    %scan3A_51 = arith.constant 0 : i32
    %scan3A_52 = arith.constant 5 : i32
    %scan3A_53 = arith.addi %scan3A_51, %scan3A_52 : i32
    %scan3A_54 = arith.constant 1 : i32
    scf.for %scan3A_63 = %scan3A_51 to %scan3A_53 step %scan3A_54  : i32 {
      %mul3A_64 = arith.constant 2 : i32
      %mul3A_65 = arith.muli %mul3A_64, %scan3A_63 : i32
      %add3A_66 = arith.constant 1 : i32
      %add3A_67 = arith.addi %mul3A_65, %add3A_66 : i32
      %mul3A_68 = arith.constant 8 : i32
      %mul3A_69 = arith.muli %add3A_67, %mul3A_68 : i32
      %add3A_70 = arith.addi %mul3A_29, %mul3A_69 : i32
      "tpu.region"() ({
        %run_scoped3A_416 = tpu.sem_alloc : memref<!tpu.dma_semaphore, #tpu.memory_space<semaphore_mem>>
        %dma_start3A_417 = arith.constant 0 : i32
        %dma_start3A_418 = tpu.memref_slice %arg3[%add3A_70, %dma_start3A_417] : memref<1280x128xi32, #tpu.memory_space<hbm>> -> memref<8x128xi32, #tpu.memory_space<hbm>>
        %dma_start3A_419 = arith.constant 0 : i32
        %dma_start3A_420 = tpu.memref_slice %arg3[%add3A_70, %dma_start3A_419] : memref<1280x128xi32, #tpu.memory_space<hbm>> -> memref<8x128xi32, #tpu.memory_space<hbm>>
        tpu.enqueue_dma source(%dma_start3A_420 : memref<8x128xi32, #tpu.memory_space<hbm>>) target(%arg9 : memref<8x128xi32, #tpu.memory_space<vmem>>) target_semaphore(%run_scoped3A_416 : memref<!tpu.dma_semaphore, #tpu.memory_space<semaphore_mem>>)
        %dma_wait3A_421 = arith.constant 0 : i32
        %dma_wait3A_422 = tpu.memref_slice %arg3[%add3A_70, %dma_wait3A_421] : memref<1280x128xi32, #tpu.memory_space<hbm>> -> memref<8x128xi32, #tpu.memory_space<hbm>>
        %dma_wait3A_423 = arith.constant 0 : i32
        %dma_wait3A_424 = tpu.memref_slice %arg3[%add3A_70, %dma_wait3A_423] : memref<1280x128xi32, #tpu.memory_space<hbm>> -> memref<8x128xi32, #tpu.memory_space<hbm>>
        tpu.wait_dma2 semaphore(%run_scoped3A_416 : memref<!tpu.dma_semaphore, #tpu.memory_space<semaphore_mem>>) src(%dma_wait3A_424 : memref<8x128xi32, #tpu.memory_space<hbm>>) dst(%arg9 : memref<8x128xi32, #tpu.memory_space<vmem>>)
        tpu.yield
      }) : () -> ()
      %mul3A_71 = arith.constant 8 : i32
      %mul3A_72 = arith.muli %add3A_67, %mul3A_71 : i32
      %add3A_73 = arith.addi %mul3A_29, %mul3A_72 : i32
      "tpu.region"() ({
        %run_scoped3A_416 = tpu.sem_alloc : memref<!tpu.dma_semaphore, #tpu.memory_space<semaphore_mem>>
        %dma_start3A_417 = arith.constant 0 : i32
        %dma_start3A_418 = tpu.memref_slice %arg4[%add3A_73, %dma_start3A_417] : memref<1280x128xi32, #tpu.memory_space<hbm>> -> memref<8x128xi32, #tpu.memory_space<hbm>>
        %dma_start3A_419 = arith.constant 0 : i32
        %dma_start3A_420 = tpu.memref_slice %arg4[%add3A_73, %dma_start3A_419] : memref<1280x128xi32, #tpu.memory_space<hbm>> -> memref<8x128xi32, #tpu.memory_space<hbm>>
        tpu.enqueue_dma source(%dma_start3A_420 : memref<8x128xi32, #tpu.memory_space<hbm>>) target(%arg10 : memref<8x128xi32, #tpu.memory_space<vmem>>) target_semaphore(%run_scoped3A_416 : memref<!tpu.dma_semaphore, #tpu.memory_space<semaphore_mem>>)
        %dma_wait3A_421 = arith.constant 0 : i32
        %dma_wait3A_422 = tpu.memref_slice %arg4[%add3A_73, %dma_wait3A_421] : memref<1280x128xi32, #tpu.memory_space<hbm>> -> memref<8x128xi32, #tpu.memory_space<hbm>>
        %dma_wait3A_423 = arith.constant 0 : i32
        %dma_wait3A_424 = tpu.memref_slice %arg4[%add3A_73, %dma_wait3A_423] : memref<1280x128xi32, #tpu.memory_space<hbm>> -> memref<8x128xi32, #tpu.memory_space<hbm>>
        tpu.wait_dma2 semaphore(%run_scoped3A_416 : memref<!tpu.dma_semaphore, #tpu.memory_space<semaphore_mem>>) src(%dma_wait3A_424 : memref<8x128xi32, #tpu.memory_space<hbm>>) dst(%arg10 : memref<8x128xi32, #tpu.memory_space<vmem>>)
        tpu.yield
      }) : () -> ()
      %scan3A_74 = arith.constant 0 : i32
      %scan3A_75 = arith.constant 0 : i32
      %scan3A_76 = arith.constant 8 : i32
      %scan3A_77 = arith.addi %scan3A_75, %scan3A_76 : i32
      %scan3A_78 = arith.constant 1 : i32
      scf.for %scan3A_416 = %scan3A_75 to %scan3A_77 step %scan3A_78  : i32 {
        %get3A = arith.index_cast %scan3A_416 : i32 to index
        %get3A_417 = arith.constant 0 : index
        %get3A_418 = tpu.vector_load %arg9[%get3A, %get3A_417] {strides = array<i32>} : memref<8x128xi32, #tpu.memory_space<vmem>>, vector<16xi32>,
        %add3A_419 = arith.addi %get3A_418, %get3A_418 : vector<16xi32>
        %add3A_420 = arith.addi %add3A_419, %add3A_33 : vector<16xi32>
        %swap3A = arith.index_cast %scan3A_416 : i32 to index
        %swap3A_421 = arith.constant 0 : index
        %swap3A_422 = tpu.vector_load %arg9[%swap3A, %swap3A_421] {strides = array<i32>} : memref<8x128xi32, #tpu.memory_space<vmem>>, vector<16xi32>,
        tpu.vector_store %arg9[%swap3A, %swap3A_421], %add3A_420 {strides = array<i32>} : memref<8x128xi32, #tpu.memory_space<vmem>>, vector<16xi32>,
        %get3A_423 = arith.index_cast %scan3A_416 : i32 to index
        %get3A_424 = arith.constant 16 : index
        %get3A_425 = tpu.vector_load %arg9[%get3A_423, %get3A_424] {strides = array<i32>} : memref<8x128xi32, #tpu.memory_space<vmem>>, vector<16xi32>,
        %add3A_426 = arith.addi %get3A_425, %get3A_425 : vector<16xi32>
        %add3A_427 = arith.addi %add3A_426, %add3A_33 : vector<16xi32>
        %swap3A_428 = arith.index_cast %scan3A_416 : i32 to index
        %swap3A_429 = arith.constant 16 : index
        %swap3A_430 = tpu.vector_load %arg9[%swap3A_428, %swap3A_429] {strides = array<i32>} : memref<8x128xi32, #tpu.memory_space<vmem>>, vector<16xi32>,
        tpu.vector_store %arg9[%swap3A_428, %swap3A_429], %add3A_427 {strides = array<i32>} : memref<8x128xi32, #tpu.memory_space<vmem>>, vector<16xi32>,
        %get3A_431 = arith.index_cast %scan3A_416 : i32 to index
        %get3A_432 = arith.constant 32 : index
        %get3A_433 = tpu.vector_load %arg9[%get3A_431, %get3A_432] {strides = array<i32>} : memref<8x128xi32, #tpu.memory_space<vmem>>, vector<16xi32>,
        %add3A_434 = arith.addi %get3A_433, %get3A_433 : vector<16xi32>
        %add3A_435 = arith.addi %add3A_434, %add3A_33 : vector<16xi32>
        %swap3A_436 = arith.index_cast %scan3A_416 : i32 to index
        %swap3A_437 = arith.constant 32 : index
        %swap3A_438 = tpu.vector_load %arg9[%swap3A_436, %swap3A_437] {strides = array<i32>} : memref<8x128xi32, #tpu.memory_space<vmem>>, vector<16xi32>,
        tpu.vector_store %arg9[%swap3A_436, %swap3A_437], %add3A_435 {strides = array<i32>} : memref<8x128xi32, #tpu.memory_space<vmem>>, vector<16xi32>,
        %get3A_439 = arith.index_cast %scan3A_416 : i32 to index
        %get3A_440 = arith.constant 48 : index
        %get3A_441 = tpu.vector_load %arg9[%get3A_439, %get3A_440] {strides = array<i32>} : memref<8x128xi32, #tpu.memory_space<vmem>>, vector<16xi32>,
        %add3A_442 = arith.addi %get3A_441, %get3A_441 : vector<16xi32>
        %add3A_443 = arith.addi %add3A_442, %add3A_33 : vector<16xi32>
        %swap3A_444 = arith.index_cast %scan3A_416 : i32 to index
        %swap3A_445 = arith.constant 48 : index
        %swap3A_446 = tpu.vector_load %arg9[%swap3A_444, %swap3A_445] {strides = array<i32>} : memref<8x128xi32, #tpu.memory_space<vmem>>, vector<16xi32>,
        tpu.vector_store %arg9[%swap3A_444, %swap3A_445], %add3A_443 {strides = array<i32>} : memref<8x128xi32, #tpu.memory_space<vmem>>, vector<16xi32>,
        %get3A_447 = arith.index_cast %scan3A_416 : i32 to index
        %get3A_448 = arith.constant 64 : index
        %get3A_449 = tpu.vector_load %arg9[%get3A_447, %get3A_448] {strides = array<i32>} : memref<8x128xi32, #tpu.memory_space<vmem>>, vector<16xi32>,
        %add3A_450 = arith.addi %get3A_449, %get3A_449 : vector<16xi32>
        %add3A_451 = arith.addi %add3A_450, %add3A_33 : vector<16xi32>
        %swap3A_452 = arith.index_cast %scan3A_416 : i32 to index
        %swap3A_453 = arith.constant 64 : index
        %swap3A_454 = tpu.vector_load %arg9[%swap3A_452, %swap3A_453] {strides = array<i32>} : memref<8x128xi32, #tpu.memory_space<vmem>>, vector<16xi32>,
        tpu.vector_store %arg9[%swap3A_452, %swap3A_453], %add3A_451 {strides = array<i32>} : memref<8x128xi32, #tpu.memory_space<vmem>>, vector<16xi32>,
        %get3A_455 = arith.index_cast %scan3A_416 : i32 to index
        %get3A_456 = arith.constant 80 : index
        %get3A_457 = tpu.vector_load %arg9[%get3A_455, %get3A_456] {strides = array<i32>} : memref<8x128xi32, #tpu.memory_space<vmem>>, vector<16xi32>,
        %add3A_458 = arith.addi %get3A_457, %get3A_457 : vector<16xi32>
        %add3A_459 = arith.addi %add3A_458, %add3A_33 : vector<16xi32>
        %swap3A_460 = arith.index_cast %scan3A_416 : i32 to index
        %swap3A_461 = arith.constant 80 : index
        %swap3A_462 = tpu.vector_load %arg9[%swap3A_460, %swap3A_461] {strides = array<i32>} : memref<8x128xi32, #tpu.memory_space<vmem>>, vector<16xi32>,
        tpu.vector_store %arg9[%swap3A_460, %swap3A_461], %add3A_459 {strides = array<i32>} : memref<8x128xi32, #tpu.memory_space<vmem>>, vector<16xi32>,
        %get3A_463 = arith.index_cast %scan3A_416 : i32 to index
        %get3A_464 = arith.constant 96 : index
        %get3A_465 = tpu.vector_load %arg9[%get3A_463, %get3A_464] {strides = array<i32>} : memref<8x128xi32, #tpu.memory_space<vmem>>, vector<16xi32>,
        %add3A_466 = arith.addi %get3A_465, %get3A_465 : vector<16xi32>
        %add3A_467 = arith.addi %add3A_466, %add3A_33 : vector<16xi32>
        %swap3A_468 = arith.index_cast %scan3A_416 : i32 to index
        %swap3A_469 = arith.constant 96 : index
        %swap3A_470 = tpu.vector_load %arg9[%swap3A_468, %swap3A_469] {strides = array<i32>} : memref<8x128xi32, #tpu.memory_space<vmem>>, vector<16xi32>,
        tpu.vector_store %arg9[%swap3A_468, %swap3A_469], %add3A_467 {strides = array<i32>} : memref<8x128xi32, #tpu.memory_space<vmem>>, vector<16xi32>,
        %get3A_471 = arith.index_cast %scan3A_416 : i32 to index
        %get3A_472 = arith.constant 112 : index
        %get3A_473 = tpu.vector_load %arg9[%get3A_471, %get3A_472] {strides = array<i32>} : memref<8x128xi32, #tpu.memory_space<vmem>>, vector<16xi32>,
        %add3A_474 = arith.addi %get3A_473, %get3A_473 : vector<16xi32>
        %add3A_475 = arith.addi %add3A_474, %add3A_33 : vector<16xi32>
        %swap3A_476 = arith.index_cast %scan3A_416 : i32 to index
        %swap3A_477 = arith.constant 112 : index
        %swap3A_478 = tpu.vector_load %arg9[%swap3A_476, %swap3A_477] {strides = array<i32>} : memref<8x128xi32, #tpu.memory_space<vmem>>, vector<16xi32>,
        tpu.vector_store %arg9[%swap3A_476, %swap3A_477], %add3A_475 {strides = array<i32>} : memref<8x128xi32, #tpu.memory_space<vmem>>, vector<16xi32>,
      }
      %scan3A_79 = arith.constant 8 : i32
      %dma_start3A_80 = arith.constant 1 : i32
      %dma_start3A_81 = arith.constant 0 : i32
      %dma_start3A_82 = tpu.memref_slice %arg7[%dma_start3A_80, %dma_start3A_81] : memref<8x128xi32, #tpu.memory_space<vmem>> -> memref<1x128xi32, #tpu.memory_space<vmem>>
      %dma_start3A_83 = tpu.memref_squeeze %dma_start3A_82 : memref<1x128xi32, #tpu.memory_space<vmem>> -> memref<128xi32, #tpu.memory_space<vmem>>
      %dma_start3A_84 = arith.constant 0 : i32
      %dma_start3A_85 = arith.constant 0 : i32
      %dma_start3A_86 = tpu.memref_slice %arg2[%dma_start3A_84, %dma_start3A_85] : memref<20000x128xbf16, #tpu.memory_space<hbm>> -> memref<20000x128xbf16, #tpu.memory_space<hbm>>
      tpu.enqueue_indirect_dma source(%dma_start3A_86 : memref<20000x128xbf16, #tpu.memory_space<hbm>>) target(%arg12 : memref<128x128xbf16, #tpu.memory_space<vmem>>) offsets(%dma_start3A_83 : memref<128xi32, #tpu.memory_space<vmem>>) semaphore(%arg17 : memref<!tpu.dma_semaphore, #tpu.memory_space<semaphore_mem>>)
      %dma_wait3A = arith.constant 0 : i32
      %dma_wait3A_87 = arith.constant 0 : i32
      %dma_wait3A_88 = tpu.memref_slice %arg7[%dma_wait3A, %dma_wait3A_87] : memref<8x128xi32, #tpu.memory_space<vmem>> -> memref<1x128xi32, #tpu.memory_space<vmem>>
      %dma_wait3A_89 = tpu.memref_squeeze %dma_wait3A_88 : memref<1x128xi32, #tpu.memory_space<vmem>> -> memref<128xi32, #tpu.memory_space<vmem>>
      %dma_wait3A_90 = arith.constant 0 : i32
      %dma_wait3A_91 = arith.constant 0 : i32
      %dma_wait3A_92 = tpu.memref_slice %arg2[%dma_wait3A_90, %dma_wait3A_91] : memref<20000x128xbf16, #tpu.memory_space<hbm>> -> memref<20000x128xbf16, #tpu.memory_space<hbm>>
      tpu.wait_indirect_dma semaphore(%arg16 : memref<!tpu.dma_semaphore, #tpu.memory_space<semaphore_mem>>) src(%dma_wait3A_92 : memref<20000x128xbf16, #tpu.memory_space<hbm>>) dst(%arg11 : memref<128x128xbf16, #tpu.memory_space<vmem>>)
      %run_scoped3A = arith.constant 0 : i32
      "tpu.region"() ({
        %run_scoped3A_416 = tpu.sem_alloc : memref<!tpu.dma_semaphore, #tpu.memory_space<semaphore_mem>>
        %dma_start3A_417 = arith.constant 0 : i32
        %dma_start3A_418 = tpu.memref_slice %arg8[%run_scoped3A, %dma_start3A_417] : memref<8x128xi32, #tpu.memory_space<vmem>> -> memref<1x128xi32, #tpu.memory_space<vmem>>
        %dma_start3A_419 = tpu.memref_squeeze %dma_start3A_418 : memref<1x128xi32, #tpu.memory_space<vmem>> -> memref<128xi32, #tpu.memory_space<vmem>>
        %dma_start3A_420 = arith.constant 0 : i32
        %dma_start3A_421 = arith.constant 0 : i32
        %dma_start3A_422 = tpu.memref_slice %arg14[%dma_start3A_420, %dma_start3A_421] : memref<10112x128xbf16, #tpu.memory_space<vmem_shared>> -> memref<10112x128xbf16, #tpu.memory_space<vmem_shared>>
        tpu.enqueue_indirect_dma source(%arg11 : memref<128x128xbf16, #tpu.memory_space<vmem>>) target(%dma_start3A_422 : memref<10112x128xbf16, #tpu.memory_space<vmem_shared>>) offsets(%dma_start3A_419 : memref<128xi32, #tpu.memory_space<vmem>>) semaphore(%run_scoped3A_416 : memref<!tpu.dma_semaphore, #tpu.memory_space<semaphore_mem>>) {add = true}
        %dma_wait3A_423 = arith.constant 0 : i32
        %dma_wait3A_424 = tpu.memref_slice %arg8[%run_scoped3A, %dma_wait3A_423] : memref<8x128xi32, #tpu.memory_space<vmem>> -> memref<1x128xi32, #tpu.memory_space<vmem>>
        %dma_wait3A_425 = tpu.memref_squeeze %dma_wait3A_424 : memref<1x128xi32, #tpu.memory_space<vmem>> -> memref<128xi32, #tpu.memory_space<vmem>>
        %dma_wait3A_426 = arith.constant 0 : i32
        %dma_wait3A_427 = arith.constant 0 : i32
        %dma_wait3A_428 = tpu.memref_slice %arg14[%dma_wait3A_426, %dma_wait3A_427] : memref<10112x128xbf16, #tpu.memory_space<vmem_shared>> -> memref<10112x128xbf16, #tpu.memory_space<vmem_shared>>
        tpu.wait_indirect_dma semaphore(%run_scoped3A_416 : memref<!tpu.dma_semaphore, #tpu.memory_space<semaphore_mem>>) src(%arg11 : memref<128x128xbf16, #tpu.memory_space<vmem>>) dst(%dma_wait3A_428 : memref<10112x128xbf16, #tpu.memory_space<vmem_shared>>)
        tpu.yield
      }) : () -> ()
      %eq3A_93 = arith.constant 0 : i32
      %eq3A_94 = arith.cmpi eq, %arg0, %eq3A_93 : i32
      %convert_element_type3A_95 = arith.extui %eq3A_94 : i1 to i32
      %cond3A_96 = arith.constant 0 : i32
      %cond3A_97 = arith.constant 0 : i32
      %cond3A_98 = arith.cmpi ne, %convert_element_type3A_95, %cond3A_97 : i32
      scf.if %cond3A_98 {
        "tpu.region"() ({
          %run_scoped3A_416 = tpu.sem_alloc : memref<!tpu.dma_semaphore, #tpu.memory_space<semaphore_mem>>
          %dma_start3A_417 = arith.constant 0 : i32
          %dma_start3A_418 = tpu.memref_slice %arg8[%cond3A_96, %dma_start3A_417] : memref<8x128xi32, #tpu.memory_space<vmem>> -> memref<1x128xi32, #tpu.memory_space<vmem>>
          %dma_start3A_419 = tpu.memref_squeeze %dma_start3A_418 : memref<1x128xi32, #tpu.memory_space<vmem>> -> memref<128xi32, #tpu.memory_space<vmem>>
          %dma_start3A_420 = arith.constant 0 : i32
          %dma_start3A_421 = arith.constant 0 : i32
          %dma_start3A_422 = tpu.memref_slice %arg15[%dma_start3A_420, %dma_start3A_421] : memref<10112x32xbf16, #tpu.memory_space<vmem_shared>> -> memref<10112x32xbf16, #tpu.memory_space<vmem_shared>>
          tpu.enqueue_indirect_dma source(%arg13 : memref<128x32xbf16, #tpu.memory_space<vmem>>) target(%dma_start3A_422 : memref<10112x32xbf16, #tpu.memory_space<vmem_shared>>) offsets(%dma_start3A_419 : memref<128xi32, #tpu.memory_space<vmem>>) semaphore(%run_scoped3A_416 : memref<!tpu.dma_semaphore, #tpu.memory_space<semaphore_mem>>) {add = true}
          %dma_wait3A_423 = arith.constant 0 : i32
          %dma_wait3A_424 = tpu.memref_slice %arg8[%cond3A_96, %dma_wait3A_423] : memref<8x128xi32, #tpu.memory_space<vmem>> -> memref<1x128xi32, #tpu.memory_space<vmem>>
          %dma_wait3A_425 = tpu.memref_squeeze %dma_wait3A_424 : memref<1x128xi32, #tpu.memory_space<vmem>> -> memref<128xi32, #tpu.memory_space<vmem>>
          %dma_wait3A_426 = arith.constant 0 : i32
          %dma_wait3A_427 = arith.constant 0 : i32
          %dma_wait3A_428 = tpu.memref_slice %arg15[%dma_wait3A_426, %dma_wait3A_427] : memref<10112x32xbf16, #tpu.memory_space<vmem_shared>> -> memref<10112x32xbf16, #tpu.memory_space<vmem_shared>>
          tpu.wait_indirect_dma semaphore(%run_scoped3A_416 : memref<!tpu.dma_semaphore, #tpu.memory_space<semaphore_mem>>) src(%arg13 : memref<128x32xbf16, #tpu.memory_space<vmem>>) dst(%dma_wait3A_428 : memref<10112x32xbf16, #tpu.memory_space<vmem_shared>>)
          tpu.yield
        }) : () -> ()
      } else {
      }
      %dma_start3A_99 = arith.constant 2 : i32
      %dma_start3A_100 = arith.constant 0 : i32
      %dma_start3A_101 = tpu.memref_slice %arg7[%dma_start3A_99, %dma_start3A_100] : memref<8x128xi32, #tpu.memory_space<vmem>> -> memref<1x128xi32, #tpu.memory_space<vmem>>
      %dma_start3A_102 = tpu.memref_squeeze %dma_start3A_101 : memref<1x128xi32, #tpu.memory_space<vmem>> -> memref<128xi32, #tpu.memory_space<vmem>>
      %dma_start3A_103 = arith.constant 0 : i32
      %dma_start3A_104 = arith.constant 0 : i32
      %dma_start3A_105 = tpu.memref_slice %arg2[%dma_start3A_103, %dma_start3A_104] : memref<20000x128xbf16, #tpu.memory_space<hbm>> -> memref<20000x128xbf16, #tpu.memory_space<hbm>>
      tpu.enqueue_indirect_dma source(%dma_start3A_105 : memref<20000x128xbf16, #tpu.memory_space<hbm>>) target(%arg11 : memref<128x128xbf16, #tpu.memory_space<vmem>>) offsets(%dma_start3A_102 : memref<128xi32, #tpu.memory_space<vmem>>) semaphore(%arg16 : memref<!tpu.dma_semaphore, #tpu.memory_space<semaphore_mem>>)
      %dma_wait3A_106 = arith.constant 1 : i32
      %dma_wait3A_107 = arith.constant 0 : i32
      %dma_wait3A_108 = tpu.memref_slice %arg7[%dma_wait3A_106, %dma_wait3A_107] : memref<8x128xi32, #tpu.memory_space<vmem>> -> memref<1x128xi32, #tpu.memory_space<vmem>>
      %dma_wait3A_109 = tpu.memref_squeeze %dma_wait3A_108 : memref<1x128xi32, #tpu.memory_space<vmem>> -> memref<128xi32, #tpu.memory_space<vmem>>
      %dma_wait3A_110 = arith.constant 0 : i32
      %dma_wait3A_111 = arith.constant 0 : i32
      %dma_wait3A_112 = tpu.memref_slice %arg2[%dma_wait3A_110, %dma_wait3A_111] : memref<20000x128xbf16, #tpu.memory_space<hbm>> -> memref<20000x128xbf16, #tpu.memory_space<hbm>>
      tpu.wait_indirect_dma semaphore(%arg17 : memref<!tpu.dma_semaphore, #tpu.memory_space<semaphore_mem>>) src(%dma_wait3A_112 : memref<20000x128xbf16, #tpu.memory_space<hbm>>) dst(%arg12 : memref<128x128xbf16, #tpu.memory_space<vmem>>)
      %run_scoped3A_113 = arith.constant 1 : i32
      "tpu.region"() ({
        %run_scoped3A_416 = tpu.sem_alloc : memref<!tpu.dma_semaphore, #tpu.memory_space<semaphore_mem>>
        %dma_start3A_417 = arith.constant 0 : i32
        %dma_start3A_418 = tpu.memref_slice %arg8[%run_scoped3A_113, %dma_start3A_417] : memref<8x128xi32, #tpu.memory_space<vmem>> -> memref<1x128xi32, #tpu.memory_space<vmem>>
        %dma_start3A_419 = tpu.memref_squeeze %dma_start3A_418 : memref<1x128xi32, #tpu.memory_space<vmem>> -> memref<128xi32, #tpu.memory_space<vmem>>
        %dma_start3A_420 = arith.constant 0 : i32
        %dma_start3A_421 = arith.constant 0 : i32
        %dma_start3A_422 = tpu.memref_slice %arg14[%dma_start3A_420, %dma_start3A_421] : memref<10112x128xbf16, #tpu.memory_space<vmem_shared>> -> memref<10112x128xbf16, #tpu.memory_space<vmem_shared>>
        tpu.enqueue_indirect_dma source(%arg12 : memref<128x128xbf16, #tpu.memory_space<vmem>>) target(%dma_start3A_422 : memref<10112x128xbf16, #tpu.memory_space<vmem_shared>>) offsets(%dma_start3A_419 : memref<128xi32, #tpu.memory_space<vmem>>) semaphore(%run_scoped3A_416 : memref<!tpu.dma_semaphore, #tpu.memory_space<semaphore_mem>>) {add = true}
        %dma_wait3A_423 = arith.constant 0 : i32
        %dma_wait3A_424 = tpu.memref_slice %arg8[%run_scoped3A_113, %dma_wait3A_423] : memref<8x128xi32, #tpu.memory_space<vmem>> -> memref<1x128xi32, #tpu.memory_space<vmem>>
        %dma_wait3A_425 = tpu.memref_squeeze %dma_wait3A_424 : memref<1x128xi32, #tpu.memory_space<vmem>> -> memref<128xi32, #tpu.memory_space<vmem>>
        %dma_wait3A_426 = arith.constant 0 : i32
        %dma_wait3A_427 = arith.constant 0 : i32
        %dma_wait3A_428 = tpu.memref_slice %arg14[%dma_wait3A_426, %dma_wait3A_427] : memref<10112x128xbf16, #tpu.memory_space<vmem_shared>> -> memref<10112x128xbf16, #tpu.memory_space<vmem_shared>>
        tpu.wait_indirect_dma semaphore(%run_scoped3A_416 : memref<!tpu.dma_semaphore, #tpu.memory_space<semaphore_mem>>) src(%arg12 : memref<128x128xbf16, #tpu.memory_space<vmem>>) dst(%dma_wait3A_428 : memref<10112x128xbf16, #tpu.memory_space<vmem_shared>>)
        tpu.yield
      }) : () -> ()
      %eq3A_114 = arith.constant 1 : i32
      %eq3A_115 = arith.cmpi eq, %arg0, %eq3A_114 : i32
      %convert_element_type3A_116 = arith.extui %eq3A_115 : i1 to i32
      %cond3A_117 = arith.constant 1 : i32
      %cond3A_118 = arith.constant 0 : i32
      %cond3A_119 = arith.cmpi ne, %convert_element_type3A_116, %cond3A_118 : i32
      scf.if %cond3A_119 {
        "tpu.region"() ({
          %run_scoped3A_416 = tpu.sem_alloc : memref<!tpu.dma_semaphore, #tpu.memory_space<semaphore_mem>>
          %dma_start3A_417 = arith.constant 0 : i32
          %dma_start3A_418 = tpu.memref_slice %arg8[%cond3A_117, %dma_start3A_417] : memref<8x128xi32, #tpu.memory_space<vmem>> -> memref<1x128xi32, #tpu.memory_space<vmem>>
          %dma_start3A_419 = tpu.memref_squeeze %dma_start3A_418 : memref<1x128xi32, #tpu.memory_space<vmem>> -> memref<128xi32, #tpu.memory_space<vmem>>
          %dma_start3A_420 = arith.constant 0 : i32
          %dma_start3A_421 = arith.constant 0 : i32
          %dma_start3A_422 = tpu.memref_slice %arg15[%dma_start3A_420, %dma_start3A_421] : memref<10112x32xbf16, #tpu.memory_space<vmem_shared>> -> memref<10112x32xbf16, #tpu.memory_space<vmem_shared>>
          tpu.enqueue_indirect_dma source(%arg13 : memref<128x32xbf16, #tpu.memory_space<vmem>>) target(%dma_start3A_422 : memref<10112x32xbf16, #tpu.memory_space<vmem_shared>>) offsets(%dma_start3A_419 : memref<128xi32, #tpu.memory_space<vmem>>) semaphore(%run_scoped3A_416 : memref<!tpu.dma_semaphore, #tpu.memory_space<semaphore_mem>>) {add = true}
          %dma_wait3A_423 = arith.constant 0 : i32
          %dma_wait3A_424 = tpu.memref_slice %arg8[%cond3A_117, %dma_wait3A_423] : memref<8x128xi32, #tpu.memory_space<vmem>> -> memref<1x128xi32, #tpu.memory_space<vmem>>
          %dma_wait3A_425 = tpu.memref_squeeze %dma_wait3A_424 : memref<1x128xi32, #tpu.memory_space<vmem>> -> memref<128xi32, #tpu.memory_space<vmem>>
          %dma_wait3A_426 = arith.constant 0 : i32
          %dma_wait3A_427 = arith.constant 0 : i32
          %dma_wait3A_428 = tpu.memref_slice %arg15[%dma_wait3A_426, %dma_wait3A_427] : memref<10112x32xbf16, #tpu.memory_space<vmem_shared>> -> memref<10112x32xbf16, #tpu.memory_space<vmem_shared>>
          tpu.wait_indirect_dma semaphore(%run_scoped3A_416 : memref<!tpu.dma_semaphore, #tpu.memory_space<semaphore_mem>>) src(%arg13 : memref<128x32xbf16, #tpu.memory_space<vmem>>) dst(%dma_wait3A_428 : memref<10112x32xbf16, #tpu.memory_space<vmem_shared>>)
          tpu.yield
        }) : () -> ()
      } else {
      }
      %dma_start3A_120 = arith.constant 3 : i32
      %dma_start3A_121 = arith.constant 0 : i32
      %dma_start3A_122 = tpu.memref_slice %arg7[%dma_start3A_120, %dma_start3A_121] : memref<8x128xi32, #tpu.memory_space<vmem>> -> memref<1x128xi32, #tpu.memory_space<vmem>>
      %dma_start3A_123 = tpu.memref_squeeze %dma_start3A_122 : memref<1x128xi32, #tpu.memory_space<vmem>> -> memref<128xi32, #tpu.memory_space<vmem>>
      %dma_start3A_124 = arith.constant 0 : i32
      %dma_start3A_125 = arith.constant 0 : i32
      %dma_start3A_126 = tpu.memref_slice %arg2[%dma_start3A_124, %dma_start3A_125] : memref<20000x128xbf16, #tpu.memory_space<hbm>> -> memref<20000x128xbf16, #tpu.memory_space<hbm>>
      tpu.enqueue_indirect_dma source(%dma_start3A_126 : memref<20000x128xbf16, #tpu.memory_space<hbm>>) target(%arg12 : memref<128x128xbf16, #tpu.memory_space<vmem>>) offsets(%dma_start3A_123 : memref<128xi32, #tpu.memory_space<vmem>>) semaphore(%arg17 : memref<!tpu.dma_semaphore, #tpu.memory_space<semaphore_mem>>)
      %dma_wait3A_127 = arith.constant 2 : i32
      %dma_wait3A_128 = arith.constant 0 : i32
      %dma_wait3A_129 = tpu.memref_slice %arg7[%dma_wait3A_127, %dma_wait3A_128] : memref<8x128xi32, #tpu.memory_space<vmem>> -> memref<1x128xi32, #tpu.memory_space<vmem>>
      %dma_wait3A_130 = tpu.memref_squeeze %dma_wait3A_129 : memref<1x128xi32, #tpu.memory_space<vmem>> -> memref<128xi32, #tpu.memory_space<vmem>>
      %dma_wait3A_131 = arith.constant 0 : i32
      %dma_wait3A_132 = arith.constant 0 : i32
      %dma_wait3A_133 = tpu.memref_slice %arg2[%dma_wait3A_131, %dma_wait3A_132] : memref<20000x128xbf16, #tpu.memory_space<hbm>> -> memref<20000x128xbf16, #tpu.memory_space<hbm>>
      tpu.wait_indirect_dma semaphore(%arg16 : memref<!tpu.dma_semaphore, #tpu.memory_space<semaphore_mem>>) src(%dma_wait3A_133 : memref<20000x128xbf16, #tpu.memory_space<hbm>>) dst(%arg11 : memref<128x128xbf16, #tpu.memory_space<vmem>>)
      %run_scoped3A_134 = arith.constant 2 : i32
      "tpu.region"() ({
        %run_scoped3A_416 = tpu.sem_alloc : memref<!tpu.dma_semaphore, #tpu.memory_space<semaphore_mem>>
        %dma_start3A_417 = arith.constant 0 : i32
        %dma_start3A_418 = tpu.memref_slice %arg8[%run_scoped3A_134, %dma_start3A_417] : memref<8x128xi32, #tpu.memory_space<vmem>> -> memref<1x128xi32, #tpu.memory_space<vmem>>
        %dma_start3A_419 = tpu.memref_squeeze %dma_start3A_418 : memref<1x128xi32, #tpu.memory_space<vmem>> -> memref<128xi32, #tpu.memory_space<vmem>>
        %dma_start3A_420 = arith.constant 0 : i32
        %dma_start3A_421 = arith.constant 0 : i32
        %dma_start3A_422 = tpu.memref_slice %arg14[%dma_start3A_420, %dma_start3A_421] : memref<10112x128xbf16, #tpu.memory_space<vmem_shared>> -> memref<10112x128xbf16, #tpu.memory_space<vmem_shared>>
        tpu.enqueue_indirect_dma source(%arg11 : memref<128x128xbf16, #tpu.memory_space<vmem>>) target(%dma_start3A_422 : memref<10112x128xbf16, #tpu.memory_space<vmem_shared>>) offsets(%dma_start3A_419 : memref<128xi32, #tpu.memory_space<vmem>>) semaphore(%run_scoped3A_416 : memref<!tpu.dma_semaphore, #tpu.memory_space<semaphore_mem>>) {add = true}
        %dma_wait3A_423 = arith.constant 0 : i32
        %dma_wait3A_424 = tpu.memref_slice %arg8[%run_scoped3A_134, %dma_wait3A_423] : memref<8x128xi32, #tpu.memory_space<vmem>> -> memref<1x128xi32, #tpu.memory_space<vmem>>
        %dma_wait3A_425 = tpu.memref_squeeze %dma_wait3A_424 : memref<1x128xi32, #tpu.memory_space<vmem>> -> memref<128xi32, #tpu.memory_space<vmem>>
        %dma_wait3A_426 = arith.constant 0 : i32
        %dma_wait3A_427 = arith.constant 0 : i32
        %dma_wait3A_428 = tpu.memref_slice %arg14[%dma_wait3A_426, %dma_wait3A_427] : memref<10112x128xbf16, #tpu.memory_space<vmem_shared>> -> memref<10112x128xbf16, #tpu.memory_space<vmem_shared>>
        tpu.wait_indirect_dma semaphore(%run_scoped3A_416 : memref<!tpu.dma_semaphore, #tpu.memory_space<semaphore_mem>>) src(%arg11 : memref<128x128xbf16, #tpu.memory_space<vmem>>) dst(%dma_wait3A_428 : memref<10112x128xbf16, #tpu.memory_space<vmem_shared>>)
        tpu.yield
      }) : () -> ()
      %eq3A_135 = arith.constant 0 : i32
      %eq3A_136 = arith.cmpi eq, %arg0, %eq3A_135 : i32
      %convert_element_type3A_137 = arith.extui %eq3A_136 : i1 to i32
      %cond3A_138 = arith.constant 2 : i32
      %cond3A_139 = arith.constant 0 : i32
      %cond3A_140 = arith.cmpi ne, %convert_element_type3A_137, %cond3A_139 : i32
      scf.if %cond3A_140 {
        "tpu.region"() ({
          %run_scoped3A_416 = tpu.sem_alloc : memref<!tpu.dma_semaphore, #tpu.memory_space<semaphore_mem>>
          %dma_start3A_417 = arith.constant 0 : i32
          %dma_start3A_418 = tpu.memref_slice %arg8[%cond3A_138, %dma_start3A_417] : memref<8x128xi32, #tpu.memory_space<vmem>> -> memref<1x128xi32, #tpu.memory_space<vmem>>
          %dma_start3A_419 = tpu.memref_squeeze %dma_start3A_418 : memref<1x128xi32, #tpu.memory_space<vmem>> -> memref<128xi32, #tpu.memory_space<vmem>>
          %dma_start3A_420 = arith.constant 0 : i32
          %dma_start3A_421 = arith.constant 0 : i32
          %dma_start3A_422 = tpu.memref_slice %arg15[%dma_start3A_420, %dma_start3A_421] : memref<10112x32xbf16, #tpu.memory_space<vmem_shared>> -> memref<10112x32xbf16, #tpu.memory_space<vmem_shared>>
          tpu.enqueue_indirect_dma source(%arg13 : memref<128x32xbf16, #tpu.memory_space<vmem>>) target(%dma_start3A_422 : memref<10112x32xbf16, #tpu.memory_space<vmem_shared>>) offsets(%dma_start3A_419 : memref<128xi32, #tpu.memory_space<vmem>>) semaphore(%run_scoped3A_416 : memref<!tpu.dma_semaphore, #tpu.memory_space<semaphore_mem>>) {add = true}
          %dma_wait3A_423 = arith.constant 0 : i32
          %dma_wait3A_424 = tpu.memref_slice %arg8[%cond3A_138, %dma_wait3A_423] : memref<8x128xi32, #tpu.memory_space<vmem>> -> memref<1x128xi32, #tpu.memory_space<vmem>>
          %dma_wait3A_425 = tpu.memref_squeeze %dma_wait3A_424 : memref<1x128xi32, #tpu.memory_space<vmem>> -> memref<128xi32, #tpu.memory_space<vmem>>
          %dma_wait3A_426 = arith.constant 0 : i32
          %dma_wait3A_427 = arith.constant 0 : i32
          %dma_wait3A_428 = tpu.memref_slice %arg15[%dma_wait3A_426, %dma_wait3A_427] : memref<10112x32xbf16, #tpu.memory_space<vmem_shared>> -> memref<10112x32xbf16, #tpu.memory_space<vmem_shared>>
          tpu.wait_indirect_dma semaphore(%run_scoped3A_416 : memref<!tpu.dma_semaphore, #tpu.memory_space<semaphore_mem>>) src(%arg13 : memref<128x32xbf16, #tpu.memory_space<vmem>>) dst(%dma_wait3A_428 : memref<10112x32xbf16, #tpu.memory_space<vmem_shared>>)
          tpu.yield
        }) : () -> ()
      } else {
      }
      %dma_start3A_141 = arith.constant 4 : i32
      %dma_start3A_142 = arith.constant 0 : i32
      %dma_start3A_143 = tpu.memref_slice %arg7[%dma_start3A_141, %dma_start3A_142] : memref<8x128xi32, #tpu.memory_space<vmem>> -> memref<1x128xi32, #tpu.memory_space<vmem>>
      %dma_start3A_144 = tpu.memref_squeeze %dma_start3A_143 : memref<1x128xi32, #tpu.memory_space<vmem>> -> memref<128xi32, #tpu.memory_space<vmem>>
      %dma_start3A_145 = arith.constant 0 : i32
      %dma_start3A_146 = arith.constant 0 : i32
      %dma_start3A_147 = tpu.memref_slice %arg2[%dma_start3A_145, %dma_start3A_146] : memref<20000x128xbf16, #tpu.memory_space<hbm>> -> memref<20000x128xbf16, #tpu.memory_space<hbm>>
      tpu.enqueue_indirect_dma source(%dma_start3A_147 : memref<20000x128xbf16, #tpu.memory_space<hbm>>) target(%arg11 : memref<128x128xbf16, #tpu.memory_space<vmem>>) offsets(%dma_start3A_144 : memref<128xi32, #tpu.memory_space<vmem>>) semaphore(%arg16 : memref<!tpu.dma_semaphore, #tpu.memory_space<semaphore_mem>>)
      %dma_wait3A_148 = arith.constant 3 : i32
      %dma_wait3A_149 = arith.constant 0 : i32
      %dma_wait3A_150 = tpu.memref_slice %arg7[%dma_wait3A_148, %dma_wait3A_149] : memref<8x128xi32, #tpu.memory_space<vmem>> -> memref<1x128xi32, #tpu.memory_space<vmem>>
      %dma_wait3A_151 = tpu.memref_squeeze %dma_wait3A_150 : memref<1x128xi32, #tpu.memory_space<vmem>> -> memref<128xi32, #tpu.memory_space<vmem>>
      %dma_wait3A_152 = arith.constant 0 : i32
      %dma_wait3A_153 = arith.constant 0 : i32
      %dma_wait3A_154 = tpu.memref_slice %arg2[%dma_wait3A_152, %dma_wait3A_153] : memref<20000x128xbf16, #tpu.memory_space<hbm>> -> memref<20000x128xbf16, #tpu.memory_space<hbm>>
      tpu.wait_indirect_dma semaphore(%arg17 : memref<!tpu.dma_semaphore, #tpu.memory_space<semaphore_mem>>) src(%dma_wait3A_154 : memref<20000x128xbf16, #tpu.memory_space<hbm>>) dst(%arg12 : memref<128x128xbf16, #tpu.memory_space<vmem>>)
      %run_scoped3A_155 = arith.constant 3 : i32
      "tpu.region"() ({
        %run_scoped3A_416 = tpu.sem_alloc : memref<!tpu.dma_semaphore, #tpu.memory_space<semaphore_mem>>
        %dma_start3A_417 = arith.constant 0 : i32
        %dma_start3A_418 = tpu.memref_slice %arg8[%run_scoped3A_155, %dma_start3A_417] : memref<8x128xi32, #tpu.memory_space<vmem>> -> memref<1x128xi32, #tpu.memory_space<vmem>>
        %dma_start3A_419 = tpu.memref_squeeze %dma_start3A_418 : memref<1x128xi32, #tpu.memory_space<vmem>> -> memref<128xi32, #tpu.memory_space<vmem>>
        %dma_start3A_420 = arith.constant 0 : i32
        %dma_start3A_421 = arith.constant 0 : i32
        %dma_start3A_422 = tpu.memref_slice %arg14[%dma_start3A_420, %dma_start3A_421] : memref<10112x128xbf16, #tpu.memory_space<vmem_shared>> -> memref<10112x128xbf16, #tpu.memory_space<vmem_shared>>
        tpu.enqueue_indirect_dma source(%arg12 : memref<128x128xbf16, #tpu.memory_space<vmem>>) target(%dma_start3A_422 : memref<10112x128xbf16, #tpu.memory_space<vmem_shared>>) offsets(%dma_start3A_419 : memref<128xi32, #tpu.memory_space<vmem>>) semaphore(%run_scoped3A_416 : memref<!tpu.dma_semaphore, #tpu.memory_space<semaphore_mem>>) {add = true}
        %dma_wait3A_423 = arith.constant 0 : i32
        %dma_wait3A_424 = tpu.memref_slice %arg8[%run_scoped3A_155, %dma_wait3A_423] : memref<8x128xi32, #tpu.memory_space<vmem>> -> memref<1x128xi32, #tpu.memory_space<vmem>>
        %dma_wait3A_425 = tpu.memref_squeeze %dma_wait3A_424 : memref<1x128xi32, #tpu.memory_space<vmem>> -> memref<128xi32, #tpu.memory_space<vmem>>
        %dma_wait3A_426 = arith.constant 0 : i32
        %dma_wait3A_427 = arith.constant 0 : i32
        %dma_wait3A_428 = tpu.memref_slice %arg14[%dma_wait3A_426, %dma_wait3A_427] : memref<10112x128xbf16, #tpu.memory_space<vmem_shared>> -> memref<10112x128xbf16, #tpu.memory_space<vmem_shared>>
        tpu.wait_indirect_dma semaphore(%run_scoped3A_416 : memref<!tpu.dma_semaphore, #tpu.memory_space<semaphore_mem>>) src(%arg12 : memref<128x128xbf16, #tpu.memory_space<vmem>>) dst(%dma_wait3A_428 : memref<10112x128xbf16, #tpu.memory_space<vmem_shared>>)
        tpu.yield
      }) : () -> ()
      %eq3A_156 = arith.constant 1 : i32
      %eq3A_157 = arith.cmpi eq, %arg0, %eq3A_156 : i32
      %convert_element_type3A_158 = arith.extui %eq3A_157 : i1 to i32
      %cond3A_159 = arith.constant 3 : i32
      %cond3A_160 = arith.constant 0 : i32
      %cond3A_161 = arith.cmpi ne, %convert_element_type3A_158, %cond3A_160 : i32
      scf.if %cond3A_161 {
        "tpu.region"() ({
          %run_scoped3A_416 = tpu.sem_alloc : memref<!tpu.dma_semaphore, #tpu.memory_space<semaphore_mem>>
          %dma_start3A_417 = arith.constant 0 : i32
          %dma_start3A_418 = tpu.memref_slice %arg8[%cond3A_159, %dma_start3A_417] : memref<8x128xi32, #tpu.memory_space<vmem>> -> memref<1x128xi32, #tpu.memory_space<vmem>>
          %dma_start3A_419 = tpu.memref_squeeze %dma_start3A_418 : memref<1x128xi32, #tpu.memory_space<vmem>> -> memref<128xi32, #tpu.memory_space<vmem>>
          %dma_start3A_420 = arith.constant 0 : i32
          %dma_start3A_421 = arith.constant 0 : i32
          %dma_start3A_422 = tpu.memref_slice %arg15[%dma_start3A_420, %dma_start3A_421] : memref<10112x32xbf16, #tpu.memory_space<vmem_shared>> -> memref<10112x32xbf16, #tpu.memory_space<vmem_shared>>
          tpu.enqueue_indirect_dma source(%arg13 : memref<128x32xbf16, #tpu.memory_space<vmem>>) target(%dma_start3A_422 : memref<10112x32xbf16, #tpu.memory_space<vmem_shared>>) offsets(%dma_start3A_419 : memref<128xi32, #tpu.memory_space<vmem>>) semaphore(%run_scoped3A_416 : memref<!tpu.dma_semaphore, #tpu.memory_space<semaphore_mem>>) {add = true}
          %dma_wait3A_423 = arith.constant 0 : i32
          %dma_wait3A_424 = tpu.memref_slice %arg8[%cond3A_159, %dma_wait3A_423] : memref<8x128xi32, #tpu.memory_space<vmem>> -> memref<1x128xi32, #tpu.memory_space<vmem>>
          %dma_wait3A_425 = tpu.memref_squeeze %dma_wait3A_424 : memref<1x128xi32, #tpu.memory_space<vmem>> -> memref<128xi32, #tpu.memory_space<vmem>>
          %dma_wait3A_426 = arith.constant 0 : i32
          %dma_wait3A_427 = arith.constant 0 : i32
          %dma_wait3A_428 = tpu.memref_slice %arg15[%dma_wait3A_426, %dma_wait3A_427] : memref<10112x32xbf16, #tpu.memory_space<vmem_shared>> -> memref<10112x32xbf16, #tpu.memory_space<vmem_shared>>
          tpu.wait_indirect_dma semaphore(%run_scoped3A_416 : memref<!tpu.dma_semaphore, #tpu.memory_space<semaphore_mem>>) src(%arg13 : memref<128x32xbf16, #tpu.memory_space<vmem>>) dst(%dma_wait3A_428 : memref<10112x32xbf16, #tpu.memory_space<vmem_shared>>)
          tpu.yield
        }) : () -> ()
      } else {
      }
      %dma_start3A_162 = arith.constant 5 : i32
      %dma_start3A_163 = arith.constant 0 : i32
      %dma_start3A_164 = tpu.memref_slice %arg7[%dma_start3A_162, %dma_start3A_163] : memref<8x128xi32, #tpu.memory_space<vmem>> -> memref<1x128xi32, #tpu.memory_space<vmem>>
      %dma_start3A_165 = tpu.memref_squeeze %dma_start3A_164 : memref<1x128xi32, #tpu.memory_space<vmem>> -> memref<128xi32, #tpu.memory_space<vmem>>
      %dma_start3A_166 = arith.constant 0 : i32
      %dma_start3A_167 = arith.constant 0 : i32
      %dma_start3A_168 = tpu.memref_slice %arg2[%dma_start3A_166, %dma_start3A_167] : memref<20000x128xbf16, #tpu.memory_space<hbm>> -> memref<20000x128xbf16, #tpu.memory_space<hbm>>
      tpu.enqueue_indirect_dma source(%dma_start3A_168 : memref<20000x128xbf16, #tpu.memory_space<hbm>>) target(%arg12 : memref<128x128xbf16, #tpu.memory_space<vmem>>) offsets(%dma_start3A_165 : memref<128xi32, #tpu.memory_space<vmem>>) semaphore(%arg17 : memref<!tpu.dma_semaphore, #tpu.memory_space<semaphore_mem>>)
      %dma_wait3A_169 = arith.constant 4 : i32
      %dma_wait3A_170 = arith.constant 0 : i32
      %dma_wait3A_171 = tpu.memref_slice %arg7[%dma_wait3A_169, %dma_wait3A_170] : memref<8x128xi32, #tpu.memory_space<vmem>> -> memref<1x128xi32, #tpu.memory_space<vmem>>
      %dma_wait3A_172 = tpu.memref_squeeze %dma_wait3A_171 : memref<1x128xi32, #tpu.memory_space<vmem>> -> memref<128xi32, #tpu.memory_space<vmem>>
      %dma_wait3A_173 = arith.constant 0 : i32
      %dma_wait3A_174 = arith.constant 0 : i32
      %dma_wait3A_175 = tpu.memref_slice %arg2[%dma_wait3A_173, %dma_wait3A_174] : memref<20000x128xbf16, #tpu.memory_space<hbm>> -> memref<20000x128xbf16, #tpu.memory_space<hbm>>
      tpu.wait_indirect_dma semaphore(%arg16 : memref<!tpu.dma_semaphore, #tpu.memory_space<semaphore_mem>>) src(%dma_wait3A_175 : memref<20000x128xbf16, #tpu.memory_space<hbm>>) dst(%arg11 : memref<128x128xbf16, #tpu.memory_space<vmem>>)
      %run_scoped3A_176 = arith.constant 4 : i32
      "tpu.region"() ({
        %run_scoped3A_416 = tpu.sem_alloc : memref<!tpu.dma_semaphore, #tpu.memory_space<semaphore_mem>>
        %dma_start3A_417 = arith.constant 0 : i32
        %dma_start3A_418 = tpu.memref_slice %arg8[%run_scoped3A_176, %dma_start3A_417] : memref<8x128xi32, #tpu.memory_space<vmem>> -> memref<1x128xi32, #tpu.memory_space<vmem>>
        %dma_start3A_419 = tpu.memref_squeeze %dma_start3A_418 : memref<1x128xi32, #tpu.memory_space<vmem>> -> memref<128xi32, #tpu.memory_space<vmem>>
        %dma_start3A_420 = arith.constant 0 : i32
        %dma_start3A_421 = arith.constant 0 : i32
        %dma_start3A_422 = tpu.memref_slice %arg14[%dma_start3A_420, %dma_start3A_421] : memref<10112x128xbf16, #tpu.memory_space<vmem_shared>> -> memref<10112x128xbf16, #tpu.memory_space<vmem_shared>>
        tpu.enqueue_indirect_dma source(%arg11 : memref<128x128xbf16, #tpu.memory_space<vmem>>) target(%dma_start3A_422 : memref<10112x128xbf16, #tpu.memory_space<vmem_shared>>) offsets(%dma_start3A_419 : memref<128xi32, #tpu.memory_space<vmem>>) semaphore(%run_scoped3A_416 : memref<!tpu.dma_semaphore, #tpu.memory_space<semaphore_mem>>) {add = true}
        %dma_wait3A_423 = arith.constant 0 : i32
        %dma_wait3A_424 = tpu.memref_slice %arg8[%run_scoped3A_176, %dma_wait3A_423] : memref<8x128xi32, #tpu.memory_space<vmem>> -> memref<1x128xi32, #tpu.memory_space<vmem>>
        %dma_wait3A_425 = tpu.memref_squeeze %dma_wait3A_424 : memref<1x128xi32, #tpu.memory_space<vmem>> -> memref<128xi32, #tpu.memory_space<vmem>>
        %dma_wait3A_426 = arith.constant 0 : i32
        %dma_wait3A_427 = arith.constant 0 : i32
        %dma_wait3A_428 = tpu.memref_slice %arg14[%dma_wait3A_426, %dma_wait3A_427] : memref<10112x128xbf16, #tpu.memory_space<vmem_shared>> -> memref<10112x128xbf16, #tpu.memory_space<vmem_shared>>
        tpu.wait_indirect_dma semaphore(%run_scoped3A_416 : memref<!tpu.dma_semaphore, #tpu.memory_space<semaphore_mem>>) src(%arg11 : memref<128x128xbf16, #tpu.memory_space<vmem>>) dst(%dma_wait3A_428 : memref<10112x128xbf16, #tpu.memory_space<vmem_shared>>)
        tpu.yield
      }) : () -> ()
      %eq3A_177 = arith.constant 0 : i32
      %eq3A_178 = arith.cmpi eq, %arg0, %eq3A_177 : i32
      %convert_element_type3A_179 = arith.extui %eq3A_178 : i1 to i32
      %cond3A_180 = arith.constant 4 : i32
      %cond3A_181 = arith.constant 0 : i32
      %cond3A_182 = arith.cmpi ne, %convert_element_type3A_179, %cond3A_181 : i32
      scf.if %cond3A_182 {
        "tpu.region"() ({
          %run_scoped3A_416 = tpu.sem_alloc : memref<!tpu.dma_semaphore, #tpu.memory_space<semaphore_mem>>
          %dma_start3A_417 = arith.constant 0 : i32
          %dma_start3A_418 = tpu.memref_slice %arg8[%cond3A_180, %dma_start3A_417] : memref<8x128xi32, #tpu.memory_space<vmem>> -> memref<1x128xi32, #tpu.memory_space<vmem>>
          %dma_start3A_419 = tpu.memref_squeeze %dma_start3A_418 : memref<1x128xi32, #tpu.memory_space<vmem>> -> memref<128xi32, #tpu.memory_space<vmem>>
          %dma_start3A_420 = arith.constant 0 : i32
          %dma_start3A_421 = arith.constant 0 : i32
          %dma_start3A_422 = tpu.memref_slice %arg15[%dma_start3A_420, %dma_start3A_421] : memref<10112x32xbf16, #tpu.memory_space<vmem_shared>> -> memref<10112x32xbf16, #tpu.memory_space<vmem_shared>>
          tpu.enqueue_indirect_dma source(%arg13 : memref<128x32xbf16, #tpu.memory_space<vmem>>) target(%dma_start3A_422 : memref<10112x32xbf16, #tpu.memory_space<vmem_shared>>) offsets(%dma_start3A_419 : memref<128xi32, #tpu.memory_space<vmem>>) semaphore(%run_scoped3A_416 : memref<!tpu.dma_semaphore, #tpu.memory_space<semaphore_mem>>) {add = true}
          %dma_wait3A_423 = arith.constant 0 : i32
          %dma_wait3A_424 = tpu.memref_slice %arg8[%cond3A_180, %dma_wait3A_423] : memref<8x128xi32, #tpu.memory_space<vmem>> -> memref<1x128xi32, #tpu.memory_space<vmem>>
          %dma_wait3A_425 = tpu.memref_squeeze %dma_wait3A_424 : memref<1x128xi32, #tpu.memory_space<vmem>> -> memref<128xi32, #tpu.memory_space<vmem>>
          %dma_wait3A_426 = arith.constant 0 : i32
          %dma_wait3A_427 = arith.constant 0 : i32
          %dma_wait3A_428 = tpu.memref_slice %arg15[%dma_wait3A_426, %dma_wait3A_427] : memref<10112x32xbf16, #tpu.memory_space<vmem_shared>> -> memref<10112x32xbf16, #tpu.memory_space<vmem_shared>>
          tpu.wait_indirect_dma semaphore(%run_scoped3A_416 : memref<!tpu.dma_semaphore, #tpu.memory_space<semaphore_mem>>) src(%arg13 : memref<128x32xbf16, #tpu.memory_space<vmem>>) dst(%dma_wait3A_428 : memref<10112x32xbf16, #tpu.memory_space<vmem_shared>>)
          tpu.yield
        }) : () -> ()
      } else {
      }
      %dma_start3A_183 = arith.constant 6 : i32
      %dma_start3A_184 = arith.constant 0 : i32
      %dma_start3A_185 = tpu.memref_slice %arg7[%dma_start3A_183, %dma_start3A_184] : memref<8x128xi32, #tpu.memory_space<vmem>> -> memref<1x128xi32, #tpu.memory_space<vmem>>
      %dma_start3A_186 = tpu.memref_squeeze %dma_start3A_185 : memref<1x128xi32, #tpu.memory_space<vmem>> -> memref<128xi32, #tpu.memory_space<vmem>>
      %dma_start3A_187 = arith.constant 0 : i32
      %dma_start3A_188 = arith.constant 0 : i32
      %dma_start3A_189 = tpu.memref_slice %arg2[%dma_start3A_187, %dma_start3A_188] : memref<20000x128xbf16, #tpu.memory_space<hbm>> -> memref<20000x128xbf16, #tpu.memory_space<hbm>>
      tpu.enqueue_indirect_dma source(%dma_start3A_189 : memref<20000x128xbf16, #tpu.memory_space<hbm>>) target(%arg11 : memref<128x128xbf16, #tpu.memory_space<vmem>>) offsets(%dma_start3A_186 : memref<128xi32, #tpu.memory_space<vmem>>) semaphore(%arg16 : memref<!tpu.dma_semaphore, #tpu.memory_space<semaphore_mem>>)
      %dma_wait3A_190 = arith.constant 5 : i32
      %dma_wait3A_191 = arith.constant 0 : i32
      %dma_wait3A_192 = tpu.memref_slice %arg7[%dma_wait3A_190, %dma_wait3A_191] : memref<8x128xi32, #tpu.memory_space<vmem>> -> memref<1x128xi32, #tpu.memory_space<vmem>>
      %dma_wait3A_193 = tpu.memref_squeeze %dma_wait3A_192 : memref<1x128xi32, #tpu.memory_space<vmem>> -> memref<128xi32, #tpu.memory_space<vmem>>
      %dma_wait3A_194 = arith.constant 0 : i32
      %dma_wait3A_195 = arith.constant 0 : i32
      %dma_wait3A_196 = tpu.memref_slice %arg2[%dma_wait3A_194, %dma_wait3A_195] : memref<20000x128xbf16, #tpu.memory_space<hbm>> -> memref<20000x128xbf16, #tpu.memory_space<hbm>>
      tpu.wait_indirect_dma semaphore(%arg17 : memref<!tpu.dma_semaphore, #tpu.memory_space<semaphore_mem>>) src(%dma_wait3A_196 : memref<20000x128xbf16, #tpu.memory_space<hbm>>) dst(%arg12 : memref<128x128xbf16, #tpu.memory_space<vmem>>)
      %run_scoped3A_197 = arith.constant 5 : i32
      "tpu.region"() ({
        %run_scoped3A_416 = tpu.sem_alloc : memref<!tpu.dma_semaphore, #tpu.memory_space<semaphore_mem>>
        %dma_start3A_417 = arith.constant 0 : i32
        %dma_start3A_418 = tpu.memref_slice %arg8[%run_scoped3A_197, %dma_start3A_417] : memref<8x128xi32, #tpu.memory_space<vmem>> -> memref<1x128xi32, #tpu.memory_space<vmem>>
        %dma_start3A_419 = tpu.memref_squeeze %dma_start3A_418 : memref<1x128xi32, #tpu.memory_space<vmem>> -> memref<128xi32, #tpu.memory_space<vmem>>
        %dma_start3A_420 = arith.constant 0 : i32
        %dma_start3A_421 = arith.constant 0 : i32
        %dma_start3A_422 = tpu.memref_slice %arg14[%dma_start3A_420, %dma_start3A_421] : memref<10112x128xbf16, #tpu.memory_space<vmem_shared>> -> memref<10112x128xbf16, #tpu.memory_space<vmem_shared>>
        tpu.enqueue_indirect_dma source(%arg12 : memref<128x128xbf16, #tpu.memory_space<vmem>>) target(%dma_start3A_422 : memref<10112x128xbf16, #tpu.memory_space<vmem_shared>>) offsets(%dma_start3A_419 : memref<128xi32, #tpu.memory_space<vmem>>) semaphore(%run_scoped3A_416 : memref<!tpu.dma_semaphore, #tpu.memory_space<semaphore_mem>>) {add = true}
        %dma_wait3A_423 = arith.constant 0 : i32
        %dma_wait3A_424 = tpu.memref_slice %arg8[%run_scoped3A_197, %dma_wait3A_423] : memref<8x128xi32, #tpu.memory_space<vmem>> -> memref<1x128xi32, #tpu.memory_space<vmem>>
        %dma_wait3A_425 = tpu.memref_squeeze %dma_wait3A_424 : memref<1x128xi32, #tpu.memory_space<vmem>> -> memref<128xi32, #tpu.memory_space<vmem>>
        %dma_wait3A_426 = arith.constant 0 : i32
        %dma_wait3A_427 = arith.constant 0 : i32
        %dma_wait3A_428 = tpu.memref_slice %arg14[%dma_wait3A_426, %dma_wait3A_427] : memref<10112x128xbf16, #tpu.memory_space<vmem_shared>> -> memref<10112x128xbf16, #tpu.memory_space<vmem_shared>>
        tpu.wait_indirect_dma semaphore(%run_scoped3A_416 : memref<!tpu.dma_semaphore, #tpu.memory_space<semaphore_mem>>) src(%arg12 : memref<128x128xbf16, #tpu.memory_space<vmem>>) dst(%dma_wait3A_428 : memref<10112x128xbf16, #tpu.memory_space<vmem_shared>>)
        tpu.yield
      }) : () -> ()
      %eq3A_198 = arith.constant 1 : i32
      %eq3A_199 = arith.cmpi eq, %arg0, %eq3A_198 : i32
      %convert_element_type3A_200 = arith.extui %eq3A_199 : i1 to i32
      %cond3A_201 = arith.constant 5 : i32
      %cond3A_202 = arith.constant 0 : i32
      %cond3A_203 = arith.cmpi ne, %convert_element_type3A_200, %cond3A_202 : i32
      scf.if %cond3A_203 {
        "tpu.region"() ({
          %run_scoped3A_416 = tpu.sem_alloc : memref<!tpu.dma_semaphore, #tpu.memory_space<semaphore_mem>>
          %dma_start3A_417 = arith.constant 0 : i32
          %dma_start3A_418 = tpu.memref_slice %arg8[%cond3A_201, %dma_start3A_417] : memref<8x128xi32, #tpu.memory_space<vmem>> -> memref<1x128xi32, #tpu.memory_space<vmem>>
          %dma_start3A_419 = tpu.memref_squeeze %dma_start3A_418 : memref<1x128xi32, #tpu.memory_space<vmem>> -> memref<128xi32, #tpu.memory_space<vmem>>
          %dma_start3A_420 = arith.constant 0 : i32
          %dma_start3A_421 = arith.constant 0 : i32
          %dma_start3A_422 = tpu.memref_slice %arg15[%dma_start3A_420, %dma_start3A_421] : memref<10112x32xbf16, #tpu.memory_space<vmem_shared>> -> memref<10112x32xbf16, #tpu.memory_space<vmem_shared>>
          tpu.enqueue_indirect_dma source(%arg13 : memref<128x32xbf16, #tpu.memory_space<vmem>>) target(%dma_start3A_422 : memref<10112x32xbf16, #tpu.memory_space<vmem_shared>>) offsets(%dma_start3A_419 : memref<128xi32, #tpu.memory_space<vmem>>) semaphore(%run_scoped3A_416 : memref<!tpu.dma_semaphore, #tpu.memory_space<semaphore_mem>>) {add = true}
          %dma_wait3A_423 = arith.constant 0 : i32
          %dma_wait3A_424 = tpu.memref_slice %arg8[%cond3A_201, %dma_wait3A_423] : memref<8x128xi32, #tpu.memory_space<vmem>> -> memref<1x128xi32, #tpu.memory_space<vmem>>
          %dma_wait3A_425 = tpu.memref_squeeze %dma_wait3A_424 : memref<1x128xi32, #tpu.memory_space<vmem>> -> memref<128xi32, #tpu.memory_space<vmem>>
          %dma_wait3A_426 = arith.constant 0 : i32
          %dma_wait3A_427 = arith.constant 0 : i32
          %dma_wait3A_428 = tpu.memref_slice %arg15[%dma_wait3A_426, %dma_wait3A_427] : memref<10112x32xbf16, #tpu.memory_space<vmem_shared>> -> memref<10112x32xbf16, #tpu.memory_space<vmem_shared>>
          tpu.wait_indirect_dma semaphore(%run_scoped3A_416 : memref<!tpu.dma_semaphore, #tpu.memory_space<semaphore_mem>>) src(%arg13 : memref<128x32xbf16, #tpu.memory_space<vmem>>) dst(%dma_wait3A_428 : memref<10112x32xbf16, #tpu.memory_space<vmem_shared>>)
          tpu.yield
        }) : () -> ()
      } else {
      }
      %dma_start3A_204 = arith.constant 7 : i32
      %dma_start3A_205 = arith.constant 0 : i32
      %dma_start3A_206 = tpu.memref_slice %arg7[%dma_start3A_204, %dma_start3A_205] : memref<8x128xi32, #tpu.memory_space<vmem>> -> memref<1x128xi32, #tpu.memory_space<vmem>>
      %dma_start3A_207 = tpu.memref_squeeze %dma_start3A_206 : memref<1x128xi32, #tpu.memory_space<vmem>> -> memref<128xi32, #tpu.memory_space<vmem>>
      %dma_start3A_208 = arith.constant 0 : i32
      %dma_start3A_209 = arith.constant 0 : i32
      %dma_start3A_210 = tpu.memref_slice %arg2[%dma_start3A_208, %dma_start3A_209] : memref<20000x128xbf16, #tpu.memory_space<hbm>> -> memref<20000x128xbf16, #tpu.memory_space<hbm>>
      tpu.enqueue_indirect_dma source(%dma_start3A_210 : memref<20000x128xbf16, #tpu.memory_space<hbm>>) target(%arg12 : memref<128x128xbf16, #tpu.memory_space<vmem>>) offsets(%dma_start3A_207 : memref<128xi32, #tpu.memory_space<vmem>>) semaphore(%arg17 : memref<!tpu.dma_semaphore, #tpu.memory_space<semaphore_mem>>)
      %dma_wait3A_211 = arith.constant 6 : i32
      %dma_wait3A_212 = arith.constant 0 : i32
      %dma_wait3A_213 = tpu.memref_slice %arg7[%dma_wait3A_211, %dma_wait3A_212] : memref<8x128xi32, #tpu.memory_space<vmem>> -> memref<1x128xi32, #tpu.memory_space<vmem>>
      %dma_wait3A_214 = tpu.memref_squeeze %dma_wait3A_213 : memref<1x128xi32, #tpu.memory_space<vmem>> -> memref<128xi32, #tpu.memory_space<vmem>>
      %dma_wait3A_215 = arith.constant 0 : i32
      %dma_wait3A_216 = arith.constant 0 : i32
      %dma_wait3A_217 = tpu.memref_slice %arg2[%dma_wait3A_215, %dma_wait3A_216] : memref<20000x128xbf16, #tpu.memory_space<hbm>> -> memref<20000x128xbf16, #tpu.memory_space<hbm>>
      tpu.wait_indirect_dma semaphore(%arg16 : memref<!tpu.dma_semaphore, #tpu.memory_space<semaphore_mem>>) src(%dma_wait3A_217 : memref<20000x128xbf16, #tpu.memory_space<hbm>>) dst(%arg11 : memref<128x128xbf16, #tpu.memory_space<vmem>>)
      %run_scoped3A_218 = arith.constant 6 : i32
      "tpu.region"() ({
        %run_scoped3A_416 = tpu.sem_alloc : memref<!tpu.dma_semaphore, #tpu.memory_space<semaphore_mem>>
        %dma_start3A_417 = arith.constant 0 : i32
        %dma_start3A_418 = tpu.memref_slice %arg8[%run_scoped3A_218, %dma_start3A_417] : memref<8x128xi32, #tpu.memory_space<vmem>> -> memref<1x128xi32, #tpu.memory_space<vmem>>
        %dma_start3A_419 = tpu.memref_squeeze %dma_start3A_418 : memref<1x128xi32, #tpu.memory_space<vmem>> -> memref<128xi32, #tpu.memory_space<vmem>>
        %dma_start3A_420 = arith.constant 0 : i32
        %dma_start3A_421 = arith.constant 0 : i32
        %dma_start3A_422 = tpu.memref_slice %arg14[%dma_start3A_420, %dma_start3A_421] : memref<10112x128xbf16, #tpu.memory_space<vmem_shared>> -> memref<10112x128xbf16, #tpu.memory_space<vmem_shared>>
        tpu.enqueue_indirect_dma source(%arg11 : memref<128x128xbf16, #tpu.memory_space<vmem>>) target(%dma_start3A_422 : memref<10112x128xbf16, #tpu.memory_space<vmem_shared>>) offsets(%dma_start3A_419 : memref<128xi32, #tpu.memory_space<vmem>>) semaphore(%run_scoped3A_416 : memref<!tpu.dma_semaphore, #tpu.memory_space<semaphore_mem>>) {add = true}
        %dma_wait3A_423 = arith.constant 0 : i32
        %dma_wait3A_424 = tpu.memref_slice %arg8[%run_scoped3A_218, %dma_wait3A_423] : memref<8x128xi32, #tpu.memory_space<vmem>> -> memref<1x128xi32, #tpu.memory_space<vmem>>
        %dma_wait3A_425 = tpu.memref_squeeze %dma_wait3A_424 : memref<1x128xi32, #tpu.memory_space<vmem>> -> memref<128xi32, #tpu.memory_space<vmem>>
        %dma_wait3A_426 = arith.constant 0 : i32
        %dma_wait3A_427 = arith.constant 0 : i32
        %dma_wait3A_428 = tpu.memref_slice %arg14[%dma_wait3A_426, %dma_wait3A_427] : memref<10112x128xbf16, #tpu.memory_space<vmem_shared>> -> memref<10112x128xbf16, #tpu.memory_space<vmem_shared>>
        tpu.wait_indirect_dma semaphore(%run_scoped3A_416 : memref<!tpu.dma_semaphore, #tpu.memory_space<semaphore_mem>>) src(%arg11 : memref<128x128xbf16, #tpu.memory_space<vmem>>) dst(%dma_wait3A_428 : memref<10112x128xbf16, #tpu.memory_space<vmem_shared>>)
        tpu.yield
      }) : () -> ()
      %eq3A_219 = arith.constant 0 : i32
      %eq3A_220 = arith.cmpi eq, %arg0, %eq3A_219 : i32
      %convert_element_type3A_221 = arith.extui %eq3A_220 : i1 to i32
      %cond3A_222 = arith.constant 6 : i32
      %cond3A_223 = arith.constant 0 : i32
      %cond3A_224 = arith.cmpi ne, %convert_element_type3A_221, %cond3A_223 : i32
      scf.if %cond3A_224 {
        "tpu.region"() ({
          %run_scoped3A_416 = tpu.sem_alloc : memref<!tpu.dma_semaphore, #tpu.memory_space<semaphore_mem>>
          %dma_start3A_417 = arith.constant 0 : i32
          %dma_start3A_418 = tpu.memref_slice %arg8[%cond3A_222, %dma_start3A_417] : memref<8x128xi32, #tpu.memory_space<vmem>> -> memref<1x128xi32, #tpu.memory_space<vmem>>
          %dma_start3A_419 = tpu.memref_squeeze %dma_start3A_418 : memref<1x128xi32, #tpu.memory_space<vmem>> -> memref<128xi32, #tpu.memory_space<vmem>>
          %dma_start3A_420 = arith.constant 0 : i32
          %dma_start3A_421 = arith.constant 0 : i32
          %dma_start3A_422 = tpu.memref_slice %arg15[%dma_start3A_420, %dma_start3A_421] : memref<10112x32xbf16, #tpu.memory_space<vmem_shared>> -> memref<10112x32xbf16, #tpu.memory_space<vmem_shared>>
          tpu.enqueue_indirect_dma source(%arg13 : memref<128x32xbf16, #tpu.memory_space<vmem>>) target(%dma_start3A_422 : memref<10112x32xbf16, #tpu.memory_space<vmem_shared>>) offsets(%dma_start3A_419 : memref<128xi32, #tpu.memory_space<vmem>>) semaphore(%run_scoped3A_416 : memref<!tpu.dma_semaphore, #tpu.memory_space<semaphore_mem>>) {add = true}
          %dma_wait3A_423 = arith.constant 0 : i32
          %dma_wait3A_424 = tpu.memref_slice %arg8[%cond3A_222, %dma_wait3A_423] : memref<8x128xi32, #tpu.memory_space<vmem>> -> memref<1x128xi32, #tpu.memory_space<vmem>>
          %dma_wait3A_425 = tpu.memref_squeeze %dma_wait3A_424 : memref<1x128xi32, #tpu.memory_space<vmem>> -> memref<128xi32, #tpu.memory_space<vmem>>
          %dma_wait3A_426 = arith.constant 0 : i32
          %dma_wait3A_427 = arith.constant 0 : i32
          %dma_wait3A_428 = tpu.memref_slice %arg15[%dma_wait3A_426, %dma_wait3A_427] : memref<10112x32xbf16, #tpu.memory_space<vmem_shared>> -> memref<10112x32xbf16, #tpu.memory_space<vmem_shared>>
          tpu.wait_indirect_dma semaphore(%run_scoped3A_416 : memref<!tpu.dma_semaphore, #tpu.memory_space<semaphore_mem>>) src(%arg13 : memref<128x32xbf16, #tpu.memory_space<vmem>>) dst(%dma_wait3A_428 : memref<10112x32xbf16, #tpu.memory_space<vmem_shared>>)
          tpu.yield
        }) : () -> ()
      } else {
      }
      %dma_start3A_225 = arith.constant 0 : i32
      %dma_start3A_226 = arith.constant 0 : i32
      %dma_start3A_227 = tpu.memref_slice %arg9[%dma_start3A_225, %dma_start3A_226] : memref<8x128xi32, #tpu.memory_space<vmem>> -> memref<1x128xi32, #tpu.memory_space<vmem>>
      %dma_start3A_228 = tpu.memref_squeeze %dma_start3A_227 : memref<1x128xi32, #tpu.memory_space<vmem>> -> memref<128xi32, #tpu.memory_space<vmem>>
      %dma_start3A_229 = arith.constant 0 : i32
      %dma_start3A_230 = arith.constant 0 : i32
      %dma_start3A_231 = tpu.memref_slice %arg2[%dma_start3A_229, %dma_start3A_230] : memref<20000x128xbf16, #tpu.memory_space<hbm>> -> memref<20000x128xbf16, #tpu.memory_space<hbm>>
      tpu.enqueue_indirect_dma source(%dma_start3A_231 : memref<20000x128xbf16, #tpu.memory_space<hbm>>) target(%arg11 : memref<128x128xbf16, #tpu.memory_space<vmem>>) offsets(%dma_start3A_228 : memref<128xi32, #tpu.memory_space<vmem>>) semaphore(%arg16 : memref<!tpu.dma_semaphore, #tpu.memory_space<semaphore_mem>>)
      %dma_wait3A_232 = arith.constant 7 : i32
      %dma_wait3A_233 = arith.constant 0 : i32
      %dma_wait3A_234 = tpu.memref_slice %arg7[%dma_wait3A_232, %dma_wait3A_233] : memref<8x128xi32, #tpu.memory_space<vmem>> -> memref<1x128xi32, #tpu.memory_space<vmem>>
      %dma_wait3A_235 = tpu.memref_squeeze %dma_wait3A_234 : memref<1x128xi32, #tpu.memory_space<vmem>> -> memref<128xi32, #tpu.memory_space<vmem>>
      %dma_wait3A_236 = arith.constant 0 : i32
      %dma_wait3A_237 = arith.constant 0 : i32
      %dma_wait3A_238 = tpu.memref_slice %arg2[%dma_wait3A_236, %dma_wait3A_237] : memref<20000x128xbf16, #tpu.memory_space<hbm>> -> memref<20000x128xbf16, #tpu.memory_space<hbm>>
      tpu.wait_indirect_dma semaphore(%arg17 : memref<!tpu.dma_semaphore, #tpu.memory_space<semaphore_mem>>) src(%dma_wait3A_238 : memref<20000x128xbf16, #tpu.memory_space<hbm>>) dst(%arg12 : memref<128x128xbf16, #tpu.memory_space<vmem>>)
      %run_scoped3A_239 = arith.constant 7 : i32
      "tpu.region"() ({
        %run_scoped3A_416 = tpu.sem_alloc : memref<!tpu.dma_semaphore, #tpu.memory_space<semaphore_mem>>
        %dma_start3A_417 = arith.constant 0 : i32
        %dma_start3A_418 = tpu.memref_slice %arg8[%run_scoped3A_239, %dma_start3A_417] : memref<8x128xi32, #tpu.memory_space<vmem>> -> memref<1x128xi32, #tpu.memory_space<vmem>>
        %dma_start3A_419 = tpu.memref_squeeze %dma_start3A_418 : memref<1x128xi32, #tpu.memory_space<vmem>> -> memref<128xi32, #tpu.memory_space<vmem>>
        %dma_start3A_420 = arith.constant 0 : i32
        %dma_start3A_421 = arith.constant 0 : i32
        %dma_start3A_422 = tpu.memref_slice %arg14[%dma_start3A_420, %dma_start3A_421] : memref<10112x128xbf16, #tpu.memory_space<vmem_shared>> -> memref<10112x128xbf16, #tpu.memory_space<vmem_shared>>
        tpu.enqueue_indirect_dma source(%arg12 : memref<128x128xbf16, #tpu.memory_space<vmem>>) target(%dma_start3A_422 : memref<10112x128xbf16, #tpu.memory_space<vmem_shared>>) offsets(%dma_start3A_419 : memref<128xi32, #tpu.memory_space<vmem>>) semaphore(%run_scoped3A_416 : memref<!tpu.dma_semaphore, #tpu.memory_space<semaphore_mem>>) {add = true}
        %dma_wait3A_423 = arith.constant 0 : i32
        %dma_wait3A_424 = tpu.memref_slice %arg8[%run_scoped3A_239, %dma_wait3A_423] : memref<8x128xi32, #tpu.memory_space<vmem>> -> memref<1x128xi32, #tpu.memory_space<vmem>>
        %dma_wait3A_425 = tpu.memref_squeeze %dma_wait3A_424 : memref<1x128xi32, #tpu.memory_space<vmem>> -> memref<128xi32, #tpu.memory_space<vmem>>
        %dma_wait3A_426 = arith.constant 0 : i32
        %dma_wait3A_427 = arith.constant 0 : i32
        %dma_wait3A_428 = tpu.memref_slice %arg14[%dma_wait3A_426, %dma_wait3A_427] : memref<10112x128xbf16, #tpu.memory_space<vmem_shared>> -> memref<10112x128xbf16, #tpu.memory_space<vmem_shared>>
        tpu.wait_indirect_dma semaphore(%run_scoped3A_416 : memref<!tpu.dma_semaphore, #tpu.memory_space<semaphore_mem>>) src(%arg12 : memref<128x128xbf16, #tpu.memory_space<vmem>>) dst(%dma_wait3A_428 : memref<10112x128xbf16, #tpu.memory_space<vmem_shared>>)
        tpu.yield
      }) : () -> ()
      %eq3A_240 = arith.constant 1 : i32
      %eq3A_241 = arith.cmpi eq, %arg0, %eq3A_240 : i32
      %convert_element_type3A_242 = arith.extui %eq3A_241 : i1 to i32
      %cond3A_243 = arith.constant 7 : i32
      %cond3A_244 = arith.constant 0 : i32
      %cond3A_245 = arith.cmpi ne, %convert_element_type3A_242, %cond3A_244 : i32
      scf.if %cond3A_245 {
        "tpu.region"() ({
          %run_scoped3A_416 = tpu.sem_alloc : memref<!tpu.dma_semaphore, #tpu.memory_space<semaphore_mem>>
          %dma_start3A_417 = arith.constant 0 : i32
          %dma_start3A_418 = tpu.memref_slice %arg8[%cond3A_243, %dma_start3A_417] : memref<8x128xi32, #tpu.memory_space<vmem>> -> memref<1x128xi32, #tpu.memory_space<vmem>>
          %dma_start3A_419 = tpu.memref_squeeze %dma_start3A_418 : memref<1x128xi32, #tpu.memory_space<vmem>> -> memref<128xi32, #tpu.memory_space<vmem>>
          %dma_start3A_420 = arith.constant 0 : i32
          %dma_start3A_421 = arith.constant 0 : i32
          %dma_start3A_422 = tpu.memref_slice %arg15[%dma_start3A_420, %dma_start3A_421] : memref<10112x32xbf16, #tpu.memory_space<vmem_shared>> -> memref<10112x32xbf16, #tpu.memory_space<vmem_shared>>
          tpu.enqueue_indirect_dma source(%arg13 : memref<128x32xbf16, #tpu.memory_space<vmem>>) target(%dma_start3A_422 : memref<10112x32xbf16, #tpu.memory_space<vmem_shared>>) offsets(%dma_start3A_419 : memref<128xi32, #tpu.memory_space<vmem>>) semaphore(%run_scoped3A_416 : memref<!tpu.dma_semaphore, #tpu.memory_space<semaphore_mem>>) {add = true}
          %dma_wait3A_423 = arith.constant 0 : i32
          %dma_wait3A_424 = tpu.memref_slice %arg8[%cond3A_243, %dma_wait3A_423] : memref<8x128xi32, #tpu.memory_space<vmem>> -> memref<1x128xi32, #tpu.memory_space<vmem>>
          %dma_wait3A_425 = tpu.memref_squeeze %dma_wait3A_424 : memref<1x128xi32, #tpu.memory_space<vmem>> -> memref<128xi32, #tpu.memory_space<vmem>>
          %dma_wait3A_426 = arith.constant 0 : i32
          %dma_wait3A_427 = arith.constant 0 : i32
          %dma_wait3A_428 = tpu.memref_slice %arg15[%dma_wait3A_426, %dma_wait3A_427] : memref<10112x32xbf16, #tpu.memory_space<vmem_shared>> -> memref<10112x32xbf16, #tpu.memory_space<vmem_shared>>
          tpu.wait_indirect_dma semaphore(%run_scoped3A_416 : memref<!tpu.dma_semaphore, #tpu.memory_space<semaphore_mem>>) src(%arg13 : memref<128x32xbf16, #tpu.memory_space<vmem>>) dst(%dma_wait3A_428 : memref<10112x32xbf16, #tpu.memory_space<vmem_shared>>)
          tpu.yield
        }) : () -> ()
      } else {
      }
      %ne3A = arith.constant 4 : i32
      %ne3A_246 = arith.cmpi ne, %scan3A_63, %ne3A : i32
      %convert_element_type3A_247 = arith.extui %ne3A_246 : i1 to i32
      %cond3A_248 = arith.constant 0 : i32
      %cond3A_249 = arith.cmpi ne, %convert_element_type3A_247, %cond3A_248 : i32
      scf.if %cond3A_249 {
        %mul3A_416 = arith.constant 2 : i32
        %mul3A_417 = arith.muli %mul3A_416, %scan3A_63 : i32
        %add3A_418 = arith.constant 2 : i32
        %add3A_419 = arith.addi %mul3A_417, %add3A_418 : i32
        %mul3A_420 = arith.constant 8 : i32
        %mul3A_421 = arith.muli %add3A_419, %mul3A_420 : i32
        %add3A_422 = arith.addi %mul3A_29, %mul3A_421 : i32
        "tpu.region"() ({
          %run_scoped3A_432 = tpu.sem_alloc : memref<!tpu.dma_semaphore, #tpu.memory_space<semaphore_mem>>
          %dma_start3A_433 = arith.constant 0 : i32
          %dma_start3A_434 = tpu.memref_slice %arg3[%add3A_422, %dma_start3A_433] : memref<1280x128xi32, #tpu.memory_space<hbm>> -> memref<8x128xi32, #tpu.memory_space<hbm>>
          %dma_start3A_435 = arith.constant 0 : i32
          %dma_start3A_436 = tpu.memref_slice %arg3[%add3A_422, %dma_start3A_435] : memref<1280x128xi32, #tpu.memory_space<hbm>> -> memref<8x128xi32, #tpu.memory_space<hbm>>
          tpu.enqueue_dma source(%dma_start3A_436 : memref<8x128xi32, #tpu.memory_space<hbm>>) target(%arg7 : memref<8x128xi32, #tpu.memory_space<vmem>>) target_semaphore(%run_scoped3A_432 : memref<!tpu.dma_semaphore, #tpu.memory_space<semaphore_mem>>)
          %dma_wait3A_437 = arith.constant 0 : i32
          %dma_wait3A_438 = tpu.memref_slice %arg3[%add3A_422, %dma_wait3A_437] : memref<1280x128xi32, #tpu.memory_space<hbm>> -> memref<8x128xi32, #tpu.memory_space<hbm>>
          %dma_wait3A_439 = arith.constant 0 : i32
          %dma_wait3A_440 = tpu.memref_slice %arg3[%add3A_422, %dma_wait3A_439] : memref<1280x128xi32, #tpu.memory_space<hbm>> -> memref<8x128xi32, #tpu.memory_space<hbm>>
          tpu.wait_dma2 semaphore(%run_scoped3A_432 : memref<!tpu.dma_semaphore, #tpu.memory_space<semaphore_mem>>) src(%dma_wait3A_440 : memref<8x128xi32, #tpu.memory_space<hbm>>) dst(%arg7 : memref<8x128xi32, #tpu.memory_space<vmem>>)
          tpu.yield
        }) : () -> ()
        %mul3A_423 = arith.constant 8 : i32
        %mul3A_424 = arith.muli %add3A_419, %mul3A_423 : i32
        %add3A_425 = arith.addi %mul3A_29, %mul3A_424 : i32
        "tpu.region"() ({
          %run_scoped3A_432 = tpu.sem_alloc : memref<!tpu.dma_semaphore, #tpu.memory_space<semaphore_mem>>
          %dma_start3A_433 = arith.constant 0 : i32
          %dma_start3A_434 = tpu.memref_slice %arg4[%add3A_425, %dma_start3A_433] : memref<1280x128xi32, #tpu.memory_space<hbm>> -> memref<8x128xi32, #tpu.memory_space<hbm>>
          %dma_start3A_435 = arith.constant 0 : i32
          %dma_start3A_436 = tpu.memref_slice %arg4[%add3A_425, %dma_start3A_435] : memref<1280x128xi32, #tpu.memory_space<hbm>> -> memref<8x128xi32, #tpu.memory_space<hbm>>
          tpu.enqueue_dma source(%dma_start3A_436 : memref<8x128xi32, #tpu.memory_space<hbm>>) target(%arg8 : memref<8x128xi32, #tpu.memory_space<vmem>>) target_semaphore(%run_scoped3A_432 : memref<!tpu.dma_semaphore, #tpu.memory_space<semaphore_mem>>)
          %dma_wait3A_437 = arith.constant 0 : i32
          %dma_wait3A_438 = tpu.memref_slice %arg4[%add3A_425, %dma_wait3A_437] : memref<1280x128xi32, #tpu.memory_space<hbm>> -> memref<8x128xi32, #tpu.memory_space<hbm>>
          %dma_wait3A_439 = arith.constant 0 : i32
          %dma_wait3A_440 = tpu.memref_slice %arg4[%add3A_425, %dma_wait3A_439] : memref<1280x128xi32, #tpu.memory_space<hbm>> -> memref<8x128xi32, #tpu.memory_space<hbm>>
          tpu.wait_dma2 semaphore(%run_scoped3A_432 : memref<!tpu.dma_semaphore, #tpu.memory_space<semaphore_mem>>) src(%dma_wait3A_440 : memref<8x128xi32, #tpu.memory_space<hbm>>) dst(%arg8 : memref<8x128xi32, #tpu.memory_space<vmem>>)
          tpu.yield
        }) : () -> ()
        %scan3A_426 = arith.constant 0 : i32
        %scan3A_427 = arith.constant 0 : i32
        %scan3A_428 = arith.constant 8 : i32
        %scan3A_429 = arith.addi %scan3A_427, %scan3A_428 : i32
        %scan3A_430 = arith.constant 1 : i32
        scf.for %scan3A_432 = %scan3A_427 to %scan3A_429 step %scan3A_430  : i32 {
          %get3A = arith.index_cast %scan3A_432 : i32 to index
          %get3A_433 = arith.constant 0 : index
          %get3A_434 = tpu.vector_load %arg7[%get3A, %get3A_433] {strides = array<i32>} : memref<8x128xi32, #tpu.memory_space<vmem>>, vector<16xi32>,
          %add3A_435 = arith.addi %get3A_434, %get3A_434 : vector<16xi32>
          %add3A_436 = arith.addi %add3A_435, %add3A_33 : vector<16xi32>
          %swap3A = arith.index_cast %scan3A_432 : i32 to index
          %swap3A_437 = arith.constant 0 : index
          %swap3A_438 = tpu.vector_load %arg7[%swap3A, %swap3A_437] {strides = array<i32>} : memref<8x128xi32, #tpu.memory_space<vmem>>, vector<16xi32>,
          tpu.vector_store %arg7[%swap3A, %swap3A_437], %add3A_436 {strides = array<i32>} : memref<8x128xi32, #tpu.memory_space<vmem>>, vector<16xi32>,
          %get3A_439 = arith.index_cast %scan3A_432 : i32 to index
          %get3A_440 = arith.constant 16 : index
          %get3A_441 = tpu.vector_load %arg7[%get3A_439, %get3A_440] {strides = array<i32>} : memref<8x128xi32, #tpu.memory_space<vmem>>, vector<16xi32>,
          %add3A_442 = arith.addi %get3A_441, %get3A_441 : vector<16xi32>
          %add3A_443 = arith.addi %add3A_442, %add3A_33 : vector<16xi32>
          %swap3A_444 = arith.index_cast %scan3A_432 : i32 to index
          %swap3A_445 = arith.constant 16 : index
          %swap3A_446 = tpu.vector_load %arg7[%swap3A_444, %swap3A_445] {strides = array<i32>} : memref<8x128xi32, #tpu.memory_space<vmem>>, vector<16xi32>,
          tpu.vector_store %arg7[%swap3A_444, %swap3A_445], %add3A_443 {strides = array<i32>} : memref<8x128xi32, #tpu.memory_space<vmem>>, vector<16xi32>,
          %get3A_447 = arith.index_cast %scan3A_432 : i32 to index
          %get3A_448 = arith.constant 32 : index
          %get3A_449 = tpu.vector_load %arg7[%get3A_447, %get3A_448] {strides = array<i32>} : memref<8x128xi32, #tpu.memory_space<vmem>>, vector<16xi32>,
          %add3A_450 = arith.addi %get3A_449, %get3A_449 : vector<16xi32>
          %add3A_451 = arith.addi %add3A_450, %add3A_33 : vector<16xi32>
          %swap3A_452 = arith.index_cast %scan3A_432 : i32 to index
          %swap3A_453 = arith.constant 32 : index
          %swap3A_454 = tpu.vector_load %arg7[%swap3A_452, %swap3A_453] {strides = array<i32>} : memref<8x128xi32, #tpu.memory_space<vmem>>, vector<16xi32>,
          tpu.vector_store %arg7[%swap3A_452, %swap3A_453], %add3A_451 {strides = array<i32>} : memref<8x128xi32, #tpu.memory_space<vmem>>, vector<16xi32>,
          %get3A_455 = arith.index_cast %scan3A_432 : i32 to index
          %get3A_456 = arith.constant 48 : index
          %get3A_457 = tpu.vector_load %arg7[%get3A_455, %get3A_456] {strides = array<i32>} : memref<8x128xi32, #tpu.memory_space<vmem>>, vector<16xi32>,
          %add3A_458 = arith.addi %get3A_457, %get3A_457 : vector<16xi32>
          %add3A_459 = arith.addi %add3A_458, %add3A_33 : vector<16xi32>
          %swap3A_460 = arith.index_cast %scan3A_432 : i32 to index
          %swap3A_461 = arith.constant 48 : index
          %swap3A_462 = tpu.vector_load %arg7[%swap3A_460, %swap3A_461] {strides = array<i32>} : memref<8x128xi32, #tpu.memory_space<vmem>>, vector<16xi32>,
          tpu.vector_store %arg7[%swap3A_460, %swap3A_461], %add3A_459 {strides = array<i32>} : memref<8x128xi32, #tpu.memory_space<vmem>>, vector<16xi32>,
          %get3A_463 = arith.index_cast %scan3A_432 : i32 to index
          %get3A_464 = arith.constant 64 : index
          %get3A_465 = tpu.vector_load %arg7[%get3A_463, %get3A_464] {strides = array<i32>} : memref<8x128xi32, #tpu.memory_space<vmem>>, vector<16xi32>,
          %add3A_466 = arith.addi %get3A_465, %get3A_465 : vector<16xi32>
          %add3A_467 = arith.addi %add3A_466, %add3A_33 : vector<16xi32>
          %swap3A_468 = arith.index_cast %scan3A_432 : i32 to index
          %swap3A_469 = arith.constant 64 : index
          %swap3A_470 = tpu.vector_load %arg7[%swap3A_468, %swap3A_469] {strides = array<i32>} : memref<8x128xi32, #tpu.memory_space<vmem>>, vector<16xi32>,
          tpu.vector_store %arg7[%swap3A_468, %swap3A_469], %add3A_467 {strides = array<i32>} : memref<8x128xi32, #tpu.memory_space<vmem>>, vector<16xi32>,
          %get3A_471 = arith.index_cast %scan3A_432 : i32 to index
          %get3A_472 = arith.constant 80 : index
          %get3A_473 = tpu.vector_load %arg7[%get3A_471, %get3A_472] {strides = array<i32>} : memref<8x128xi32, #tpu.memory_space<vmem>>, vector<16xi32>,
          %add3A_474 = arith.addi %get3A_473, %get3A_473 : vector<16xi32>
          %add3A_475 = arith.addi %add3A_474, %add3A_33 : vector<16xi32>
          %swap3A_476 = arith.index_cast %scan3A_432 : i32 to index
          %swap3A_477 = arith.constant 80 : index
          %swap3A_478 = tpu.vector_load %arg7[%swap3A_476, %swap3A_477] {strides = array<i32>} : memref<8x128xi32, #tpu.memory_space<vmem>>, vector<16xi32>,
          tpu.vector_store %arg7[%swap3A_476, %swap3A_477], %add3A_475 {strides = array<i32>} : memref<8x128xi32, #tpu.memory_space<vmem>>, vector<16xi32>,
          %get3A_479 = arith.index_cast %scan3A_432 : i32 to index
          %get3A_480 = arith.constant 96 : index
          %get3A_481 = tpu.vector_load %arg7[%get3A_479, %get3A_480] {strides = array<i32>} : memref<8x128xi32, #tpu.memory_space<vmem>>, vector<16xi32>,
          %add3A_482 = arith.addi %get3A_481, %get3A_481 : vector<16xi32>
          %add3A_483 = arith.addi %add3A_482, %add3A_33 : vector<16xi32>
          %swap3A_484 = arith.index_cast %scan3A_432 : i32 to index
          %swap3A_485 = arith.constant 96 : index
          %swap3A_486 = tpu.vector_load %arg7[%swap3A_484, %swap3A_485] {strides = array<i32>} : memref<8x128xi32, #tpu.memory_space<vmem>>, vector<16xi32>,
          tpu.vector_store %arg7[%swap3A_484, %swap3A_485], %add3A_483 {strides = array<i32>} : memref<8x128xi32, #tpu.memory_space<vmem>>, vector<16xi32>,
          %get3A_487 = arith.index_cast %scan3A_432 : i32 to index
          %get3A_488 = arith.constant 112 : index
          %get3A_489 = tpu.vector_load %arg7[%get3A_487, %get3A_488] {strides = array<i32>} : memref<8x128xi32, #tpu.memory_space<vmem>>, vector<16xi32>,
          %add3A_490 = arith.addi %get3A_489, %get3A_489 : vector<16xi32>
          %add3A_491 = arith.addi %add3A_490, %add3A_33 : vector<16xi32>
          %swap3A_492 = arith.index_cast %scan3A_432 : i32 to index
          %swap3A_493 = arith.constant 112 : index
          %swap3A_494 = tpu.vector_load %arg7[%swap3A_492, %swap3A_493] {strides = array<i32>} : memref<8x128xi32, #tpu.memory_space<vmem>>, vector<16xi32>,
          tpu.vector_store %arg7[%swap3A_492, %swap3A_493], %add3A_491 {strides = array<i32>} : memref<8x128xi32, #tpu.memory_space<vmem>>, vector<16xi32>,
        }
        %scan3A_431 = arith.constant 8 : i32
      } else {
      }
      %dma_start3A_250 = arith.constant 1 : i32
      %dma_start3A_251 = arith.constant 0 : i32
      %dma_start3A_252 = tpu.memref_slice %arg9[%dma_start3A_250, %dma_start3A_251] : memref<8x128xi32, #tpu.memory_space<vmem>> -> memref<1x128xi32, #tpu.memory_space<vmem>>
      %dma_start3A_253 = tpu.memref_squeeze %dma_start3A_252 : memref<1x128xi32, #tpu.memory_space<vmem>> -> memref<128xi32, #tpu.memory_space<vmem>>
      %dma_start3A_254 = arith.constant 0 : i32
      %dma_start3A_255 = arith.constant 0 : i32
      %dma_start3A_256 = tpu.memref_slice %arg2[%dma_start3A_254, %dma_start3A_255] : memref<20000x128xbf16, #tpu.memory_space<hbm>> -> memref<20000x128xbf16, #tpu.memory_space<hbm>>
      tpu.enqueue_indirect_dma source(%dma_start3A_256 : memref<20000x128xbf16, #tpu.memory_space<hbm>>) target(%arg12 : memref<128x128xbf16, #tpu.memory_space<vmem>>) offsets(%dma_start3A_253 : memref<128xi32, #tpu.memory_space<vmem>>) semaphore(%arg17 : memref<!tpu.dma_semaphore, #tpu.memory_space<semaphore_mem>>)
      %dma_wait3A_257 = arith.constant 0 : i32
      %dma_wait3A_258 = arith.constant 0 : i32
      %dma_wait3A_259 = tpu.memref_slice %arg9[%dma_wait3A_257, %dma_wait3A_258] : memref<8x128xi32, #tpu.memory_space<vmem>> -> memref<1x128xi32, #tpu.memory_space<vmem>>
      %dma_wait3A_260 = tpu.memref_squeeze %dma_wait3A_259 : memref<1x128xi32, #tpu.memory_space<vmem>> -> memref<128xi32, #tpu.memory_space<vmem>>
      %dma_wait3A_261 = arith.constant 0 : i32
      %dma_wait3A_262 = arith.constant 0 : i32
      %dma_wait3A_263 = tpu.memref_slice %arg2[%dma_wait3A_261, %dma_wait3A_262] : memref<20000x128xbf16, #tpu.memory_space<hbm>> -> memref<20000x128xbf16, #tpu.memory_space<hbm>>
      tpu.wait_indirect_dma semaphore(%arg16 : memref<!tpu.dma_semaphore, #tpu.memory_space<semaphore_mem>>) src(%dma_wait3A_263 : memref<20000x128xbf16, #tpu.memory_space<hbm>>) dst(%arg11 : memref<128x128xbf16, #tpu.memory_space<vmem>>)
      %run_scoped3A_264 = arith.constant 0 : i32
      "tpu.region"() ({
        %run_scoped3A_416 = tpu.sem_alloc : memref<!tpu.dma_semaphore, #tpu.memory_space<semaphore_mem>>
        %dma_start3A_417 = arith.constant 0 : i32
        %dma_start3A_418 = tpu.memref_slice %arg10[%run_scoped3A_264, %dma_start3A_417] : memref<8x128xi32, #tpu.memory_space<vmem>> -> memref<1x128xi32, #tpu.memory_space<vmem>>
        %dma_start3A_419 = tpu.memref_squeeze %dma_start3A_418 : memref<1x128xi32, #tpu.memory_space<vmem>> -> memref<128xi32, #tpu.memory_space<vmem>>
        %dma_start3A_420 = arith.constant 0 : i32
        %dma_start3A_421 = arith.constant 0 : i32
        %dma_start3A_422 = tpu.memref_slice %arg14[%dma_start3A_420, %dma_start3A_421] : memref<10112x128xbf16, #tpu.memory_space<vmem_shared>> -> memref<10112x128xbf16, #tpu.memory_space<vmem_shared>>
        tpu.enqueue_indirect_dma source(%arg11 : memref<128x128xbf16, #tpu.memory_space<vmem>>) target(%dma_start3A_422 : memref<10112x128xbf16, #tpu.memory_space<vmem_shared>>) offsets(%dma_start3A_419 : memref<128xi32, #tpu.memory_space<vmem>>) semaphore(%run_scoped3A_416 : memref<!tpu.dma_semaphore, #tpu.memory_space<semaphore_mem>>) {add = true}
        %dma_wait3A_423 = arith.constant 0 : i32
        %dma_wait3A_424 = tpu.memref_slice %arg10[%run_scoped3A_264, %dma_wait3A_423] : memref<8x128xi32, #tpu.memory_space<vmem>> -> memref<1x128xi32, #tpu.memory_space<vmem>>
        %dma_wait3A_425 = tpu.memref_squeeze %dma_wait3A_424 : memref<1x128xi32, #tpu.memory_space<vmem>> -> memref<128xi32, #tpu.memory_space<vmem>>
        %dma_wait3A_426 = arith.constant 0 : i32
        %dma_wait3A_427 = arith.constant 0 : i32
        %dma_wait3A_428 = tpu.memref_slice %arg14[%dma_wait3A_426, %dma_wait3A_427] : memref<10112x128xbf16, #tpu.memory_space<vmem_shared>> -> memref<10112x128xbf16, #tpu.memory_space<vmem_shared>>
        tpu.wait_indirect_dma semaphore(%run_scoped3A_416 : memref<!tpu.dma_semaphore, #tpu.memory_space<semaphore_mem>>) src(%arg11 : memref<128x128xbf16, #tpu.memory_space<vmem>>) dst(%dma_wait3A_428 : memref<10112x128xbf16, #tpu.memory_space<vmem_shared>>)
        tpu.yield
      }) : () -> ()
      %eq3A_265 = arith.constant 0 : i32
      %eq3A_266 = arith.cmpi eq, %arg0, %eq3A_265 : i32
      %convert_element_type3A_267 = arith.extui %eq3A_266 : i1 to i32
      %cond3A_268 = arith.constant 0 : i32
      %cond3A_269 = arith.constant 0 : i32
      %cond3A_270 = arith.cmpi ne, %convert_element_type3A_267, %cond3A_269 : i32
      scf.if %cond3A_270 {
        "tpu.region"() ({
          %run_scoped3A_416 = tpu.sem_alloc : memref<!tpu.dma_semaphore, #tpu.memory_space<semaphore_mem>>
          %dma_start3A_417 = arith.constant 0 : i32
          %dma_start3A_418 = tpu.memref_slice %arg10[%cond3A_268, %dma_start3A_417] : memref<8x128xi32, #tpu.memory_space<vmem>> -> memref<1x128xi32, #tpu.memory_space<vmem>>
          %dma_start3A_419 = tpu.memref_squeeze %dma_start3A_418 : memref<1x128xi32, #tpu.memory_space<vmem>> -> memref<128xi32, #tpu.memory_space<vmem>>
          %dma_start3A_420 = arith.constant 0 : i32
          %dma_start3A_421 = arith.constant 0 : i32
          %dma_start3A_422 = tpu.memref_slice %arg15[%dma_start3A_420, %dma_start3A_421] : memref<10112x32xbf16, #tpu.memory_space<vmem_shared>> -> memref<10112x32xbf16, #tpu.memory_space<vmem_shared>>
          tpu.enqueue_indirect_dma source(%arg13 : memref<128x32xbf16, #tpu.memory_space<vmem>>) target(%dma_start3A_422 : memref<10112x32xbf16, #tpu.memory_space<vmem_shared>>) offsets(%dma_start3A_419 : memref<128xi32, #tpu.memory_space<vmem>>) semaphore(%run_scoped3A_416 : memref<!tpu.dma_semaphore, #tpu.memory_space<semaphore_mem>>) {add = true}
          %dma_wait3A_423 = arith.constant 0 : i32
          %dma_wait3A_424 = tpu.memref_slice %arg10[%cond3A_268, %dma_wait3A_423] : memref<8x128xi32, #tpu.memory_space<vmem>> -> memref<1x128xi32, #tpu.memory_space<vmem>>
          %dma_wait3A_425 = tpu.memref_squeeze %dma_wait3A_424 : memref<1x128xi32, #tpu.memory_space<vmem>> -> memref<128xi32, #tpu.memory_space<vmem>>
          %dma_wait3A_426 = arith.constant 0 : i32
          %dma_wait3A_427 = arith.constant 0 : i32
          %dma_wait3A_428 = tpu.memref_slice %arg15[%dma_wait3A_426, %dma_wait3A_427] : memref<10112x32xbf16, #tpu.memory_space<vmem_shared>> -> memref<10112x32xbf16, #tpu.memory_space<vmem_shared>>
          tpu.wait_indirect_dma semaphore(%run_scoped3A_416 : memref<!tpu.dma_semaphore, #tpu.memory_space<semaphore_mem>>) src(%arg13 : memref<128x32xbf16, #tpu.memory_space<vmem>>) dst(%dma_wait3A_428 : memref<10112x32xbf16, #tpu.memory_space<vmem_shared>>)
          tpu.yield
        }) : () -> ()
      } else {
      }
      %dma_start3A_271 = arith.constant 2 : i32
      %dma_start3A_272 = arith.constant 0 : i32
      %dma_start3A_273 = tpu.memref_slice %arg9[%dma_start3A_271, %dma_start3A_272] : memref<8x128xi32, #tpu.memory_space<vmem>> -> memref<1x128xi32, #tpu.memory_space<vmem>>
      %dma_start3A_274 = tpu.memref_squeeze %dma_start3A_273 : memref<1x128xi32, #tpu.memory_space<vmem>> -> memref<128xi32, #tpu.memory_space<vmem>>
      %dma_start3A_275 = arith.constant 0 : i32
      %dma_start3A_276 = arith.constant 0 : i32
      %dma_start3A_277 = tpu.memref_slice %arg2[%dma_start3A_275, %dma_start3A_276] : memref<20000x128xbf16, #tpu.memory_space<hbm>> -> memref<20000x128xbf16, #tpu.memory_space<hbm>>
      tpu.enqueue_indirect_dma source(%dma_start3A_277 : memref<20000x128xbf16, #tpu.memory_space<hbm>>) target(%arg11 : memref<128x128xbf16, #tpu.memory_space<vmem>>) offsets(%dma_start3A_274 : memref<128xi32, #tpu.memory_space<vmem>>) semaphore(%arg16 : memref<!tpu.dma_semaphore, #tpu.memory_space<semaphore_mem>>)
      %dma_wait3A_278 = arith.constant 1 : i32
      %dma_wait3A_279 = arith.constant 0 : i32
      %dma_wait3A_280 = tpu.memref_slice %arg9[%dma_wait3A_278, %dma_wait3A_279] : memref<8x128xi32, #tpu.memory_space<vmem>> -> memref<1x128xi32, #tpu.memory_space<vmem>>
      %dma_wait3A_281 = tpu.memref_squeeze %dma_wait3A_280 : memref<1x128xi32, #tpu.memory_space<vmem>> -> memref<128xi32, #tpu.memory_space<vmem>>
      %dma_wait3A_282 = arith.constant 0 : i32
      %dma_wait3A_283 = arith.constant 0 : i32
      %dma_wait3A_284 = tpu.memref_slice %arg2[%dma_wait3A_282, %dma_wait3A_283] : memref<20000x128xbf16, #tpu.memory_space<hbm>> -> memref<20000x128xbf16, #tpu.memory_space<hbm>>
      tpu.wait_indirect_dma semaphore(%arg17 : memref<!tpu.dma_semaphore, #tpu.memory_space<semaphore_mem>>) src(%dma_wait3A_284 : memref<20000x128xbf16, #tpu.memory_space<hbm>>) dst(%arg12 : memref<128x128xbf16, #tpu.memory_space<vmem>>)
      %run_scoped3A_285 = arith.constant 1 : i32
      "tpu.region"() ({
        %run_scoped3A_416 = tpu.sem_alloc : memref<!tpu.dma_semaphore, #tpu.memory_space<semaphore_mem>>
        %dma_start3A_417 = arith.constant 0 : i32
        %dma_start3A_418 = tpu.memref_slice %arg10[%run_scoped3A_285, %dma_start3A_417] : memref<8x128xi32, #tpu.memory_space<vmem>> -> memref<1x128xi32, #tpu.memory_space<vmem>>
        %dma_start3A_419 = tpu.memref_squeeze %dma_start3A_418 : memref<1x128xi32, #tpu.memory_space<vmem>> -> memref<128xi32, #tpu.memory_space<vmem>>
        %dma_start3A_420 = arith.constant 0 : i32
        %dma_start3A_421 = arith.constant 0 : i32
        %dma_start3A_422 = tpu.memref_slice %arg14[%dma_start3A_420, %dma_start3A_421] : memref<10112x128xbf16, #tpu.memory_space<vmem_shared>> -> memref<10112x128xbf16, #tpu.memory_space<vmem_shared>>
        tpu.enqueue_indirect_dma source(%arg12 : memref<128x128xbf16, #tpu.memory_space<vmem>>) target(%dma_start3A_422 : memref<10112x128xbf16, #tpu.memory_space<vmem_shared>>) offsets(%dma_start3A_419 : memref<128xi32, #tpu.memory_space<vmem>>) semaphore(%run_scoped3A_416 : memref<!tpu.dma_semaphore, #tpu.memory_space<semaphore_mem>>) {add = true}
        %dma_wait3A_423 = arith.constant 0 : i32
        %dma_wait3A_424 = tpu.memref_slice %arg10[%run_scoped3A_285, %dma_wait3A_423] : memref<8x128xi32, #tpu.memory_space<vmem>> -> memref<1x128xi32, #tpu.memory_space<vmem>>
        %dma_wait3A_425 = tpu.memref_squeeze %dma_wait3A_424 : memref<1x128xi32, #tpu.memory_space<vmem>> -> memref<128xi32, #tpu.memory_space<vmem>>
        %dma_wait3A_426 = arith.constant 0 : i32
        %dma_wait3A_427 = arith.constant 0 : i32
        %dma_wait3A_428 = tpu.memref_slice %arg14[%dma_wait3A_426, %dma_wait3A_427] : memref<10112x128xbf16, #tpu.memory_space<vmem_shared>> -> memref<10112x128xbf16, #tpu.memory_space<vmem_shared>>
        tpu.wait_indirect_dma semaphore(%run_scoped3A_416 : memref<!tpu.dma_semaphore, #tpu.memory_space<semaphore_mem>>) src(%arg12 : memref<128x128xbf16, #tpu.memory_space<vmem>>) dst(%dma_wait3A_428 : memref<10112x128xbf16, #tpu.memory_space<vmem_shared>>)
        tpu.yield
      }) : () -> ()
      %eq3A_286 = arith.constant 1 : i32
      %eq3A_287 = arith.cmpi eq, %arg0, %eq3A_286 : i32
      %convert_element_type3A_288 = arith.extui %eq3A_287 : i1 to i32
      %cond3A_289 = arith.constant 1 : i32
      %cond3A_290 = arith.constant 0 : i32
      %cond3A_291 = arith.cmpi ne, %convert_element_type3A_288, %cond3A_290 : i32
      scf.if %cond3A_291 {
        "tpu.region"() ({
          %run_scoped3A_416 = tpu.sem_alloc : memref<!tpu.dma_semaphore, #tpu.memory_space<semaphore_mem>>
          %dma_start3A_417 = arith.constant 0 : i32
          %dma_start3A_418 = tpu.memref_slice %arg10[%cond3A_289, %dma_start3A_417] : memref<8x128xi32, #tpu.memory_space<vmem>> -> memref<1x128xi32, #tpu.memory_space<vmem>>
          %dma_start3A_419 = tpu.memref_squeeze %dma_start3A_418 : memref<1x128xi32, #tpu.memory_space<vmem>> -> memref<128xi32, #tpu.memory_space<vmem>>
          %dma_start3A_420 = arith.constant 0 : i32
          %dma_start3A_421 = arith.constant 0 : i32
          %dma_start3A_422 = tpu.memref_slice %arg15[%dma_start3A_420, %dma_start3A_421] : memref<10112x32xbf16, #tpu.memory_space<vmem_shared>> -> memref<10112x32xbf16, #tpu.memory_space<vmem_shared>>
          tpu.enqueue_indirect_dma source(%arg13 : memref<128x32xbf16, #tpu.memory_space<vmem>>) target(%dma_start3A_422 : memref<10112x32xbf16, #tpu.memory_space<vmem_shared>>) offsets(%dma_start3A_419 : memref<128xi32, #tpu.memory_space<vmem>>) semaphore(%run_scoped3A_416 : memref<!tpu.dma_semaphore, #tpu.memory_space<semaphore_mem>>) {add = true}
          %dma_wait3A_423 = arith.constant 0 : i32
          %dma_wait3A_424 = tpu.memref_slice %arg10[%cond3A_289, %dma_wait3A_423] : memref<8x128xi32, #tpu.memory_space<vmem>> -> memref<1x128xi32, #tpu.memory_space<vmem>>
          %dma_wait3A_425 = tpu.memref_squeeze %dma_wait3A_424 : memref<1x128xi32, #tpu.memory_space<vmem>> -> memref<128xi32, #tpu.memory_space<vmem>>
          %dma_wait3A_426 = arith.constant 0 : i32
          %dma_wait3A_427 = arith.constant 0 : i32
          %dma_wait3A_428 = tpu.memref_slice %arg15[%dma_wait3A_426, %dma_wait3A_427] : memref<10112x32xbf16, #tpu.memory_space<vmem_shared>> -> memref<10112x32xbf16, #tpu.memory_space<vmem_shared>>
          tpu.wait_indirect_dma semaphore(%run_scoped3A_416 : memref<!tpu.dma_semaphore, #tpu.memory_space<semaphore_mem>>) src(%arg13 : memref<128x32xbf16, #tpu.memory_space<vmem>>) dst(%dma_wait3A_428 : memref<10112x32xbf16, #tpu.memory_space<vmem_shared>>)
          tpu.yield
        }) : () -> ()
      } else {
      }
      %dma_start3A_292 = arith.constant 3 : i32
      %dma_start3A_293 = arith.constant 0 : i32
      %dma_start3A_294 = tpu.memref_slice %arg9[%dma_start3A_292, %dma_start3A_293] : memref<8x128xi32, #tpu.memory_space<vmem>> -> memref<1x128xi32, #tpu.memory_space<vmem>>
      %dma_start3A_295 = tpu.memref_squeeze %dma_start3A_294 : memref<1x128xi32, #tpu.memory_space<vmem>> -> memref<128xi32, #tpu.memory_space<vmem>>
      %dma_start3A_296 = arith.constant 0 : i32
      %dma_start3A_297 = arith.constant 0 : i32
      %dma_start3A_298 = tpu.memref_slice %arg2[%dma_start3A_296, %dma_start3A_297] : memref<20000x128xbf16, #tpu.memory_space<hbm>> -> memref<20000x128xbf16, #tpu.memory_space<hbm>>
      tpu.enqueue_indirect_dma source(%dma_start3A_298 : memref<20000x128xbf16, #tpu.memory_space<hbm>>) target(%arg12 : memref<128x128xbf16, #tpu.memory_space<vmem>>) offsets(%dma_start3A_295 : memref<128xi32, #tpu.memory_space<vmem>>) semaphore(%arg17 : memref<!tpu.dma_semaphore, #tpu.memory_space<semaphore_mem>>)
      %dma_wait3A_299 = arith.constant 2 : i32
      %dma_wait3A_300 = arith.constant 0 : i32
      %dma_wait3A_301 = tpu.memref_slice %arg9[%dma_wait3A_299, %dma_wait3A_300] : memref<8x128xi32, #tpu.memory_space<vmem>> -> memref<1x128xi32, #tpu.memory_space<vmem>>
      %dma_wait3A_302 = tpu.memref_squeeze %dma_wait3A_301 : memref<1x128xi32, #tpu.memory_space<vmem>> -> memref<128xi32, #tpu.memory_space<vmem>>
      %dma_wait3A_303 = arith.constant 0 : i32
      %dma_wait3A_304 = arith.constant 0 : i32
      %dma_wait3A_305 = tpu.memref_slice %arg2[%dma_wait3A_303, %dma_wait3A_304] : memref<20000x128xbf16, #tpu.memory_space<hbm>> -> memref<20000x128xbf16, #tpu.memory_space<hbm>>
      tpu.wait_indirect_dma semaphore(%arg16 : memref<!tpu.dma_semaphore, #tpu.memory_space<semaphore_mem>>) src(%dma_wait3A_305 : memref<20000x128xbf16, #tpu.memory_space<hbm>>) dst(%arg11 : memref<128x128xbf16, #tpu.memory_space<vmem>>)
      %run_scoped3A_306 = arith.constant 2 : i32
      "tpu.region"() ({
        %run_scoped3A_416 = tpu.sem_alloc : memref<!tpu.dma_semaphore, #tpu.memory_space<semaphore_mem>>
        %dma_start3A_417 = arith.constant 0 : i32
        %dma_start3A_418 = tpu.memref_slice %arg10[%run_scoped3A_306, %dma_start3A_417] : memref<8x128xi32, #tpu.memory_space<vmem>> -> memref<1x128xi32, #tpu.memory_space<vmem>>
        %dma_start3A_419 = tpu.memref_squeeze %dma_start3A_418 : memref<1x128xi32, #tpu.memory_space<vmem>> -> memref<128xi32, #tpu.memory_space<vmem>>
        %dma_start3A_420 = arith.constant 0 : i32
        %dma_start3A_421 = arith.constant 0 : i32
        %dma_start3A_422 = tpu.memref_slice %arg14[%dma_start3A_420, %dma_start3A_421] : memref<10112x128xbf16, #tpu.memory_space<vmem_shared>> -> memref<10112x128xbf16, #tpu.memory_space<vmem_shared>>
        tpu.enqueue_indirect_dma source(%arg11 : memref<128x128xbf16, #tpu.memory_space<vmem>>) target(%dma_start3A_422 : memref<10112x128xbf16, #tpu.memory_space<vmem_shared>>) offsets(%dma_start3A_419 : memref<128xi32, #tpu.memory_space<vmem>>) semaphore(%run_scoped3A_416 : memref<!tpu.dma_semaphore, #tpu.memory_space<semaphore_mem>>) {add = true}
        %dma_wait3A_423 = arith.constant 0 : i32
        %dma_wait3A_424 = tpu.memref_slice %arg10[%run_scoped3A_306, %dma_wait3A_423] : memref<8x128xi32, #tpu.memory_space<vmem>> -> memref<1x128xi32, #tpu.memory_space<vmem>>
        %dma_wait3A_425 = tpu.memref_squeeze %dma_wait3A_424 : memref<1x128xi32, #tpu.memory_space<vmem>> -> memref<128xi32, #tpu.memory_space<vmem>>
        %dma_wait3A_426 = arith.constant 0 : i32
        %dma_wait3A_427 = arith.constant 0 : i32
        %dma_wait3A_428 = tpu.memref_slice %arg14[%dma_wait3A_426, %dma_wait3A_427] : memref<10112x128xbf16, #tpu.memory_space<vmem_shared>> -> memref<10112x128xbf16, #tpu.memory_space<vmem_shared>>
        tpu.wait_indirect_dma semaphore(%run_scoped3A_416 : memref<!tpu.dma_semaphore, #tpu.memory_space<semaphore_mem>>) src(%arg11 : memref<128x128xbf16, #tpu.memory_space<vmem>>) dst(%dma_wait3A_428 : memref<10112x128xbf16, #tpu.memory_space<vmem_shared>>)
        tpu.yield
      }) : () -> ()
      %eq3A_307 = arith.constant 0 : i32
      %eq3A_308 = arith.cmpi eq, %arg0, %eq3A_307 : i32
      %convert_element_type3A_309 = arith.extui %eq3A_308 : i1 to i32
      %cond3A_310 = arith.constant 2 : i32
      %cond3A_311 = arith.constant 0 : i32
      %cond3A_312 = arith.cmpi ne, %convert_element_type3A_309, %cond3A_311 : i32
      scf.if %cond3A_312 {
        "tpu.region"() ({
          %run_scoped3A_416 = tpu.sem_alloc : memref<!tpu.dma_semaphore, #tpu.memory_space<semaphore_mem>>
          %dma_start3A_417 = arith.constant 0 : i32
          %dma_start3A_418 = tpu.memref_slice %arg10[%cond3A_310, %dma_start3A_417] : memref<8x128xi32, #tpu.memory_space<vmem>> -> memref<1x128xi32, #tpu.memory_space<vmem>>
          %dma_start3A_419 = tpu.memref_squeeze %dma_start3A_418 : memref<1x128xi32, #tpu.memory_space<vmem>> -> memref<128xi32, #tpu.memory_space<vmem>>
          %dma_start3A_420 = arith.constant 0 : i32
          %dma_start3A_421 = arith.constant 0 : i32
          %dma_start3A_422 = tpu.memref_slice %arg15[%dma_start3A_420, %dma_start3A_421] : memref<10112x32xbf16, #tpu.memory_space<vmem_shared>> -> memref<10112x32xbf16, #tpu.memory_space<vmem_shared>>
          tpu.enqueue_indirect_dma source(%arg13 : memref<128x32xbf16, #tpu.memory_space<vmem>>) target(%dma_start3A_422 : memref<10112x32xbf16, #tpu.memory_space<vmem_shared>>) offsets(%dma_start3A_419 : memref<128xi32, #tpu.memory_space<vmem>>) semaphore(%run_scoped3A_416 : memref<!tpu.dma_semaphore, #tpu.memory_space<semaphore_mem>>) {add = true}
          %dma_wait3A_423 = arith.constant 0 : i32
          %dma_wait3A_424 = tpu.memref_slice %arg10[%cond3A_310, %dma_wait3A_423] : memref<8x128xi32, #tpu.memory_space<vmem>> -> memref<1x128xi32, #tpu.memory_space<vmem>>
          %dma_wait3A_425 = tpu.memref_squeeze %dma_wait3A_424 : memref<1x128xi32, #tpu.memory_space<vmem>> -> memref<128xi32, #tpu.memory_space<vmem>>
          %dma_wait3A_426 = arith.constant 0 : i32
          %dma_wait3A_427 = arith.constant 0 : i32
          %dma_wait3A_428 = tpu.memref_slice %arg15[%dma_wait3A_426, %dma_wait3A_427] : memref<10112x32xbf16, #tpu.memory_space<vmem_shared>> -> memref<10112x32xbf16, #tpu.memory_space<vmem_shared>>
          tpu.wait_indirect_dma semaphore(%run_scoped3A_416 : memref<!tpu.dma_semaphore, #tpu.memory_space<semaphore_mem>>) src(%arg13 : memref<128x32xbf16, #tpu.memory_space<vmem>>) dst(%dma_wait3A_428 : memref<10112x32xbf16, #tpu.memory_space<vmem_shared>>)
          tpu.yield
        }) : () -> ()
      } else {
      }
      %dma_start3A_313 = arith.constant 4 : i32
      %dma_start3A_314 = arith.constant 0 : i32
      %dma_start3A_315 = tpu.memref_slice %arg9[%dma_start3A_313, %dma_start3A_314] : memref<8x128xi32, #tpu.memory_space<vmem>> -> memref<1x128xi32, #tpu.memory_space<vmem>>
      %dma_start3A_316 = tpu.memref_squeeze %dma_start3A_315 : memref<1x128xi32, #tpu.memory_space<vmem>> -> memref<128xi32, #tpu.memory_space<vmem>>
      %dma_start3A_317 = arith.constant 0 : i32
      %dma_start3A_318 = arith.constant 0 : i32
      %dma_start3A_319 = tpu.memref_slice %arg2[%dma_start3A_317, %dma_start3A_318] : memref<20000x128xbf16, #tpu.memory_space<hbm>> -> memref<20000x128xbf16, #tpu.memory_space<hbm>>
      tpu.enqueue_indirect_dma source(%dma_start3A_319 : memref<20000x128xbf16, #tpu.memory_space<hbm>>) target(%arg11 : memref<128x128xbf16, #tpu.memory_space<vmem>>) offsets(%dma_start3A_316 : memref<128xi32, #tpu.memory_space<vmem>>) semaphore(%arg16 : memref<!tpu.dma_semaphore, #tpu.memory_space<semaphore_mem>>)
      %dma_wait3A_320 = arith.constant 3 : i32
      %dma_wait3A_321 = arith.constant 0 : i32
      %dma_wait3A_322 = tpu.memref_slice %arg9[%dma_wait3A_320, %dma_wait3A_321] : memref<8x128xi32, #tpu.memory_space<vmem>> -> memref<1x128xi32, #tpu.memory_space<vmem>>
      %dma_wait3A_323 = tpu.memref_squeeze %dma_wait3A_322 : memref<1x128xi32, #tpu.memory_space<vmem>> -> memref<128xi32, #tpu.memory_space<vmem>>
      %dma_wait3A_324 = arith.constant 0 : i32
      %dma_wait3A_325 = arith.constant 0 : i32
      %dma_wait3A_326 = tpu.memref_slice %arg2[%dma_wait3A_324, %dma_wait3A_325] : memref<20000x128xbf16, #tpu.memory_space<hbm>> -> memref<20000x128xbf16, #tpu.memory_space<hbm>>
      tpu.wait_indirect_dma semaphore(%arg17 : memref<!tpu.dma_semaphore, #tpu.memory_space<semaphore_mem>>) src(%dma_wait3A_326 : memref<20000x128xbf16, #tpu.memory_space<hbm>>) dst(%arg12 : memref<128x128xbf16, #tpu.memory_space<vmem>>)
      %run_scoped3A_327 = arith.constant 3 : i32
      "tpu.region"() ({
        %run_scoped3A_416 = tpu.sem_alloc : memref<!tpu.dma_semaphore, #tpu.memory_space<semaphore_mem>>
        %dma_start3A_417 = arith.constant 0 : i32
        %dma_start3A_418 = tpu.memref_slice %arg10[%run_scoped3A_327, %dma_start3A_417] : memref<8x128xi32, #tpu.memory_space<vmem>> -> memref<1x128xi32, #tpu.memory_space<vmem>>
        %dma_start3A_419 = tpu.memref_squeeze %dma_start3A_418 : memref<1x128xi32, #tpu.memory_space<vmem>> -> memref<128xi32, #tpu.memory_space<vmem>>
        %dma_start3A_420 = arith.constant 0 : i32
        %dma_start3A_421 = arith.constant 0 : i32
        %dma_start3A_422 = tpu.memref_slice %arg14[%dma_start3A_420, %dma_start3A_421] : memref<10112x128xbf16, #tpu.memory_space<vmem_shared>> -> memref<10112x128xbf16, #tpu.memory_space<vmem_shared>>
        tpu.enqueue_indirect_dma source(%arg12 : memref<128x128xbf16, #tpu.memory_space<vmem>>) target(%dma_start3A_422 : memref<10112x128xbf16, #tpu.memory_space<vmem_shared>>) offsets(%dma_start3A_419 : memref<128xi32, #tpu.memory_space<vmem>>) semaphore(%run_scoped3A_416 : memref<!tpu.dma_semaphore, #tpu.memory_space<semaphore_mem>>) {add = true}
        %dma_wait3A_423 = arith.constant 0 : i32
        %dma_wait3A_424 = tpu.memref_slice %arg10[%run_scoped3A_327, %dma_wait3A_423] : memref<8x128xi32, #tpu.memory_space<vmem>> -> memref<1x128xi32, #tpu.memory_space<vmem>>
        %dma_wait3A_425 = tpu.memref_squeeze %dma_wait3A_424 : memref<1x128xi32, #tpu.memory_space<vmem>> -> memref<128xi32, #tpu.memory_space<vmem>>
        %dma_wait3A_426 = arith.constant 0 : i32
        %dma_wait3A_427 = arith.constant 0 : i32
        %dma_wait3A_428 = tpu.memref_slice %arg14[%dma_wait3A_426, %dma_wait3A_427] : memref<10112x128xbf16, #tpu.memory_space<vmem_shared>> -> memref<10112x128xbf16, #tpu.memory_space<vmem_shared>>
        tpu.wait_indirect_dma semaphore(%run_scoped3A_416 : memref<!tpu.dma_semaphore, #tpu.memory_space<semaphore_mem>>) src(%arg12 : memref<128x128xbf16, #tpu.memory_space<vmem>>) dst(%dma_wait3A_428 : memref<10112x128xbf16, #tpu.memory_space<vmem_shared>>)
        tpu.yield
      }) : () -> ()
      %eq3A_328 = arith.constant 1 : i32
      %eq3A_329 = arith.cmpi eq, %arg0, %eq3A_328 : i32
      %convert_element_type3A_330 = arith.extui %eq3A_329 : i1 to i32
      %cond3A_331 = arith.constant 3 : i32
      %cond3A_332 = arith.constant 0 : i32
      %cond3A_333 = arith.cmpi ne, %convert_element_type3A_330, %cond3A_332 : i32
      scf.if %cond3A_333 {
        "tpu.region"() ({
          %run_scoped3A_416 = tpu.sem_alloc : memref<!tpu.dma_semaphore, #tpu.memory_space<semaphore_mem>>
          %dma_start3A_417 = arith.constant 0 : i32
          %dma_start3A_418 = tpu.memref_slice %arg10[%cond3A_331, %dma_start3A_417] : memref<8x128xi32, #tpu.memory_space<vmem>> -> memref<1x128xi32, #tpu.memory_space<vmem>>
          %dma_start3A_419 = tpu.memref_squeeze %dma_start3A_418 : memref<1x128xi32, #tpu.memory_space<vmem>> -> memref<128xi32, #tpu.memory_space<vmem>>
          %dma_start3A_420 = arith.constant 0 : i32
          %dma_start3A_421 = arith.constant 0 : i32
          %dma_start3A_422 = tpu.memref_slice %arg15[%dma_start3A_420, %dma_start3A_421] : memref<10112x32xbf16, #tpu.memory_space<vmem_shared>> -> memref<10112x32xbf16, #tpu.memory_space<vmem_shared>>
          tpu.enqueue_indirect_dma source(%arg13 : memref<128x32xbf16, #tpu.memory_space<vmem>>) target(%dma_start3A_422 : memref<10112x32xbf16, #tpu.memory_space<vmem_shared>>) offsets(%dma_start3A_419 : memref<128xi32, #tpu.memory_space<vmem>>) semaphore(%run_scoped3A_416 : memref<!tpu.dma_semaphore, #tpu.memory_space<semaphore_mem>>) {add = true}
          %dma_wait3A_423 = arith.constant 0 : i32
          %dma_wait3A_424 = tpu.memref_slice %arg10[%cond3A_331, %dma_wait3A_423] : memref<8x128xi32, #tpu.memory_space<vmem>> -> memref<1x128xi32, #tpu.memory_space<vmem>>
          %dma_wait3A_425 = tpu.memref_squeeze %dma_wait3A_424 : memref<1x128xi32, #tpu.memory_space<vmem>> -> memref<128xi32, #tpu.memory_space<vmem>>
          %dma_wait3A_426 = arith.constant 0 : i32
          %dma_wait3A_427 = arith.constant 0 : i32
          %dma_wait3A_428 = tpu.memref_slice %arg15[%dma_wait3A_426, %dma_wait3A_427] : memref<10112x32xbf16, #tpu.memory_space<vmem_shared>> -> memref<10112x32xbf16, #tpu.memory_space<vmem_shared>>
          tpu.wait_indirect_dma semaphore(%run_scoped3A_416 : memref<!tpu.dma_semaphore, #tpu.memory_space<semaphore_mem>>) src(%arg13 : memref<128x32xbf16, #tpu.memory_space<vmem>>) dst(%dma_wait3A_428 : memref<10112x32xbf16, #tpu.memory_space<vmem_shared>>)
          tpu.yield
        }) : () -> ()
      } else {
      }
      %dma_start3A_334 = arith.constant 5 : i32
      %dma_start3A_335 = arith.constant 0 : i32
      %dma_start3A_336 = tpu.memref_slice %arg9[%dma_start3A_334, %dma_start3A_335] : memref<8x128xi32, #tpu.memory_space<vmem>> -> memref<1x128xi32, #tpu.memory_space<vmem>>
      %dma_start3A_337 = tpu.memref_squeeze %dma_start3A_336 : memref<1x128xi32, #tpu.memory_space<vmem>> -> memref<128xi32, #tpu.memory_space<vmem>>
      %dma_start3A_338 = arith.constant 0 : i32
      %dma_start3A_339 = arith.constant 0 : i32
      %dma_start3A_340 = tpu.memref_slice %arg2[%dma_start3A_338, %dma_start3A_339] : memref<20000x128xbf16, #tpu.memory_space<hbm>> -> memref<20000x128xbf16, #tpu.memory_space<hbm>>
      tpu.enqueue_indirect_dma source(%dma_start3A_340 : memref<20000x128xbf16, #tpu.memory_space<hbm>>) target(%arg12 : memref<128x128xbf16, #tpu.memory_space<vmem>>) offsets(%dma_start3A_337 : memref<128xi32, #tpu.memory_space<vmem>>) semaphore(%arg17 : memref<!tpu.dma_semaphore, #tpu.memory_space<semaphore_mem>>)
      %dma_wait3A_341 = arith.constant 4 : i32
      %dma_wait3A_342 = arith.constant 0 : i32
      %dma_wait3A_343 = tpu.memref_slice %arg9[%dma_wait3A_341, %dma_wait3A_342] : memref<8x128xi32, #tpu.memory_space<vmem>> -> memref<1x128xi32, #tpu.memory_space<vmem>>
      %dma_wait3A_344 = tpu.memref_squeeze %dma_wait3A_343 : memref<1x128xi32, #tpu.memory_space<vmem>> -> memref<128xi32, #tpu.memory_space<vmem>>
      %dma_wait3A_345 = arith.constant 0 : i32
      %dma_wait3A_346 = arith.constant 0 : i32
      %dma_wait3A_347 = tpu.memref_slice %arg2[%dma_wait3A_345, %dma_wait3A_346] : memref<20000x128xbf16, #tpu.memory_space<hbm>> -> memref<20000x128xbf16, #tpu.memory_space<hbm>>
      tpu.wait_indirect_dma semaphore(%arg16 : memref<!tpu.dma_semaphore, #tpu.memory_space<semaphore_mem>>) src(%dma_wait3A_347 : memref<20000x128xbf16, #tpu.memory_space<hbm>>) dst(%arg11 : memref<128x128xbf16, #tpu.memory_space<vmem>>)
      %run_scoped3A_348 = arith.constant 4 : i32
      "tpu.region"() ({
        %run_scoped3A_416 = tpu.sem_alloc : memref<!tpu.dma_semaphore, #tpu.memory_space<semaphore_mem>>
        %dma_start3A_417 = arith.constant 0 : i32
        %dma_start3A_418 = tpu.memref_slice %arg10[%run_scoped3A_348, %dma_start3A_417] : memref<8x128xi32, #tpu.memory_space<vmem>> -> memref<1x128xi32, #tpu.memory_space<vmem>>
        %dma_start3A_419 = tpu.memref_squeeze %dma_start3A_418 : memref<1x128xi32, #tpu.memory_space<vmem>> -> memref<128xi32, #tpu.memory_space<vmem>>
        %dma_start3A_420 = arith.constant 0 : i32
        %dma_start3A_421 = arith.constant 0 : i32
        %dma_start3A_422 = tpu.memref_slice %arg14[%dma_start3A_420, %dma_start3A_421] : memref<10112x128xbf16, #tpu.memory_space<vmem_shared>> -> memref<10112x128xbf16, #tpu.memory_space<vmem_shared>>
        tpu.enqueue_indirect_dma source(%arg11 : memref<128x128xbf16, #tpu.memory_space<vmem>>) target(%dma_start3A_422 : memref<10112x128xbf16, #tpu.memory_space<vmem_shared>>) offsets(%dma_start3A_419 : memref<128xi32, #tpu.memory_space<vmem>>) semaphore(%run_scoped3A_416 : memref<!tpu.dma_semaphore, #tpu.memory_space<semaphore_mem>>) {add = true}
        %dma_wait3A_423 = arith.constant 0 : i32
        %dma_wait3A_424 = tpu.memref_slice %arg10[%run_scoped3A_348, %dma_wait3A_423] : memref<8x128xi32, #tpu.memory_space<vmem>> -> memref<1x128xi32, #tpu.memory_space<vmem>>
        %dma_wait3A_425 = tpu.memref_squeeze %dma_wait3A_424 : memref<1x128xi32, #tpu.memory_space<vmem>> -> memref<128xi32, #tpu.memory_space<vmem>>
        %dma_wait3A_426 = arith.constant 0 : i32
        %dma_wait3A_427 = arith.constant 0 : i32
        %dma_wait3A_428 = tpu.memref_slice %arg14[%dma_wait3A_426, %dma_wait3A_427] : memref<10112x128xbf16, #tpu.memory_space<vmem_shared>> -> memref<10112x128xbf16, #tpu.memory_space<vmem_shared>>
        tpu.wait_indirect_dma semaphore(%run_scoped3A_416 : memref<!tpu.dma_semaphore, #tpu.memory_space<semaphore_mem>>) src(%arg11 : memref<128x128xbf16, #tpu.memory_space<vmem>>) dst(%dma_wait3A_428 : memref<10112x128xbf16, #tpu.memory_space<vmem_shared>>)
        tpu.yield
      }) : () -> ()
      %eq3A_349 = arith.constant 0 : i32
      %eq3A_350 = arith.cmpi eq, %arg0, %eq3A_349 : i32
      %convert_element_type3A_351 = arith.extui %eq3A_350 : i1 to i32
      %cond3A_352 = arith.constant 4 : i32
      %cond3A_353 = arith.constant 0 : i32
      %cond3A_354 = arith.cmpi ne, %convert_element_type3A_351, %cond3A_353 : i32
      scf.if %cond3A_354 {
        "tpu.region"() ({
          %run_scoped3A_416 = tpu.sem_alloc : memref<!tpu.dma_semaphore, #tpu.memory_space<semaphore_mem>>
          %dma_start3A_417 = arith.constant 0 : i32
          %dma_start3A_418 = tpu.memref_slice %arg10[%cond3A_352, %dma_start3A_417] : memref<8x128xi32, #tpu.memory_space<vmem>> -> memref<1x128xi32, #tpu.memory_space<vmem>>
          %dma_start3A_419 = tpu.memref_squeeze %dma_start3A_418 : memref<1x128xi32, #tpu.memory_space<vmem>> -> memref<128xi32, #tpu.memory_space<vmem>>
          %dma_start3A_420 = arith.constant 0 : i32
          %dma_start3A_421 = arith.constant 0 : i32
          %dma_start3A_422 = tpu.memref_slice %arg15[%dma_start3A_420, %dma_start3A_421] : memref<10112x32xbf16, #tpu.memory_space<vmem_shared>> -> memref<10112x32xbf16, #tpu.memory_space<vmem_shared>>
          tpu.enqueue_indirect_dma source(%arg13 : memref<128x32xbf16, #tpu.memory_space<vmem>>) target(%dma_start3A_422 : memref<10112x32xbf16, #tpu.memory_space<vmem_shared>>) offsets(%dma_start3A_419 : memref<128xi32, #tpu.memory_space<vmem>>) semaphore(%run_scoped3A_416 : memref<!tpu.dma_semaphore, #tpu.memory_space<semaphore_mem>>) {add = true}
          %dma_wait3A_423 = arith.constant 0 : i32
          %dma_wait3A_424 = tpu.memref_slice %arg10[%cond3A_352, %dma_wait3A_423] : memref<8x128xi32, #tpu.memory_space<vmem>> -> memref<1x128xi32, #tpu.memory_space<vmem>>
          %dma_wait3A_425 = tpu.memref_squeeze %dma_wait3A_424 : memref<1x128xi32, #tpu.memory_space<vmem>> -> memref<128xi32, #tpu.memory_space<vmem>>
          %dma_wait3A_426 = arith.constant 0 : i32
          %dma_wait3A_427 = arith.constant 0 : i32
          %dma_wait3A_428 = tpu.memref_slice %arg15[%dma_wait3A_426, %dma_wait3A_427] : memref<10112x32xbf16, #tpu.memory_space<vmem_shared>> -> memref<10112x32xbf16, #tpu.memory_space<vmem_shared>>
          tpu.wait_indirect_dma semaphore(%run_scoped3A_416 : memref<!tpu.dma_semaphore, #tpu.memory_space<semaphore_mem>>) src(%arg13 : memref<128x32xbf16, #tpu.memory_space<vmem>>) dst(%dma_wait3A_428 : memref<10112x32xbf16, #tpu.memory_space<vmem_shared>>)
          tpu.yield
        }) : () -> ()
      } else {
      }
      %dma_start3A_355 = arith.constant 6 : i32
      %dma_start3A_356 = arith.constant 0 : i32
      %dma_start3A_357 = tpu.memref_slice %arg9[%dma_start3A_355, %dma_start3A_356] : memref<8x128xi32, #tpu.memory_space<vmem>> -> memref<1x128xi32, #tpu.memory_space<vmem>>
      %dma_start3A_358 = tpu.memref_squeeze %dma_start3A_357 : memref<1x128xi32, #tpu.memory_space<vmem>> -> memref<128xi32, #tpu.memory_space<vmem>>
      %dma_start3A_359 = arith.constant 0 : i32
      %dma_start3A_360 = arith.constant 0 : i32
      %dma_start3A_361 = tpu.memref_slice %arg2[%dma_start3A_359, %dma_start3A_360] : memref<20000x128xbf16, #tpu.memory_space<hbm>> -> memref<20000x128xbf16, #tpu.memory_space<hbm>>
      tpu.enqueue_indirect_dma source(%dma_start3A_361 : memref<20000x128xbf16, #tpu.memory_space<hbm>>) target(%arg11 : memref<128x128xbf16, #tpu.memory_space<vmem>>) offsets(%dma_start3A_358 : memref<128xi32, #tpu.memory_space<vmem>>) semaphore(%arg16 : memref<!tpu.dma_semaphore, #tpu.memory_space<semaphore_mem>>)
      %dma_wait3A_362 = arith.constant 5 : i32
      %dma_wait3A_363 = arith.constant 0 : i32
      %dma_wait3A_364 = tpu.memref_slice %arg9[%dma_wait3A_362, %dma_wait3A_363] : memref<8x128xi32, #tpu.memory_space<vmem>> -> memref<1x128xi32, #tpu.memory_space<vmem>>
      %dma_wait3A_365 = tpu.memref_squeeze %dma_wait3A_364 : memref<1x128xi32, #tpu.memory_space<vmem>> -> memref<128xi32, #tpu.memory_space<vmem>>
      %dma_wait3A_366 = arith.constant 0 : i32
      %dma_wait3A_367 = arith.constant 0 : i32
      %dma_wait3A_368 = tpu.memref_slice %arg2[%dma_wait3A_366, %dma_wait3A_367] : memref<20000x128xbf16, #tpu.memory_space<hbm>> -> memref<20000x128xbf16, #tpu.memory_space<hbm>>
      tpu.wait_indirect_dma semaphore(%arg17 : memref<!tpu.dma_semaphore, #tpu.memory_space<semaphore_mem>>) src(%dma_wait3A_368 : memref<20000x128xbf16, #tpu.memory_space<hbm>>) dst(%arg12 : memref<128x128xbf16, #tpu.memory_space<vmem>>)
      %run_scoped3A_369 = arith.constant 5 : i32
      "tpu.region"() ({
        %run_scoped3A_416 = tpu.sem_alloc : memref<!tpu.dma_semaphore, #tpu.memory_space<semaphore_mem>>
        %dma_start3A_417 = arith.constant 0 : i32
        %dma_start3A_418 = tpu.memref_slice %arg10[%run_scoped3A_369, %dma_start3A_417] : memref<8x128xi32, #tpu.memory_space<vmem>> -> memref<1x128xi32, #tpu.memory_space<vmem>>
        %dma_start3A_419 = tpu.memref_squeeze %dma_start3A_418 : memref<1x128xi32, #tpu.memory_space<vmem>> -> memref<128xi32, #tpu.memory_space<vmem>>
        %dma_start3A_420 = arith.constant 0 : i32
        %dma_start3A_421 = arith.constant 0 : i32
        %dma_start3A_422 = tpu.memref_slice %arg14[%dma_start3A_420, %dma_start3A_421] : memref<10112x128xbf16, #tpu.memory_space<vmem_shared>> -> memref<10112x128xbf16, #tpu.memory_space<vmem_shared>>
        tpu.enqueue_indirect_dma source(%arg12 : memref<128x128xbf16, #tpu.memory_space<vmem>>) target(%dma_start3A_422 : memref<10112x128xbf16, #tpu.memory_space<vmem_shared>>) offsets(%dma_start3A_419 : memref<128xi32, #tpu.memory_space<vmem>>) semaphore(%run_scoped3A_416 : memref<!tpu.dma_semaphore, #tpu.memory_space<semaphore_mem>>) {add = true}
        %dma_wait3A_423 = arith.constant 0 : i32
        %dma_wait3A_424 = tpu.memref_slice %arg10[%run_scoped3A_369, %dma_wait3A_423] : memref<8x128xi32, #tpu.memory_space<vmem>> -> memref<1x128xi32, #tpu.memory_space<vmem>>
        %dma_wait3A_425 = tpu.memref_squeeze %dma_wait3A_424 : memref<1x128xi32, #tpu.memory_space<vmem>> -> memref<128xi32, #tpu.memory_space<vmem>>
        %dma_wait3A_426 = arith.constant 0 : i32
        %dma_wait3A_427 = arith.constant 0 : i32
        %dma_wait3A_428 = tpu.memref_slice %arg14[%dma_wait3A_426, %dma_wait3A_427] : memref<10112x128xbf16, #tpu.memory_space<vmem_shared>> -> memref<10112x128xbf16, #tpu.memory_space<vmem_shared>>
        tpu.wait_indirect_dma semaphore(%run_scoped3A_416 : memref<!tpu.dma_semaphore, #tpu.memory_space<semaphore_mem>>) src(%arg12 : memref<128x128xbf16, #tpu.memory_space<vmem>>) dst(%dma_wait3A_428 : memref<10112x128xbf16, #tpu.memory_space<vmem_shared>>)
        tpu.yield
      }) : () -> ()
      %eq3A_370 = arith.constant 1 : i32
      %eq3A_371 = arith.cmpi eq, %arg0, %eq3A_370 : i32
      %convert_element_type3A_372 = arith.extui %eq3A_371 : i1 to i32
      %cond3A_373 = arith.constant 5 : i32
      %cond3A_374 = arith.constant 0 : i32
      %cond3A_375 = arith.cmpi ne, %convert_element_type3A_372, %cond3A_374 : i32
      scf.if %cond3A_375 {
        "tpu.region"() ({
          %run_scoped3A_416 = tpu.sem_alloc : memref<!tpu.dma_semaphore, #tpu.memory_space<semaphore_mem>>
          %dma_start3A_417 = arith.constant 0 : i32
          %dma_start3A_418 = tpu.memref_slice %arg10[%cond3A_373, %dma_start3A_417] : memref<8x128xi32, #tpu.memory_space<vmem>> -> memref<1x128xi32, #tpu.memory_space<vmem>>
          %dma_start3A_419 = tpu.memref_squeeze %dma_start3A_418 : memref<1x128xi32, #tpu.memory_space<vmem>> -> memref<128xi32, #tpu.memory_space<vmem>>
          %dma_start3A_420 = arith.constant 0 : i32
          %dma_start3A_421 = arith.constant 0 : i32
          %dma_start3A_422 = tpu.memref_slice %arg15[%dma_start3A_420, %dma_start3A_421] : memref<10112x32xbf16, #tpu.memory_space<vmem_shared>> -> memref<10112x32xbf16, #tpu.memory_space<vmem_shared>>
          tpu.enqueue_indirect_dma source(%arg13 : memref<128x32xbf16, #tpu.memory_space<vmem>>) target(%dma_start3A_422 : memref<10112x32xbf16, #tpu.memory_space<vmem_shared>>) offsets(%dma_start3A_419 : memref<128xi32, #tpu.memory_space<vmem>>) semaphore(%run_scoped3A_416 : memref<!tpu.dma_semaphore, #tpu.memory_space<semaphore_mem>>) {add = true}
          %dma_wait3A_423 = arith.constant 0 : i32
          %dma_wait3A_424 = tpu.memref_slice %arg10[%cond3A_373, %dma_wait3A_423] : memref<8x128xi32, #tpu.memory_space<vmem>> -> memref<1x128xi32, #tpu.memory_space<vmem>>
          %dma_wait3A_425 = tpu.memref_squeeze %dma_wait3A_424 : memref<1x128xi32, #tpu.memory_space<vmem>> -> memref<128xi32, #tpu.memory_space<vmem>>
          %dma_wait3A_426 = arith.constant 0 : i32
          %dma_wait3A_427 = arith.constant 0 : i32
          %dma_wait3A_428 = tpu.memref_slice %arg15[%dma_wait3A_426, %dma_wait3A_427] : memref<10112x32xbf16, #tpu.memory_space<vmem_shared>> -> memref<10112x32xbf16, #tpu.memory_space<vmem_shared>>
          tpu.wait_indirect_dma semaphore(%run_scoped3A_416 : memref<!tpu.dma_semaphore, #tpu.memory_space<semaphore_mem>>) src(%arg13 : memref<128x32xbf16, #tpu.memory_space<vmem>>) dst(%dma_wait3A_428 : memref<10112x32xbf16, #tpu.memory_space<vmem_shared>>)
          tpu.yield
        }) : () -> ()
      } else {
      }
      %dma_start3A_376 = arith.constant 7 : i32
      %dma_start3A_377 = arith.constant 0 : i32
      %dma_start3A_378 = tpu.memref_slice %arg9[%dma_start3A_376, %dma_start3A_377] : memref<8x128xi32, #tpu.memory_space<vmem>> -> memref<1x128xi32, #tpu.memory_space<vmem>>
      %dma_start3A_379 = tpu.memref_squeeze %dma_start3A_378 : memref<1x128xi32, #tpu.memory_space<vmem>> -> memref<128xi32, #tpu.memory_space<vmem>>
      %dma_start3A_380 = arith.constant 0 : i32
      %dma_start3A_381 = arith.constant 0 : i32
      %dma_start3A_382 = tpu.memref_slice %arg2[%dma_start3A_380, %dma_start3A_381] : memref<20000x128xbf16, #tpu.memory_space<hbm>> -> memref<20000x128xbf16, #tpu.memory_space<hbm>>
      tpu.enqueue_indirect_dma source(%dma_start3A_382 : memref<20000x128xbf16, #tpu.memory_space<hbm>>) target(%arg12 : memref<128x128xbf16, #tpu.memory_space<vmem>>) offsets(%dma_start3A_379 : memref<128xi32, #tpu.memory_space<vmem>>) semaphore(%arg17 : memref<!tpu.dma_semaphore, #tpu.memory_space<semaphore_mem>>)
      %dma_wait3A_383 = arith.constant 6 : i32
      %dma_wait3A_384 = arith.constant 0 : i32
      %dma_wait3A_385 = tpu.memref_slice %arg9[%dma_wait3A_383, %dma_wait3A_384] : memref<8x128xi32, #tpu.memory_space<vmem>> -> memref<1x128xi32, #tpu.memory_space<vmem>>
      %dma_wait3A_386 = tpu.memref_squeeze %dma_wait3A_385 : memref<1x128xi32, #tpu.memory_space<vmem>> -> memref<128xi32, #tpu.memory_space<vmem>>
      %dma_wait3A_387 = arith.constant 0 : i32
      %dma_wait3A_388 = arith.constant 0 : i32
      %dma_wait3A_389 = tpu.memref_slice %arg2[%dma_wait3A_387, %dma_wait3A_388] : memref<20000x128xbf16, #tpu.memory_space<hbm>> -> memref<20000x128xbf16, #tpu.memory_space<hbm>>
      tpu.wait_indirect_dma semaphore(%arg16 : memref<!tpu.dma_semaphore, #tpu.memory_space<semaphore_mem>>) src(%dma_wait3A_389 : memref<20000x128xbf16, #tpu.memory_space<hbm>>) dst(%arg11 : memref<128x128xbf16, #tpu.memory_space<vmem>>)
      %run_scoped3A_390 = arith.constant 6 : i32
      "tpu.region"() ({
        %run_scoped3A_416 = tpu.sem_alloc : memref<!tpu.dma_semaphore, #tpu.memory_space<semaphore_mem>>
        %dma_start3A_417 = arith.constant 0 : i32
        %dma_start3A_418 = tpu.memref_slice %arg10[%run_scoped3A_390, %dma_start3A_417] : memref<8x128xi32, #tpu.memory_space<vmem>> -> memref<1x128xi32, #tpu.memory_space<vmem>>
        %dma_start3A_419 = tpu.memref_squeeze %dma_start3A_418 : memref<1x128xi32, #tpu.memory_space<vmem>> -> memref<128xi32, #tpu.memory_space<vmem>>
        %dma_start3A_420 = arith.constant 0 : i32
        %dma_start3A_421 = arith.constant 0 : i32
        %dma_start3A_422 = tpu.memref_slice %arg14[%dma_start3A_420, %dma_start3A_421] : memref<10112x128xbf16, #tpu.memory_space<vmem_shared>> -> memref<10112x128xbf16, #tpu.memory_space<vmem_shared>>
        tpu.enqueue_indirect_dma source(%arg11 : memref<128x128xbf16, #tpu.memory_space<vmem>>) target(%dma_start3A_422 : memref<10112x128xbf16, #tpu.memory_space<vmem_shared>>) offsets(%dma_start3A_419 : memref<128xi32, #tpu.memory_space<vmem>>) semaphore(%run_scoped3A_416 : memref<!tpu.dma_semaphore, #tpu.memory_space<semaphore_mem>>) {add = true}
        %dma_wait3A_423 = arith.constant 0 : i32
        %dma_wait3A_424 = tpu.memref_slice %arg10[%run_scoped3A_390, %dma_wait3A_423] : memref<8x128xi32, #tpu.memory_space<vmem>> -> memref<1x128xi32, #tpu.memory_space<vmem>>
        %dma_wait3A_425 = tpu.memref_squeeze %dma_wait3A_424 : memref<1x128xi32, #tpu.memory_space<vmem>> -> memref<128xi32, #tpu.memory_space<vmem>>
        %dma_wait3A_426 = arith.constant 0 : i32
        %dma_wait3A_427 = arith.constant 0 : i32
        %dma_wait3A_428 = tpu.memref_slice %arg14[%dma_wait3A_426, %dma_wait3A_427] : memref<10112x128xbf16, #tpu.memory_space<vmem_shared>> -> memref<10112x128xbf16, #tpu.memory_space<vmem_shared>>
        tpu.wait_indirect_dma semaphore(%run_scoped3A_416 : memref<!tpu.dma_semaphore, #tpu.memory_space<semaphore_mem>>) src(%arg11 : memref<128x128xbf16, #tpu.memory_space<vmem>>) dst(%dma_wait3A_428 : memref<10112x128xbf16, #tpu.memory_space<vmem_shared>>)
        tpu.yield
      }) : () -> ()
      %eq3A_391 = arith.constant 0 : i32
      %eq3A_392 = arith.cmpi eq, %arg0, %eq3A_391 : i32
      %convert_element_type3A_393 = arith.extui %eq3A_392 : i1 to i32
      %cond3A_394 = arith.constant 6 : i32
      %cond3A_395 = arith.constant 0 : i32
      %cond3A_396 = arith.cmpi ne, %convert_element_type3A_393, %cond3A_395 : i32
      scf.if %cond3A_396 {
        "tpu.region"() ({
          %run_scoped3A_416 = tpu.sem_alloc : memref<!tpu.dma_semaphore, #tpu.memory_space<semaphore_mem>>
          %dma_start3A_417 = arith.constant 0 : i32
          %dma_start3A_418 = tpu.memref_slice %arg10[%cond3A_394, %dma_start3A_417] : memref<8x128xi32, #tpu.memory_space<vmem>> -> memref<1x128xi32, #tpu.memory_space<vmem>>
          %dma_start3A_419 = tpu.memref_squeeze %dma_start3A_418 : memref<1x128xi32, #tpu.memory_space<vmem>> -> memref<128xi32, #tpu.memory_space<vmem>>
          %dma_start3A_420 = arith.constant 0 : i32
          %dma_start3A_421 = arith.constant 0 : i32
          %dma_start3A_422 = tpu.memref_slice %arg15[%dma_start3A_420, %dma_start3A_421] : memref<10112x32xbf16, #tpu.memory_space<vmem_shared>> -> memref<10112x32xbf16, #tpu.memory_space<vmem_shared>>
          tpu.enqueue_indirect_dma source(%arg13 : memref<128x32xbf16, #tpu.memory_space<vmem>>) target(%dma_start3A_422 : memref<10112x32xbf16, #tpu.memory_space<vmem_shared>>) offsets(%dma_start3A_419 : memref<128xi32, #tpu.memory_space<vmem>>) semaphore(%run_scoped3A_416 : memref<!tpu.dma_semaphore, #tpu.memory_space<semaphore_mem>>) {add = true}
          %dma_wait3A_423 = arith.constant 0 : i32
          %dma_wait3A_424 = tpu.memref_slice %arg10[%cond3A_394, %dma_wait3A_423] : memref<8x128xi32, #tpu.memory_space<vmem>> -> memref<1x128xi32, #tpu.memory_space<vmem>>
          %dma_wait3A_425 = tpu.memref_squeeze %dma_wait3A_424 : memref<1x128xi32, #tpu.memory_space<vmem>> -> memref<128xi32, #tpu.memory_space<vmem>>
          %dma_wait3A_426 = arith.constant 0 : i32
          %dma_wait3A_427 = arith.constant 0 : i32
          %dma_wait3A_428 = tpu.memref_slice %arg15[%dma_wait3A_426, %dma_wait3A_427] : memref<10112x32xbf16, #tpu.memory_space<vmem_shared>> -> memref<10112x32xbf16, #tpu.memory_space<vmem_shared>>
          tpu.wait_indirect_dma semaphore(%run_scoped3A_416 : memref<!tpu.dma_semaphore, #tpu.memory_space<semaphore_mem>>) src(%arg13 : memref<128x32xbf16, #tpu.memory_space<vmem>>) dst(%dma_wait3A_428 : memref<10112x32xbf16, #tpu.memory_space<vmem_shared>>)
          tpu.yield
        }) : () -> ()
      } else {
      }
      %ne3A_397 = arith.constant 4 : i32
      %ne3A_398 = arith.cmpi ne, %scan3A_63, %ne3A_397 : i32
      %convert_element_type3A_399 = arith.extui %ne3A_398 : i1 to i32
      %cond3A_400 = arith.constant 0 : i32
      %cond3A_401 = arith.cmpi ne, %convert_element_type3A_399, %cond3A_400 : i32
      scf.if %cond3A_401 {
        %dma_start3A_416 = arith.constant 0 : i32
        %dma_start3A_417 = arith.constant 0 : i32
        %dma_start3A_418 = tpu.memref_slice %arg7[%dma_start3A_416, %dma_start3A_417] : memref<8x128xi32, #tpu.memory_space<vmem>> -> memref<1x128xi32, #tpu.memory_space<vmem>>
        %dma_start3A_419 = tpu.memref_squeeze %dma_start3A_418 : memref<1x128xi32, #tpu.memory_space<vmem>> -> memref<128xi32, #tpu.memory_space<vmem>>
        %dma_start3A_420 = arith.constant 0 : i32
        %dma_start3A_421 = arith.constant 0 : i32
        %dma_start3A_422 = tpu.memref_slice %arg2[%dma_start3A_420, %dma_start3A_421] : memref<20000x128xbf16, #tpu.memory_space<hbm>> -> memref<20000x128xbf16, #tpu.memory_space<hbm>>
        tpu.enqueue_indirect_dma source(%dma_start3A_422 : memref<20000x128xbf16, #tpu.memory_space<hbm>>) target(%arg11 : memref<128x128xbf16, #tpu.memory_space<vmem>>) offsets(%dma_start3A_419 : memref<128xi32, #tpu.memory_space<vmem>>) semaphore(%arg16 : memref<!tpu.dma_semaphore, #tpu.memory_space<semaphore_mem>>)
      } else {
      }
      %dma_wait3A_402 = arith.constant 7 : i32
      %dma_wait3A_403 = arith.constant 0 : i32
      %dma_wait3A_404 = tpu.memref_slice %arg9[%dma_wait3A_402, %dma_wait3A_403] : memref<8x128xi32, #tpu.memory_space<vmem>> -> memref<1x128xi32, #tpu.memory_space<vmem>>
      %dma_wait3A_405 = tpu.memref_squeeze %dma_wait3A_404 : memref<1x128xi32, #tpu.memory_space<vmem>> -> memref<128xi32, #tpu.memory_space<vmem>>
      %dma_wait3A_406 = arith.constant 0 : i32
      %dma_wait3A_407 = arith.constant 0 : i32
      %dma_wait3A_408 = tpu.memref_slice %arg2[%dma_wait3A_406, %dma_wait3A_407] : memref<20000x128xbf16, #tpu.memory_space<hbm>> -> memref<20000x128xbf16, #tpu.memory_space<hbm>>
      tpu.wait_indirect_dma semaphore(%arg17 : memref<!tpu.dma_semaphore, #tpu.memory_space<semaphore_mem>>) src(%dma_wait3A_408 : memref<20000x128xbf16, #tpu.memory_space<hbm>>) dst(%arg12 : memref<128x128xbf16, #tpu.memory_space<vmem>>)
      %run_scoped3A_409 = arith.constant 7 : i32
      "tpu.region"() ({
        %run_scoped3A_416 = tpu.sem_alloc : memref<!tpu.dma_semaphore, #tpu.memory_space<semaphore_mem>>
        %dma_start3A_417 = arith.constant 0 : i32
        %dma_start3A_418 = tpu.memref_slice %arg10[%run_scoped3A_409, %dma_start3A_417] : memref<8x128xi32, #tpu.memory_space<vmem>> -> memref<1x128xi32, #tpu.memory_space<vmem>>
        %dma_start3A_419 = tpu.memref_squeeze %dma_start3A_418 : memref<1x128xi32, #tpu.memory_space<vmem>> -> memref<128xi32, #tpu.memory_space<vmem>>
        %dma_start3A_420 = arith.constant 0 : i32
        %dma_start3A_421 = arith.constant 0 : i32
        %dma_start3A_422 = tpu.memref_slice %arg14[%dma_start3A_420, %dma_start3A_421] : memref<10112x128xbf16, #tpu.memory_space<vmem_shared>> -> memref<10112x128xbf16, #tpu.memory_space<vmem_shared>>
        tpu.enqueue_indirect_dma source(%arg12 : memref<128x128xbf16, #tpu.memory_space<vmem>>) target(%dma_start3A_422 : memref<10112x128xbf16, #tpu.memory_space<vmem_shared>>) offsets(%dma_start3A_419 : memref<128xi32, #tpu.memory_space<vmem>>) semaphore(%run_scoped3A_416 : memref<!tpu.dma_semaphore, #tpu.memory_space<semaphore_mem>>) {add = true}
        %dma_wait3A_423 = arith.constant 0 : i32
        %dma_wait3A_424 = tpu.memref_slice %arg10[%run_scoped3A_409, %dma_wait3A_423] : memref<8x128xi32, #tpu.memory_space<vmem>> -> memref<1x128xi32, #tpu.memory_space<vmem>>
        %dma_wait3A_425 = tpu.memref_squeeze %dma_wait3A_424 : memref<1x128xi32, #tpu.memory_space<vmem>> -> memref<128xi32, #tpu.memory_space<vmem>>
        %dma_wait3A_426 = arith.constant 0 : i32
        %dma_wait3A_427 = arith.constant 0 : i32
        %dma_wait3A_428 = tpu.memref_slice %arg14[%dma_wait3A_426, %dma_wait3A_427] : memref<10112x128xbf16, #tpu.memory_space<vmem_shared>> -> memref<10112x128xbf16, #tpu.memory_space<vmem_shared>>
        tpu.wait_indirect_dma semaphore(%run_scoped3A_416 : memref<!tpu.dma_semaphore, #tpu.memory_space<semaphore_mem>>) src(%arg12 : memref<128x128xbf16, #tpu.memory_space<vmem>>) dst(%dma_wait3A_428 : memref<10112x128xbf16, #tpu.memory_space<vmem_shared>>)
        tpu.yield
      }) : () -> ()
      %eq3A_410 = arith.constant 1 : i32
      %eq3A_411 = arith.cmpi eq, %arg0, %eq3A_410 : i32
      %convert_element_type3A_412 = arith.extui %eq3A_411 : i1 to i32
      %cond3A_413 = arith.constant 7 : i32
      %cond3A_414 = arith.constant 0 : i32
      %cond3A_415 = arith.cmpi ne, %convert_element_type3A_412, %cond3A_414 : i32
      scf.if %cond3A_415 {
        "tpu.region"() ({
          %run_scoped3A_416 = tpu.sem_alloc : memref<!tpu.dma_semaphore, #tpu.memory_space<semaphore_mem>>
          %dma_start3A_417 = arith.constant 0 : i32
          %dma_start3A_418 = tpu.memref_slice %arg10[%cond3A_413, %dma_start3A_417] : memref<8x128xi32, #tpu.memory_space<vmem>> -> memref<1x128xi32, #tpu.memory_space<vmem>>
          %dma_start3A_419 = tpu.memref_squeeze %dma_start3A_418 : memref<1x128xi32, #tpu.memory_space<vmem>> -> memref<128xi32, #tpu.memory_space<vmem>>
          %dma_start3A_420 = arith.constant 0 : i32
          %dma_start3A_421 = arith.constant 0 : i32
          %dma_start3A_422 = tpu.memref_slice %arg15[%dma_start3A_420, %dma_start3A_421] : memref<10112x32xbf16, #tpu.memory_space<vmem_shared>> -> memref<10112x32xbf16, #tpu.memory_space<vmem_shared>>
          tpu.enqueue_indirect_dma source(%arg13 : memref<128x32xbf16, #tpu.memory_space<vmem>>) target(%dma_start3A_422 : memref<10112x32xbf16, #tpu.memory_space<vmem_shared>>) offsets(%dma_start3A_419 : memref<128xi32, #tpu.memory_space<vmem>>) semaphore(%run_scoped3A_416 : memref<!tpu.dma_semaphore, #tpu.memory_space<semaphore_mem>>) {add = true}
          %dma_wait3A_423 = arith.constant 0 : i32
          %dma_wait3A_424 = tpu.memref_slice %arg10[%cond3A_413, %dma_wait3A_423] : memref<8x128xi32, #tpu.memory_space<vmem>> -> memref<1x128xi32, #tpu.memory_space<vmem>>
          %dma_wait3A_425 = tpu.memref_squeeze %dma_wait3A_424 : memref<1x128xi32, #tpu.memory_space<vmem>> -> memref<128xi32, #tpu.memory_space<vmem>>
          %dma_wait3A_426 = arith.constant 0 : i32
          %dma_wait3A_427 = arith.constant 0 : i32
          %dma_wait3A_428 = tpu.memref_slice %arg15[%dma_wait3A_426, %dma_wait3A_427] : memref<10112x32xbf16, #tpu.memory_space<vmem_shared>> -> memref<10112x32xbf16, #tpu.memory_space<vmem_shared>>
          tpu.wait_indirect_dma semaphore(%run_scoped3A_416 : memref<!tpu.dma_semaphore, #tpu.memory_space<semaphore_mem>>) src(%arg13 : memref<128x32xbf16, #tpu.memory_space<vmem>>) dst(%dma_wait3A_428 : memref<10112x32xbf16, #tpu.memory_space<vmem_shared>>)
          tpu.yield
        }) : () -> ()
      } else {
      }
    }
    %scan3A_55 = arith.constant 5 : i32
    %barrier3A_56 = arith.constant 0 : index
    tpu.barrier barrier_id(%barrier3A_56)
    %lt3A = arith.constant 15 : i32
    %lt3A_57 = arith.cmpi slt, %arg1, %lt3A : i32
    %convert_element_type3A = arith.extui %lt3A_57 : i1 to i32
    %cond3A = arith.constant 0 : i32
    %cond3A_58 = arith.cmpi ne, %convert_element_type3A, %cond3A : i32
    scf.if %cond3A_58 {
      "tpu.region"() ({
        %run_scoped3A = tpu.sem_alloc : memref<!tpu.dma_semaphore, #tpu.memory_space<semaphore_mem>>
        %dma_start3A_63 = arith.constant 0 : i32
        %dma_start3A_64 = tpu.memref_slice %arg5[%arg0, %mul3A_0, %dma_start3A_63] : memref<2x10000x128xbf16, #tpu.memory_space<hbm>> -> memref<1x632x128xbf16, #tpu.memory_space<hbm>>
        %dma_start3A_65 = tpu.memref_squeeze %dma_start3A_64 : memref<1x632x128xbf16, #tpu.memory_space<hbm>> -> memref<632x128xbf16, #tpu.memory_space<hbm>>
        %dma_start3A_66 = arith.constant 0 : i32
        %dma_start3A_67 = tpu.memref_slice %arg14[%mul3A_0, %dma_start3A_66] : memref<10112x128xbf16, #tpu.memory_space<vmem_shared>> -> memref<632x128xbf16, #tpu.memory_space<vmem_shared>>
        tpu.enqueue_dma source(%dma_start3A_67 : memref<632x128xbf16, #tpu.memory_space<vmem_shared>>) target(%dma_start3A_65 : memref<632x128xbf16, #tpu.memory_space<hbm>>) target_semaphore(%run_scoped3A : memref<!tpu.dma_semaphore, #tpu.memory_space<semaphore_mem>>)
        %dma_wait3A = arith.constant 0 : i32
        %dma_wait3A_68 = tpu.memref_slice %arg5[%arg0, %mul3A_0, %dma_wait3A] : memref<2x10000x128xbf16, #tpu.memory_space<hbm>> -> memref<1x632x128xbf16, #tpu.memory_space<hbm>>
        %dma_wait3A_69 = tpu.memref_squeeze %dma_wait3A_68 : memref<1x632x128xbf16, #tpu.memory_space<hbm>> -> memref<632x128xbf16, #tpu.memory_space<hbm>>
        %dma_wait3A_70 = arith.constant 0 : i32
        %dma_wait3A_71 = tpu.memref_slice %arg14[%mul3A_0, %dma_wait3A_70] : memref<10112x128xbf16, #tpu.memory_space<vmem_shared>> -> memref<632x128xbf16, #tpu.memory_space<vmem_shared>>
        tpu.wait_dma2 semaphore(%run_scoped3A : memref<!tpu.dma_semaphore, #tpu.memory_space<semaphore_mem>>) src(%dma_wait3A_71 : memref<632x128xbf16, #tpu.memory_space<vmem_shared>>) dst(%dma_wait3A_69 : memref<632x128xbf16, #tpu.memory_space<hbm>>)
        tpu.yield
      }) : () -> ()
      "tpu.region"() ({
        %run_scoped3A = tpu.sem_alloc : memref<!tpu.dma_semaphore, #tpu.memory_space<semaphore_mem>>
        %dma_start3A_63 = arith.constant 0 : i32
        %dma_start3A_64 = tpu.memref_slice %arg6[%arg0, %mul3A_0, %dma_start3A_63] : memref<2x10000x32xbf16, #tpu.memory_space<hbm>> -> memref<1x632x32xbf16, #tpu.memory_space<hbm>>
        %dma_start3A_65 = tpu.memref_squeeze %dma_start3A_64 : memref<1x632x32xbf16, #tpu.memory_space<hbm>> -> memref<632x32xbf16, #tpu.memory_space<hbm>>
        %dma_start3A_66 = arith.constant 0 : i32
        %dma_start3A_67 = tpu.memref_slice %arg15[%mul3A_0, %dma_start3A_66] : memref<10112x32xbf16, #tpu.memory_space<vmem_shared>> -> memref<632x32xbf16, #tpu.memory_space<vmem_shared>>
        tpu.enqueue_dma source(%dma_start3A_67 : memref<632x32xbf16, #tpu.memory_space<vmem_shared>>) target(%dma_start3A_65 : memref<632x32xbf16, #tpu.memory_space<hbm>>) target_semaphore(%run_scoped3A : memref<!tpu.dma_semaphore, #tpu.memory_space<semaphore_mem>>)
        %dma_wait3A = arith.constant 0 : i32
        %dma_wait3A_68 = tpu.memref_slice %arg6[%arg0, %mul3A_0, %dma_wait3A] : memref<2x10000x32xbf16, #tpu.memory_space<hbm>> -> memref<1x632x32xbf16, #tpu.memory_space<hbm>>
        %dma_wait3A_69 = tpu.memref_squeeze %dma_wait3A_68 : memref<1x632x32xbf16, #tpu.memory_space<hbm>> -> memref<632x32xbf16, #tpu.memory_space<hbm>>
        %dma_wait3A_70 = arith.constant 0 : i32
        %dma_wait3A_71 = tpu.memref_slice %arg15[%mul3A_0, %dma_wait3A_70] : memref<10112x32xbf16, #tpu.memory_space<vmem_shared>> -> memref<632x32xbf16, #tpu.memory_space<vmem_shared>>
        tpu.wait_dma2 semaphore(%run_scoped3A : memref<!tpu.dma_semaphore, #tpu.memory_space<semaphore_mem>>) src(%dma_wait3A_71 : memref<632x32xbf16, #tpu.memory_space<vmem_shared>>) dst(%dma_wait3A_69 : memref<632x32xbf16, #tpu.memory_space<hbm>>)
        tpu.yield
      }) : () -> ()
    } else {
    }
    %eq3A = arith.constant 15 : i32
    %eq3A_59 = arith.cmpi eq, %arg1, %eq3A : i32
    %convert_element_type3A_60 = arith.extui %eq3A_59 : i1 to i32
    %cond3A_61 = arith.constant 0 : i32
    %cond3A_62 = arith.cmpi ne, %convert_element_type3A_60, %cond3A_61 : i32
    scf.if %cond3A_62 {
      "tpu.region"() ({
        %run_scoped3A = tpu.sem_alloc : memref<!tpu.dma_semaphore, #tpu.memory_space<semaphore_mem>>
        %dma_start3A_63 = arith.constant 0 : i32
        %dma_start3A_64 = tpu.memref_slice %arg5[%arg0, %mul3A_0, %dma_start3A_63] : memref<2x10000x128xbf16, #tpu.memory_space<hbm>> -> memref<1x520x128xbf16, #tpu.memory_space<hbm>>
        %dma_start3A_65 = tpu.memref_squeeze %dma_start3A_64 : memref<1x520x128xbf16, #tpu.memory_space<hbm>> -> memref<520x128xbf16, #tpu.memory_space<hbm>>
        %dma_start3A_66 = arith.constant 0 : i32
        %dma_start3A_67 = tpu.memref_slice %arg14[%mul3A_0, %dma_start3A_66] : memref<10112x128xbf16, #tpu.memory_space<vmem_shared>> -> memref<520x128xbf16, #tpu.memory_space<vmem_shared>>
        tpu.enqueue_dma source(%dma_start3A_67 : memref<520x128xbf16, #tpu.memory_space<vmem_shared>>) target(%dma_start3A_65 : memref<520x128xbf16, #tpu.memory_space<hbm>>) target_semaphore(%run_scoped3A : memref<!tpu.dma_semaphore, #tpu.memory_space<semaphore_mem>>)
        %dma_wait3A = arith.constant 0 : i32
        %dma_wait3A_68 = tpu.memref_slice %arg5[%arg0, %mul3A_0, %dma_wait3A] : memref<2x10000x128xbf16, #tpu.memory_space<hbm>> -> memref<1x520x128xbf16, #tpu.memory_space<hbm>>
        %dma_wait3A_69 = tpu.memref_squeeze %dma_wait3A_68 : memref<1x520x128xbf16, #tpu.memory_space<hbm>> -> memref<520x128xbf16, #tpu.memory_space<hbm>>
        %dma_wait3A_70 = arith.constant 0 : i32
        %dma_wait3A_71 = tpu.memref_slice %arg14[%mul3A_0, %dma_wait3A_70] : memref<10112x128xbf16, #tpu.memory_space<vmem_shared>> -> memref<520x128xbf16, #tpu.memory_space<vmem_shared>>
        tpu.wait_dma2 semaphore(%run_scoped3A : memref<!tpu.dma_semaphore, #tpu.memory_space<semaphore_mem>>) src(%dma_wait3A_71 : memref<520x128xbf16, #tpu.memory_space<vmem_shared>>) dst(%dma_wait3A_69 : memref<520x128xbf16, #tpu.memory_space<hbm>>)
        tpu.yield
      }) : () -> ()
      "tpu.region"() ({
        %run_scoped3A = tpu.sem_alloc : memref<!tpu.dma_semaphore, #tpu.memory_space<semaphore_mem>>
        %dma_start3A_63 = arith.constant 0 : i32
        %dma_start3A_64 = tpu.memref_slice %arg6[%arg0, %mul3A_0, %dma_start3A_63] : memref<2x10000x32xbf16, #tpu.memory_space<hbm>> -> memref<1x520x32xbf16, #tpu.memory_space<hbm>>
        %dma_start3A_65 = tpu.memref_squeeze %dma_start3A_64 : memref<1x520x32xbf16, #tpu.memory_space<hbm>> -> memref<520x32xbf16, #tpu.memory_space<hbm>>
        %dma_start3A_66 = arith.constant 0 : i32
        %dma_start3A_67 = tpu.memref_slice %arg15[%mul3A_0, %dma_start3A_66] : memref<10112x32xbf16, #tpu.memory_space<vmem_shared>> -> memref<520x32xbf16, #tpu.memory_space<vmem_shared>>
        tpu.enqueue_dma source(%dma_start3A_67 : memref<520x32xbf16, #tpu.memory_space<vmem_shared>>) target(%dma_start3A_65 : memref<520x32xbf16, #tpu.memory_space<hbm>>) target_semaphore(%run_scoped3A : memref<!tpu.dma_semaphore, #tpu.memory_space<semaphore_mem>>)
        %dma_wait3A = arith.constant 0 : i32
        %dma_wait3A_68 = tpu.memref_slice %arg6[%arg0, %mul3A_0, %dma_wait3A] : memref<2x10000x32xbf16, #tpu.memory_space<hbm>> -> memref<1x520x32xbf16, #tpu.memory_space<hbm>>
        %dma_wait3A_69 = tpu.memref_squeeze %dma_wait3A_68 : memref<1x520x32xbf16, #tpu.memory_space<hbm>> -> memref<520x32xbf16, #tpu.memory_space<hbm>>
        %dma_wait3A_70 = arith.constant 0 : i32
        %dma_wait3A_71 = tpu.memref_slice %arg15[%mul3A_0, %dma_wait3A_70] : memref<10112x32xbf16, #tpu.memory_space<vmem_shared>> -> memref<520x32xbf16, #tpu.memory_space<vmem_shared>>
        tpu.wait_dma2 semaphore(%run_scoped3A : memref<!tpu.dma_semaphore, #tpu.memory_space<semaphore_mem>>) src(%dma_wait3A_71 : memref<520x32xbf16, #tpu.memory_space<vmem_shared>>) dst(%dma_wait3A_69 : memref<520x32xbf16, #tpu.memory_space<hbm>>)
        tpu.yield
      }) : () -> ()
    } else {
    }
    return
  }
}

#map = affine_map<(d0, d1) -> (0, 0)>
#map1 = affine_map<(d0, d1) -> (0, 0, 0)>
module attributes {stable_mosaic.version = 14 : i64} {
  func.func @sc_agg(%arg0: i32, %arg1: i32, %arg2: memref<20000x128xbf16, #tpu.memory_space<hbm>>, %arg3: memref<1280x128xi32, #tpu.memory_space<hbm>>, %arg4: memref<1280x128xi32, #tpu.memory_space<hbm>>, %arg5: memref<2x10000x128xbf16, #tpu.memory_space<hbm>>, %arg6: memref<2x10000x32xbf16, #tpu.memory_space<hbm>>, %arg7: memref<8x128xi32, #tpu.memory_space<vmem>>, %arg8: memref<8x128xi32, #tpu.memory_space<vmem>>, %arg9: memref<8x128xi32, #tpu.memory_space<vmem>>, %arg10: memref<8x128xi32, #tpu.memory_space<vmem>>, %arg11: memref<128x128xbf16, #tpu.memory_space<vmem>>, %arg12: memref<128x128xbf16, #tpu.memory_space<vmem>>, %arg13: memref<128x32xbf16, #tpu.memory_space<vmem>>, %arg14: memref<10112x128xbf16, #tpu.memory_space<vmem_shared>>, %arg15: memref<10112x32xbf16, #tpu.memory_space<vmem_shared>>, %arg16: memref<!tpu.dma_semaphore, #tpu.memory_space<semaphore_mem>>, %arg17: memref<!tpu.dma_semaphore, #tpu.memory_space<semaphore_mem>>) attributes {dimension_semantics = [#tpu.dimension_semantics<core_parallel>, #tpu.dimension_semantics<subcore_parallel>], iteration_bounds = array<i64: 2, 16>, scalar_prefetch = 0 : i64, scratch_operands = 11 : i64, tpu.core_type = #tpu.core_type<sc_vector_subcore>, window_params = [{transform_indices = #map}, {transform_indices = #map}, {transform_indices = #map}, {transform_indices = #map1}, {transform_indices = #map1}]} {
    %mul3A = arith.constant 632 : i32
    %mul3A_0 = arith.muli %arg1, %mul3A : i32
    %broadcast_in_dim3A = arith.constant 0.000000e+00 : bf16
    %broadcast_in_dim3A_1 = vector.broadcast %broadcast_in_dim3A : bf16 to vector<32xbf16>
    %broadcast_in_dim3A_2 = arith.constant 1.000000e+00 : bf16
    %broadcast_in_dim3A_3 = vector.broadcast %broadcast_in_dim3A_2 : bf16 to vector<32xbf16>
    %scan3A = arith.constant 0 : i32
    %scan3A_4 = arith.constant 0 : i32
    %scan3A_5 = arith.constant 128 : i32
    %scan3A_6 = arith.addi %scan3A_4, %scan3A_5 : i32
    %scan3A_7 = arith.constant 1 : i32
    scf.for %scan3A_63 = %scan3A_4 to %scan3A_6 step %scan3A_7  : i32 {
      %swap3A = arith.index_cast %scan3A_63 : i32 to index
      %swap3A_64 = arith.constant 0 : index
      %swap3A_65 = tpu.vector_load %arg11[%swap3A, %swap3A_64] {strides = array<i32>} : memref<128x128xbf16, #tpu.memory_space<vmem>>, vector<32xbf16>,
      tpu.vector_store %arg11[%swap3A, %swap3A_64], %broadcast_in_dim3A_1 {strides = array<i32>} : memref<128x128xbf16, #tpu.memory_space<vmem>>, vector<32xbf16>,
      %swap3A_66 = arith.index_cast %scan3A_63 : i32 to index
      %swap3A_67 = arith.constant 32 : index
      %swap3A_68 = tpu.vector_load %arg11[%swap3A_66, %swap3A_67] {strides = array<i32>} : memref<128x128xbf16, #tpu.memory_space<vmem>>, vector<32xbf16>,
      tpu.vector_store %arg11[%swap3A_66, %swap3A_67], %broadcast_in_dim3A_1 {strides = array<i32>} : memref<128x128xbf16, #tpu.memory_space<vmem>>, vector<32xbf16>,
      %swap3A_69 = arith.index_cast %scan3A_63 : i32 to index
      %swap3A_70 = arith.constant 64 : index
      %swap3A_71 = tpu.vector_load %arg11[%swap3A_69, %swap3A_70] {strides = array<i32>} : memref<128x128xbf16, #tpu.memory_space<vmem>>, vector<32xbf16>,
      tpu.vector_store %arg11[%swap3A_69, %swap3A_70], %broadcast_in_dim3A_1 {strides = array<i32>} : memref<128x128xbf16, #tpu.memory_space<vmem>>, vector<32xbf16>,
      %swap3A_72 = arith.index_cast %scan3A_63 : i32 to index
      %swap3A_73 = arith.constant 96 : index
      %swap3A_74 = tpu.vector_load %arg11[%swap3A_72, %swap3A_73] {strides = array<i32>} : memref<128x128xbf16, #tpu.memory_space<vmem>>, vector<32xbf16>,
      tpu.vector_store %arg11[%swap3A_72, %swap3A_73], %broadcast_in_dim3A_1 {strides = array<i32>} : memref<128x128xbf16, #tpu.memory_space<vmem>>, vector<32xbf16>,
      %swap3A_75 = arith.index_cast %scan3A_63 : i32 to index
      %swap3A_76 = arith.constant 0 : index
      %swap3A_77 = tpu.vector_load %arg13[%swap3A_75, %swap3A_76] {strides = array<i32>} : memref<128x32xbf16, #tpu.memory_space<vmem>>, vector<32xbf16>,
      tpu.vector_store %arg13[%swap3A_75, %swap3A_76], %broadcast_in_dim3A_3 {strides = array<i32>} : memref<128x32xbf16, #tpu.memory_space<vmem>>, vector<32xbf16>,
    }
    %scan3A_8 = arith.constant 128 : i32
    %add3A = arith.constant 0 : i32
    %add3A_9 = arith.addi %mul3A_0, %add3A : i32
    "tpu.region"() ({
      %run_scoped3A = tpu.sem_alloc : memref<!tpu.dma_semaphore, #tpu.memory_space<semaphore_mem>>
      %dma_start3A_63 = arith.constant 0 : i32
      %dma_start3A_64 = tpu.memref_slice %arg14[%add3A_9, %dma_start3A_63] : memref<10112x128xbf16, #tpu.memory_space<vmem_shared>> -> memref<128x128xbf16, #tpu.memory_space<vmem_shared>>
      %dma_start3A_65 = arith.constant 0 : i32
      %dma_start3A_66 = tpu.memref_slice %arg14[%add3A_9, %dma_start3A_65] : memref<10112x128xbf16, #tpu.memory_space<vmem_shared>> -> memref<128x128xbf16, #tpu.memory_space<vmem_shared>>
      tpu.enqueue_dma source(%arg11 : memref<128x128xbf16, #tpu.memory_space<vmem>>) target(%dma_start3A_66 : memref<128x128xbf16, #tpu.memory_space<vmem_shared>>) target_semaphore(%run_scoped3A : memref<!tpu.dma_semaphore, #tpu.memory_space<semaphore_mem>>)
      %dma_wait3A = arith.constant 0 : i32
      %dma_wait3A_67 = tpu.memref_slice %arg14[%add3A_9, %dma_wait3A] : memref<10112x128xbf16, #tpu.memory_space<vmem_shared>> -> memref<128x128xbf16, #tpu.memory_space<vmem_shared>>
      %dma_wait3A_68 = arith.constant 0 : i32
      %dma_wait3A_69 = tpu.memref_slice %arg14[%add3A_9, %dma_wait3A_68] : memref<10112x128xbf16, #tpu.memory_space<vmem_shared>> -> memref<128x128xbf16, #tpu.memory_space<vmem_shared>>
      tpu.wait_dma2 semaphore(%run_scoped3A : memref<!tpu.dma_semaphore, #tpu.memory_space<semaphore_mem>>) src(%arg11 : memref<128x128xbf16, #tpu.memory_space<vmem>>) dst(%dma_wait3A_69 : memref<128x128xbf16, #tpu.memory_space<vmem_shared>>)
      tpu.yield
    }) : () -> ()
    %add3A_10 = arith.constant 128 : i32
    %add3A_11 = arith.addi %mul3A_0, %add3A_10 : i32
    "tpu.region"() ({
      %run_scoped3A = tpu.sem_alloc : memref<!tpu.dma_semaphore, #tpu.memory_space<semaphore_mem>>
      %dma_start3A_63 = arith.constant 0 : i32
      %dma_start3A_64 = tpu.memref_slice %arg14[%add3A_11, %dma_start3A_63] : memref<10112x128xbf16, #tpu.memory_space<vmem_shared>> -> memref<128x128xbf16, #tpu.memory_space<vmem_shared>>
      %dma_start3A_65 = arith.constant 0 : i32
      %dma_start3A_66 = tpu.memref_slice %arg14[%add3A_11, %dma_start3A_65] : memref<10112x128xbf16, #tpu.memory_space<vmem_shared>> -> memref<128x128xbf16, #tpu.memory_space<vmem_shared>>
      tpu.enqueue_dma source(%arg11 : memref<128x128xbf16, #tpu.memory_space<vmem>>) target(%dma_start3A_66 : memref<128x128xbf16, #tpu.memory_space<vmem_shared>>) target_semaphore(%run_scoped3A : memref<!tpu.dma_semaphore, #tpu.memory_space<semaphore_mem>>)
      %dma_wait3A = arith.constant 0 : i32
      %dma_wait3A_67 = tpu.memref_slice %arg14[%add3A_11, %dma_wait3A] : memref<10112x128xbf16, #tpu.memory_space<vmem_shared>> -> memref<128x128xbf16, #tpu.memory_space<vmem_shared>>
      %dma_wait3A_68 = arith.constant 0 : i32
      %dma_wait3A_69 = tpu.memref_slice %arg14[%add3A_11, %dma_wait3A_68] : memref<10112x128xbf16, #tpu.memory_space<vmem_shared>> -> memref<128x128xbf16, #tpu.memory_space<vmem_shared>>
      tpu.wait_dma2 semaphore(%run_scoped3A : memref<!tpu.dma_semaphore, #tpu.memory_space<semaphore_mem>>) src(%arg11 : memref<128x128xbf16, #tpu.memory_space<vmem>>) dst(%dma_wait3A_69 : memref<128x128xbf16, #tpu.memory_space<vmem_shared>>)
      tpu.yield
    }) : () -> ()
    %add3A_12 = arith.constant 256 : i32
    %add3A_13 = arith.addi %mul3A_0, %add3A_12 : i32
    "tpu.region"() ({
      %run_scoped3A = tpu.sem_alloc : memref<!tpu.dma_semaphore, #tpu.memory_space<semaphore_mem>>
      %dma_start3A_63 = arith.constant 0 : i32
      %dma_start3A_64 = tpu.memref_slice %arg14[%add3A_13, %dma_start3A_63] : memref<10112x128xbf16, #tpu.memory_space<vmem_shared>> -> memref<128x128xbf16, #tpu.memory_space<vmem_shared>>
      %dma_start3A_65 = arith.constant 0 : i32
      %dma_start3A_66 = tpu.memref_slice %arg14[%add3A_13, %dma_start3A_65] : memref<10112x128xbf16, #tpu.memory_space<vmem_shared>> -> memref<128x128xbf16, #tpu.memory_space<vmem_shared>>
      tpu.enqueue_dma source(%arg11 : memref<128x128xbf16, #tpu.memory_space<vmem>>) target(%dma_start3A_66 : memref<128x128xbf16, #tpu.memory_space<vmem_shared>>) target_semaphore(%run_scoped3A : memref<!tpu.dma_semaphore, #tpu.memory_space<semaphore_mem>>)
      %dma_wait3A = arith.constant 0 : i32
      %dma_wait3A_67 = tpu.memref_slice %arg14[%add3A_13, %dma_wait3A] : memref<10112x128xbf16, #tpu.memory_space<vmem_shared>> -> memref<128x128xbf16, #tpu.memory_space<vmem_shared>>
      %dma_wait3A_68 = arith.constant 0 : i32
      %dma_wait3A_69 = tpu.memref_slice %arg14[%add3A_13, %dma_wait3A_68] : memref<10112x128xbf16, #tpu.memory_space<vmem_shared>> -> memref<128x128xbf16, #tpu.memory_space<vmem_shared>>
      tpu.wait_dma2 semaphore(%run_scoped3A : memref<!tpu.dma_semaphore, #tpu.memory_space<semaphore_mem>>) src(%arg11 : memref<128x128xbf16, #tpu.memory_space<vmem>>) dst(%dma_wait3A_69 : memref<128x128xbf16, #tpu.memory_space<vmem_shared>>)
      tpu.yield
    }) : () -> ()
    %add3A_14 = arith.constant 384 : i32
    %add3A_15 = arith.addi %mul3A_0, %add3A_14 : i32
    "tpu.region"() ({
      %run_scoped3A = tpu.sem_alloc : memref<!tpu.dma_semaphore, #tpu.memory_space<semaphore_mem>>
      %dma_start3A_63 = arith.constant 0 : i32
      %dma_start3A_64 = tpu.memref_slice %arg14[%add3A_15, %dma_start3A_63] : memref<10112x128xbf16, #tpu.memory_space<vmem_shared>> -> memref<128x128xbf16, #tpu.memory_space<vmem_shared>>
      %dma_start3A_65 = arith.constant 0 : i32
      %dma_start3A_66 = tpu.memref_slice %arg14[%add3A_15, %dma_start3A_65] : memref<10112x128xbf16, #tpu.memory_space<vmem_shared>> -> memref<128x128xbf16, #tpu.memory_space<vmem_shared>>
      tpu.enqueue_dma source(%arg11 : memref<128x128xbf16, #tpu.memory_space<vmem>>) target(%dma_start3A_66 : memref<128x128xbf16, #tpu.memory_space<vmem_shared>>) target_semaphore(%run_scoped3A : memref<!tpu.dma_semaphore, #tpu.memory_space<semaphore_mem>>)
      %dma_wait3A = arith.constant 0 : i32
      %dma_wait3A_67 = tpu.memref_slice %arg14[%add3A_15, %dma_wait3A] : memref<10112x128xbf16, #tpu.memory_space<vmem_shared>> -> memref<128x128xbf16, #tpu.memory_space<vmem_shared>>
      %dma_wait3A_68 = arith.constant 0 : i32
      %dma_wait3A_69 = tpu.memref_slice %arg14[%add3A_15, %dma_wait3A_68] : memref<10112x128xbf16, #tpu.memory_space<vmem_shared>> -> memref<128x128xbf16, #tpu.memory_space<vmem_shared>>
      tpu.wait_dma2 semaphore(%run_scoped3A : memref<!tpu.dma_semaphore, #tpu.memory_space<semaphore_mem>>) src(%arg11 : memref<128x128xbf16, #tpu.memory_space<vmem>>) dst(%dma_wait3A_69 : memref<128x128xbf16, #tpu.memory_space<vmem_shared>>)
      tpu.yield
    }) : () -> ()
    %add3A_16 = arith.constant 512 : i32
    %add3A_17 = arith.addi %mul3A_0, %add3A_16 : i32
    "tpu.region"() ({
      %run_scoped3A = tpu.sem_alloc : memref<!tpu.dma_semaphore, #tpu.memory_space<semaphore_mem>>
      %dma_start3A_63 = arith.constant 0 : i32
      %dma_start3A_64 = arith.constant 0 : i32
      %dma_start3A_65 = tpu.memref_slice %arg11[%dma_start3A_63, %dma_start3A_64] : memref<128x128xbf16, #tpu.memory_space<vmem>> -> memref<120x128xbf16, #tpu.memory_space<vmem>>
      %dma_start3A_66 = arith.constant 0 : i32
      %dma_start3A_67 = tpu.memref_slice %arg14[%add3A_17, %dma_start3A_66] : memref<10112x128xbf16, #tpu.memory_space<vmem_shared>> -> memref<120x128xbf16, #tpu.memory_space<vmem_shared>>
      %dma_start3A_68 = arith.constant 0 : i32
      %dma_start3A_69 = tpu.memref_slice %arg14[%add3A_17, %dma_start3A_68] : memref<10112x128xbf16, #tpu.memory_space<vmem_shared>> -> memref<120x128xbf16, #tpu.memory_space<vmem_shared>>
      %dma_start3A_70 = arith.constant 0 : i32
      %dma_start3A_71 = arith.constant 0 : i32
      %dma_start3A_72 = tpu.memref_slice %arg11[%dma_start3A_70, %dma_start3A_71] : memref<128x128xbf16, #tpu.memory_space<vmem>> -> memref<120x128xbf16, #tpu.memory_space<vmem>>
      tpu.enqueue_dma source(%dma_start3A_72 : memref<120x128xbf16, #tpu.memory_space<vmem>>) target(%dma_start3A_69 : memref<120x128xbf16, #tpu.memory_space<vmem_shared>>) target_semaphore(%run_scoped3A : memref<!tpu.dma_semaphore, #tpu.memory_space<semaphore_mem>>)
      %dma_wait3A = arith.constant 0 : i32
      %dma_wait3A_73 = arith.constant 0 : i32
      %dma_wait3A_74 = tpu.memref_slice %arg11[%dma_wait3A, %dma_wait3A_73] : memref<128x128xbf16, #tpu.memory_space<vmem>> -> memref<120x128xbf16, #tpu.memory_space<vmem>>
      %dma_wait3A_75 = arith.constant 0 : i32
      %dma_wait3A_76 = tpu.memref_slice %arg14[%add3A_17, %dma_wait3A_75] : memref<10112x128xbf16, #tpu.memory_space<vmem_shared>> -> memref<120x128xbf16, #tpu.memory_space<vmem_shared>>
      %dma_wait3A_77 = arith.constant 0 : i32
      %dma_wait3A_78 = tpu.memref_slice %arg14[%add3A_17, %dma_wait3A_77] : memref<10112x128xbf16, #tpu.memory_space<vmem_shared>> -> memref<120x128xbf16, #tpu.memory_space<vmem_shared>>
      %dma_wait3A_79 = arith.constant 0 : i32
      %dma_wait3A_80 = arith.constant 0 : i32
      %dma_wait3A_81 = tpu.memref_slice %arg11[%dma_wait3A_79, %dma_wait3A_80] : memref<128x128xbf16, #tpu.memory_space<vmem>> -> memref<120x128xbf16, #tpu.memory_space<vmem>>
      tpu.wait_dma2 semaphore(%run_scoped3A : memref<!tpu.dma_semaphore, #tpu.memory_space<semaphore_mem>>) src(%dma_wait3A_81 : memref<120x128xbf16, #tpu.memory_space<vmem>>) dst(%dma_wait3A_78 : memref<120x128xbf16, #tpu.memory_space<vmem_shared>>)
      tpu.yield
    }) : () -> ()
    %add3A_18 = arith.constant 0 : i32
    %add3A_19 = arith.addi %mul3A_0, %add3A_18 : i32
    "tpu.region"() ({
      %run_scoped3A = tpu.sem_alloc : memref<!tpu.dma_semaphore, #tpu.memory_space<semaphore_mem>>
      %dma_start3A_63 = arith.constant 0 : i32
      %dma_start3A_64 = arith.constant 0 : i32
      %dma_start3A_65 = tpu.memref_slice %arg11[%dma_start3A_63, %dma_start3A_64] : memref<128x128xbf16, #tpu.memory_space<vmem>> -> memref<128x32xbf16, #tpu.memory_space<vmem>>
      %dma_start3A_66 = arith.constant 0 : i32
      %dma_start3A_67 = tpu.memref_slice %arg15[%add3A_19, %dma_start3A_66] : memref<10112x32xbf16, #tpu.memory_space<vmem_shared>> -> memref<128x32xbf16, #tpu.memory_space<vmem_shared>>
      %dma_start3A_68 = arith.constant 0 : i32
      %dma_start3A_69 = tpu.memref_slice %arg15[%add3A_19, %dma_start3A_68] : memref<10112x32xbf16, #tpu.memory_space<vmem_shared>> -> memref<128x32xbf16, #tpu.memory_space<vmem_shared>>
      %dma_start3A_70 = arith.constant 0 : i32
      %dma_start3A_71 = arith.constant 0 : i32
      %dma_start3A_72 = tpu.memref_slice %arg11[%dma_start3A_70, %dma_start3A_71] : memref<128x128xbf16, #tpu.memory_space<vmem>> -> memref<128x32xbf16, #tpu.memory_space<vmem>>
      tpu.enqueue_dma source(%dma_start3A_72 : memref<128x32xbf16, #tpu.memory_space<vmem>>) target(%dma_start3A_69 : memref<128x32xbf16, #tpu.memory_space<vmem_shared>>) target_semaphore(%run_scoped3A : memref<!tpu.dma_semaphore, #tpu.memory_space<semaphore_mem>>)
      %dma_wait3A = arith.constant 0 : i32
      %dma_wait3A_73 = arith.constant 0 : i32
      %dma_wait3A_74 = tpu.memref_slice %arg11[%dma_wait3A, %dma_wait3A_73] : memref<128x128xbf16, #tpu.memory_space<vmem>> -> memref<128x32xbf16, #tpu.memory_space<vmem>>
      %dma_wait3A_75 = arith.constant 0 : i32
      %dma_wait3A_76 = tpu.memref_slice %arg15[%add3A_19, %dma_wait3A_75] : memref<10112x32xbf16, #tpu.memory_space<vmem_shared>> -> memref<128x32xbf16, #tpu.memory_space<vmem_shared>>
      %dma_wait3A_77 = arith.constant 0 : i32
      %dma_wait3A_78 = tpu.memref_slice %arg15[%add3A_19, %dma_wait3A_77] : memref<10112x32xbf16, #tpu.memory_space<vmem_shared>> -> memref<128x32xbf16, #tpu.memory_space<vmem_shared>>
      %dma_wait3A_79 = arith.constant 0 : i32
      %dma_wait3A_80 = arith.constant 0 : i32
      %dma_wait3A_81 = tpu.memref_slice %arg11[%dma_wait3A_79, %dma_wait3A_80] : memref<128x128xbf16, #tpu.memory_space<vmem>> -> memref<128x32xbf16, #tpu.memory_space<vmem>>
      tpu.wait_dma2 semaphore(%run_scoped3A : memref<!tpu.dma_semaphore, #tpu.memory_space<semaphore_mem>>) src(%dma_wait3A_81 : memref<128x32xbf16, #tpu.memory_space<vmem>>) dst(%dma_wait3A_78 : memref<128x32xbf16, #tpu.memory_space<vmem_shared>>)
      tpu.yield
    }) : () -> ()
    %add3A_20 = arith.constant 128 : i32
    %add3A_21 = arith.addi %mul3A_0, %add3A_20 : i32
    "tpu.region"() ({
      %run_scoped3A = tpu.sem_alloc : memref<!tpu.dma_semaphore, #tpu.memory_space<semaphore_mem>>
      %dma_start3A_63 = arith.constant 0 : i32
      %dma_start3A_64 = arith.constant 0 : i32
      %dma_start3A_65 = tpu.memref_slice %arg11[%dma_start3A_63, %dma_start3A_64] : memref<128x128xbf16, #tpu.memory_space<vmem>> -> memref<128x32xbf16, #tpu.memory_space<vmem>>
      %dma_start3A_66 = arith.constant 0 : i32
      %dma_start3A_67 = tpu.memref_slice %arg15[%add3A_21, %dma_start3A_66] : memref<10112x32xbf16, #tpu.memory_space<vmem_shared>> -> memref<128x32xbf16, #tpu.memory_space<vmem_shared>>
      %dma_start3A_68 = arith.constant 0 : i32
      %dma_start3A_69 = tpu.memref_slice %arg15[%add3A_21, %dma_start3A_68] : memref<10112x32xbf16, #tpu.memory_space<vmem_shared>> -> memref<128x32xbf16, #tpu.memory_space<vmem_shared>>
      %dma_start3A_70 = arith.constant 0 : i32
      %dma_start3A_71 = arith.constant 0 : i32
      %dma_start3A_72 = tpu.memref_slice %arg11[%dma_start3A_70, %dma_start3A_71] : memref<128x128xbf16, #tpu.memory_space<vmem>> -> memref<128x32xbf16, #tpu.memory_space<vmem>>
      tpu.enqueue_dma source(%dma_start3A_72 : memref<128x32xbf16, #tpu.memory_space<vmem>>) target(%dma_start3A_69 : memref<128x32xbf16, #tpu.memory_space<vmem_shared>>) target_semaphore(%run_scoped3A : memref<!tpu.dma_semaphore, #tpu.memory_space<semaphore_mem>>)
      %dma_wait3A = arith.constant 0 : i32
      %dma_wait3A_73 = arith.constant 0 : i32
      %dma_wait3A_74 = tpu.memref_slice %arg11[%dma_wait3A, %dma_wait3A_73] : memref<128x128xbf16, #tpu.memory_space<vmem>> -> memref<128x32xbf16, #tpu.memory_space<vmem>>
      %dma_wait3A_75 = arith.constant 0 : i32
      %dma_wait3A_76 = tpu.memref_slice %arg15[%add3A_21, %dma_wait3A_75] : memref<10112x32xbf16, #tpu.memory_space<vmem_shared>> -> memref<128x32xbf16, #tpu.memory_space<vmem_shared>>
      %dma_wait3A_77 = arith.constant 0 : i32
      %dma_wait3A_78 = tpu.memref_slice %arg15[%add3A_21, %dma_wait3A_77] : memref<10112x32xbf16, #tpu.memory_space<vmem_shared>> -> memref<128x32xbf16, #tpu.memory_space<vmem_shared>>
      %dma_wait3A_79 = arith.constant 0 : i32
      %dma_wait3A_80 = arith.constant 0 : i32
      %dma_wait3A_81 = tpu.memref_slice %arg11[%dma_wait3A_79, %dma_wait3A_80] : memref<128x128xbf16, #tpu.memory_space<vmem>> -> memref<128x32xbf16, #tpu.memory_space<vmem>>
      tpu.wait_dma2 semaphore(%run_scoped3A : memref<!tpu.dma_semaphore, #tpu.memory_space<semaphore_mem>>) src(%dma_wait3A_81 : memref<128x32xbf16, #tpu.memory_space<vmem>>) dst(%dma_wait3A_78 : memref<128x32xbf16, #tpu.memory_space<vmem_shared>>)
      tpu.yield
    }) : () -> ()
    %add3A_22 = arith.constant 256 : i32
    %add3A_23 = arith.addi %mul3A_0, %add3A_22 : i32
    "tpu.region"() ({
      %run_scoped3A = tpu.sem_alloc : memref<!tpu.dma_semaphore, #tpu.memory_space<semaphore_mem>>
      %dma_start3A_63 = arith.constant 0 : i32
      %dma_start3A_64 = arith.constant 0 : i32
      %dma_start3A_65 = tpu.memref_slice %arg11[%dma_start3A_63, %dma_start3A_64] : memref<128x128xbf16, #tpu.memory_space<vmem>> -> memref<128x32xbf16, #tpu.memory_space<vmem>>
      %dma_start3A_66 = arith.constant 0 : i32
      %dma_start3A_67 = tpu.memref_slice %arg15[%add3A_23, %dma_start3A_66] : memref<10112x32xbf16, #tpu.memory_space<vmem_shared>> -> memref<128x32xbf16, #tpu.memory_space<vmem_shared>>
      %dma_start3A_68 = arith.constant 0 : i32
      %dma_start3A_69 = tpu.memref_slice %arg15[%add3A_23, %dma_start3A_68] : memref<10112x32xbf16, #tpu.memory_space<vmem_shared>> -> memref<128x32xbf16, #tpu.memory_space<vmem_shared>>
      %dma_start3A_70 = arith.constant 0 : i32
      %dma_start3A_71 = arith.constant 0 : i32
      %dma_start3A_72 = tpu.memref_slice %arg11[%dma_start3A_70, %dma_start3A_71] : memref<128x128xbf16, #tpu.memory_space<vmem>> -> memref<128x32xbf16, #tpu.memory_space<vmem>>
      tpu.enqueue_dma source(%dma_start3A_72 : memref<128x32xbf16, #tpu.memory_space<vmem>>) target(%dma_start3A_69 : memref<128x32xbf16, #tpu.memory_space<vmem_shared>>) target_semaphore(%run_scoped3A : memref<!tpu.dma_semaphore, #tpu.memory_space<semaphore_mem>>)
      %dma_wait3A = arith.constant 0 : i32
      %dma_wait3A_73 = arith.constant 0 : i32
      %dma_wait3A_74 = tpu.memref_slice %arg11[%dma_wait3A, %dma_wait3A_73] : memref<128x128xbf16, #tpu.memory_space<vmem>> -> memref<128x32xbf16, #tpu.memory_space<vmem>>
      %dma_wait3A_75 = arith.constant 0 : i32
      %dma_wait3A_76 = tpu.memref_slice %arg15[%add3A_23, %dma_wait3A_75] : memref<10112x32xbf16, #tpu.memory_space<vmem_shared>> -> memref<128x32xbf16, #tpu.memory_space<vmem_shared>>
      %dma_wait3A_77 = arith.constant 0 : i32
      %dma_wait3A_78 = tpu.memref_slice %arg15[%add3A_23, %dma_wait3A_77] : memref<10112x32xbf16, #tpu.memory_space<vmem_shared>> -> memref<128x32xbf16, #tpu.memory_space<vmem_shared>>
      %dma_wait3A_79 = arith.constant 0 : i32
      %dma_wait3A_80 = arith.constant 0 : i32
      %dma_wait3A_81 = tpu.memref_slice %arg11[%dma_wait3A_79, %dma_wait3A_80] : memref<128x128xbf16, #tpu.memory_space<vmem>> -> memref<128x32xbf16, #tpu.memory_space<vmem>>
      tpu.wait_dma2 semaphore(%run_scoped3A : memref<!tpu.dma_semaphore, #tpu.memory_space<semaphore_mem>>) src(%dma_wait3A_81 : memref<128x32xbf16, #tpu.memory_space<vmem>>) dst(%dma_wait3A_78 : memref<128x32xbf16, #tpu.memory_space<vmem_shared>>)
      tpu.yield
    }) : () -> ()
    %add3A_24 = arith.constant 384 : i32
    %add3A_25 = arith.addi %mul3A_0, %add3A_24 : i32
    "tpu.region"() ({
      %run_scoped3A = tpu.sem_alloc : memref<!tpu.dma_semaphore, #tpu.memory_space<semaphore_mem>>
      %dma_start3A_63 = arith.constant 0 : i32
      %dma_start3A_64 = arith.constant 0 : i32
      %dma_start3A_65 = tpu.memref_slice %arg11[%dma_start3A_63, %dma_start3A_64] : memref<128x128xbf16, #tpu.memory_space<vmem>> -> memref<128x32xbf16, #tpu.memory_space<vmem>>
      %dma_start3A_66 = arith.constant 0 : i32
      %dma_start3A_67 = tpu.memref_slice %arg15[%add3A_25, %dma_start3A_66] : memref<10112x32xbf16, #tpu.memory_space<vmem_shared>> -> memref<128x32xbf16, #tpu.memory_space<vmem_shared>>
      %dma_start3A_68 = arith.constant 0 : i32
      %dma_start3A_69 = tpu.memref_slice %arg15[%add3A_25, %dma_start3A_68] : memref<10112x32xbf16, #tpu.memory_space<vmem_shared>> -> memref<128x32xbf16, #tpu.memory_space<vmem_shared>>
      %dma_start3A_70 = arith.constant 0 : i32
      %dma_start3A_71 = arith.constant 0 : i32
      %dma_start3A_72 = tpu.memref_slice %arg11[%dma_start3A_70, %dma_start3A_71] : memref<128x128xbf16, #tpu.memory_space<vmem>> -> memref<128x32xbf16, #tpu.memory_space<vmem>>
      tpu.enqueue_dma source(%dma_start3A_72 : memref<128x32xbf16, #tpu.memory_space<vmem>>) target(%dma_start3A_69 : memref<128x32xbf16, #tpu.memory_space<vmem_shared>>) target_semaphore(%run_scoped3A : memref<!tpu.dma_semaphore, #tpu.memory_space<semaphore_mem>>)
      %dma_wait3A = arith.constant 0 : i32
      %dma_wait3A_73 = arith.constant 0 : i32
      %dma_wait3A_74 = tpu.memref_slice %arg11[%dma_wait3A, %dma_wait3A_73] : memref<128x128xbf16, #tpu.memory_space<vmem>> -> memref<128x32xbf16, #tpu.memory_space<vmem>>
      %dma_wait3A_75 = arith.constant 0 : i32
      %dma_wait3A_76 = tpu.memref_slice %arg15[%add3A_25, %dma_wait3A_75] : memref<10112x32xbf16, #tpu.memory_space<vmem_shared>> -> memref<128x32xbf16, #tpu.memory_space<vmem_shared>>
      %dma_wait3A_77 = arith.constant 0 : i32
      %dma_wait3A_78 = tpu.memref_slice %arg15[%add3A_25, %dma_wait3A_77] : memref<10112x32xbf16, #tpu.memory_space<vmem_shared>> -> memref<128x32xbf16, #tpu.memory_space<vmem_shared>>
      %dma_wait3A_79 = arith.constant 0 : i32
      %dma_wait3A_80 = arith.constant 0 : i32
      %dma_wait3A_81 = tpu.memref_slice %arg11[%dma_wait3A_79, %dma_wait3A_80] : memref<128x128xbf16, #tpu.memory_space<vmem>> -> memref<128x32xbf16, #tpu.memory_space<vmem>>
      tpu.wait_dma2 semaphore(%run_scoped3A : memref<!tpu.dma_semaphore, #tpu.memory_space<semaphore_mem>>) src(%dma_wait3A_81 : memref<128x32xbf16, #tpu.memory_space<vmem>>) dst(%dma_wait3A_78 : memref<128x32xbf16, #tpu.memory_space<vmem_shared>>)
      tpu.yield
    }) : () -> ()
    %add3A_26 = arith.constant 512 : i32
    %add3A_27 = arith.addi %mul3A_0, %add3A_26 : i32
    "tpu.region"() ({
      %run_scoped3A = tpu.sem_alloc : memref<!tpu.dma_semaphore, #tpu.memory_space<semaphore_mem>>
      %dma_start3A_63 = arith.constant 0 : i32
      %dma_start3A_64 = arith.constant 0 : i32
      %dma_start3A_65 = tpu.memref_slice %arg11[%dma_start3A_63, %dma_start3A_64] : memref<128x128xbf16, #tpu.memory_space<vmem>> -> memref<120x32xbf16, #tpu.memory_space<vmem>>
      %dma_start3A_66 = arith.constant 0 : i32
      %dma_start3A_67 = tpu.memref_slice %arg15[%add3A_27, %dma_start3A_66] : memref<10112x32xbf16, #tpu.memory_space<vmem_shared>> -> memref<120x32xbf16, #tpu.memory_space<vmem_shared>>
      %dma_start3A_68 = arith.constant 0 : i32
      %dma_start3A_69 = tpu.memref_slice %arg15[%add3A_27, %dma_start3A_68] : memref<10112x32xbf16, #tpu.memory_space<vmem_shared>> -> memref<120x32xbf16, #tpu.memory_space<vmem_shared>>
      %dma_start3A_70 = arith.constant 0 : i32
      %dma_start3A_71 = arith.constant 0 : i32
      %dma_start3A_72 = tpu.memref_slice %arg11[%dma_start3A_70, %dma_start3A_71] : memref<128x128xbf16, #tpu.memory_space<vmem>> -> memref<120x32xbf16, #tpu.memory_space<vmem>>
      tpu.enqueue_dma source(%dma_start3A_72 : memref<120x32xbf16, #tpu.memory_space<vmem>>) target(%dma_start3A_69 : memref<120x32xbf16, #tpu.memory_space<vmem_shared>>) target_semaphore(%run_scoped3A : memref<!tpu.dma_semaphore, #tpu.memory_space<semaphore_mem>>)
      %dma_wait3A = arith.constant 0 : i32
      %dma_wait3A_73 = arith.constant 0 : i32
      %dma_wait3A_74 = tpu.memref_slice %arg11[%dma_wait3A, %dma_wait3A_73] : memref<128x128xbf16, #tpu.memory_space<vmem>> -> memref<120x32xbf16, #tpu.memory_space<vmem>>
      %dma_wait3A_75 = arith.constant 0 : i32
      %dma_wait3A_76 = tpu.memref_slice %arg15[%add3A_27, %dma_wait3A_75] : memref<10112x32xbf16, #tpu.memory_space<vmem_shared>> -> memref<120x32xbf16, #tpu.memory_space<vmem_shared>>
      %dma_wait3A_77 = arith.constant 0 : i32
      %dma_wait3A_78 = tpu.memref_slice %arg15[%add3A_27, %dma_wait3A_77] : memref<10112x32xbf16, #tpu.memory_space<vmem_shared>> -> memref<120x32xbf16, #tpu.memory_space<vmem_shared>>
      %dma_wait3A_79 = arith.constant 0 : i32
      %dma_wait3A_80 = arith.constant 0 : i32
      %dma_wait3A_81 = tpu.memref_slice %arg11[%dma_wait3A_79, %dma_wait3A_80] : memref<128x128xbf16, #tpu.memory_space<vmem>> -> memref<120x32xbf16, #tpu.memory_space<vmem>>
      tpu.wait_dma2 semaphore(%run_scoped3A : memref<!tpu.dma_semaphore, #tpu.memory_space<semaphore_mem>>) src(%dma_wait3A_81 : memref<120x32xbf16, #tpu.memory_space<vmem>>) dst(%dma_wait3A_78 : memref<120x32xbf16, #tpu.memory_space<vmem_shared>>)
      tpu.yield
    }) : () -> ()
    %mul3A_28 = arith.constant 80 : i32
    %mul3A_29 = arith.muli %arg1, %mul3A_28 : i32
    %broadcast_in_dim3A_30 = arith.constant 0 : i32
    %broadcast_in_dim3A_31 = vector.broadcast %broadcast_in_dim3A_30 : i32 to vector<16xi32>
    %add3A_32 = vector.broadcast %arg0 : i32 to vector<16xi32>
    %add3A_33 = arith.addi %broadcast_in_dim3A_31, %add3A_32 : vector<16xi32>
    %add3A_34 = arith.constant 0 : i32
    %add3A_35 = arith.addi %mul3A_29, %add3A_34 : i32
    "tpu.region"() ({
      %run_scoped3A = tpu.sem_alloc : memref<!tpu.dma_semaphore, #tpu.memory_space<semaphore_mem>>
      %dma_start3A_63 = arith.constant 0 : i32
      %dma_start3A_64 = tpu.memref_slice %arg3[%add3A_35, %dma_start3A_63] : memref<1280x128xi32, #tpu.memory_space<hbm>> -> memref<8x128xi32, #tpu.memory_space<hbm>>
      %dma_start3A_65 = arith.constant 0 : i32
      %dma_start3A_66 = tpu.memref_slice %arg3[%add3A_35, %dma_start3A_65] : memref<1280x128xi32, #tpu.memory_space<hbm>> -> memref<8x128xi32, #tpu.memory_space<hbm>>
      tpu.enqueue_dma source(%dma_start3A_66 : memref<8x128xi32, #tpu.memory_space<hbm>>) target(%arg7 : memref<8x128xi32, #tpu.memory_space<vmem>>) target_semaphore(%run_scoped3A : memref<!tpu.dma_semaphore, #tpu.memory_space<semaphore_mem>>)
      %dma_wait3A = arith.constant 0 : i32
      %dma_wait3A_67 = tpu.memref_slice %arg3[%add3A_35, %dma_wait3A] : memref<1280x128xi32, #tpu.memory_space<hbm>> -> memref<8x128xi32, #tpu.memory_space<hbm>>
      %dma_wait3A_68 = arith.constant 0 : i32
      %dma_wait3A_69 = tpu.memref_slice %arg3[%add3A_35, %dma_wait3A_68] : memref<1280x128xi32, #tpu.memory_space<hbm>> -> memref<8x128xi32, #tpu.memory_space<hbm>>
      tpu.wait_dma2 semaphore(%run_scoped3A : memref<!tpu.dma_semaphore, #tpu.memory_space<semaphore_mem>>) src(%dma_wait3A_69 : memref<8x128xi32, #tpu.memory_space<hbm>>) dst(%arg7 : memref<8x128xi32, #tpu.memory_space<vmem>>)
      tpu.yield
    }) : () -> ()
    %add3A_36 = arith.constant 0 : i32
    %add3A_37 = arith.addi %mul3A_29, %add3A_36 : i32
    "tpu.region"() ({
      %run_scoped3A = tpu.sem_alloc : memref<!tpu.dma_semaphore, #tpu.memory_space<semaphore_mem>>
      %dma_start3A_63 = arith.constant 0 : i32
      %dma_start3A_64 = tpu.memref_slice %arg4[%add3A_37, %dma_start3A_63] : memref<1280x128xi32, #tpu.memory_space<hbm>> -> memref<8x128xi32, #tpu.memory_space<hbm>>
      %dma_start3A_65 = arith.constant 0 : i32
      %dma_start3A_66 = tpu.memref_slice %arg4[%add3A_37, %dma_start3A_65] : memref<1280x128xi32, #tpu.memory_space<hbm>> -> memref<8x128xi32, #tpu.memory_space<hbm>>
      tpu.enqueue_dma source(%dma_start3A_66 : memref<8x128xi32, #tpu.memory_space<hbm>>) target(%arg8 : memref<8x128xi32, #tpu.memory_space<vmem>>) target_semaphore(%run_scoped3A : memref<!tpu.dma_semaphore, #tpu.memory_space<semaphore_mem>>)
      %dma_wait3A = arith.constant 0 : i32
      %dma_wait3A_67 = tpu.memref_slice %arg4[%add3A_37, %dma_wait3A] : memref<1280x128xi32, #tpu.memory_space<hbm>> -> memref<8x128xi32, #tpu.memory_space<hbm>>
      %dma_wait3A_68 = arith.constant 0 : i32
      %dma_wait3A_69 = tpu.memref_slice %arg4[%add3A_37, %dma_wait3A_68] : memref<1280x128xi32, #tpu.memory_space<hbm>> -> memref<8x128xi32, #tpu.memory_space<hbm>>
      tpu.wait_dma2 semaphore(%run_scoped3A : memref<!tpu.dma_semaphore, #tpu.memory_space<semaphore_mem>>) src(%dma_wait3A_69 : memref<8x128xi32, #tpu.memory_space<hbm>>) dst(%arg8 : memref<8x128xi32, #tpu.memory_space<vmem>>)
      tpu.yield
    }) : () -> ()
    %scan3A_38 = arith.constant 0 : i32
    %scan3A_39 = arith.constant 0 : i32
    %scan3A_40 = arith.constant 8 : i32
    %scan3A_41 = arith.addi %scan3A_39, %scan3A_40 : i32
    %scan3A_42 = arith.constant 1 : i32
    scf.for %scan3A_63 = %scan3A_39 to %scan3A_41 step %scan3A_42  : i32 {
      %get3A = arith.index_cast %scan3A_63 : i32 to index
      %get3A_64 = arith.constant 0 : index
      %get3A_65 = tpu.vector_load %arg7[%get3A, %get3A_64] {strides = array<i32>} : memref<8x128xi32, #tpu.memory_space<vmem>>, vector<16xi32>,
      %add3A_66 = arith.addi %get3A_65, %get3A_65 : vector<16xi32>
      %add3A_67 = arith.addi %add3A_66, %add3A_33 : vector<16xi32>
      %swap3A = arith.index_cast %scan3A_63 : i32 to index
      %swap3A_68 = arith.constant 0 : index
      %swap3A_69 = tpu.vector_load %arg7[%swap3A, %swap3A_68] {strides = array<i32>} : memref<8x128xi32, #tpu.memory_space<vmem>>, vector<16xi32>,
      tpu.vector_store %arg7[%swap3A, %swap3A_68], %add3A_67 {strides = array<i32>} : memref<8x128xi32, #tpu.memory_space<vmem>>, vector<16xi32>,
      %get3A_70 = arith.index_cast %scan3A_63 : i32 to index
      %get3A_71 = arith.constant 16 : index
      %get3A_72 = tpu.vector_load %arg7[%get3A_70, %get3A_71] {strides = array<i32>} : memref<8x128xi32, #tpu.memory_space<vmem>>, vector<16xi32>,
      %add3A_73 = arith.addi %get3A_72, %get3A_72 : vector<16xi32>
      %add3A_74 = arith.addi %add3A_73, %add3A_33 : vector<16xi32>
      %swap3A_75 = arith.index_cast %scan3A_63 : i32 to index
      %swap3A_76 = arith.constant 16 : index
      %swap3A_77 = tpu.vector_load %arg7[%swap3A_75, %swap3A_76] {strides = array<i32>} : memref<8x128xi32, #tpu.memory_space<vmem>>, vector<16xi32>,
      tpu.vector_store %arg7[%swap3A_75, %swap3A_76], %add3A_74 {strides = array<i32>} : memref<8x128xi32, #tpu.memory_space<vmem>>, vector<16xi32>,
      %get3A_78 = arith.index_cast %scan3A_63 : i32 to index
      %get3A_79 = arith.constant 32 : index
      %get3A_80 = tpu.vector_load %arg7[%get3A_78, %get3A_79] {strides = array<i32>} : memref<8x128xi32, #tpu.memory_space<vmem>>, vector<16xi32>,
      %add3A_81 = arith.addi %get3A_80, %get3A_80 : vector<16xi32>
      %add3A_82 = arith.addi %add3A_81, %add3A_33 : vector<16xi32>
      %swap3A_83 = arith.index_cast %scan3A_63 : i32 to index
      %swap3A_84 = arith.constant 32 : index
      %swap3A_85 = tpu.vector_load %arg7[%swap3A_83, %swap3A_84] {strides = array<i32>} : memref<8x128xi32, #tpu.memory_space<vmem>>, vector<16xi32>,
      tpu.vector_store %arg7[%swap3A_83, %swap3A_84], %add3A_82 {strides = array<i32>} : memref<8x128xi32, #tpu.memory_space<vmem>>, vector<16xi32>,
      %get3A_86 = arith.index_cast %scan3A_63 : i32 to index
      %get3A_87 = arith.constant 48 : index
      %get3A_88 = tpu.vector_load %arg7[%get3A_86, %get3A_87] {strides = array<i32>} : memref<8x128xi32, #tpu.memory_space<vmem>>, vector<16xi32>,
      %add3A_89 = arith.addi %get3A_88, %get3A_88 : vector<16xi32>
      %add3A_90 = arith.addi %add3A_89, %add3A_33 : vector<16xi32>
      %swap3A_91 = arith.index_cast %scan3A_63 : i32 to index
      %swap3A_92 = arith.constant 48 : index
      %swap3A_93 = tpu.vector_load %arg7[%swap3A_91, %swap3A_92] {strides = array<i32>} : memref<8x128xi32, #tpu.memory_space<vmem>>, vector<16xi32>,
      tpu.vector_store %arg7[%swap3A_91, %swap3A_92], %add3A_90 {strides = array<i32>} : memref<8x128xi32, #tpu.memory_space<vmem>>, vector<16xi32>,
      %get3A_94 = arith.index_cast %scan3A_63 : i32 to index
      %get3A_95 = arith.constant 64 : index
      %get3A_96 = tpu.vector_load %arg7[%get3A_94, %get3A_95] {strides = array<i32>} : memref<8x128xi32, #tpu.memory_space<vmem>>, vector<16xi32>,
      %add3A_97 = arith.addi %get3A_96, %get3A_96 : vector<16xi32>
      %add3A_98 = arith.addi %add3A_97, %add3A_33 : vector<16xi32>
      %swap3A_99 = arith.index_cast %scan3A_63 : i32 to index
      %swap3A_100 = arith.constant 64 : index
      %swap3A_101 = tpu.vector_load %arg7[%swap3A_99, %swap3A_100] {strides = array<i32>} : memref<8x128xi32, #tpu.memory_space<vmem>>, vector<16xi32>,
      tpu.vector_store %arg7[%swap3A_99, %swap3A_100], %add3A_98 {strides = array<i32>} : memref<8x128xi32, #tpu.memory_space<vmem>>, vector<16xi32>,
      %get3A_102 = arith.index_cast %scan3A_63 : i32 to index
      %get3A_103 = arith.constant 80 : index
      %get3A_104 = tpu.vector_load %arg7[%get3A_102, %get3A_103] {strides = array<i32>} : memref<8x128xi32, #tpu.memory_space<vmem>>, vector<16xi32>,
      %add3A_105 = arith.addi %get3A_104, %get3A_104 : vector<16xi32>
      %add3A_106 = arith.addi %add3A_105, %add3A_33 : vector<16xi32>
      %swap3A_107 = arith.index_cast %scan3A_63 : i32 to index
      %swap3A_108 = arith.constant 80 : index
      %swap3A_109 = tpu.vector_load %arg7[%swap3A_107, %swap3A_108] {strides = array<i32>} : memref<8x128xi32, #tpu.memory_space<vmem>>, vector<16xi32>,
      tpu.vector_store %arg7[%swap3A_107, %swap3A_108], %add3A_106 {strides = array<i32>} : memref<8x128xi32, #tpu.memory_space<vmem>>, vector<16xi32>,
      %get3A_110 = arith.index_cast %scan3A_63 : i32 to index
      %get3A_111 = arith.constant 96 : index
      %get3A_112 = tpu.vector_load %arg7[%get3A_110, %get3A_111] {strides = array<i32>} : memref<8x128xi32, #tpu.memory_space<vmem>>, vector<16xi32>,
      %add3A_113 = arith.addi %get3A_112, %get3A_112 : vector<16xi32>
      %add3A_114 = arith.addi %add3A_113, %add3A_33 : vector<16xi32>
      %swap3A_115 = arith.index_cast %scan3A_63 : i32 to index
      %swap3A_116 = arith.constant 96 : index
      %swap3A_117 = tpu.vector_load %arg7[%swap3A_115, %swap3A_116] {strides = array<i32>} : memref<8x128xi32, #tpu.memory_space<vmem>>, vector<16xi32>,
      tpu.vector_store %arg7[%swap3A_115, %swap3A_116], %add3A_114 {strides = array<i32>} : memref<8x128xi32, #tpu.memory_space<vmem>>, vector<16xi32>,
      %get3A_118 = arith.index_cast %scan3A_63 : i32 to index
      %get3A_119 = arith.constant 112 : index
      %get3A_120 = tpu.vector_load %arg7[%get3A_118, %get3A_119] {strides = array<i32>} : memref<8x128xi32, #tpu.memory_space<vmem>>, vector<16xi32>,
      %add3A_121 = arith.addi %get3A_120, %get3A_120 : vector<16xi32>
      %add3A_122 = arith.addi %add3A_121, %add3A_33 : vector<16xi32>
      %swap3A_123 = arith.index_cast %scan3A_63 : i32 to index
      %swap3A_124 = arith.constant 112 : index
      %swap3A_125 = tpu.vector_load %arg7[%swap3A_123, %swap3A_124] {strides = array<i32>} : memref<8x128xi32, #tpu.memory_space<vmem>>, vector<16xi32>,
      tpu.vector_store %arg7[%swap3A_123, %swap3A_124], %add3A_122 {strides = array<i32>} : memref<8x128xi32, #tpu.memory_space<vmem>>, vector<16xi32>,
    }
    %scan3A_43 = arith.constant 8 : i32
    %dma_start3A = arith.constant 0 : i32
    %dma_start3A_44 = arith.constant 0 : i32
    %dma_start3A_45 = tpu.memref_slice %arg7[%dma_start3A, %dma_start3A_44] : memref<8x128xi32, #tpu.memory_space<vmem>> -> memref<1x128xi32, #tpu.memory_space<vmem>>
    %dma_start3A_46 = tpu.memref_squeeze %dma_start3A_45 : memref<1x128xi32, #tpu.memory_space<vmem>> -> memref<128xi32, #tpu.memory_space<vmem>>
    %dma_start3A_47 = arith.constant 0 : i32
    %dma_start3A_48 = arith.constant 0 : i32
    %dma_start3A_49 = tpu.memref_slice %arg2[%dma_start3A_47, %dma_start3A_48] : memref<20000x128xbf16, #tpu.memory_space<hbm>> -> memref<20000x128xbf16, #tpu.memory_space<hbm>>
    tpu.enqueue_indirect_dma source(%dma_start3A_49 : memref<20000x128xbf16, #tpu.memory_space<hbm>>) target(%arg11 : memref<128x128xbf16, #tpu.memory_space<vmem>>) offsets(%dma_start3A_46 : memref<128xi32, #tpu.memory_space<vmem>>) semaphore(%arg16 : memref<!tpu.dma_semaphore, #tpu.memory_space<semaphore_mem>>)
    %barrier3A = arith.constant 0 : index
    tpu.barrier barrier_id(%barrier3A)
    %scan3A_50 = arith.constant 0 : i32
    %scan3A_51 = arith.constant 0 : i32
    %scan3A_52 = arith.constant 5 : i32
    %scan3A_53 = arith.addi %scan3A_51, %scan3A_52 : i32
    %scan3A_54 = arith.constant 1 : i32
    scf.for %scan3A_63 = %scan3A_51 to %scan3A_53 step %scan3A_54  : i32 {
      %mul3A_64 = arith.constant 2 : i32
      %mul3A_65 = arith.muli %mul3A_64, %scan3A_63 : i32
      %add3A_66 = arith.constant 1 : i32
      %add3A_67 = arith.addi %mul3A_65, %add3A_66 : i32
      %mul3A_68 = arith.constant 8 : i32
      %mul3A_69 = arith.muli %add3A_67, %mul3A_68 : i32
      %add3A_70 = arith.addi %mul3A_29, %mul3A_69 : i32
      "tpu.region"() ({
        %run_scoped3A_416 = tpu.sem_alloc : memref<!tpu.dma_semaphore, #tpu.memory_space<semaphore_mem>>
        %dma_start3A_417 = arith.constant 0 : i32
        %dma_start3A_418 = tpu.memref_slice %arg3[%add3A_70, %dma_start3A_417] : memref<1280x128xi32, #tpu.memory_space<hbm>> -> memref<8x128xi32, #tpu.memory_space<hbm>>
        %dma_start3A_419 = arith.constant 0 : i32
        %dma_start3A_420 = tpu.memref_slice %arg3[%add3A_70, %dma_start3A_419] : memref<1280x128xi32, #tpu.memory_space<hbm>> -> memref<8x128xi32, #tpu.memory_space<hbm>>
        tpu.enqueue_dma source(%dma_start3A_420 : memref<8x128xi32, #tpu.memory_space<hbm>>) target(%arg9 : memref<8x128xi32, #tpu.memory_space<vmem>>) target_semaphore(%run_scoped3A_416 : memref<!tpu.dma_semaphore, #tpu.memory_space<semaphore_mem>>)
        %dma_wait3A_421 = arith.constant 0 : i32
        %dma_wait3A_422 = tpu.memref_slice %arg3[%add3A_70, %dma_wait3A_421] : memref<1280x128xi32, #tpu.memory_space<hbm>> -> memref<8x128xi32, #tpu.memory_space<hbm>>
        %dma_wait3A_423 = arith.constant 0 : i32
        %dma_wait3A_424 = tpu.memref_slice %arg3[%add3A_70, %dma_wait3A_423] : memref<1280x128xi32, #tpu.memory_space<hbm>> -> memref<8x128xi32, #tpu.memory_space<hbm>>
        tpu.wait_dma2 semaphore(%run_scoped3A_416 : memref<!tpu.dma_semaphore, #tpu.memory_space<semaphore_mem>>) src(%dma_wait3A_424 : memref<8x128xi32, #tpu.memory_space<hbm>>) dst(%arg9 : memref<8x128xi32, #tpu.memory_space<vmem>>)
        tpu.yield
      }) : () -> ()
      %mul3A_71 = arith.constant 8 : i32
      %mul3A_72 = arith.muli %add3A_67, %mul3A_71 : i32
      %add3A_73 = arith.addi %mul3A_29, %mul3A_72 : i32
      "tpu.region"() ({
        %run_scoped3A_416 = tpu.sem_alloc : memref<!tpu.dma_semaphore, #tpu.memory_space<semaphore_mem>>
        %dma_start3A_417 = arith.constant 0 : i32
        %dma_start3A_418 = tpu.memref_slice %arg4[%add3A_73, %dma_start3A_417] : memref<1280x128xi32, #tpu.memory_space<hbm>> -> memref<8x128xi32, #tpu.memory_space<hbm>>
        %dma_start3A_419 = arith.constant 0 : i32
        %dma_start3A_420 = tpu.memref_slice %arg4[%add3A_73, %dma_start3A_419] : memref<1280x128xi32, #tpu.memory_space<hbm>> -> memref<8x128xi32, #tpu.memory_space<hbm>>
        tpu.enqueue_dma source(%dma_start3A_420 : memref<8x128xi32, #tpu.memory_space<hbm>>) target(%arg10 : memref<8x128xi32, #tpu.memory_space<vmem>>) target_semaphore(%run_scoped3A_416 : memref<!tpu.dma_semaphore, #tpu.memory_space<semaphore_mem>>)
        %dma_wait3A_421 = arith.constant 0 : i32
        %dma_wait3A_422 = tpu.memref_slice %arg4[%add3A_73, %dma_wait3A_421] : memref<1280x128xi32, #tpu.memory_space<hbm>> -> memref<8x128xi32, #tpu.memory_space<hbm>>
        %dma_wait3A_423 = arith.constant 0 : i32
        %dma_wait3A_424 = tpu.memref_slice %arg4[%add3A_73, %dma_wait3A_423] : memref<1280x128xi32, #tpu.memory_space<hbm>> -> memref<8x128xi32, #tpu.memory_space<hbm>>
        tpu.wait_dma2 semaphore(%run_scoped3A_416 : memref<!tpu.dma_semaphore, #tpu.memory_space<semaphore_mem>>) src(%dma_wait3A_424 : memref<8x128xi32, #tpu.memory_space<hbm>>) dst(%arg10 : memref<8x128xi32, #tpu.memory_space<vmem>>)
        tpu.yield
      }) : () -> ()
      %scan3A_74 = arith.constant 0 : i32
      %scan3A_75 = arith.constant 0 : i32
      %scan3A_76 = arith.constant 8 : i32
      %scan3A_77 = arith.addi %scan3A_75, %scan3A_76 : i32
      %scan3A_78 = arith.constant 1 : i32
      scf.for %scan3A_416 = %scan3A_75 to %scan3A_77 step %scan3A_78  : i32 {
        %get3A = arith.index_cast %scan3A_416 : i32 to index
        %get3A_417 = arith.constant 0 : index
        %get3A_418 = tpu.vector_load %arg9[%get3A, %get3A_417] {strides = array<i32>} : memref<8x128xi32, #tpu.memory_space<vmem>>, vector<16xi32>,
        %add3A_419 = arith.addi %get3A_418, %get3A_418 : vector<16xi32>
        %add3A_420 = arith.addi %add3A_419, %add3A_33 : vector<16xi32>
        %swap3A = arith.index_cast %scan3A_416 : i32 to index
        %swap3A_421 = arith.constant 0 : index
        %swap3A_422 = tpu.vector_load %arg9[%swap3A, %swap3A_421] {strides = array<i32>} : memref<8x128xi32, #tpu.memory_space<vmem>>, vector<16xi32>,
        tpu.vector_store %arg9[%swap3A, %swap3A_421], %add3A_420 {strides = array<i32>} : memref<8x128xi32, #tpu.memory_space<vmem>>, vector<16xi32>,
        %get3A_423 = arith.index_cast %scan3A_416 : i32 to index
        %get3A_424 = arith.constant 16 : index
        %get3A_425 = tpu.vector_load %arg9[%get3A_423, %get3A_424] {strides = array<i32>} : memref<8x128xi32, #tpu.memory_space<vmem>>, vector<16xi32>,
        %add3A_426 = arith.addi %get3A_425, %get3A_425 : vector<16xi32>
        %add3A_427 = arith.addi %add3A_426, %add3A_33 : vector<16xi32>
        %swap3A_428 = arith.index_cast %scan3A_416 : i32 to index
        %swap3A_429 = arith.constant 16 : index
        %swap3A_430 = tpu.vector_load %arg9[%swap3A_428, %swap3A_429] {strides = array<i32>} : memref<8x128xi32, #tpu.memory_space<vmem>>, vector<16xi32>,
        tpu.vector_store %arg9[%swap3A_428, %swap3A_429], %add3A_427 {strides = array<i32>} : memref<8x128xi32, #tpu.memory_space<vmem>>, vector<16xi32>,
        %get3A_431 = arith.index_cast %scan3A_416 : i32 to index
        %get3A_432 = arith.constant 32 : index
        %get3A_433 = tpu.vector_load %arg9[%get3A_431, %get3A_432] {strides = array<i32>} : memref<8x128xi32, #tpu.memory_space<vmem>>, vector<16xi32>,
        %add3A_434 = arith.addi %get3A_433, %get3A_433 : vector<16xi32>
        %add3A_435 = arith.addi %add3A_434, %add3A_33 : vector<16xi32>
        %swap3A_436 = arith.index_cast %scan3A_416 : i32 to index
        %swap3A_437 = arith.constant 32 : index
        %swap3A_438 = tpu.vector_load %arg9[%swap3A_436, %swap3A_437] {strides = array<i32>} : memref<8x128xi32, #tpu.memory_space<vmem>>, vector<16xi32>,
        tpu.vector_store %arg9[%swap3A_436, %swap3A_437], %add3A_435 {strides = array<i32>} : memref<8x128xi32, #tpu.memory_space<vmem>>, vector<16xi32>,
        %get3A_439 = arith.index_cast %scan3A_416 : i32 to index
        %get3A_440 = arith.constant 48 : index
        %get3A_441 = tpu.vector_load %arg9[%get3A_439, %get3A_440] {strides = array<i32>} : memref<8x128xi32, #tpu.memory_space<vmem>>, vector<16xi32>,
        %add3A_442 = arith.addi %get3A_441, %get3A_441 : vector<16xi32>
        %add3A_443 = arith.addi %add3A_442, %add3A_33 : vector<16xi32>
        %swap3A_444 = arith.index_cast %scan3A_416 : i32 to index
        %swap3A_445 = arith.constant 48 : index
        %swap3A_446 = tpu.vector_load %arg9[%swap3A_444, %swap3A_445] {strides = array<i32>} : memref<8x128xi32, #tpu.memory_space<vmem>>, vector<16xi32>,
        tpu.vector_store %arg9[%swap3A_444, %swap3A_445], %add3A_443 {strides = array<i32>} : memref<8x128xi32, #tpu.memory_space<vmem>>, vector<16xi32>,
        %get3A_447 = arith.index_cast %scan3A_416 : i32 to index
        %get3A_448 = arith.constant 64 : index
        %get3A_449 = tpu.vector_load %arg9[%get3A_447, %get3A_448] {strides = array<i32>} : memref<8x128xi32, #tpu.memory_space<vmem>>, vector<16xi32>,
        %add3A_450 = arith.addi %get3A_449, %get3A_449 : vector<16xi32>
        %add3A_451 = arith.addi %add3A_450, %add3A_33 : vector<16xi32>
        %swap3A_452 = arith.index_cast %scan3A_416 : i32 to index
        %swap3A_453 = arith.constant 64 : index
        %swap3A_454 = tpu.vector_load %arg9[%swap3A_452, %swap3A_453] {strides = array<i32>} : memref<8x128xi32, #tpu.memory_space<vmem>>, vector<16xi32>,
        tpu.vector_store %arg9[%swap3A_452, %swap3A_453], %add3A_451 {strides = array<i32>} : memref<8x128xi32, #tpu.memory_space<vmem>>, vector<16xi32>,
        %get3A_455 = arith.index_cast %scan3A_416 : i32 to index
        %get3A_456 = arith.constant 80 : index
        %get3A_457 = tpu.vector_load %arg9[%get3A_455, %get3A_456] {strides = array<i32>} : memref<8x128xi32, #tpu.memory_space<vmem>>, vector<16xi32>,
        %add3A_458 = arith.addi %get3A_457, %get3A_457 : vector<16xi32>
        %add3A_459 = arith.addi %add3A_458, %add3A_33 : vector<16xi32>
        %swap3A_460 = arith.index_cast %scan3A_416 : i32 to index
        %swap3A_461 = arith.constant 80 : index
        %swap3A_462 = tpu.vector_load %arg9[%swap3A_460, %swap3A_461] {strides = array<i32>} : memref<8x128xi32, #tpu.memory_space<vmem>>, vector<16xi32>,
        tpu.vector_store %arg9[%swap3A_460, %swap3A_461], %add3A_459 {strides = array<i32>} : memref<8x128xi32, #tpu.memory_space<vmem>>, vector<16xi32>,
        %get3A_463 = arith.index_cast %scan3A_416 : i32 to index
        %get3A_464 = arith.constant 96 : index
        %get3A_465 = tpu.vector_load %arg9[%get3A_463, %get3A_464] {strides = array<i32>} : memref<8x128xi32, #tpu.memory_space<vmem>>, vector<16xi32>,
        %add3A_466 = arith.addi %get3A_465, %get3A_465 : vector<16xi32>
        %add3A_467 = arith.addi %add3A_466, %add3A_33 : vector<16xi32>
        %swap3A_468 = arith.index_cast %scan3A_416 : i32 to index
        %swap3A_469 = arith.constant 96 : index
        %swap3A_470 = tpu.vector_load %arg9[%swap3A_468, %swap3A_469] {strides = array<i32>} : memref<8x128xi32, #tpu.memory_space<vmem>>, vector<16xi32>,
        tpu.vector_store %arg9[%swap3A_468, %swap3A_469], %add3A_467 {strides = array<i32>} : memref<8x128xi32, #tpu.memory_space<vmem>>, vector<16xi32>,
        %get3A_471 = arith.index_cast %scan3A_416 : i32 to index
        %get3A_472 = arith.constant 112 : index
        %get3A_473 = tpu.vector_load %arg9[%get3A_471, %get3A_472] {strides = array<i32>} : memref<8x128xi32, #tpu.memory_space<vmem>>, vector<16xi32>,
        %add3A_474 = arith.addi %get3A_473, %get3A_473 : vector<16xi32>
        %add3A_475 = arith.addi %add3A_474, %add3A_33 : vector<16xi32>
        %swap3A_476 = arith.index_cast %scan3A_416 : i32 to index
        %swap3A_477 = arith.constant 112 : index
        %swap3A_478 = tpu.vector_load %arg9[%swap3A_476, %swap3A_477] {strides = array<i32>} : memref<8x128xi32, #tpu.memory_space<vmem>>, vector<16xi32>,
        tpu.vector_store %arg9[%swap3A_476, %swap3A_477], %add3A_475 {strides = array<i32>} : memref<8x128xi32, #tpu.memory_space<vmem>>, vector<16xi32>,
      }
      %scan3A_79 = arith.constant 8 : i32
      %dma_start3A_80 = arith.constant 1 : i32
      %dma_start3A_81 = arith.constant 0 : i32
      %dma_start3A_82 = tpu.memref_slice %arg7[%dma_start3A_80, %dma_start3A_81] : memref<8x128xi32, #tpu.memory_space<vmem>> -> memref<1x128xi32, #tpu.memory_space<vmem>>
      %dma_start3A_83 = tpu.memref_squeeze %dma_start3A_82 : memref<1x128xi32, #tpu.memory_space<vmem>> -> memref<128xi32, #tpu.memory_space<vmem>>
      %dma_start3A_84 = arith.constant 0 : i32
      %dma_start3A_85 = arith.constant 0 : i32
      %dma_start3A_86 = tpu.memref_slice %arg2[%dma_start3A_84, %dma_start3A_85] : memref<20000x128xbf16, #tpu.memory_space<hbm>> -> memref<20000x128xbf16, #tpu.memory_space<hbm>>
      tpu.enqueue_indirect_dma source(%dma_start3A_86 : memref<20000x128xbf16, #tpu.memory_space<hbm>>) target(%arg12 : memref<128x128xbf16, #tpu.memory_space<vmem>>) offsets(%dma_start3A_83 : memref<128xi32, #tpu.memory_space<vmem>>) semaphore(%arg17 : memref<!tpu.dma_semaphore, #tpu.memory_space<semaphore_mem>>)
      %dma_wait3A = arith.constant 0 : i32
      %dma_wait3A_87 = arith.constant 0 : i32
      %dma_wait3A_88 = tpu.memref_slice %arg7[%dma_wait3A, %dma_wait3A_87] : memref<8x128xi32, #tpu.memory_space<vmem>> -> memref<1x128xi32, #tpu.memory_space<vmem>>
      %dma_wait3A_89 = tpu.memref_squeeze %dma_wait3A_88 : memref<1x128xi32, #tpu.memory_space<vmem>> -> memref<128xi32, #tpu.memory_space<vmem>>
      %dma_wait3A_90 = arith.constant 0 : i32
      %dma_wait3A_91 = arith.constant 0 : i32
      %dma_wait3A_92 = tpu.memref_slice %arg2[%dma_wait3A_90, %dma_wait3A_91] : memref<20000x128xbf16, #tpu.memory_space<hbm>> -> memref<20000x128xbf16, #tpu.memory_space<hbm>>
      tpu.wait_indirect_dma semaphore(%arg16 : memref<!tpu.dma_semaphore, #tpu.memory_space<semaphore_mem>>) src(%dma_wait3A_92 : memref<20000x128xbf16, #tpu.memory_space<hbm>>) dst(%arg11 : memref<128x128xbf16, #tpu.memory_space<vmem>>)
      %run_scoped3A = arith.constant 0 : i32
      "tpu.region"() ({
        %run_scoped3A_416 = tpu.sem_alloc : memref<!tpu.dma_semaphore, #tpu.memory_space<semaphore_mem>>
        %dma_start3A_417 = arith.constant 0 : i32
        %dma_start3A_418 = tpu.memref_slice %arg8[%run_scoped3A, %dma_start3A_417] : memref<8x128xi32, #tpu.memory_space<vmem>> -> memref<1x128xi32, #tpu.memory_space<vmem>>
        %dma_start3A_419 = tpu.memref_squeeze %dma_start3A_418 : memref<1x128xi32, #tpu.memory_space<vmem>> -> memref<128xi32, #tpu.memory_space<vmem>>
        %dma_start3A_420 = arith.constant 0 : i32
        %dma_start3A_421 = arith.constant 0 : i32
        %dma_start3A_422 = tpu.memref_slice %arg14[%dma_start3A_420, %dma_start3A_421] : memref<10112x128xbf16, #tpu.memory_space<vmem_shared>> -> memref<10112x128xbf16, #tpu.memory_space<vmem_shared>>
        tpu.enqueue_indirect_dma source(%arg11 : memref<128x128xbf16, #tpu.memory_space<vmem>>) target(%dma_start3A_422 : memref<10112x128xbf16, #tpu.memory_space<vmem_shared>>) offsets(%dma_start3A_419 : memref<128xi32, #tpu.memory_space<vmem>>) semaphore(%run_scoped3A_416 : memref<!tpu.dma_semaphore, #tpu.memory_space<semaphore_mem>>) {add = true}
        %dma_wait3A_423 = arith.constant 0 : i32
        %dma_wait3A_424 = tpu.memref_slice %arg8[%run_scoped3A, %dma_wait3A_423] : memref<8x128xi32, #tpu.memory_space<vmem>> -> memref<1x128xi32, #tpu.memory_space<vmem>>
        %dma_wait3A_425 = tpu.memref_squeeze %dma_wait3A_424 : memref<1x128xi32, #tpu.memory_space<vmem>> -> memref<128xi32, #tpu.memory_space<vmem>>
        %dma_wait3A_426 = arith.constant 0 : i32
        %dma_wait3A_427 = arith.constant 0 : i32
        %dma_wait3A_428 = tpu.memref_slice %arg14[%dma_wait3A_426, %dma_wait3A_427] : memref<10112x128xbf16, #tpu.memory_space<vmem_shared>> -> memref<10112x128xbf16, #tpu.memory_space<vmem_shared>>
        tpu.wait_indirect_dma semaphore(%run_scoped3A_416 : memref<!tpu.dma_semaphore, #tpu.memory_space<semaphore_mem>>) src(%arg11 : memref<128x128xbf16, #tpu.memory_space<vmem>>) dst(%dma_wait3A_428 : memref<10112x128xbf16, #tpu.memory_space<vmem_shared>>)
        tpu.yield
      }) : () -> ()
      %eq3A_93 = arith.constant 0 : i32
      %eq3A_94 = arith.cmpi eq, %arg0, %eq3A_93 : i32
      %convert_element_type3A_95 = arith.extui %eq3A_94 : i1 to i32
      %cond3A_96 = arith.constant 0 : i32
      %cond3A_97 = arith.constant 0 : i32
      %cond3A_98 = arith.cmpi ne, %convert_element_type3A_95, %cond3A_97 : i32
      scf.if %cond3A_98 {
        "tpu.region"() ({
          %run_scoped3A_416 = tpu.sem_alloc : memref<!tpu.dma_semaphore, #tpu.memory_space<semaphore_mem>>
          %dma_start3A_417 = arith.constant 0 : i32
          %dma_start3A_418 = tpu.memref_slice %arg8[%cond3A_96, %dma_start3A_417] : memref<8x128xi32, #tpu.memory_space<vmem>> -> memref<1x128xi32, #tpu.memory_space<vmem>>
          %dma_start3A_419 = tpu.memref_squeeze %dma_start3A_418 : memref<1x128xi32, #tpu.memory_space<vmem>> -> memref<128xi32, #tpu.memory_space<vmem>>
          %dma_start3A_420 = arith.constant 0 : i32
          %dma_start3A_421 = arith.constant 0 : i32
          %dma_start3A_422 = tpu.memref_slice %arg15[%dma_start3A_420, %dma_start3A_421] : memref<10112x32xbf16, #tpu.memory_space<vmem_shared>> -> memref<10112x32xbf16, #tpu.memory_space<vmem_shared>>
          tpu.enqueue_indirect_dma source(%arg13 : memref<128x32xbf16, #tpu.memory_space<vmem>>) target(%dma_start3A_422 : memref<10112x32xbf16, #tpu.memory_space<vmem_shared>>) offsets(%dma_start3A_419 : memref<128xi32, #tpu.memory_space<vmem>>) semaphore(%run_scoped3A_416 : memref<!tpu.dma_semaphore, #tpu.memory_space<semaphore_mem>>) {add = true}
          %dma_wait3A_423 = arith.constant 0 : i32
          %dma_wait3A_424 = tpu.memref_slice %arg8[%cond3A_96, %dma_wait3A_423] : memref<8x128xi32, #tpu.memory_space<vmem>> -> memref<1x128xi32, #tpu.memory_space<vmem>>
          %dma_wait3A_425 = tpu.memref_squeeze %dma_wait3A_424 : memref<1x128xi32, #tpu.memory_space<vmem>> -> memref<128xi32, #tpu.memory_space<vmem>>
          %dma_wait3A_426 = arith.constant 0 : i32
          %dma_wait3A_427 = arith.constant 0 : i32
          %dma_wait3A_428 = tpu.memref_slice %arg15[%dma_wait3A_426, %dma_wait3A_427] : memref<10112x32xbf16, #tpu.memory_space<vmem_shared>> -> memref<10112x32xbf16, #tpu.memory_space<vmem_shared>>
          tpu.wait_indirect_dma semaphore(%run_scoped3A_416 : memref<!tpu.dma_semaphore, #tpu.memory_space<semaphore_mem>>) src(%arg13 : memref<128x32xbf16, #tpu.memory_space<vmem>>) dst(%dma_wait3A_428 : memref<10112x32xbf16, #tpu.memory_space<vmem_shared>>)
          tpu.yield
        }) : () -> ()
      } else {
      }
      %dma_start3A_99 = arith.constant 2 : i32
      %dma_start3A_100 = arith.constant 0 : i32
      %dma_start3A_101 = tpu.memref_slice %arg7[%dma_start3A_99, %dma_start3A_100] : memref<8x128xi32, #tpu.memory_space<vmem>> -> memref<1x128xi32, #tpu.memory_space<vmem>>
      %dma_start3A_102 = tpu.memref_squeeze %dma_start3A_101 : memref<1x128xi32, #tpu.memory_space<vmem>> -> memref<128xi32, #tpu.memory_space<vmem>>
      %dma_start3A_103 = arith.constant 0 : i32
      %dma_start3A_104 = arith.constant 0 : i32
      %dma_start3A_105 = tpu.memref_slice %arg2[%dma_start3A_103, %dma_start3A_104] : memref<20000x128xbf16, #tpu.memory_space<hbm>> -> memref<20000x128xbf16, #tpu.memory_space<hbm>>
      tpu.enqueue_indirect_dma source(%dma_start3A_105 : memref<20000x128xbf16, #tpu.memory_space<hbm>>) target(%arg11 : memref<128x128xbf16, #tpu.memory_space<vmem>>) offsets(%dma_start3A_102 : memref<128xi32, #tpu.memory_space<vmem>>) semaphore(%arg16 : memref<!tpu.dma_semaphore, #tpu.memory_space<semaphore_mem>>)
      %dma_wait3A_106 = arith.constant 1 : i32
      %dma_wait3A_107 = arith.constant 0 : i32
      %dma_wait3A_108 = tpu.memref_slice %arg7[%dma_wait3A_106, %dma_wait3A_107] : memref<8x128xi32, #tpu.memory_space<vmem>> -> memref<1x128xi32, #tpu.memory_space<vmem>>
      %dma_wait3A_109 = tpu.memref_squeeze %dma_wait3A_108 : memref<1x128xi32, #tpu.memory_space<vmem>> -> memref<128xi32, #tpu.memory_space<vmem>>
      %dma_wait3A_110 = arith.constant 0 : i32
      %dma_wait3A_111 = arith.constant 0 : i32
      %dma_wait3A_112 = tpu.memref_slice %arg2[%dma_wait3A_110, %dma_wait3A_111] : memref<20000x128xbf16, #tpu.memory_space<hbm>> -> memref<20000x128xbf16, #tpu.memory_space<hbm>>
      tpu.wait_indirect_dma semaphore(%arg17 : memref<!tpu.dma_semaphore, #tpu.memory_space<semaphore_mem>>) src(%dma_wait3A_112 : memref<20000x128xbf16, #tpu.memory_space<hbm>>) dst(%arg12 : memref<128x128xbf16, #tpu.memory_space<vmem>>)
      %run_scoped3A_113 = arith.constant 1 : i32
      "tpu.region"() ({
        %run_scoped3A_416 = tpu.sem_alloc : memref<!tpu.dma_semaphore, #tpu.memory_space<semaphore_mem>>
        %dma_start3A_417 = arith.constant 0 : i32
        %dma_start3A_418 = tpu.memref_slice %arg8[%run_scoped3A_113, %dma_start3A_417] : memref<8x128xi32, #tpu.memory_space<vmem>> -> memref<1x128xi32, #tpu.memory_space<vmem>>
        %dma_start3A_419 = tpu.memref_squeeze %dma_start3A_418 : memref<1x128xi32, #tpu.memory_space<vmem>> -> memref<128xi32, #tpu.memory_space<vmem>>
        %dma_start3A_420 = arith.constant 0 : i32
        %dma_start3A_421 = arith.constant 0 : i32
        %dma_start3A_422 = tpu.memref_slice %arg14[%dma_start3A_420, %dma_start3A_421] : memref<10112x128xbf16, #tpu.memory_space<vmem_shared>> -> memref<10112x128xbf16, #tpu.memory_space<vmem_shared>>
        tpu.enqueue_indirect_dma source(%arg12 : memref<128x128xbf16, #tpu.memory_space<vmem>>) target(%dma_start3A_422 : memref<10112x128xbf16, #tpu.memory_space<vmem_shared>>) offsets(%dma_start3A_419 : memref<128xi32, #tpu.memory_space<vmem>>) semaphore(%run_scoped3A_416 : memref<!tpu.dma_semaphore, #tpu.memory_space<semaphore_mem>>) {add = true}
        %dma_wait3A_423 = arith.constant 0 : i32
        %dma_wait3A_424 = tpu.memref_slice %arg8[%run_scoped3A_113, %dma_wait3A_423] : memref<8x128xi32, #tpu.memory_space<vmem>> -> memref<1x128xi32, #tpu.memory_space<vmem>>
        %dma_wait3A_425 = tpu.memref_squeeze %dma_wait3A_424 : memref<1x128xi32, #tpu.memory_space<vmem>> -> memref<128xi32, #tpu.memory_space<vmem>>
        %dma_wait3A_426 = arith.constant 0 : i32
        %dma_wait3A_427 = arith.constant 0 : i32
        %dma_wait3A_428 = tpu.memref_slice %arg14[%dma_wait3A_426, %dma_wait3A_427] : memref<10112x128xbf16, #tpu.memory_space<vmem_shared>> -> memref<10112x128xbf16, #tpu.memory_space<vmem_shared>>
        tpu.wait_indirect_dma semaphore(%run_scoped3A_416 : memref<!tpu.dma_semaphore, #tpu.memory_space<semaphore_mem>>) src(%arg12 : memref<128x128xbf16, #tpu.memory_space<vmem>>) dst(%dma_wait3A_428 : memref<10112x128xbf16, #tpu.memory_space<vmem_shared>>)
        tpu.yield
      }) : () -> ()
      %eq3A_114 = arith.constant 1 : i32
      %eq3A_115 = arith.cmpi eq, %arg0, %eq3A_114 : i32
      %convert_element_type3A_116 = arith.extui %eq3A_115 : i1 to i32
      %cond3A_117 = arith.constant 1 : i32
      %cond3A_118 = arith.constant 0 : i32
      %cond3A_119 = arith.cmpi ne, %convert_element_type3A_116, %cond3A_118 : i32
      scf.if %cond3A_119 {
        "tpu.region"() ({
          %run_scoped3A_416 = tpu.sem_alloc : memref<!tpu.dma_semaphore, #tpu.memory_space<semaphore_mem>>
          %dma_start3A_417 = arith.constant 0 : i32
          %dma_start3A_418 = tpu.memref_slice %arg8[%cond3A_117, %dma_start3A_417] : memref<8x128xi32, #tpu.memory_space<vmem>> -> memref<1x128xi32, #tpu.memory_space<vmem>>
          %dma_start3A_419 = tpu.memref_squeeze %dma_start3A_418 : memref<1x128xi32, #tpu.memory_space<vmem>> -> memref<128xi32, #tpu.memory_space<vmem>>
          %dma_start3A_420 = arith.constant 0 : i32
          %dma_start3A_421 = arith.constant 0 : i32
          %dma_start3A_422 = tpu.memref_slice %arg15[%dma_start3A_420, %dma_start3A_421] : memref<10112x32xbf16, #tpu.memory_space<vmem_shared>> -> memref<10112x32xbf16, #tpu.memory_space<vmem_shared>>
          tpu.enqueue_indirect_dma source(%arg13 : memref<128x32xbf16, #tpu.memory_space<vmem>>) target(%dma_start3A_422 : memref<10112x32xbf16, #tpu.memory_space<vmem_shared>>) offsets(%dma_start3A_419 : memref<128xi32, #tpu.memory_space<vmem>>) semaphore(%run_scoped3A_416 : memref<!tpu.dma_semaphore, #tpu.memory_space<semaphore_mem>>) {add = true}
          %dma_wait3A_423 = arith.constant 0 : i32
          %dma_wait3A_424 = tpu.memref_slice %arg8[%cond3A_117, %dma_wait3A_423] : memref<8x128xi32, #tpu.memory_space<vmem>> -> memref<1x128xi32, #tpu.memory_space<vmem>>
          %dma_wait3A_425 = tpu.memref_squeeze %dma_wait3A_424 : memref<1x128xi32, #tpu.memory_space<vmem>> -> memref<128xi32, #tpu.memory_space<vmem>>
          %dma_wait3A_426 = arith.constant 0 : i32
          %dma_wait3A_427 = arith.constant 0 : i32
          %dma_wait3A_428 = tpu.memref_slice %arg15[%dma_wait3A_426, %dma_wait3A_427] : memref<10112x32xbf16, #tpu.memory_space<vmem_shared>> -> memref<10112x32xbf16, #tpu.memory_space<vmem_shared>>
          tpu.wait_indirect_dma semaphore(%run_scoped3A_416 : memref<!tpu.dma_semaphore, #tpu.memory_space<semaphore_mem>>) src(%arg13 : memref<128x32xbf16, #tpu.memory_space<vmem>>) dst(%dma_wait3A_428 : memref<10112x32xbf16, #tpu.memory_space<vmem_shared>>)
          tpu.yield
        }) : () -> ()
      } else {
      }
      %dma_start3A_120 = arith.constant 3 : i32
      %dma_start3A_121 = arith.constant 0 : i32
      %dma_start3A_122 = tpu.memref_slice %arg7[%dma_start3A_120, %dma_start3A_121] : memref<8x128xi32, #tpu.memory_space<vmem>> -> memref<1x128xi32, #tpu.memory_space<vmem>>
      %dma_start3A_123 = tpu.memref_squeeze %dma_start3A_122 : memref<1x128xi32, #tpu.memory_space<vmem>> -> memref<128xi32, #tpu.memory_space<vmem>>
      %dma_start3A_124 = arith.constant 0 : i32
      %dma_start3A_125 = arith.constant 0 : i32
      %dma_start3A_126 = tpu.memref_slice %arg2[%dma_start3A_124, %dma_start3A_125] : memref<20000x128xbf16, #tpu.memory_space<hbm>> -> memref<20000x128xbf16, #tpu.memory_space<hbm>>
      tpu.enqueue_indirect_dma source(%dma_start3A_126 : memref<20000x128xbf16, #tpu.memory_space<hbm>>) target(%arg12 : memref<128x128xbf16, #tpu.memory_space<vmem>>) offsets(%dma_start3A_123 : memref<128xi32, #tpu.memory_space<vmem>>) semaphore(%arg17 : memref<!tpu.dma_semaphore, #tpu.memory_space<semaphore_mem>>)
      %dma_wait3A_127 = arith.constant 2 : i32
      %dma_wait3A_128 = arith.constant 0 : i32
      %dma_wait3A_129 = tpu.memref_slice %arg7[%dma_wait3A_127, %dma_wait3A_128] : memref<8x128xi32, #tpu.memory_space<vmem>> -> memref<1x128xi32, #tpu.memory_space<vmem>>
      %dma_wait3A_130 = tpu.memref_squeeze %dma_wait3A_129 : memref<1x128xi32, #tpu.memory_space<vmem>> -> memref<128xi32, #tpu.memory_space<vmem>>
      %dma_wait3A_131 = arith.constant 0 : i32
      %dma_wait3A_132 = arith.constant 0 : i32
      %dma_wait3A_133 = tpu.memref_slice %arg2[%dma_wait3A_131, %dma_wait3A_132] : memref<20000x128xbf16, #tpu.memory_space<hbm>> -> memref<20000x128xbf16, #tpu.memory_space<hbm>>
      tpu.wait_indirect_dma semaphore(%arg16 : memref<!tpu.dma_semaphore, #tpu.memory_space<semaphore_mem>>) src(%dma_wait3A_133 : memref<20000x128xbf16, #tpu.memory_space<hbm>>) dst(%arg11 : memref<128x128xbf16, #tpu.memory_space<vmem>>)
      %run_scoped3A_134 = arith.constant 2 : i32
      "tpu.region"() ({
        %run_scoped3A_416 = tpu.sem_alloc : memref<!tpu.dma_semaphore, #tpu.memory_space<semaphore_mem>>
        %dma_start3A_417 = arith.constant 0 : i32
        %dma_start3A_418 = tpu.memref_slice %arg8[%run_scoped3A_134, %dma_start3A_417] : memref<8x128xi32, #tpu.memory_space<vmem>> -> memref<1x128xi32, #tpu.memory_space<vmem>>
        %dma_start3A_419 = tpu.memref_squeeze %dma_start3A_418 : memref<1x128xi32, #tpu.memory_space<vmem>> -> memref<128xi32, #tpu.memory_space<vmem>>
        %dma_start3A_420 = arith.constant 0 : i32
        %dma_start3A_421 = arith.constant 0 : i32
        %dma_start3A_422 = tpu.memref_slice %arg14[%dma_start3A_420, %dma_start3A_421] : memref<10112x128xbf16, #tpu.memory_space<vmem_shared>> -> memref<10112x128xbf16, #tpu.memory_space<vmem_shared>>
        tpu.enqueue_indirect_dma source(%arg11 : memref<128x128xbf16, #tpu.memory_space<vmem>>) target(%dma_start3A_422 : memref<10112x128xbf16, #tpu.memory_space<vmem_shared>>) offsets(%dma_start3A_419 : memref<128xi32, #tpu.memory_space<vmem>>) semaphore(%run_scoped3A_416 : memref<!tpu.dma_semaphore, #tpu.memory_space<semaphore_mem>>) {add = true}
        %dma_wait3A_423 = arith.constant 0 : i32
        %dma_wait3A_424 = tpu.memref_slice %arg8[%run_scoped3A_134, %dma_wait3A_423] : memref<8x128xi32, #tpu.memory_space<vmem>> -> memref<1x128xi32, #tpu.memory_space<vmem>>
        %dma_wait3A_425 = tpu.memref_squeeze %dma_wait3A_424 : memref<1x128xi32, #tpu.memory_space<vmem>> -> memref<128xi32, #tpu.memory_space<vmem>>
        %dma_wait3A_426 = arith.constant 0 : i32
        %dma_wait3A_427 = arith.constant 0 : i32
        %dma_wait3A_428 = tpu.memref_slice %arg14[%dma_wait3A_426, %dma_wait3A_427] : memref<10112x128xbf16, #tpu.memory_space<vmem_shared>> -> memref<10112x128xbf16, #tpu.memory_space<vmem_shared>>
        tpu.wait_indirect_dma semaphore(%run_scoped3A_416 : memref<!tpu.dma_semaphore, #tpu.memory_space<semaphore_mem>>) src(%arg11 : memref<128x128xbf16, #tpu.memory_space<vmem>>) dst(%dma_wait3A_428 : memref<10112x128xbf16, #tpu.memory_space<vmem_shared>>)
        tpu.yield
      }) : () -> ()
      %eq3A_135 = arith.constant 0 : i32
      %eq3A_136 = arith.cmpi eq, %arg0, %eq3A_135 : i32
      %convert_element_type3A_137 = arith.extui %eq3A_136 : i1 to i32
      %cond3A_138 = arith.constant 2 : i32
      %cond3A_139 = arith.constant 0 : i32
      %cond3A_140 = arith.cmpi ne, %convert_element_type3A_137, %cond3A_139 : i32
      scf.if %cond3A_140 {
        "tpu.region"() ({
          %run_scoped3A_416 = tpu.sem_alloc : memref<!tpu.dma_semaphore, #tpu.memory_space<semaphore_mem>>
          %dma_start3A_417 = arith.constant 0 : i32
          %dma_start3A_418 = tpu.memref_slice %arg8[%cond3A_138, %dma_start3A_417] : memref<8x128xi32, #tpu.memory_space<vmem>> -> memref<1x128xi32, #tpu.memory_space<vmem>>
          %dma_start3A_419 = tpu.memref_squeeze %dma_start3A_418 : memref<1x128xi32, #tpu.memory_space<vmem>> -> memref<128xi32, #tpu.memory_space<vmem>>
          %dma_start3A_420 = arith.constant 0 : i32
          %dma_start3A_421 = arith.constant 0 : i32
          %dma_start3A_422 = tpu.memref_slice %arg15[%dma_start3A_420, %dma_start3A_421] : memref<10112x32xbf16, #tpu.memory_space<vmem_shared>> -> memref<10112x32xbf16, #tpu.memory_space<vmem_shared>>
          tpu.enqueue_indirect_dma source(%arg13 : memref<128x32xbf16, #tpu.memory_space<vmem>>) target(%dma_start3A_422 : memref<10112x32xbf16, #tpu.memory_space<vmem_shared>>) offsets(%dma_start3A_419 : memref<128xi32, #tpu.memory_space<vmem>>) semaphore(%run_scoped3A_416 : memref<!tpu.dma_semaphore, #tpu.memory_space<semaphore_mem>>) {add = true}
          %dma_wait3A_423 = arith.constant 0 : i32
          %dma_wait3A_424 = tpu.memref_slice %arg8[%cond3A_138, %dma_wait3A_423] : memref<8x128xi32, #tpu.memory_space<vmem>> -> memref<1x128xi32, #tpu.memory_space<vmem>>
          %dma_wait3A_425 = tpu.memref_squeeze %dma_wait3A_424 : memref<1x128xi32, #tpu.memory_space<vmem>> -> memref<128xi32, #tpu.memory_space<vmem>>
          %dma_wait3A_426 = arith.constant 0 : i32
          %dma_wait3A_427 = arith.constant 0 : i32
          %dma_wait3A_428 = tpu.memref_slice %arg15[%dma_wait3A_426, %dma_wait3A_427] : memref<10112x32xbf16, #tpu.memory_space<vmem_shared>> -> memref<10112x32xbf16, #tpu.memory_space<vmem_shared>>
          tpu.wait_indirect_dma semaphore(%run_scoped3A_416 : memref<!tpu.dma_semaphore, #tpu.memory_space<semaphore_mem>>) src(%arg13 : memref<128x32xbf16, #tpu.memory_space<vmem>>) dst(%dma_wait3A_428 : memref<10112x32xbf16, #tpu.memory_space<vmem_shared>>)
          tpu.yield
        }) : () -> ()
      } else {
      }
      %dma_start3A_141 = arith.constant 4 : i32
      %dma_start3A_142 = arith.constant 0 : i32
      %dma_start3A_143 = tpu.memref_slice %arg7[%dma_start3A_141, %dma_start3A_142] : memref<8x128xi32, #tpu.memory_space<vmem>> -> memref<1x128xi32, #tpu.memory_space<vmem>>
      %dma_start3A_144 = tpu.memref_squeeze %dma_start3A_143 : memref<1x128xi32, #tpu.memory_space<vmem>> -> memref<128xi32, #tpu.memory_space<vmem>>
      %dma_start3A_145 = arith.constant 0 : i32
      %dma_start3A_146 = arith.constant 0 : i32
      %dma_start3A_147 = tpu.memref_slice %arg2[%dma_start3A_145, %dma_start3A_146] : memref<20000x128xbf16, #tpu.memory_space<hbm>> -> memref<20000x128xbf16, #tpu.memory_space<hbm>>
      tpu.enqueue_indirect_dma source(%dma_start3A_147 : memref<20000x128xbf16, #tpu.memory_space<hbm>>) target(%arg11 : memref<128x128xbf16, #tpu.memory_space<vmem>>) offsets(%dma_start3A_144 : memref<128xi32, #tpu.memory_space<vmem>>) semaphore(%arg16 : memref<!tpu.dma_semaphore, #tpu.memory_space<semaphore_mem>>)
      %dma_wait3A_148 = arith.constant 3 : i32
      %dma_wait3A_149 = arith.constant 0 : i32
      %dma_wait3A_150 = tpu.memref_slice %arg7[%dma_wait3A_148, %dma_wait3A_149] : memref<8x128xi32, #tpu.memory_space<vmem>> -> memref<1x128xi32, #tpu.memory_space<vmem>>
      %dma_wait3A_151 = tpu.memref_squeeze %dma_wait3A_150 : memref<1x128xi32, #tpu.memory_space<vmem>> -> memref<128xi32, #tpu.memory_space<vmem>>
      %dma_wait3A_152 = arith.constant 0 : i32
      %dma_wait3A_153 = arith.constant 0 : i32
      %dma_wait3A_154 = tpu.memref_slice %arg2[%dma_wait3A_152, %dma_wait3A_153] : memref<20000x128xbf16, #tpu.memory_space<hbm>> -> memref<20000x128xbf16, #tpu.memory_space<hbm>>
      tpu.wait_indirect_dma semaphore(%arg17 : memref<!tpu.dma_semaphore, #tpu.memory_space<semaphore_mem>>) src(%dma_wait3A_154 : memref<20000x128xbf16, #tpu.memory_space<hbm>>) dst(%arg12 : memref<128x128xbf16, #tpu.memory_space<vmem>>)
      %run_scoped3A_155 = arith.constant 3 : i32
      "tpu.region"() ({
        %run_scoped3A_416 = tpu.sem_alloc : memref<!tpu.dma_semaphore, #tpu.memory_space<semaphore_mem>>
        %dma_start3A_417 = arith.constant 0 : i32
        %dma_start3A_418 = tpu.memref_slice %arg8[%run_scoped3A_155, %dma_start3A_417] : memref<8x128xi32, #tpu.memory_space<vmem>> -> memref<1x128xi32, #tpu.memory_space<vmem>>
        %dma_start3A_419 = tpu.memref_squeeze %dma_start3A_418 : memref<1x128xi32, #tpu.memory_space<vmem>> -> memref<128xi32, #tpu.memory_space<vmem>>
        %dma_start3A_420 = arith.constant 0 : i32
        %dma_start3A_421 = arith.constant 0 : i32
        %dma_start3A_422 = tpu.memref_slice %arg14[%dma_start3A_420, %dma_start3A_421] : memref<10112x128xbf16, #tpu.memory_space<vmem_shared>> -> memref<10112x128xbf16, #tpu.memory_space<vmem_shared>>
        tpu.enqueue_indirect_dma source(%arg12 : memref<128x128xbf16, #tpu.memory_space<vmem>>) target(%dma_start3A_422 : memref<10112x128xbf16, #tpu.memory_space<vmem_shared>>) offsets(%dma_start3A_419 : memref<128xi32, #tpu.memory_space<vmem>>) semaphore(%run_scoped3A_416 : memref<!tpu.dma_semaphore, #tpu.memory_space<semaphore_mem>>) {add = true}
        %dma_wait3A_423 = arith.constant 0 : i32
        %dma_wait3A_424 = tpu.memref_slice %arg8[%run_scoped3A_155, %dma_wait3A_423] : memref<8x128xi32, #tpu.memory_space<vmem>> -> memref<1x128xi32, #tpu.memory_space<vmem>>
        %dma_wait3A_425 = tpu.memref_squeeze %dma_wait3A_424 : memref<1x128xi32, #tpu.memory_space<vmem>> -> memref<128xi32, #tpu.memory_space<vmem>>
        %dma_wait3A_426 = arith.constant 0 : i32
        %dma_wait3A_427 = arith.constant 0 : i32
        %dma_wait3A_428 = tpu.memref_slice %arg14[%dma_wait3A_426, %dma_wait3A_427] : memref<10112x128xbf16, #tpu.memory_space<vmem_shared>> -> memref<10112x128xbf16, #tpu.memory_space<vmem_shared>>
        tpu.wait_indirect_dma semaphore(%run_scoped3A_416 : memref<!tpu.dma_semaphore, #tpu.memory_space<semaphore_mem>>) src(%arg12 : memref<128x128xbf16, #tpu.memory_space<vmem>>) dst(%dma_wait3A_428 : memref<10112x128xbf16, #tpu.memory_space<vmem_shared>>)
        tpu.yield
      }) : () -> ()
      %eq3A_156 = arith.constant 1 : i32
      %eq3A_157 = arith.cmpi eq, %arg0, %eq3A_156 : i32
      %convert_element_type3A_158 = arith.extui %eq3A_157 : i1 to i32
      %cond3A_159 = arith.constant 3 : i32
      %cond3A_160 = arith.constant 0 : i32
      %cond3A_161 = arith.cmpi ne, %convert_element_type3A_158, %cond3A_160 : i32
      scf.if %cond3A_161 {
        "tpu.region"() ({
          %run_scoped3A_416 = tpu.sem_alloc : memref<!tpu.dma_semaphore, #tpu.memory_space<semaphore_mem>>
          %dma_start3A_417 = arith.constant 0 : i32
          %dma_start3A_418 = tpu.memref_slice %arg8[%cond3A_159, %dma_start3A_417] : memref<8x128xi32, #tpu.memory_space<vmem>> -> memref<1x128xi32, #tpu.memory_space<vmem>>
          %dma_start3A_419 = tpu.memref_squeeze %dma_start3A_418 : memref<1x128xi32, #tpu.memory_space<vmem>> -> memref<128xi32, #tpu.memory_space<vmem>>
          %dma_start3A_420 = arith.constant 0 : i32
          %dma_start3A_421 = arith.constant 0 : i32
          %dma_start3A_422 = tpu.memref_slice %arg15[%dma_start3A_420, %dma_start3A_421] : memref<10112x32xbf16, #tpu.memory_space<vmem_shared>> -> memref<10112x32xbf16, #tpu.memory_space<vmem_shared>>
          tpu.enqueue_indirect_dma source(%arg13 : memref<128x32xbf16, #tpu.memory_space<vmem>>) target(%dma_start3A_422 : memref<10112x32xbf16, #tpu.memory_space<vmem_shared>>) offsets(%dma_start3A_419 : memref<128xi32, #tpu.memory_space<vmem>>) semaphore(%run_scoped3A_416 : memref<!tpu.dma_semaphore, #tpu.memory_space<semaphore_mem>>) {add = true}
          %dma_wait3A_423 = arith.constant 0 : i32
          %dma_wait3A_424 = tpu.memref_slice %arg8[%cond3A_159, %dma_wait3A_423] : memref<8x128xi32, #tpu.memory_space<vmem>> -> memref<1x128xi32, #tpu.memory_space<vmem>>
          %dma_wait3A_425 = tpu.memref_squeeze %dma_wait3A_424 : memref<1x128xi32, #tpu.memory_space<vmem>> -> memref<128xi32, #tpu.memory_space<vmem>>
          %dma_wait3A_426 = arith.constant 0 : i32
          %dma_wait3A_427 = arith.constant 0 : i32
          %dma_wait3A_428 = tpu.memref_slice %arg15[%dma_wait3A_426, %dma_wait3A_427] : memref<10112x32xbf16, #tpu.memory_space<vmem_shared>> -> memref<10112x32xbf16, #tpu.memory_space<vmem_shared>>
          tpu.wait_indirect_dma semaphore(%run_scoped3A_416 : memref<!tpu.dma_semaphore, #tpu.memory_space<semaphore_mem>>) src(%arg13 : memref<128x32xbf16, #tpu.memory_space<vmem>>) dst(%dma_wait3A_428 : memref<10112x32xbf16, #tpu.memory_space<vmem_shared>>)
          tpu.yield
        }) : () -> ()
      } else {
      }
      %dma_start3A_162 = arith.constant 5 : i32
      %dma_start3A_163 = arith.constant 0 : i32
      %dma_start3A_164 = tpu.memref_slice %arg7[%dma_start3A_162, %dma_start3A_163] : memref<8x128xi32, #tpu.memory_space<vmem>> -> memref<1x128xi32, #tpu.memory_space<vmem>>
      %dma_start3A_165 = tpu.memref_squeeze %dma_start3A_164 : memref<1x128xi32, #tpu.memory_space<vmem>> -> memref<128xi32, #tpu.memory_space<vmem>>
      %dma_start3A_166 = arith.constant 0 : i32
      %dma_start3A_167 = arith.constant 0 : i32
      %dma_start3A_168 = tpu.memref_slice %arg2[%dma_start3A_166, %dma_start3A_167] : memref<20000x128xbf16, #tpu.memory_space<hbm>> -> memref<20000x128xbf16, #tpu.memory_space<hbm>>
      tpu.enqueue_indirect_dma source(%dma_start3A_168 : memref<20000x128xbf16, #tpu.memory_space<hbm>>) target(%arg12 : memref<128x128xbf16, #tpu.memory_space<vmem>>) offsets(%dma_start3A_165 : memref<128xi32, #tpu.memory_space<vmem>>) semaphore(%arg17 : memref<!tpu.dma_semaphore, #tpu.memory_space<semaphore_mem>>)
      %dma_wait3A_169 = arith.constant 4 : i32
      %dma_wait3A_170 = arith.constant 0 : i32
      %dma_wait3A_171 = tpu.memref_slice %arg7[%dma_wait3A_169, %dma_wait3A_170] : memref<8x128xi32, #tpu.memory_space<vmem>> -> memref<1x128xi32, #tpu.memory_space<vmem>>
      %dma_wait3A_172 = tpu.memref_squeeze %dma_wait3A_171 : memref<1x128xi32, #tpu.memory_space<vmem>> -> memref<128xi32, #tpu.memory_space<vmem>>
      %dma_wait3A_173 = arith.constant 0 : i32
      %dma_wait3A_174 = arith.constant 0 : i32
      %dma_wait3A_175 = tpu.memref_slice %arg2[%dma_wait3A_173, %dma_wait3A_174] : memref<20000x128xbf16, #tpu.memory_space<hbm>> -> memref<20000x128xbf16, #tpu.memory_space<hbm>>
      tpu.wait_indirect_dma semaphore(%arg16 : memref<!tpu.dma_semaphore, #tpu.memory_space<semaphore_mem>>) src(%dma_wait3A_175 : memref<20000x128xbf16, #tpu.memory_space<hbm>>) dst(%arg11 : memref<128x128xbf16, #tpu.memory_space<vmem>>)
      %run_scoped3A_176 = arith.constant 4 : i32
      "tpu.region"() ({
        %run_scoped3A_416 = tpu.sem_alloc : memref<!tpu.dma_semaphore, #tpu.memory_space<semaphore_mem>>
        %dma_start3A_417 = arith.constant 0 : i32
        %dma_start3A_418 = tpu.memref_slice %arg8[%run_scoped3A_176, %dma_start3A_417] : memref<8x128xi32, #tpu.memory_space<vmem>> -> memref<1x128xi32, #tpu.memory_space<vmem>>
        %dma_start3A_419 = tpu.memref_squeeze %dma_start3A_418 : memref<1x128xi32, #tpu.memory_space<vmem>> -> memref<128xi32, #tpu.memory_space<vmem>>
        %dma_start3A_420 = arith.constant 0 : i32
        %dma_start3A_421 = arith.constant 0 : i32
        %dma_start3A_422 = tpu.memref_slice %arg14[%dma_start3A_420, %dma_start3A_421] : memref<10112x128xbf16, #tpu.memory_space<vmem_shared>> -> memref<10112x128xbf16, #tpu.memory_space<vmem_shared>>
        tpu.enqueue_indirect_dma source(%arg11 : memref<128x128xbf16, #tpu.memory_space<vmem>>) target(%dma_start3A_422 : memref<10112x128xbf16, #tpu.memory_space<vmem_shared>>) offsets(%dma_start3A_419 : memref<128xi32, #tpu.memory_space<vmem>>) semaphore(%run_scoped3A_416 : memref<!tpu.dma_semaphore, #tpu.memory_space<semaphore_mem>>) {add = true}
        %dma_wait3A_423 = arith.constant 0 : i32
        %dma_wait3A_424 = tpu.memref_slice %arg8[%run_scoped3A_176, %dma_wait3A_423] : memref<8x128xi32, #tpu.memory_space<vmem>> -> memref<1x128xi32, #tpu.memory_space<vmem>>
        %dma_wait3A_425 = tpu.memref_squeeze %dma_wait3A_424 : memref<1x128xi32, #tpu.memory_space<vmem>> -> memref<128xi32, #tpu.memory_space<vmem>>
        %dma_wait3A_426 = arith.constant 0 : i32
        %dma_wait3A_427 = arith.constant 0 : i32
        %dma_wait3A_428 = tpu.memref_slice %arg14[%dma_wait3A_426, %dma_wait3A_427] : memref<10112x128xbf16, #tpu.memory_space<vmem_shared>> -> memref<10112x128xbf16, #tpu.memory_space<vmem_shared>>
        tpu.wait_indirect_dma semaphore(%run_scoped3A_416 : memref<!tpu.dma_semaphore, #tpu.memory_space<semaphore_mem>>) src(%arg11 : memref<128x128xbf16, #tpu.memory_space<vmem>>) dst(%dma_wait3A_428 : memref<10112x128xbf16, #tpu.memory_space<vmem_shared>>)
        tpu.yield
      }) : () -> ()
      %eq3A_177 = arith.constant 0 : i32
      %eq3A_178 = arith.cmpi eq, %arg0, %eq3A_177 : i32
      %convert_element_type3A_179 = arith.extui %eq3A_178 : i1 to i32
      %cond3A_180 = arith.constant 4 : i32
      %cond3A_181 = arith.constant 0 : i32
      %cond3A_182 = arith.cmpi ne, %convert_element_type3A_179, %cond3A_181 : i32
      scf.if %cond3A_182 {
        "tpu.region"() ({
          %run_scoped3A_416 = tpu.sem_alloc : memref<!tpu.dma_semaphore, #tpu.memory_space<semaphore_mem>>
          %dma_start3A_417 = arith.constant 0 : i32
          %dma_start3A_418 = tpu.memref_slice %arg8[%cond3A_180, %dma_start3A_417] : memref<8x128xi32, #tpu.memory_space<vmem>> -> memref<1x128xi32, #tpu.memory_space<vmem>>
          %dma_start3A_419 = tpu.memref_squeeze %dma_start3A_418 : memref<1x128xi32, #tpu.memory_space<vmem>> -> memref<128xi32, #tpu.memory_space<vmem>>
          %dma_start3A_420 = arith.constant 0 : i32
          %dma_start3A_421 = arith.constant 0 : i32
          %dma_start3A_422 = tpu.memref_slice %arg15[%dma_start3A_420, %dma_start3A_421] : memref<10112x32xbf16, #tpu.memory_space<vmem_shared>> -> memref<10112x32xbf16, #tpu.memory_space<vmem_shared>>
          tpu.enqueue_indirect_dma source(%arg13 : memref<128x32xbf16, #tpu.memory_space<vmem>>) target(%dma_start3A_422 : memref<10112x32xbf16, #tpu.memory_space<vmem_shared>>) offsets(%dma_start3A_419 : memref<128xi32, #tpu.memory_space<vmem>>) semaphore(%run_scoped3A_416 : memref<!tpu.dma_semaphore, #tpu.memory_space<semaphore_mem>>) {add = true}
          %dma_wait3A_423 = arith.constant 0 : i32
          %dma_wait3A_424 = tpu.memref_slice %arg8[%cond3A_180, %dma_wait3A_423] : memref<8x128xi32, #tpu.memory_space<vmem>> -> memref<1x128xi32, #tpu.memory_space<vmem>>
          %dma_wait3A_425 = tpu.memref_squeeze %dma_wait3A_424 : memref<1x128xi32, #tpu.memory_space<vmem>> -> memref<128xi32, #tpu.memory_space<vmem>>
          %dma_wait3A_426 = arith.constant 0 : i32
          %dma_wait3A_427 = arith.constant 0 : i32
          %dma_wait3A_428 = tpu.memref_slice %arg15[%dma_wait3A_426, %dma_wait3A_427] : memref<10112x32xbf16, #tpu.memory_space<vmem_shared>> -> memref<10112x32xbf16, #tpu.memory_space<vmem_shared>>
          tpu.wait_indirect_dma semaphore(%run_scoped3A_416 : memref<!tpu.dma_semaphore, #tpu.memory_space<semaphore_mem>>) src(%arg13 : memref<128x32xbf16, #tpu.memory_space<vmem>>) dst(%dma_wait3A_428 : memref<10112x32xbf16, #tpu.memory_space<vmem_shared>>)
          tpu.yield
        }) : () -> ()
      } else {
      }
      %dma_start3A_183 = arith.constant 6 : i32
      %dma_start3A_184 = arith.constant 0 : i32
      %dma_start3A_185 = tpu.memref_slice %arg7[%dma_start3A_183, %dma_start3A_184] : memref<8x128xi32, #tpu.memory_space<vmem>> -> memref<1x128xi32, #tpu.memory_space<vmem>>
      %dma_start3A_186 = tpu.memref_squeeze %dma_start3A_185 : memref<1x128xi32, #tpu.memory_space<vmem>> -> memref<128xi32, #tpu.memory_space<vmem>>
      %dma_start3A_187 = arith.constant 0 : i32
      %dma_start3A_188 = arith.constant 0 : i32
      %dma_start3A_189 = tpu.memref_slice %arg2[%dma_start3A_187, %dma_start3A_188] : memref<20000x128xbf16, #tpu.memory_space<hbm>> -> memref<20000x128xbf16, #tpu.memory_space<hbm>>
      tpu.enqueue_indirect_dma source(%dma_start3A_189 : memref<20000x128xbf16, #tpu.memory_space<hbm>>) target(%arg11 : memref<128x128xbf16, #tpu.memory_space<vmem>>) offsets(%dma_start3A_186 : memref<128xi32, #tpu.memory_space<vmem>>) semaphore(%arg16 : memref<!tpu.dma_semaphore, #tpu.memory_space<semaphore_mem>>)
      %dma_wait3A_190 = arith.constant 5 : i32
      %dma_wait3A_191 = arith.constant 0 : i32
      %dma_wait3A_192 = tpu.memref_slice %arg7[%dma_wait3A_190, %dma_wait3A_191] : memref<8x128xi32, #tpu.memory_space<vmem>> -> memref<1x128xi32, #tpu.memory_space<vmem>>
      %dma_wait3A_193 = tpu.memref_squeeze %dma_wait3A_192 : memref<1x128xi32, #tpu.memory_space<vmem>> -> memref<128xi32, #tpu.memory_space<vmem>>
      %dma_wait3A_194 = arith.constant 0 : i32
      %dma_wait3A_195 = arith.constant 0 : i32
      %dma_wait3A_196 = tpu.memref_slice %arg2[%dma_wait3A_194, %dma_wait3A_195] : memref<20000x128xbf16, #tpu.memory_space<hbm>> -> memref<20000x128xbf16, #tpu.memory_space<hbm>>
      tpu.wait_indirect_dma semaphore(%arg17 : memref<!tpu.dma_semaphore, #tpu.memory_space<semaphore_mem>>) src(%dma_wait3A_196 : memref<20000x128xbf16, #tpu.memory_space<hbm>>) dst(%arg12 : memref<128x128xbf16, #tpu.memory_space<vmem>>)
      %run_scoped3A_197 = arith.constant 5 : i32
      "tpu.region"() ({
        %run_scoped3A_416 = tpu.sem_alloc : memref<!tpu.dma_semaphore, #tpu.memory_space<semaphore_mem>>
        %dma_start3A_417 = arith.constant 0 : i32
        %dma_start3A_418 = tpu.memref_slice %arg8[%run_scoped3A_197, %dma_start3A_417] : memref<8x128xi32, #tpu.memory_space<vmem>> -> memref<1x128xi32, #tpu.memory_space<vmem>>
        %dma_start3A_419 = tpu.memref_squeeze %dma_start3A_418 : memref<1x128xi32, #tpu.memory_space<vmem>> -> memref<128xi32, #tpu.memory_space<vmem>>
        %dma_start3A_420 = arith.constant 0 : i32
        %dma_start3A_421 = arith.constant 0 : i32
        %dma_start3A_422 = tpu.memref_slice %arg14[%dma_start3A_420, %dma_start3A_421] : memref<10112x128xbf16, #tpu.memory_space<vmem_shared>> -> memref<10112x128xbf16, #tpu.memory_space<vmem_shared>>
        tpu.enqueue_indirect_dma source(%arg12 : memref<128x128xbf16, #tpu.memory_space<vmem>>) target(%dma_start3A_422 : memref<10112x128xbf16, #tpu.memory_space<vmem_shared>>) offsets(%dma_start3A_419 : memref<128xi32, #tpu.memory_space<vmem>>) semaphore(%run_scoped3A_416 : memref<!tpu.dma_semaphore, #tpu.memory_space<semaphore_mem>>) {add = true}
        %dma_wait3A_423 = arith.constant 0 : i32
        %dma_wait3A_424 = tpu.memref_slice %arg8[%run_scoped3A_197, %dma_wait3A_423] : memref<8x128xi32, #tpu.memory_space<vmem>> -> memref<1x128xi32, #tpu.memory_space<vmem>>
        %dma_wait3A_425 = tpu.memref_squeeze %dma_wait3A_424 : memref<1x128xi32, #tpu.memory_space<vmem>> -> memref<128xi32, #tpu.memory_space<vmem>>
        %dma_wait3A_426 = arith.constant 0 : i32
        %dma_wait3A_427 = arith.constant 0 : i32
        %dma_wait3A_428 = tpu.memref_slice %arg14[%dma_wait3A_426, %dma_wait3A_427] : memref<10112x128xbf16, #tpu.memory_space<vmem_shared>> -> memref<10112x128xbf16, #tpu.memory_space<vmem_shared>>
        tpu.wait_indirect_dma semaphore(%run_scoped3A_416 : memref<!tpu.dma_semaphore, #tpu.memory_space<semaphore_mem>>) src(%arg12 : memref<128x128xbf16, #tpu.memory_space<vmem>>) dst(%dma_wait3A_428 : memref<10112x128xbf16, #tpu.memory_space<vmem_shared>>)
        tpu.yield
      }) : () -> ()
      %eq3A_198 = arith.constant 1 : i32
      %eq3A_199 = arith.cmpi eq, %arg0, %eq3A_198 : i32
      %convert_element_type3A_200 = arith.extui %eq3A_199 : i1 to i32
      %cond3A_201 = arith.constant 5 : i32
      %cond3A_202 = arith.constant 0 : i32
      %cond3A_203 = arith.cmpi ne, %convert_element_type3A_200, %cond3A_202 : i32
      scf.if %cond3A_203 {
        "tpu.region"() ({
          %run_scoped3A_416 = tpu.sem_alloc : memref<!tpu.dma_semaphore, #tpu.memory_space<semaphore_mem>>
          %dma_start3A_417 = arith.constant 0 : i32
          %dma_start3A_418 = tpu.memref_slice %arg8[%cond3A_201, %dma_start3A_417] : memref<8x128xi32, #tpu.memory_space<vmem>> -> memref<1x128xi32, #tpu.memory_space<vmem>>
          %dma_start3A_419 = tpu.memref_squeeze %dma_start3A_418 : memref<1x128xi32, #tpu.memory_space<vmem>> -> memref<128xi32, #tpu.memory_space<vmem>>
          %dma_start3A_420 = arith.constant 0 : i32
          %dma_start3A_421 = arith.constant 0 : i32
          %dma_start3A_422 = tpu.memref_slice %arg15[%dma_start3A_420, %dma_start3A_421] : memref<10112x32xbf16, #tpu.memory_space<vmem_shared>> -> memref<10112x32xbf16, #tpu.memory_space<vmem_shared>>
          tpu.enqueue_indirect_dma source(%arg13 : memref<128x32xbf16, #tpu.memory_space<vmem>>) target(%dma_start3A_422 : memref<10112x32xbf16, #tpu.memory_space<vmem_shared>>) offsets(%dma_start3A_419 : memref<128xi32, #tpu.memory_space<vmem>>) semaphore(%run_scoped3A_416 : memref<!tpu.dma_semaphore, #tpu.memory_space<semaphore_mem>>) {add = true}
          %dma_wait3A_423 = arith.constant 0 : i32
          %dma_wait3A_424 = tpu.memref_slice %arg8[%cond3A_201, %dma_wait3A_423] : memref<8x128xi32, #tpu.memory_space<vmem>> -> memref<1x128xi32, #tpu.memory_space<vmem>>
          %dma_wait3A_425 = tpu.memref_squeeze %dma_wait3A_424 : memref<1x128xi32, #tpu.memory_space<vmem>> -> memref<128xi32, #tpu.memory_space<vmem>>
          %dma_wait3A_426 = arith.constant 0 : i32
          %dma_wait3A_427 = arith.constant 0 : i32
          %dma_wait3A_428 = tpu.memref_slice %arg15[%dma_wait3A_426, %dma_wait3A_427] : memref<10112x32xbf16, #tpu.memory_space<vmem_shared>> -> memref<10112x32xbf16, #tpu.memory_space<vmem_shared>>
          tpu.wait_indirect_dma semaphore(%run_scoped3A_416 : memref<!tpu.dma_semaphore, #tpu.memory_space<semaphore_mem>>) src(%arg13 : memref<128x32xbf16, #tpu.memory_space<vmem>>) dst(%dma_wait3A_428 : memref<10112x32xbf16, #tpu.memory_space<vmem_shared>>)
          tpu.yield
        }) : () -> ()
      } else {
      }
      %dma_start3A_204 = arith.constant 7 : i32
      %dma_start3A_205 = arith.constant 0 : i32
      %dma_start3A_206 = tpu.memref_slice %arg7[%dma_start3A_204, %dma_start3A_205] : memref<8x128xi32, #tpu.memory_space<vmem>> -> memref<1x128xi32, #tpu.memory_space<vmem>>
      %dma_start3A_207 = tpu.memref_squeeze %dma_start3A_206 : memref<1x128xi32, #tpu.memory_space<vmem>> -> memref<128xi32, #tpu.memory_space<vmem>>
      %dma_start3A_208 = arith.constant 0 : i32
      %dma_start3A_209 = arith.constant 0 : i32
      %dma_start3A_210 = tpu.memref_slice %arg2[%dma_start3A_208, %dma_start3A_209] : memref<20000x128xbf16, #tpu.memory_space<hbm>> -> memref<20000x128xbf16, #tpu.memory_space<hbm>>
      tpu.enqueue_indirect_dma source(%dma_start3A_210 : memref<20000x128xbf16, #tpu.memory_space<hbm>>) target(%arg12 : memref<128x128xbf16, #tpu.memory_space<vmem>>) offsets(%dma_start3A_207 : memref<128xi32, #tpu.memory_space<vmem>>) semaphore(%arg17 : memref<!tpu.dma_semaphore, #tpu.memory_space<semaphore_mem>>)
      %dma_wait3A_211 = arith.constant 6 : i32
      %dma_wait3A_212 = arith.constant 0 : i32
      %dma_wait3A_213 = tpu.memref_slice %arg7[%dma_wait3A_211, %dma_wait3A_212] : memref<8x128xi32, #tpu.memory_space<vmem>> -> memref<1x128xi32, #tpu.memory_space<vmem>>
      %dma_wait3A_214 = tpu.memref_squeeze %dma_wait3A_213 : memref<1x128xi32, #tpu.memory_space<vmem>> -> memref<128xi32, #tpu.memory_space<vmem>>
      %dma_wait3A_215 = arith.constant 0 : i32
      %dma_wait3A_216 = arith.constant 0 : i32
      %dma_wait3A_217 = tpu.memref_slice %arg2[%dma_wait3A_215, %dma_wait3A_216] : memref<20000x128xbf16, #tpu.memory_space<hbm>> -> memref<20000x128xbf16, #tpu.memory_space<hbm>>
      tpu.wait_indirect_dma semaphore(%arg16 : memref<!tpu.dma_semaphore, #tpu.memory_space<semaphore_mem>>) src(%dma_wait3A_217 : memref<20000x128xbf16, #tpu.memory_space<hbm>>) dst(%arg11 : memref<128x128xbf16, #tpu.memory_space<vmem>>)
      %run_scoped3A_218 = arith.constant 6 : i32
      "tpu.region"() ({
        %run_scoped3A_416 = tpu.sem_alloc : memref<!tpu.dma_semaphore, #tpu.memory_space<semaphore_mem>>
        %dma_start3A_417 = arith.constant 0 : i32
        %dma_start3A_418 = tpu.memref_slice %arg8[%run_scoped3A_218, %dma_start3A_417] : memref<8x128xi32, #tpu.memory_space<vmem>> -> memref<1x128xi32, #tpu.memory_space<vmem>>
        %dma_start3A_419 = tpu.memref_squeeze %dma_start3A_418 : memref<1x128xi32, #tpu.memory_space<vmem>> -> memref<128xi32, #tpu.memory_space<vmem>>
        %dma_start3A_420 = arith.constant 0 : i32
        %dma_start3A_421 = arith.constant 0 : i32
        %dma_start3A_422 = tpu.memref_slice %arg14[%dma_start3A_420, %dma_start3A_421] : memref<10112x128xbf16, #tpu.memory_space<vmem_shared>> -> memref<10112x128xbf16, #tpu.memory_space<vmem_shared>>
        tpu.enqueue_indirect_dma source(%arg11 : memref<128x128xbf16, #tpu.memory_space<vmem>>) target(%dma_start3A_422 : memref<10112x128xbf16, #tpu.memory_space<vmem_shared>>) offsets(%dma_start3A_419 : memref<128xi32, #tpu.memory_space<vmem>>) semaphore(%run_scoped3A_416 : memref<!tpu.dma_semaphore, #tpu.memory_space<semaphore_mem>>) {add = true}
        %dma_wait3A_423 = arith.constant 0 : i32
        %dma_wait3A_424 = tpu.memref_slice %arg8[%run_scoped3A_218, %dma_wait3A_423] : memref<8x128xi32, #tpu.memory_space<vmem>> -> memref<1x128xi32, #tpu.memory_space<vmem>>
        %dma_wait3A_425 = tpu.memref_squeeze %dma_wait3A_424 : memref<1x128xi32, #tpu.memory_space<vmem>> -> memref<128xi32, #tpu.memory_space<vmem>>
        %dma_wait3A_426 = arith.constant 0 : i32
        %dma_wait3A_427 = arith.constant 0 : i32
        %dma_wait3A_428 = tpu.memref_slice %arg14[%dma_wait3A_426, %dma_wait3A_427] : memref<10112x128xbf16, #tpu.memory_space<vmem_shared>> -> memref<10112x128xbf16, #tpu.memory_space<vmem_shared>>
        tpu.wait_indirect_dma semaphore(%run_scoped3A_416 : memref<!tpu.dma_semaphore, #tpu.memory_space<semaphore_mem>>) src(%arg11 : memref<128x128xbf16, #tpu.memory_space<vmem>>) dst(%dma_wait3A_428 : memref<10112x128xbf16, #tpu.memory_space<vmem_shared>>)
        tpu.yield
      }) : () -> ()
      %eq3A_219 = arith.constant 0 : i32
      %eq3A_220 = arith.cmpi eq, %arg0, %eq3A_219 : i32
      %convert_element_type3A_221 = arith.extui %eq3A_220 : i1 to i32
      %cond3A_222 = arith.constant 6 : i32
      %cond3A_223 = arith.constant 0 : i32
      %cond3A_224 = arith.cmpi ne, %convert_element_type3A_221, %cond3A_223 : i32
      scf.if %cond3A_224 {
        "tpu.region"() ({
          %run_scoped3A_416 = tpu.sem_alloc : memref<!tpu.dma_semaphore, #tpu.memory_space<semaphore_mem>>
          %dma_start3A_417 = arith.constant 0 : i32
          %dma_start3A_418 = tpu.memref_slice %arg8[%cond3A_222, %dma_start3A_417] : memref<8x128xi32, #tpu.memory_space<vmem>> -> memref<1x128xi32, #tpu.memory_space<vmem>>
          %dma_start3A_419 = tpu.memref_squeeze %dma_start3A_418 : memref<1x128xi32, #tpu.memory_space<vmem>> -> memref<128xi32, #tpu.memory_space<vmem>>
          %dma_start3A_420 = arith.constant 0 : i32
          %dma_start3A_421 = arith.constant 0 : i32
          %dma_start3A_422 = tpu.memref_slice %arg15[%dma_start3A_420, %dma_start3A_421] : memref<10112x32xbf16, #tpu.memory_space<vmem_shared>> -> memref<10112x32xbf16, #tpu.memory_space<vmem_shared>>
          tpu.enqueue_indirect_dma source(%arg13 : memref<128x32xbf16, #tpu.memory_space<vmem>>) target(%dma_start3A_422 : memref<10112x32xbf16, #tpu.memory_space<vmem_shared>>) offsets(%dma_start3A_419 : memref<128xi32, #tpu.memory_space<vmem>>) semaphore(%run_scoped3A_416 : memref<!tpu.dma_semaphore, #tpu.memory_space<semaphore_mem>>) {add = true}
          %dma_wait3A_423 = arith.constant 0 : i32
          %dma_wait3A_424 = tpu.memref_slice %arg8[%cond3A_222, %dma_wait3A_423] : memref<8x128xi32, #tpu.memory_space<vmem>> -> memref<1x128xi32, #tpu.memory_space<vmem>>
          %dma_wait3A_425 = tpu.memref_squeeze %dma_wait3A_424 : memref<1x128xi32, #tpu.memory_space<vmem>> -> memref<128xi32, #tpu.memory_space<vmem>>
          %dma_wait3A_426 = arith.constant 0 : i32
          %dma_wait3A_427 = arith.constant 0 : i32
          %dma_wait3A_428 = tpu.memref_slice %arg15[%dma_wait3A_426, %dma_wait3A_427] : memref<10112x32xbf16, #tpu.memory_space<vmem_shared>> -> memref<10112x32xbf16, #tpu.memory_space<vmem_shared>>
          tpu.wait_indirect_dma semaphore(%run_scoped3A_416 : memref<!tpu.dma_semaphore, #tpu.memory_space<semaphore_mem>>) src(%arg13 : memref<128x32xbf16, #tpu.memory_space<vmem>>) dst(%dma_wait3A_428 : memref<10112x32xbf16, #tpu.memory_space<vmem_shared>>)
          tpu.yield
        }) : () -> ()
      } else {
      }
      %dma_start3A_225 = arith.constant 0 : i32
      %dma_start3A_226 = arith.constant 0 : i32
      %dma_start3A_227 = tpu.memref_slice %arg9[%dma_start3A_225, %dma_start3A_226] : memref<8x128xi32, #tpu.memory_space<vmem>> -> memref<1x128xi32, #tpu.memory_space<vmem>>
      %dma_start3A_228 = tpu.memref_squeeze %dma_start3A_227 : memref<1x128xi32, #tpu.memory_space<vmem>> -> memref<128xi32, #tpu.memory_space<vmem>>
      %dma_start3A_229 = arith.constant 0 : i32
      %dma_start3A_230 = arith.constant 0 : i32
      %dma_start3A_231 = tpu.memref_slice %arg2[%dma_start3A_229, %dma_start3A_230] : memref<20000x128xbf16, #tpu.memory_space<hbm>> -> memref<20000x128xbf16, #tpu.memory_space<hbm>>
      tpu.enqueue_indirect_dma source(%dma_start3A_231 : memref<20000x128xbf16, #tpu.memory_space<hbm>>) target(%arg11 : memref<128x128xbf16, #tpu.memory_space<vmem>>) offsets(%dma_start3A_228 : memref<128xi32, #tpu.memory_space<vmem>>) semaphore(%arg16 : memref<!tpu.dma_semaphore, #tpu.memory_space<semaphore_mem>>)
      %dma_wait3A_232 = arith.constant 7 : i32
      %dma_wait3A_233 = arith.constant 0 : i32
      %dma_wait3A_234 = tpu.memref_slice %arg7[%dma_wait3A_232, %dma_wait3A_233] : memref<8x128xi32, #tpu.memory_space<vmem>> -> memref<1x128xi32, #tpu.memory_space<vmem>>
      %dma_wait3A_235 = tpu.memref_squeeze %dma_wait3A_234 : memref<1x128xi32, #tpu.memory_space<vmem>> -> memref<128xi32, #tpu.memory_space<vmem>>
      %dma_wait3A_236 = arith.constant 0 : i32
      %dma_wait3A_237 = arith.constant 0 : i32
      %dma_wait3A_238 = tpu.memref_slice %arg2[%dma_wait3A_236, %dma_wait3A_237] : memref<20000x128xbf16, #tpu.memory_space<hbm>> -> memref<20000x128xbf16, #tpu.memory_space<hbm>>
      tpu.wait_indirect_dma semaphore(%arg17 : memref<!tpu.dma_semaphore, #tpu.memory_space<semaphore_mem>>) src(%dma_wait3A_238 : memref<20000x128xbf16, #tpu.memory_space<hbm>>) dst(%arg12 : memref<128x128xbf16, #tpu.memory_space<vmem>>)
      %run_scoped3A_239 = arith.constant 7 : i32
      "tpu.region"() ({
        %run_scoped3A_416 = tpu.sem_alloc : memref<!tpu.dma_semaphore, #tpu.memory_space<semaphore_mem>>
        %dma_start3A_417 = arith.constant 0 : i32
        %dma_start3A_418 = tpu.memref_slice %arg8[%run_scoped3A_239, %dma_start3A_417] : memref<8x128xi32, #tpu.memory_space<vmem>> -> memref<1x128xi32, #tpu.memory_space<vmem>>
        %dma_start3A_419 = tpu.memref_squeeze %dma_start3A_418 : memref<1x128xi32, #tpu.memory_space<vmem>> -> memref<128xi32, #tpu.memory_space<vmem>>
        %dma_start3A_420 = arith.constant 0 : i32
        %dma_start3A_421 = arith.constant 0 : i32
        %dma_start3A_422 = tpu.memref_slice %arg14[%dma_start3A_420, %dma_start3A_421] : memref<10112x128xbf16, #tpu.memory_space<vmem_shared>> -> memref<10112x128xbf16, #tpu.memory_space<vmem_shared>>
        tpu.enqueue_indirect_dma source(%arg12 : memref<128x128xbf16, #tpu.memory_space<vmem>>) target(%dma_start3A_422 : memref<10112x128xbf16, #tpu.memory_space<vmem_shared>>) offsets(%dma_start3A_419 : memref<128xi32, #tpu.memory_space<vmem>>) semaphore(%run_scoped3A_416 : memref<!tpu.dma_semaphore, #tpu.memory_space<semaphore_mem>>) {add = true}
        %dma_wait3A_423 = arith.constant 0 : i32
        %dma_wait3A_424 = tpu.memref_slice %arg8[%run_scoped3A_239, %dma_wait3A_423] : memref<8x128xi32, #tpu.memory_space<vmem>> -> memref<1x128xi32, #tpu.memory_space<vmem>>
        %dma_wait3A_425 = tpu.memref_squeeze %dma_wait3A_424 : memref<1x128xi32, #tpu.memory_space<vmem>> -> memref<128xi32, #tpu.memory_space<vmem>>
        %dma_wait3A_426 = arith.constant 0 : i32
        %dma_wait3A_427 = arith.constant 0 : i32
        %dma_wait3A_428 = tpu.memref_slice %arg14[%dma_wait3A_426, %dma_wait3A_427] : memref<10112x128xbf16, #tpu.memory_space<vmem_shared>> -> memref<10112x128xbf16, #tpu.memory_space<vmem_shared>>
        tpu.wait_indirect_dma semaphore(%run_scoped3A_416 : memref<!tpu.dma_semaphore, #tpu.memory_space<semaphore_mem>>) src(%arg12 : memref<128x128xbf16, #tpu.memory_space<vmem>>) dst(%dma_wait3A_428 : memref<10112x128xbf16, #tpu.memory_space<vmem_shared>>)
        tpu.yield
      }) : () -> ()
      %eq3A_240 = arith.constant 1 : i32
      %eq3A_241 = arith.cmpi eq, %arg0, %eq3A_240 : i32
      %convert_element_type3A_242 = arith.extui %eq3A_241 : i1 to i32
      %cond3A_243 = arith.constant 7 : i32
      %cond3A_244 = arith.constant 0 : i32
      %cond3A_245 = arith.cmpi ne, %convert_element_type3A_242, %cond3A_244 : i32
      scf.if %cond3A_245 {
        "tpu.region"() ({
          %run_scoped3A_416 = tpu.sem_alloc : memref<!tpu.dma_semaphore, #tpu.memory_space<semaphore_mem>>
          %dma_start3A_417 = arith.constant 0 : i32
          %dma_start3A_418 = tpu.memref_slice %arg8[%cond3A_243, %dma_start3A_417] : memref<8x128xi32, #tpu.memory_space<vmem>> -> memref<1x128xi32, #tpu.memory_space<vmem>>
          %dma_start3A_419 = tpu.memref_squeeze %dma_start3A_418 : memref<1x128xi32, #tpu.memory_space<vmem>> -> memref<128xi32, #tpu.memory_space<vmem>>
          %dma_start3A_420 = arith.constant 0 : i32
          %dma_start3A_421 = arith.constant 0 : i32
          %dma_start3A_422 = tpu.memref_slice %arg15[%dma_start3A_420, %dma_start3A_421] : memref<10112x32xbf16, #tpu.memory_space<vmem_shared>> -> memref<10112x32xbf16, #tpu.memory_space<vmem_shared>>
          tpu.enqueue_indirect_dma source(%arg13 : memref<128x32xbf16, #tpu.memory_space<vmem>>) target(%dma_start3A_422 : memref<10112x32xbf16, #tpu.memory_space<vmem_shared>>) offsets(%dma_start3A_419 : memref<128xi32, #tpu.memory_space<vmem>>) semaphore(%run_scoped3A_416 : memref<!tpu.dma_semaphore, #tpu.memory_space<semaphore_mem>>) {add = true}
          %dma_wait3A_423 = arith.constant 0 : i32
          %dma_wait3A_424 = tpu.memref_slice %arg8[%cond3A_243, %dma_wait3A_423] : memref<8x128xi32, #tpu.memory_space<vmem>> -> memref<1x128xi32, #tpu.memory_space<vmem>>
          %dma_wait3A_425 = tpu.memref_squeeze %dma_wait3A_424 : memref<1x128xi32, #tpu.memory_space<vmem>> -> memref<128xi32, #tpu.memory_space<vmem>>
          %dma_wait3A_426 = arith.constant 0 : i32
          %dma_wait3A_427 = arith.constant 0 : i32
          %dma_wait3A_428 = tpu.memref_slice %arg15[%dma_wait3A_426, %dma_wait3A_427] : memref<10112x32xbf16, #tpu.memory_space<vmem_shared>> -> memref<10112x32xbf16, #tpu.memory_space<vmem_shared>>
          tpu.wait_indirect_dma semaphore(%run_scoped3A_416 : memref<!tpu.dma_semaphore, #tpu.memory_space<semaphore_mem>>) src(%arg13 : memref<128x32xbf16, #tpu.memory_space<vmem>>) dst(%dma_wait3A_428 : memref<10112x32xbf16, #tpu.memory_space<vmem_shared>>)
          tpu.yield
        }) : () -> ()
      } else {
      }
      %ne3A = arith.constant 4 : i32
      %ne3A_246 = arith.cmpi ne, %scan3A_63, %ne3A : i32
      %convert_element_type3A_247 = arith.extui %ne3A_246 : i1 to i32
      %cond3A_248 = arith.constant 0 : i32
      %cond3A_249 = arith.cmpi ne, %convert_element_type3A_247, %cond3A_248 : i32
      scf.if %cond3A_249 {
        %mul3A_416 = arith.constant 2 : i32
        %mul3A_417 = arith.muli %mul3A_416, %scan3A_63 : i32
        %add3A_418 = arith.constant 2 : i32
        %add3A_419 = arith.addi %mul3A_417, %add3A_418 : i32
        %mul3A_420 = arith.constant 8 : i32
        %mul3A_421 = arith.muli %add3A_419, %mul3A_420 : i32
        %add3A_422 = arith.addi %mul3A_29, %mul3A_421 : i32
        "tpu.region"() ({
          %run_scoped3A_432 = tpu.sem_alloc : memref<!tpu.dma_semaphore, #tpu.memory_space<semaphore_mem>>
          %dma_start3A_433 = arith.constant 0 : i32
          %dma_start3A_434 = tpu.memref_slice %arg3[%add3A_422, %dma_start3A_433] : memref<1280x128xi32, #tpu.memory_space<hbm>> -> memref<8x128xi32, #tpu.memory_space<hbm>>
          %dma_start3A_435 = arith.constant 0 : i32
          %dma_start3A_436 = tpu.memref_slice %arg3[%add3A_422, %dma_start3A_435] : memref<1280x128xi32, #tpu.memory_space<hbm>> -> memref<8x128xi32, #tpu.memory_space<hbm>>
          tpu.enqueue_dma source(%dma_start3A_436 : memref<8x128xi32, #tpu.memory_space<hbm>>) target(%arg7 : memref<8x128xi32, #tpu.memory_space<vmem>>) target_semaphore(%run_scoped3A_432 : memref<!tpu.dma_semaphore, #tpu.memory_space<semaphore_mem>>)
          %dma_wait3A_437 = arith.constant 0 : i32
          %dma_wait3A_438 = tpu.memref_slice %arg3[%add3A_422, %dma_wait3A_437] : memref<1280x128xi32, #tpu.memory_space<hbm>> -> memref<8x128xi32, #tpu.memory_space<hbm>>
          %dma_wait3A_439 = arith.constant 0 : i32
          %dma_wait3A_440 = tpu.memref_slice %arg3[%add3A_422, %dma_wait3A_439] : memref<1280x128xi32, #tpu.memory_space<hbm>> -> memref<8x128xi32, #tpu.memory_space<hbm>>
          tpu.wait_dma2 semaphore(%run_scoped3A_432 : memref<!tpu.dma_semaphore, #tpu.memory_space<semaphore_mem>>) src(%dma_wait3A_440 : memref<8x128xi32, #tpu.memory_space<hbm>>) dst(%arg7 : memref<8x128xi32, #tpu.memory_space<vmem>>)
          tpu.yield
        }) : () -> ()
        %mul3A_423 = arith.constant 8 : i32
        %mul3A_424 = arith.muli %add3A_419, %mul3A_423 : i32
        %add3A_425 = arith.addi %mul3A_29, %mul3A_424 : i32
        "tpu.region"() ({
          %run_scoped3A_432 = tpu.sem_alloc : memref<!tpu.dma_semaphore, #tpu.memory_space<semaphore_mem>>
          %dma_start3A_433 = arith.constant 0 : i32
          %dma_start3A_434 = tpu.memref_slice %arg4[%add3A_425, %dma_start3A_433] : memref<1280x128xi32, #tpu.memory_space<hbm>> -> memref<8x128xi32, #tpu.memory_space<hbm>>
          %dma_start3A_435 = arith.constant 0 : i32
          %dma_start3A_436 = tpu.memref_slice %arg4[%add3A_425, %dma_start3A_435] : memref<1280x128xi32, #tpu.memory_space<hbm>> -> memref<8x128xi32, #tpu.memory_space<hbm>>
          tpu.enqueue_dma source(%dma_start3A_436 : memref<8x128xi32, #tpu.memory_space<hbm>>) target(%arg8 : memref<8x128xi32, #tpu.memory_space<vmem>>) target_semaphore(%run_scoped3A_432 : memref<!tpu.dma_semaphore, #tpu.memory_space<semaphore_mem>>)
          %dma_wait3A_437 = arith.constant 0 : i32
          %dma_wait3A_438 = tpu.memref_slice %arg4[%add3A_425, %dma_wait3A_437] : memref<1280x128xi32, #tpu.memory_space<hbm>> -> memref<8x128xi32, #tpu.memory_space<hbm>>
          %dma_wait3A_439 = arith.constant 0 : i32
          %dma_wait3A_440 = tpu.memref_slice %arg4[%add3A_425, %dma_wait3A_439] : memref<1280x128xi32, #tpu.memory_space<hbm>> -> memref<8x128xi32, #tpu.memory_space<hbm>>
          tpu.wait_dma2 semaphore(%run_scoped3A_432 : memref<!tpu.dma_semaphore, #tpu.memory_space<semaphore_mem>>) src(%dma_wait3A_440 : memref<8x128xi32, #tpu.memory_space<hbm>>) dst(%arg8 : memref<8x128xi32, #tpu.memory_space<vmem>>)
          tpu.yield
        }) : () -> ()
        %scan3A_426 = arith.constant 0 : i32
        %scan3A_427 = arith.constant 0 : i32
        %scan3A_428 = arith.constant 8 : i32
        %scan3A_429 = arith.addi %scan3A_427, %scan3A_428 : i32
        %scan3A_430 = arith.constant 1 : i32
        scf.for %scan3A_432 = %scan3A_427 to %scan3A_429 step %scan3A_430  : i32 {
          %get3A = arith.index_cast %scan3A_432 : i32 to index
          %get3A_433 = arith.constant 0 : index
          %get3A_434 = tpu.vector_load %arg7[%get3A, %get3A_433] {strides = array<i32>} : memref<8x128xi32, #tpu.memory_space<vmem>>, vector<16xi32>,
          %add3A_435 = arith.addi %get3A_434, %get3A_434 : vector<16xi32>
          %add3A_436 = arith.addi %add3A_435, %add3A_33 : vector<16xi32>
          %swap3A = arith.index_cast %scan3A_432 : i32 to index
          %swap3A_437 = arith.constant 0 : index
          %swap3A_438 = tpu.vector_load %arg7[%swap3A, %swap3A_437] {strides = array<i32>} : memref<8x128xi32, #tpu.memory_space<vmem>>, vector<16xi32>,
          tpu.vector_store %arg7[%swap3A, %swap3A_437], %add3A_436 {strides = array<i32>} : memref<8x128xi32, #tpu.memory_space<vmem>>, vector<16xi32>,
          %get3A_439 = arith.index_cast %scan3A_432 : i32 to index
          %get3A_440 = arith.constant 16 : index
          %get3A_441 = tpu.vector_load %arg7[%get3A_439, %get3A_440] {strides = array<i32>} : memref<8x128xi32, #tpu.memory_space<vmem>>, vector<16xi32>,
          %add3A_442 = arith.addi %get3A_441, %get3A_441 : vector<16xi32>
          %add3A_443 = arith.addi %add3A_442, %add3A_33 : vector<16xi32>
          %swap3A_444 = arith.index_cast %scan3A_432 : i32 to index
          %swap3A_445 = arith.constant 16 : index
          %swap3A_446 = tpu.vector_load %arg7[%swap3A_444, %swap3A_445] {strides = array<i32>} : memref<8x128xi32, #tpu.memory_space<vmem>>, vector<16xi32>,
          tpu.vector_store %arg7[%swap3A_444, %swap3A_445], %add3A_443 {strides = array<i32>} : memref<8x128xi32, #tpu.memory_space<vmem>>, vector<16xi32>,
          %get3A_447 = arith.index_cast %scan3A_432 : i32 to index
          %get3A_448 = arith.constant 32 : index
          %get3A_449 = tpu.vector_load %arg7[%get3A_447, %get3A_448] {strides = array<i32>} : memref<8x128xi32, #tpu.memory_space<vmem>>, vector<16xi32>,
          %add3A_450 = arith.addi %get3A_449, %get3A_449 : vector<16xi32>
          %add3A_451 = arith.addi %add3A_450, %add3A_33 : vector<16xi32>
          %swap3A_452 = arith.index_cast %scan3A_432 : i32 to index
          %swap3A_453 = arith.constant 32 : index
          %swap3A_454 = tpu.vector_load %arg7[%swap3A_452, %swap3A_453] {strides = array<i32>} : memref<8x128xi32, #tpu.memory_space<vmem>>, vector<16xi32>,
          tpu.vector_store %arg7[%swap3A_452, %swap3A_453], %add3A_451 {strides = array<i32>} : memref<8x128xi32, #tpu.memory_space<vmem>>, vector<16xi32>,
          %get3A_455 = arith.index_cast %scan3A_432 : i32 to index
          %get3A_456 = arith.constant 48 : index
          %get3A_457 = tpu.vector_load %arg7[%get3A_455, %get3A_456] {strides = array<i32>} : memref<8x128xi32, #tpu.memory_space<vmem>>, vector<16xi32>,
          %add3A_458 = arith.addi %get3A_457, %get3A_457 : vector<16xi32>
          %add3A_459 = arith.addi %add3A_458, %add3A_33 : vector<16xi32>
          %swap3A_460 = arith.index_cast %scan3A_432 : i32 to index
          %swap3A_461 = arith.constant 48 : index
          %swap3A_462 = tpu.vector_load %arg7[%swap3A_460, %swap3A_461] {strides = array<i32>} : memref<8x128xi32, #tpu.memory_space<vmem>>, vector<16xi32>,
          tpu.vector_store %arg7[%swap3A_460, %swap3A_461], %add3A_459 {strides = array<i32>} : memref<8x128xi32, #tpu.memory_space<vmem>>, vector<16xi32>,
          %get3A_463 = arith.index_cast %scan3A_432 : i32 to index
          %get3A_464 = arith.constant 64 : index
          %get3A_465 = tpu.vector_load %arg7[%get3A_463, %get3A_464] {strides = array<i32>} : memref<8x128xi32, #tpu.memory_space<vmem>>, vector<16xi32>,
          %add3A_466 = arith.addi %get3A_465, %get3A_465 : vector<16xi32>
          %add3A_467 = arith.addi %add3A_466, %add3A_33 : vector<16xi32>
          %swap3A_468 = arith.index_cast %scan3A_432 : i32 to index
          %swap3A_469 = arith.constant 64 : index
          %swap3A_470 = tpu.vector_load %arg7[%swap3A_468, %swap3A_469] {strides = array<i32>} : memref<8x128xi32, #tpu.memory_space<vmem>>, vector<16xi32>,
          tpu.vector_store %arg7[%swap3A_468, %swap3A_469], %add3A_467 {strides = array<i32>} : memref<8x128xi32, #tpu.memory_space<vmem>>, vector<16xi32>,
          %get3A_471 = arith.index_cast %scan3A_432 : i32 to index
          %get3A_472 = arith.constant 80 : index
          %get3A_473 = tpu.vector_load %arg7[%get3A_471, %get3A_472] {strides = array<i32>} : memref<8x128xi32, #tpu.memory_space<vmem>>, vector<16xi32>,
          %add3A_474 = arith.addi %get3A_473, %get3A_473 : vector<16xi32>
          %add3A_475 = arith.addi %add3A_474, %add3A_33 : vector<16xi32>
          %swap3A_476 = arith.index_cast %scan3A_432 : i32 to index
          %swap3A_477 = arith.constant 80 : index
          %swap3A_478 = tpu.vector_load %arg7[%swap3A_476, %swap3A_477] {strides = array<i32>} : memref<8x128xi32, #tpu.memory_space<vmem>>, vector<16xi32>,
          tpu.vector_store %arg7[%swap3A_476, %swap3A_477], %add3A_475 {strides = array<i32>} : memref<8x128xi32, #tpu.memory_space<vmem>>, vector<16xi32>,
          %get3A_479 = arith.index_cast %scan3A_432 : i32 to index
          %get3A_480 = arith.constant 96 : index
          %get3A_481 = tpu.vector_load %arg7[%get3A_479, %get3A_480] {strides = array<i32>} : memref<8x128xi32, #tpu.memory_space<vmem>>, vector<16xi32>,
          %add3A_482 = arith.addi %get3A_481, %get3A_481 : vector<16xi32>
          %add3A_483 = arith.addi %add3A_482, %add3A_33 : vector<16xi32>
          %swap3A_484 = arith.index_cast %scan3A_432 : i32 to index
          %swap3A_485 = arith.constant 96 : index
          %swap3A_486 = tpu.vector_load %arg7[%swap3A_484, %swap3A_485] {strides = array<i32>} : memref<8x128xi32, #tpu.memory_space<vmem>>, vector<16xi32>,
          tpu.vector_store %arg7[%swap3A_484, %swap3A_485], %add3A_483 {strides = array<i32>} : memref<8x128xi32, #tpu.memory_space<vmem>>, vector<16xi32>,
          %get3A_487 = arith.index_cast %scan3A_432 : i32 to index
          %get3A_488 = arith.constant 112 : index
          %get3A_489 = tpu.vector_load %arg7[%get3A_487, %get3A_488] {strides = array<i32>} : memref<8x128xi32, #tpu.memory_space<vmem>>, vector<16xi32>,
          %add3A_490 = arith.addi %get3A_489, %get3A_489 : vector<16xi32>
          %add3A_491 = arith.addi %add3A_490, %add3A_33 : vector<16xi32>
          %swap3A_492 = arith.index_cast %scan3A_432 : i32 to index
          %swap3A_493 = arith.constant 112 : index
          %swap3A_494 = tpu.vector_load %arg7[%swap3A_492, %swap3A_493] {strides = array<i32>} : memref<8x128xi32, #tpu.memory_space<vmem>>, vector<16xi32>,
          tpu.vector_store %arg7[%swap3A_492, %swap3A_493], %add3A_491 {strides = array<i32>} : memref<8x128xi32, #tpu.memory_space<vmem>>, vector<16xi32>,
        }
        %scan3A_431 = arith.constant 8 : i32
      } else {
      }
      %dma_start3A_250 = arith.constant 1 : i32
      %dma_start3A_251 = arith.constant 0 : i32
      %dma_start3A_252 = tpu.memref_slice %arg9[%dma_start3A_250, %dma_start3A_251] : memref<8x128xi32, #tpu.memory_space<vmem>> -> memref<1x128xi32, #tpu.memory_space<vmem>>
      %dma_start3A_253 = tpu.memref_squeeze %dma_start3A_252 : memref<1x128xi32, #tpu.memory_space<vmem>> -> memref<128xi32, #tpu.memory_space<vmem>>
      %dma_start3A_254 = arith.constant 0 : i32
      %dma_start3A_255 = arith.constant 0 : i32
      %dma_start3A_256 = tpu.memref_slice %arg2[%dma_start3A_254, %dma_start3A_255] : memref<20000x128xbf16, #tpu.memory_space<hbm>> -> memref<20000x128xbf16, #tpu.memory_space<hbm>>
      tpu.enqueue_indirect_dma source(%dma_start3A_256 : memref<20000x128xbf16, #tpu.memory_space<hbm>>) target(%arg12 : memref<128x128xbf16, #tpu.memory_space<vmem>>) offsets(%dma_start3A_253 : memref<128xi32, #tpu.memory_space<vmem>>) semaphore(%arg17 : memref<!tpu.dma_semaphore, #tpu.memory_space<semaphore_mem>>)
      %dma_wait3A_257 = arith.constant 0 : i32
      %dma_wait3A_258 = arith.constant 0 : i32
      %dma_wait3A_259 = tpu.memref_slice %arg9[%dma_wait3A_257, %dma_wait3A_258] : memref<8x128xi32, #tpu.memory_space<vmem>> -> memref<1x128xi32, #tpu.memory_space<vmem>>
      %dma_wait3A_260 = tpu.memref_squeeze %dma_wait3A_259 : memref<1x128xi32, #tpu.memory_space<vmem>> -> memref<128xi32, #tpu.memory_space<vmem>>
      %dma_wait3A_261 = arith.constant 0 : i32
      %dma_wait3A_262 = arith.constant 0 : i32
      %dma_wait3A_263 = tpu.memref_slice %arg2[%dma_wait3A_261, %dma_wait3A_262] : memref<20000x128xbf16, #tpu.memory_space<hbm>> -> memref<20000x128xbf16, #tpu.memory_space<hbm>>
      tpu.wait_indirect_dma semaphore(%arg16 : memref<!tpu.dma_semaphore, #tpu.memory_space<semaphore_mem>>) src(%dma_wait3A_263 : memref<20000x128xbf16, #tpu.memory_space<hbm>>) dst(%arg11 : memref<128x128xbf16, #tpu.memory_space<vmem>>)
      %run_scoped3A_264 = arith.constant 0 : i32
      "tpu.region"() ({
        %run_scoped3A_416 = tpu.sem_alloc : memref<!tpu.dma_semaphore, #tpu.memory_space<semaphore_mem>>
        %dma_start3A_417 = arith.constant 0 : i32
        %dma_start3A_418 = tpu.memref_slice %arg10[%run_scoped3A_264, %dma_start3A_417] : memref<8x128xi32, #tpu.memory_space<vmem>> -> memref<1x128xi32, #tpu.memory_space<vmem>>
        %dma_start3A_419 = tpu.memref_squeeze %dma_start3A_418 : memref<1x128xi32, #tpu.memory_space<vmem>> -> memref<128xi32, #tpu.memory_space<vmem>>
        %dma_start3A_420 = arith.constant 0 : i32
        %dma_start3A_421 = arith.constant 0 : i32
        %dma_start3A_422 = tpu.memref_slice %arg14[%dma_start3A_420, %dma_start3A_421] : memref<10112x128xbf16, #tpu.memory_space<vmem_shared>> -> memref<10112x128xbf16, #tpu.memory_space<vmem_shared>>
        tpu.enqueue_indirect_dma source(%arg11 : memref<128x128xbf16, #tpu.memory_space<vmem>>) target(%dma_start3A_422 : memref<10112x128xbf16, #tpu.memory_space<vmem_shared>>) offsets(%dma_start3A_419 : memref<128xi32, #tpu.memory_space<vmem>>) semaphore(%run_scoped3A_416 : memref<!tpu.dma_semaphore, #tpu.memory_space<semaphore_mem>>) {add = true}
        %dma_wait3A_423 = arith.constant 0 : i32
        %dma_wait3A_424 = tpu.memref_slice %arg10[%run_scoped3A_264, %dma_wait3A_423] : memref<8x128xi32, #tpu.memory_space<vmem>> -> memref<1x128xi32, #tpu.memory_space<vmem>>
        %dma_wait3A_425 = tpu.memref_squeeze %dma_wait3A_424 : memref<1x128xi32, #tpu.memory_space<vmem>> -> memref<128xi32, #tpu.memory_space<vmem>>
        %dma_wait3A_426 = arith.constant 0 : i32
        %dma_wait3A_427 = arith.constant 0 : i32
        %dma_wait3A_428 = tpu.memref_slice %arg14[%dma_wait3A_426, %dma_wait3A_427] : memref<10112x128xbf16, #tpu.memory_space<vmem_shared>> -> memref<10112x128xbf16, #tpu.memory_space<vmem_shared>>
        tpu.wait_indirect_dma semaphore(%run_scoped3A_416 : memref<!tpu.dma_semaphore, #tpu.memory_space<semaphore_mem>>) src(%arg11 : memref<128x128xbf16, #tpu.memory_space<vmem>>) dst(%dma_wait3A_428 : memref<10112x128xbf16, #tpu.memory_space<vmem_shared>>)
        tpu.yield
      }) : () -> ()
      %eq3A_265 = arith.constant 0 : i32
      %eq3A_266 = arith.cmpi eq, %arg0, %eq3A_265 : i32
      %convert_element_type3A_267 = arith.extui %eq3A_266 : i1 to i32
      %cond3A_268 = arith.constant 0 : i32
      %cond3A_269 = arith.constant 0 : i32
      %cond3A_270 = arith.cmpi ne, %convert_element_type3A_267, %cond3A_269 : i32
      scf.if %cond3A_270 {
        "tpu.region"() ({
          %run_scoped3A_416 = tpu.sem_alloc : memref<!tpu.dma_semaphore, #tpu.memory_space<semaphore_mem>>
          %dma_start3A_417 = arith.constant 0 : i32
          %dma_start3A_418 = tpu.memref_slice %arg10[%cond3A_268, %dma_start3A_417] : memref<8x128xi32, #tpu.memory_space<vmem>> -> memref<1x128xi32, #tpu.memory_space<vmem>>
          %dma_start3A_419 = tpu.memref_squeeze %dma_start3A_418 : memref<1x128xi32, #tpu.memory_space<vmem>> -> memref<128xi32, #tpu.memory_space<vmem>>
          %dma_start3A_420 = arith.constant 0 : i32
          %dma_start3A_421 = arith.constant 0 : i32
          %dma_start3A_422 = tpu.memref_slice %arg15[%dma_start3A_420, %dma_start3A_421] : memref<10112x32xbf16, #tpu.memory_space<vmem_shared>> -> memref<10112x32xbf16, #tpu.memory_space<vmem_shared>>
          tpu.enqueue_indirect_dma source(%arg13 : memref<128x32xbf16, #tpu.memory_space<vmem>>) target(%dma_start3A_422 : memref<10112x32xbf16, #tpu.memory_space<vmem_shared>>) offsets(%dma_start3A_419 : memref<128xi32, #tpu.memory_space<vmem>>) semaphore(%run_scoped3A_416 : memref<!tpu.dma_semaphore, #tpu.memory_space<semaphore_mem>>) {add = true}
          %dma_wait3A_423 = arith.constant 0 : i32
          %dma_wait3A_424 = tpu.memref_slice %arg10[%cond3A_268, %dma_wait3A_423] : memref<8x128xi32, #tpu.memory_space<vmem>> -> memref<1x128xi32, #tpu.memory_space<vmem>>
          %dma_wait3A_425 = tpu.memref_squeeze %dma_wait3A_424 : memref<1x128xi32, #tpu.memory_space<vmem>> -> memref<128xi32, #tpu.memory_space<vmem>>
          %dma_wait3A_426 = arith.constant 0 : i32
          %dma_wait3A_427 = arith.constant 0 : i32
          %dma_wait3A_428 = tpu.memref_slice %arg15[%dma_wait3A_426, %dma_wait3A_427] : memref<10112x32xbf16, #tpu.memory_space<vmem_shared>> -> memref<10112x32xbf16, #tpu.memory_space<vmem_shared>>
          tpu.wait_indirect_dma semaphore(%run_scoped3A_416 : memref<!tpu.dma_semaphore, #tpu.memory_space<semaphore_mem>>) src(%arg13 : memref<128x32xbf16, #tpu.memory_space<vmem>>) dst(%dma_wait3A_428 : memref<10112x32xbf16, #tpu.memory_space<vmem_shared>>)
          tpu.yield
        }) : () -> ()
      } else {
      }
      %dma_start3A_271 = arith.constant 2 : i32
      %dma_start3A_272 = arith.constant 0 : i32
      %dma_start3A_273 = tpu.memref_slice %arg9[%dma_start3A_271, %dma_start3A_272] : memref<8x128xi32, #tpu.memory_space<vmem>> -> memref<1x128xi32, #tpu.memory_space<vmem>>
      %dma_start3A_274 = tpu.memref_squeeze %dma_start3A_273 : memref<1x128xi32, #tpu.memory_space<vmem>> -> memref<128xi32, #tpu.memory_space<vmem>>
      %dma_start3A_275 = arith.constant 0 : i32
      %dma_start3A_276 = arith.constant 0 : i32
      %dma_start3A_277 = tpu.memref_slice %arg2[%dma_start3A_275, %dma_start3A_276] : memref<20000x128xbf16, #tpu.memory_space<hbm>> -> memref<20000x128xbf16, #tpu.memory_space<hbm>>
      tpu.enqueue_indirect_dma source(%dma_start3A_277 : memref<20000x128xbf16, #tpu.memory_space<hbm>>) target(%arg11 : memref<128x128xbf16, #tpu.memory_space<vmem>>) offsets(%dma_start3A_274 : memref<128xi32, #tpu.memory_space<vmem>>) semaphore(%arg16 : memref<!tpu.dma_semaphore, #tpu.memory_space<semaphore_mem>>)
      %dma_wait3A_278 = arith.constant 1 : i32
      %dma_wait3A_279 = arith.constant 0 : i32
      %dma_wait3A_280 = tpu.memref_slice %arg9[%dma_wait3A_278, %dma_wait3A_279] : memref<8x128xi32, #tpu.memory_space<vmem>> -> memref<1x128xi32, #tpu.memory_space<vmem>>
      %dma_wait3A_281 = tpu.memref_squeeze %dma_wait3A_280 : memref<1x128xi32, #tpu.memory_space<vmem>> -> memref<128xi32, #tpu.memory_space<vmem>>
      %dma_wait3A_282 = arith.constant 0 : i32
      %dma_wait3A_283 = arith.constant 0 : i32
      %dma_wait3A_284 = tpu.memref_slice %arg2[%dma_wait3A_282, %dma_wait3A_283] : memref<20000x128xbf16, #tpu.memory_space<hbm>> -> memref<20000x128xbf16, #tpu.memory_space<hbm>>
      tpu.wait_indirect_dma semaphore(%arg17 : memref<!tpu.dma_semaphore, #tpu.memory_space<semaphore_mem>>) src(%dma_wait3A_284 : memref<20000x128xbf16, #tpu.memory_space<hbm>>) dst(%arg12 : memref<128x128xbf16, #tpu.memory_space<vmem>>)
      %run_scoped3A_285 = arith.constant 1 : i32
      "tpu.region"() ({
        %run_scoped3A_416 = tpu.sem_alloc : memref<!tpu.dma_semaphore, #tpu.memory_space<semaphore_mem>>
        %dma_start3A_417 = arith.constant 0 : i32
        %dma_start3A_418 = tpu.memref_slice %arg10[%run_scoped3A_285, %dma_start3A_417] : memref<8x128xi32, #tpu.memory_space<vmem>> -> memref<1x128xi32, #tpu.memory_space<vmem>>
        %dma_start3A_419 = tpu.memref_squeeze %dma_start3A_418 : memref<1x128xi32, #tpu.memory_space<vmem>> -> memref<128xi32, #tpu.memory_space<vmem>>
        %dma_start3A_420 = arith.constant 0 : i32
        %dma_start3A_421 = arith.constant 0 : i32
        %dma_start3A_422 = tpu.memref_slice %arg14[%dma_start3A_420, %dma_start3A_421] : memref<10112x128xbf16, #tpu.memory_space<vmem_shared>> -> memref<10112x128xbf16, #tpu.memory_space<vmem_shared>>
        tpu.enqueue_indirect_dma source(%arg12 : memref<128x128xbf16, #tpu.memory_space<vmem>>) target(%dma_start3A_422 : memref<10112x128xbf16, #tpu.memory_space<vmem_shared>>) offsets(%dma_start3A_419 : memref<128xi32, #tpu.memory_space<vmem>>) semaphore(%run_scoped3A_416 : memref<!tpu.dma_semaphore, #tpu.memory_space<semaphore_mem>>) {add = true}
        %dma_wait3A_423 = arith.constant 0 : i32
        %dma_wait3A_424 = tpu.memref_slice %arg10[%run_scoped3A_285, %dma_wait3A_423] : memref<8x128xi32, #tpu.memory_space<vmem>> -> memref<1x128xi32, #tpu.memory_space<vmem>>
        %dma_wait3A_425 = tpu.memref_squeeze %dma_wait3A_424 : memref<1x128xi32, #tpu.memory_space<vmem>> -> memref<128xi32, #tpu.memory_space<vmem>>
        %dma_wait3A_426 = arith.constant 0 : i32
        %dma_wait3A_427 = arith.constant 0 : i32
        %dma_wait3A_428 = tpu.memref_slice %arg14[%dma_wait3A_426, %dma_wait3A_427] : memref<10112x128xbf16, #tpu.memory_space<vmem_shared>> -> memref<10112x128xbf16, #tpu.memory_space<vmem_shared>>
        tpu.wait_indirect_dma semaphore(%run_scoped3A_416 : memref<!tpu.dma_semaphore, #tpu.memory_space<semaphore_mem>>) src(%arg12 : memref<128x128xbf16, #tpu.memory_space<vmem>>) dst(%dma_wait3A_428 : memref<10112x128xbf16, #tpu.memory_space<vmem_shared>>)
        tpu.yield
      }) : () -> ()
      %eq3A_286 = arith.constant 1 : i32
      %eq3A_287 = arith.cmpi eq, %arg0, %eq3A_286 : i32
      %convert_element_type3A_288 = arith.extui %eq3A_287 : i1 to i32
      %cond3A_289 = arith.constant 1 : i32
      %cond3A_290 = arith.constant 0 : i32
      %cond3A_291 = arith.cmpi ne, %convert_element_type3A_288, %cond3A_290 : i32
      scf.if %cond3A_291 {
        "tpu.region"() ({
          %run_scoped3A_416 = tpu.sem_alloc : memref<!tpu.dma_semaphore, #tpu.memory_space<semaphore_mem>>
          %dma_start3A_417 = arith.constant 0 : i32
          %dma_start3A_418 = tpu.memref_slice %arg10[%cond3A_289, %dma_start3A_417] : memref<8x128xi32, #tpu.memory_space<vmem>> -> memref<1x128xi32, #tpu.memory_space<vmem>>
          %dma_start3A_419 = tpu.memref_squeeze %dma_start3A_418 : memref<1x128xi32, #tpu.memory_space<vmem>> -> memref<128xi32, #tpu.memory_space<vmem>>
          %dma_start3A_420 = arith.constant 0 : i32
          %dma_start3A_421 = arith.constant 0 : i32
          %dma_start3A_422 = tpu.memref_slice %arg15[%dma_start3A_420, %dma_start3A_421] : memref<10112x32xbf16, #tpu.memory_space<vmem_shared>> -> memref<10112x32xbf16, #tpu.memory_space<vmem_shared>>
          tpu.enqueue_indirect_dma source(%arg13 : memref<128x32xbf16, #tpu.memory_space<vmem>>) target(%dma_start3A_422 : memref<10112x32xbf16, #tpu.memory_space<vmem_shared>>) offsets(%dma_start3A_419 : memref<128xi32, #tpu.memory_space<vmem>>) semaphore(%run_scoped3A_416 : memref<!tpu.dma_semaphore, #tpu.memory_space<semaphore_mem>>) {add = true}
          %dma_wait3A_423 = arith.constant 0 : i32
          %dma_wait3A_424 = tpu.memref_slice %arg10[%cond3A_289, %dma_wait3A_423] : memref<8x128xi32, #tpu.memory_space<vmem>> -> memref<1x128xi32, #tpu.memory_space<vmem>>
          %dma_wait3A_425 = tpu.memref_squeeze %dma_wait3A_424 : memref<1x128xi32, #tpu.memory_space<vmem>> -> memref<128xi32, #tpu.memory_space<vmem>>
          %dma_wait3A_426 = arith.constant 0 : i32
          %dma_wait3A_427 = arith.constant 0 : i32
          %dma_wait3A_428 = tpu.memref_slice %arg15[%dma_wait3A_426, %dma_wait3A_427] : memref<10112x32xbf16, #tpu.memory_space<vmem_shared>> -> memref<10112x32xbf16, #tpu.memory_space<vmem_shared>>
          tpu.wait_indirect_dma semaphore(%run_scoped3A_416 : memref<!tpu.dma_semaphore, #tpu.memory_space<semaphore_mem>>) src(%arg13 : memref<128x32xbf16, #tpu.memory_space<vmem>>) dst(%dma_wait3A_428 : memref<10112x32xbf16, #tpu.memory_space<vmem_shared>>)
          tpu.yield
        }) : () -> ()
      } else {
      }
      %dma_start3A_292 = arith.constant 3 : i32
      %dma_start3A_293 = arith.constant 0 : i32
      %dma_start3A_294 = tpu.memref_slice %arg9[%dma_start3A_292, %dma_start3A_293] : memref<8x128xi32, #tpu.memory_space<vmem>> -> memref<1x128xi32, #tpu.memory_space<vmem>>
      %dma_start3A_295 = tpu.memref_squeeze %dma_start3A_294 : memref<1x128xi32, #tpu.memory_space<vmem>> -> memref<128xi32, #tpu.memory_space<vmem>>
      %dma_start3A_296 = arith.constant 0 : i32
      %dma_start3A_297 = arith.constant 0 : i32
      %dma_start3A_298 = tpu.memref_slice %arg2[%dma_start3A_296, %dma_start3A_297] : memref<20000x128xbf16, #tpu.memory_space<hbm>> -> memref<20000x128xbf16, #tpu.memory_space<hbm>>
      tpu.enqueue_indirect_dma source(%dma_start3A_298 : memref<20000x128xbf16, #tpu.memory_space<hbm>>) target(%arg12 : memref<128x128xbf16, #tpu.memory_space<vmem>>) offsets(%dma_start3A_295 : memref<128xi32, #tpu.memory_space<vmem>>) semaphore(%arg17 : memref<!tpu.dma_semaphore, #tpu.memory_space<semaphore_mem>>)
      %dma_wait3A_299 = arith.constant 2 : i32
      %dma_wait3A_300 = arith.constant 0 : i32
      %dma_wait3A_301 = tpu.memref_slice %arg9[%dma_wait3A_299, %dma_wait3A_300] : memref<8x128xi32, #tpu.memory_space<vmem>> -> memref<1x128xi32, #tpu.memory_space<vmem>>
      %dma_wait3A_302 = tpu.memref_squeeze %dma_wait3A_301 : memref<1x128xi32, #tpu.memory_space<vmem>> -> memref<128xi32, #tpu.memory_space<vmem>>
      %dma_wait3A_303 = arith.constant 0 : i32
      %dma_wait3A_304 = arith.constant 0 : i32
      %dma_wait3A_305 = tpu.memref_slice %arg2[%dma_wait3A_303, %dma_wait3A_304] : memref<20000x128xbf16, #tpu.memory_space<hbm>> -> memref<20000x128xbf16, #tpu.memory_space<hbm>>
      tpu.wait_indirect_dma semaphore(%arg16 : memref<!tpu.dma_semaphore, #tpu.memory_space<semaphore_mem>>) src(%dma_wait3A_305 : memref<20000x128xbf16, #tpu.memory_space<hbm>>) dst(%arg11 : memref<128x128xbf16, #tpu.memory_space<vmem>>)
      %run_scoped3A_306 = arith.constant 2 : i32
      "tpu.region"() ({
        %run_scoped3A_416 = tpu.sem_alloc : memref<!tpu.dma_semaphore, #tpu.memory_space<semaphore_mem>>
        %dma_start3A_417 = arith.constant 0 : i32
        %dma_start3A_418 = tpu.memref_slice %arg10[%run_scoped3A_306, %dma_start3A_417] : memref<8x128xi32, #tpu.memory_space<vmem>> -> memref<1x128xi32, #tpu.memory_space<vmem>>
        %dma_start3A_419 = tpu.memref_squeeze %dma_start3A_418 : memref<1x128xi32, #tpu.memory_space<vmem>> -> memref<128xi32, #tpu.memory_space<vmem>>
        %dma_start3A_420 = arith.constant 0 : i32
        %dma_start3A_421 = arith.constant 0 : i32
        %dma_start3A_422 = tpu.memref_slice %arg14[%dma_start3A_420, %dma_start3A_421] : memref<10112x128xbf16, #tpu.memory_space<vmem_shared>> -> memref<10112x128xbf16, #tpu.memory_space<vmem_shared>>
        tpu.enqueue_indirect_dma source(%arg11 : memref<128x128xbf16, #tpu.memory_space<vmem>>) target(%dma_start3A_422 : memref<10112x128xbf16, #tpu.memory_space<vmem_shared>>) offsets(%dma_start3A_419 : memref<128xi32, #tpu.memory_space<vmem>>) semaphore(%run_scoped3A_416 : memref<!tpu.dma_semaphore, #tpu.memory_space<semaphore_mem>>) {add = true}
        %dma_wait3A_423 = arith.constant 0 : i32
        %dma_wait3A_424 = tpu.memref_slice %arg10[%run_scoped3A_306, %dma_wait3A_423] : memref<8x128xi32, #tpu.memory_space<vmem>> -> memref<1x128xi32, #tpu.memory_space<vmem>>
        %dma_wait3A_425 = tpu.memref_squeeze %dma_wait3A_424 : memref<1x128xi32, #tpu.memory_space<vmem>> -> memref<128xi32, #tpu.memory_space<vmem>>
        %dma_wait3A_426 = arith.constant 0 : i32
        %dma_wait3A_427 = arith.constant 0 : i32
        %dma_wait3A_428 = tpu.memref_slice %arg14[%dma_wait3A_426, %dma_wait3A_427] : memref<10112x128xbf16, #tpu.memory_space<vmem_shared>> -> memref<10112x128xbf16, #tpu.memory_space<vmem_shared>>
        tpu.wait_indirect_dma semaphore(%run_scoped3A_416 : memref<!tpu.dma_semaphore, #tpu.memory_space<semaphore_mem>>) src(%arg11 : memref<128x128xbf16, #tpu.memory_space<vmem>>) dst(%dma_wait3A_428 : memref<10112x128xbf16, #tpu.memory_space<vmem_shared>>)
        tpu.yield
      }) : () -> ()
      %eq3A_307 = arith.constant 0 : i32
      %eq3A_308 = arith.cmpi eq, %arg0, %eq3A_307 : i32
      %convert_element_type3A_309 = arith.extui %eq3A_308 : i1 to i32
      %cond3A_310 = arith.constant 2 : i32
      %cond3A_311 = arith.constant 0 : i32
      %cond3A_312 = arith.cmpi ne, %convert_element_type3A_309, %cond3A_311 : i32
      scf.if %cond3A_312 {
        "tpu.region"() ({
          %run_scoped3A_416 = tpu.sem_alloc : memref<!tpu.dma_semaphore, #tpu.memory_space<semaphore_mem>>
          %dma_start3A_417 = arith.constant 0 : i32
          %dma_start3A_418 = tpu.memref_slice %arg10[%cond3A_310, %dma_start3A_417] : memref<8x128xi32, #tpu.memory_space<vmem>> -> memref<1x128xi32, #tpu.memory_space<vmem>>
          %dma_start3A_419 = tpu.memref_squeeze %dma_start3A_418 : memref<1x128xi32, #tpu.memory_space<vmem>> -> memref<128xi32, #tpu.memory_space<vmem>>
          %dma_start3A_420 = arith.constant 0 : i32
          %dma_start3A_421 = arith.constant 0 : i32
          %dma_start3A_422 = tpu.memref_slice %arg15[%dma_start3A_420, %dma_start3A_421] : memref<10112x32xbf16, #tpu.memory_space<vmem_shared>> -> memref<10112x32xbf16, #tpu.memory_space<vmem_shared>>
          tpu.enqueue_indirect_dma source(%arg13 : memref<128x32xbf16, #tpu.memory_space<vmem>>) target(%dma_start3A_422 : memref<10112x32xbf16, #tpu.memory_space<vmem_shared>>) offsets(%dma_start3A_419 : memref<128xi32, #tpu.memory_space<vmem>>) semaphore(%run_scoped3A_416 : memref<!tpu.dma_semaphore, #tpu.memory_space<semaphore_mem>>) {add = true}
          %dma_wait3A_423 = arith.constant 0 : i32
          %dma_wait3A_424 = tpu.memref_slice %arg10[%cond3A_310, %dma_wait3A_423] : memref<8x128xi32, #tpu.memory_space<vmem>> -> memref<1x128xi32, #tpu.memory_space<vmem>>
          %dma_wait3A_425 = tpu.memref_squeeze %dma_wait3A_424 : memref<1x128xi32, #tpu.memory_space<vmem>> -> memref<128xi32, #tpu.memory_space<vmem>>
          %dma_wait3A_426 = arith.constant 0 : i32
          %dma_wait3A_427 = arith.constant 0 : i32
          %dma_wait3A_428 = tpu.memref_slice %arg15[%dma_wait3A_426, %dma_wait3A_427] : memref<10112x32xbf16, #tpu.memory_space<vmem_shared>> -> memref<10112x32xbf16, #tpu.memory_space<vmem_shared>>
          tpu.wait_indirect_dma semaphore(%run_scoped3A_416 : memref<!tpu.dma_semaphore, #tpu.memory_space<semaphore_mem>>) src(%arg13 : memref<128x32xbf16, #tpu.memory_space<vmem>>) dst(%dma_wait3A_428 : memref<10112x32xbf16, #tpu.memory_space<vmem_shared>>)
          tpu.yield
        }) : () -> ()
      } else {
      }
      %dma_start3A_313 = arith.constant 4 : i32
      %dma_start3A_314 = arith.constant 0 : i32
      %dma_start3A_315 = tpu.memref_slice %arg9[%dma_start3A_313, %dma_start3A_314] : memref<8x128xi32, #tpu.memory_space<vmem>> -> memref<1x128xi32, #tpu.memory_space<vmem>>
      %dma_start3A_316 = tpu.memref_squeeze %dma_start3A_315 : memref<1x128xi32, #tpu.memory_space<vmem>> -> memref<128xi32, #tpu.memory_space<vmem>>
      %dma_start3A_317 = arith.constant 0 : i32
      %dma_start3A_318 = arith.constant 0 : i32
      %dma_start3A_319 = tpu.memref_slice %arg2[%dma_start3A_317, %dma_start3A_318] : memref<20000x128xbf16, #tpu.memory_space<hbm>> -> memref<20000x128xbf16, #tpu.memory_space<hbm>>
      tpu.enqueue_indirect_dma source(%dma_start3A_319 : memref<20000x128xbf16, #tpu.memory_space<hbm>>) target(%arg11 : memref<128x128xbf16, #tpu.memory_space<vmem>>) offsets(%dma_start3A_316 : memref<128xi32, #tpu.memory_space<vmem>>) semaphore(%arg16 : memref<!tpu.dma_semaphore, #tpu.memory_space<semaphore_mem>>)
      %dma_wait3A_320 = arith.constant 3 : i32
      %dma_wait3A_321 = arith.constant 0 : i32
      %dma_wait3A_322 = tpu.memref_slice %arg9[%dma_wait3A_320, %dma_wait3A_321] : memref<8x128xi32, #tpu.memory_space<vmem>> -> memref<1x128xi32, #tpu.memory_space<vmem>>
      %dma_wait3A_323 = tpu.memref_squeeze %dma_wait3A_322 : memref<1x128xi32, #tpu.memory_space<vmem>> -> memref<128xi32, #tpu.memory_space<vmem>>
      %dma_wait3A_324 = arith.constant 0 : i32
      %dma_wait3A_325 = arith.constant 0 : i32
      %dma_wait3A_326 = tpu.memref_slice %arg2[%dma_wait3A_324, %dma_wait3A_325] : memref<20000x128xbf16, #tpu.memory_space<hbm>> -> memref<20000x128xbf16, #tpu.memory_space<hbm>>
      tpu.wait_indirect_dma semaphore(%arg17 : memref<!tpu.dma_semaphore, #tpu.memory_space<semaphore_mem>>) src(%dma_wait3A_326 : memref<20000x128xbf16, #tpu.memory_space<hbm>>) dst(%arg12 : memref<128x128xbf16, #tpu.memory_space<vmem>>)
      %run_scoped3A_327 = arith.constant 3 : i32
      "tpu.region"() ({
        %run_scoped3A_416 = tpu.sem_alloc : memref<!tpu.dma_semaphore, #tpu.memory_space<semaphore_mem>>
        %dma_start3A_417 = arith.constant 0 : i32
        %dma_start3A_418 = tpu.memref_slice %arg10[%run_scoped3A_327, %dma_start3A_417] : memref<8x128xi32, #tpu.memory_space<vmem>> -> memref<1x128xi32, #tpu.memory_space<vmem>>
        %dma_start3A_419 = tpu.memref_squeeze %dma_start3A_418 : memref<1x128xi32, #tpu.memory_space<vmem>> -> memref<128xi32, #tpu.memory_space<vmem>>
        %dma_start3A_420 = arith.constant 0 : i32
        %dma_start3A_421 = arith.constant 0 : i32
        %dma_start3A_422 = tpu.memref_slice %arg14[%dma_start3A_420, %dma_start3A_421] : memref<10112x128xbf16, #tpu.memory_space<vmem_shared>> -> memref<10112x128xbf16, #tpu.memory_space<vmem_shared>>
        tpu.enqueue_indirect_dma source(%arg12 : memref<128x128xbf16, #tpu.memory_space<vmem>>) target(%dma_start3A_422 : memref<10112x128xbf16, #tpu.memory_space<vmem_shared>>) offsets(%dma_start3A_419 : memref<128xi32, #tpu.memory_space<vmem>>) semaphore(%run_scoped3A_416 : memref<!tpu.dma_semaphore, #tpu.memory_space<semaphore_mem>>) {add = true}
        %dma_wait3A_423 = arith.constant 0 : i32
        %dma_wait3A_424 = tpu.memref_slice %arg10[%run_scoped3A_327, %dma_wait3A_423] : memref<8x128xi32, #tpu.memory_space<vmem>> -> memref<1x128xi32, #tpu.memory_space<vmem>>
        %dma_wait3A_425 = tpu.memref_squeeze %dma_wait3A_424 : memref<1x128xi32, #tpu.memory_space<vmem>> -> memref<128xi32, #tpu.memory_space<vmem>>
        %dma_wait3A_426 = arith.constant 0 : i32
        %dma_wait3A_427 = arith.constant 0 : i32
        %dma_wait3A_428 = tpu.memref_slice %arg14[%dma_wait3A_426, %dma_wait3A_427] : memref<10112x128xbf16, #tpu.memory_space<vmem_shared>> -> memref<10112x128xbf16, #tpu.memory_space<vmem_shared>>
        tpu.wait_indirect_dma semaphore(%run_scoped3A_416 : memref<!tpu.dma_semaphore, #tpu.memory_space<semaphore_mem>>) src(%arg12 : memref<128x128xbf16, #tpu.memory_space<vmem>>) dst(%dma_wait3A_428 : memref<10112x128xbf16, #tpu.memory_space<vmem_shared>>)
        tpu.yield
      }) : () -> ()
      %eq3A_328 = arith.constant 1 : i32
      %eq3A_329 = arith.cmpi eq, %arg0, %eq3A_328 : i32
      %convert_element_type3A_330 = arith.extui %eq3A_329 : i1 to i32
      %cond3A_331 = arith.constant 3 : i32
      %cond3A_332 = arith.constant 0 : i32
      %cond3A_333 = arith.cmpi ne, %convert_element_type3A_330, %cond3A_332 : i32
      scf.if %cond3A_333 {
        "tpu.region"() ({
          %run_scoped3A_416 = tpu.sem_alloc : memref<!tpu.dma_semaphore, #tpu.memory_space<semaphore_mem>>
          %dma_start3A_417 = arith.constant 0 : i32
          %dma_start3A_418 = tpu.memref_slice %arg10[%cond3A_331, %dma_start3A_417] : memref<8x128xi32, #tpu.memory_space<vmem>> -> memref<1x128xi32, #tpu.memory_space<vmem>>
          %dma_start3A_419 = tpu.memref_squeeze %dma_start3A_418 : memref<1x128xi32, #tpu.memory_space<vmem>> -> memref<128xi32, #tpu.memory_space<vmem>>
          %dma_start3A_420 = arith.constant 0 : i32
          %dma_start3A_421 = arith.constant 0 : i32
          %dma_start3A_422 = tpu.memref_slice %arg15[%dma_start3A_420, %dma_start3A_421] : memref<10112x32xbf16, #tpu.memory_space<vmem_shared>> -> memref<10112x32xbf16, #tpu.memory_space<vmem_shared>>
          tpu.enqueue_indirect_dma source(%arg13 : memref<128x32xbf16, #tpu.memory_space<vmem>>) target(%dma_start3A_422 : memref<10112x32xbf16, #tpu.memory_space<vmem_shared>>) offsets(%dma_start3A_419 : memref<128xi32, #tpu.memory_space<vmem>>) semaphore(%run_scoped3A_416 : memref<!tpu.dma_semaphore, #tpu.memory_space<semaphore_mem>>) {add = true}
          %dma_wait3A_423 = arith.constant 0 : i32
          %dma_wait3A_424 = tpu.memref_slice %arg10[%cond3A_331, %dma_wait3A_423] : memref<8x128xi32, #tpu.memory_space<vmem>> -> memref<1x128xi32, #tpu.memory_space<vmem>>
          %dma_wait3A_425 = tpu.memref_squeeze %dma_wait3A_424 : memref<1x128xi32, #tpu.memory_space<vmem>> -> memref<128xi32, #tpu.memory_space<vmem>>
          %dma_wait3A_426 = arith.constant 0 : i32
          %dma_wait3A_427 = arith.constant 0 : i32
          %dma_wait3A_428 = tpu.memref_slice %arg15[%dma_wait3A_426, %dma_wait3A_427] : memref<10112x32xbf16, #tpu.memory_space<vmem_shared>> -> memref<10112x32xbf16, #tpu.memory_space<vmem_shared>>
          tpu.wait_indirect_dma semaphore(%run_scoped3A_416 : memref<!tpu.dma_semaphore, #tpu.memory_space<semaphore_mem>>) src(%arg13 : memref<128x32xbf16, #tpu.memory_space<vmem>>) dst(%dma_wait3A_428 : memref<10112x32xbf16, #tpu.memory_space<vmem_shared>>)
          tpu.yield
        }) : () -> ()
      } else {
      }
      %dma_start3A_334 = arith.constant 5 : i32
      %dma_start3A_335 = arith.constant 0 : i32
      %dma_start3A_336 = tpu.memref_slice %arg9[%dma_start3A_334, %dma_start3A_335] : memref<8x128xi32, #tpu.memory_space<vmem>> -> memref<1x128xi32, #tpu.memory_space<vmem>>
      %dma_start3A_337 = tpu.memref_squeeze %dma_start3A_336 : memref<1x128xi32, #tpu.memory_space<vmem>> -> memref<128xi32, #tpu.memory_space<vmem>>
      %dma_start3A_338 = arith.constant 0 : i32
      %dma_start3A_339 = arith.constant 0 : i32
      %dma_start3A_340 = tpu.memref_slice %arg2[%dma_start3A_338, %dma_start3A_339] : memref<20000x128xbf16, #tpu.memory_space<hbm>> -> memref<20000x128xbf16, #tpu.memory_space<hbm>>
      tpu.enqueue_indirect_dma source(%dma_start3A_340 : memref<20000x128xbf16, #tpu.memory_space<hbm>>) target(%arg12 : memref<128x128xbf16, #tpu.memory_space<vmem>>) offsets(%dma_start3A_337 : memref<128xi32, #tpu.memory_space<vmem>>) semaphore(%arg17 : memref<!tpu.dma_semaphore, #tpu.memory_space<semaphore_mem>>)
      %dma_wait3A_341 = arith.constant 4 : i32
      %dma_wait3A_342 = arith.constant 0 : i32
      %dma_wait3A_343 = tpu.memref_slice %arg9[%dma_wait3A_341, %dma_wait3A_342] : memref<8x128xi32, #tpu.memory_space<vmem>> -> memref<1x128xi32, #tpu.memory_space<vmem>>
      %dma_wait3A_344 = tpu.memref_squeeze %dma_wait3A_343 : memref<1x128xi32, #tpu.memory_space<vmem>> -> memref<128xi32, #tpu.memory_space<vmem>>
      %dma_wait3A_345 = arith.constant 0 : i32
      %dma_wait3A_346 = arith.constant 0 : i32
      %dma_wait3A_347 = tpu.memref_slice %arg2[%dma_wait3A_345, %dma_wait3A_346] : memref<20000x128xbf16, #tpu.memory_space<hbm>> -> memref<20000x128xbf16, #tpu.memory_space<hbm>>
      tpu.wait_indirect_dma semaphore(%arg16 : memref<!tpu.dma_semaphore, #tpu.memory_space<semaphore_mem>>) src(%dma_wait3A_347 : memref<20000x128xbf16, #tpu.memory_space<hbm>>) dst(%arg11 : memref<128x128xbf16, #tpu.memory_space<vmem>>)
      %run_scoped3A_348 = arith.constant 4 : i32
      "tpu.region"() ({
        %run_scoped3A_416 = tpu.sem_alloc : memref<!tpu.dma_semaphore, #tpu.memory_space<semaphore_mem>>
        %dma_start3A_417 = arith.constant 0 : i32
        %dma_start3A_418 = tpu.memref_slice %arg10[%run_scoped3A_348, %dma_start3A_417] : memref<8x128xi32, #tpu.memory_space<vmem>> -> memref<1x128xi32, #tpu.memory_space<vmem>>
        %dma_start3A_419 = tpu.memref_squeeze %dma_start3A_418 : memref<1x128xi32, #tpu.memory_space<vmem>> -> memref<128xi32, #tpu.memory_space<vmem>>
        %dma_start3A_420 = arith.constant 0 : i32
        %dma_start3A_421 = arith.constant 0 : i32
        %dma_start3A_422 = tpu.memref_slice %arg14[%dma_start3A_420, %dma_start3A_421] : memref<10112x128xbf16, #tpu.memory_space<vmem_shared>> -> memref<10112x128xbf16, #tpu.memory_space<vmem_shared>>
        tpu.enqueue_indirect_dma source(%arg11 : memref<128x128xbf16, #tpu.memory_space<vmem>>) target(%dma_start3A_422 : memref<10112x128xbf16, #tpu.memory_space<vmem_shared>>) offsets(%dma_start3A_419 : memref<128xi32, #tpu.memory_space<vmem>>) semaphore(%run_scoped3A_416 : memref<!tpu.dma_semaphore, #tpu.memory_space<semaphore_mem>>) {add = true}
        %dma_wait3A_423 = arith.constant 0 : i32
        %dma_wait3A_424 = tpu.memref_slice %arg10[%run_scoped3A_348, %dma_wait3A_423] : memref<8x128xi32, #tpu.memory_space<vmem>> -> memref<1x128xi32, #tpu.memory_space<vmem>>
        %dma_wait3A_425 = tpu.memref_squeeze %dma_wait3A_424 : memref<1x128xi32, #tpu.memory_space<vmem>> -> memref<128xi32, #tpu.memory_space<vmem>>
        %dma_wait3A_426 = arith.constant 0 : i32
        %dma_wait3A_427 = arith.constant 0 : i32
        %dma_wait3A_428 = tpu.memref_slice %arg14[%dma_wait3A_426, %dma_wait3A_427] : memref<10112x128xbf16, #tpu.memory_space<vmem_shared>> -> memref<10112x128xbf16, #tpu.memory_space<vmem_shared>>
        tpu.wait_indirect_dma semaphore(%run_scoped3A_416 : memref<!tpu.dma_semaphore, #tpu.memory_space<semaphore_mem>>) src(%arg11 : memref<128x128xbf16, #tpu.memory_space<vmem>>) dst(%dma_wait3A_428 : memref<10112x128xbf16, #tpu.memory_space<vmem_shared>>)
        tpu.yield
      }) : () -> ()
      %eq3A_349 = arith.constant 0 : i32
      %eq3A_350 = arith.cmpi eq, %arg0, %eq3A_349 : i32
      %convert_element_type3A_351 = arith.extui %eq3A_350 : i1 to i32
      %cond3A_352 = arith.constant 4 : i32
      %cond3A_353 = arith.constant 0 : i32
      %cond3A_354 = arith.cmpi ne, %convert_element_type3A_351, %cond3A_353 : i32
      scf.if %cond3A_354 {
        "tpu.region"() ({
          %run_scoped3A_416 = tpu.sem_alloc : memref<!tpu.dma_semaphore, #tpu.memory_space<semaphore_mem>>
          %dma_start3A_417 = arith.constant 0 : i32
          %dma_start3A_418 = tpu.memref_slice %arg10[%cond3A_352, %dma_start3A_417] : memref<8x128xi32, #tpu.memory_space<vmem>> -> memref<1x128xi32, #tpu.memory_space<vmem>>
          %dma_start3A_419 = tpu.memref_squeeze %dma_start3A_418 : memref<1x128xi32, #tpu.memory_space<vmem>> -> memref<128xi32, #tpu.memory_space<vmem>>
          %dma_start3A_420 = arith.constant 0 : i32
          %dma_start3A_421 = arith.constant 0 : i32
          %dma_start3A_422 = tpu.memref_slice %arg15[%dma_start3A_420, %dma_start3A_421] : memref<10112x32xbf16, #tpu.memory_space<vmem_shared>> -> memref<10112x32xbf16, #tpu.memory_space<vmem_shared>>
          tpu.enqueue_indirect_dma source(%arg13 : memref<128x32xbf16, #tpu.memory_space<vmem>>) target(%dma_start3A_422 : memref<10112x32xbf16, #tpu.memory_space<vmem_shared>>) offsets(%dma_start3A_419 : memref<128xi32, #tpu.memory_space<vmem>>) semaphore(%run_scoped3A_416 : memref<!tpu.dma_semaphore, #tpu.memory_space<semaphore_mem>>) {add = true}
          %dma_wait3A_423 = arith.constant 0 : i32
          %dma_wait3A_424 = tpu.memref_slice %arg10[%cond3A_352, %dma_wait3A_423] : memref<8x128xi32, #tpu.memory_space<vmem>> -> memref<1x128xi32, #tpu.memory_space<vmem>>
          %dma_wait3A_425 = tpu.memref_squeeze %dma_wait3A_424 : memref<1x128xi32, #tpu.memory_space<vmem>> -> memref<128xi32, #tpu.memory_space<vmem>>
          %dma_wait3A_426 = arith.constant 0 : i32
          %dma_wait3A_427 = arith.constant 0 : i32
          %dma_wait3A_428 = tpu.memref_slice %arg15[%dma_wait3A_426, %dma_wait3A_427] : memref<10112x32xbf16, #tpu.memory_space<vmem_shared>> -> memref<10112x32xbf16, #tpu.memory_space<vmem_shared>>
          tpu.wait_indirect_dma semaphore(%run_scoped3A_416 : memref<!tpu.dma_semaphore, #tpu.memory_space<semaphore_mem>>) src(%arg13 : memref<128x32xbf16, #tpu.memory_space<vmem>>) dst(%dma_wait3A_428 : memref<10112x32xbf16, #tpu.memory_space<vmem_shared>>)
          tpu.yield
        }) : () -> ()
      } else {
      }
      %dma_start3A_355 = arith.constant 6 : i32
      %dma_start3A_356 = arith.constant 0 : i32
      %dma_start3A_357 = tpu.memref_slice %arg9[%dma_start3A_355, %dma_start3A_356] : memref<8x128xi32, #tpu.memory_space<vmem>> -> memref<1x128xi32, #tpu.memory_space<vmem>>
      %dma_start3A_358 = tpu.memref_squeeze %dma_start3A_357 : memref<1x128xi32, #tpu.memory_space<vmem>> -> memref<128xi32, #tpu.memory_space<vmem>>
      %dma_start3A_359 = arith.constant 0 : i32
      %dma_start3A_360 = arith.constant 0 : i32
      %dma_start3A_361 = tpu.memref_slice %arg2[%dma_start3A_359, %dma_start3A_360] : memref<20000x128xbf16, #tpu.memory_space<hbm>> -> memref<20000x128xbf16, #tpu.memory_space<hbm>>
      tpu.enqueue_indirect_dma source(%dma_start3A_361 : memref<20000x128xbf16, #tpu.memory_space<hbm>>) target(%arg11 : memref<128x128xbf16, #tpu.memory_space<vmem>>) offsets(%dma_start3A_358 : memref<128xi32, #tpu.memory_space<vmem>>) semaphore(%arg16 : memref<!tpu.dma_semaphore, #tpu.memory_space<semaphore_mem>>)
      %dma_wait3A_362 = arith.constant 5 : i32
      %dma_wait3A_363 = arith.constant 0 : i32
      %dma_wait3A_364 = tpu.memref_slice %arg9[%dma_wait3A_362, %dma_wait3A_363] : memref<8x128xi32, #tpu.memory_space<vmem>> -> memref<1x128xi32, #tpu.memory_space<vmem>>
      %dma_wait3A_365 = tpu.memref_squeeze %dma_wait3A_364 : memref<1x128xi32, #tpu.memory_space<vmem>> -> memref<128xi32, #tpu.memory_space<vmem>>
      %dma_wait3A_366 = arith.constant 0 : i32
      %dma_wait3A_367 = arith.constant 0 : i32
      %dma_wait3A_368 = tpu.memref_slice %arg2[%dma_wait3A_366, %dma_wait3A_367] : memref<20000x128xbf16, #tpu.memory_space<hbm>> -> memref<20000x128xbf16, #tpu.memory_space<hbm>>
      tpu.wait_indirect_dma semaphore(%arg17 : memref<!tpu.dma_semaphore, #tpu.memory_space<semaphore_mem>>) src(%dma_wait3A_368 : memref<20000x128xbf16, #tpu.memory_space<hbm>>) dst(%arg12 : memref<128x128xbf16, #tpu.memory_space<vmem>>)
      %run_scoped3A_369 = arith.constant 5 : i32
      "tpu.region"() ({
        %run_scoped3A_416 = tpu.sem_alloc : memref<!tpu.dma_semaphore, #tpu.memory_space<semaphore_mem>>
        %dma_start3A_417 = arith.constant 0 : i32
        %dma_start3A_418 = tpu.memref_slice %arg10[%run_scoped3A_369, %dma_start3A_417] : memref<8x128xi32, #tpu.memory_space<vmem>> -> memref<1x128xi32, #tpu.memory_space<vmem>>
        %dma_start3A_419 = tpu.memref_squeeze %dma_start3A_418 : memref<1x128xi32, #tpu.memory_space<vmem>> -> memref<128xi32, #tpu.memory_space<vmem>>
        %dma_start3A_420 = arith.constant 0 : i32
        %dma_start3A_421 = arith.constant 0 : i32
        %dma_start3A_422 = tpu.memref_slice %arg14[%dma_start3A_420, %dma_start3A_421] : memref<10112x128xbf16, #tpu.memory_space<vmem_shared>> -> memref<10112x128xbf16, #tpu.memory_space<vmem_shared>>
        tpu.enqueue_indirect_dma source(%arg12 : memref<128x128xbf16, #tpu.memory_space<vmem>>) target(%dma_start3A_422 : memref<10112x128xbf16, #tpu.memory_space<vmem_shared>>) offsets(%dma_start3A_419 : memref<128xi32, #tpu.memory_space<vmem>>) semaphore(%run_scoped3A_416 : memref<!tpu.dma_semaphore, #tpu.memory_space<semaphore_mem>>) {add = true}
        %dma_wait3A_423 = arith.constant 0 : i32
        %dma_wait3A_424 = tpu.memref_slice %arg10[%run_scoped3A_369, %dma_wait3A_423] : memref<8x128xi32, #tpu.memory_space<vmem>> -> memref<1x128xi32, #tpu.memory_space<vmem>>
        %dma_wait3A_425 = tpu.memref_squeeze %dma_wait3A_424 : memref<1x128xi32, #tpu.memory_space<vmem>> -> memref<128xi32, #tpu.memory_space<vmem>>
        %dma_wait3A_426 = arith.constant 0 : i32
        %dma_wait3A_427 = arith.constant 0 : i32
        %dma_wait3A_428 = tpu.memref_slice %arg14[%dma_wait3A_426, %dma_wait3A_427] : memref<10112x128xbf16, #tpu.memory_space<vmem_shared>> -> memref<10112x128xbf16, #tpu.memory_space<vmem_shared>>
        tpu.wait_indirect_dma semaphore(%run_scoped3A_416 : memref<!tpu.dma_semaphore, #tpu.memory_space<semaphore_mem>>) src(%arg12 : memref<128x128xbf16, #tpu.memory_space<vmem>>) dst(%dma_wait3A_428 : memref<10112x128xbf16, #tpu.memory_space<vmem_shared>>)
        tpu.yield
      }) : () -> ()
      %eq3A_370 = arith.constant 1 : i32
      %eq3A_371 = arith.cmpi eq, %arg0, %eq3A_370 : i32
      %convert_element_type3A_372 = arith.extui %eq3A_371 : i1 to i32
      %cond3A_373 = arith.constant 5 : i32
      %cond3A_374 = arith.constant 0 : i32
      %cond3A_375 = arith.cmpi ne, %convert_element_type3A_372, %cond3A_374 : i32
      scf.if %cond3A_375 {
        "tpu.region"() ({
          %run_scoped3A_416 = tpu.sem_alloc : memref<!tpu.dma_semaphore, #tpu.memory_space<semaphore_mem>>
          %dma_start3A_417 = arith.constant 0 : i32
          %dma_start3A_418 = tpu.memref_slice %arg10[%cond3A_373, %dma_start3A_417] : memref<8x128xi32, #tpu.memory_space<vmem>> -> memref<1x128xi32, #tpu.memory_space<vmem>>
          %dma_start3A_419 = tpu.memref_squeeze %dma_start3A_418 : memref<1x128xi32, #tpu.memory_space<vmem>> -> memref<128xi32, #tpu.memory_space<vmem>>
          %dma_start3A_420 = arith.constant 0 : i32
          %dma_start3A_421 = arith.constant 0 : i32
          %dma_start3A_422 = tpu.memref_slice %arg15[%dma_start3A_420, %dma_start3A_421] : memref<10112x32xbf16, #tpu.memory_space<vmem_shared>> -> memref<10112x32xbf16, #tpu.memory_space<vmem_shared>>
          tpu.enqueue_indirect_dma source(%arg13 : memref<128x32xbf16, #tpu.memory_space<vmem>>) target(%dma_start3A_422 : memref<10112x32xbf16, #tpu.memory_space<vmem_shared>>) offsets(%dma_start3A_419 : memref<128xi32, #tpu.memory_space<vmem>>) semaphore(%run_scoped3A_416 : memref<!tpu.dma_semaphore, #tpu.memory_space<semaphore_mem>>) {add = true}
          %dma_wait3A_423 = arith.constant 0 : i32
          %dma_wait3A_424 = tpu.memref_slice %arg10[%cond3A_373, %dma_wait3A_423] : memref<8x128xi32, #tpu.memory_space<vmem>> -> memref<1x128xi32, #tpu.memory_space<vmem>>
          %dma_wait3A_425 = tpu.memref_squeeze %dma_wait3A_424 : memref<1x128xi32, #tpu.memory_space<vmem>> -> memref<128xi32, #tpu.memory_space<vmem>>
          %dma_wait3A_426 = arith.constant 0 : i32
          %dma_wait3A_427 = arith.constant 0 : i32
          %dma_wait3A_428 = tpu.memref_slice %arg15[%dma_wait3A_426, %dma_wait3A_427] : memref<10112x32xbf16, #tpu.memory_space<vmem_shared>> -> memref<10112x32xbf16, #tpu.memory_space<vmem_shared>>
          tpu.wait_indirect_dma semaphore(%run_scoped3A_416 : memref<!tpu.dma_semaphore, #tpu.memory_space<semaphore_mem>>) src(%arg13 : memref<128x32xbf16, #tpu.memory_space<vmem>>) dst(%dma_wait3A_428 : memref<10112x32xbf16, #tpu.memory_space<vmem_shared>>)
          tpu.yield
        }) : () -> ()
      } else {
      }
      %dma_start3A_376 = arith.constant 7 : i32
      %dma_start3A_377 = arith.constant 0 : i32
      %dma_start3A_378 = tpu.memref_slice %arg9[%dma_start3A_376, %dma_start3A_377] : memref<8x128xi32, #tpu.memory_space<vmem>> -> memref<1x128xi32, #tpu.memory_space<vmem>>
      %dma_start3A_379 = tpu.memref_squeeze %dma_start3A_378 : memref<1x128xi32, #tpu.memory_space<vmem>> -> memref<128xi32, #tpu.memory_space<vmem>>
      %dma_start3A_380 = arith.constant 0 : i32
      %dma_start3A_381 = arith.constant 0 : i32
      %dma_start3A_382 = tpu.memref_slice %arg2[%dma_start3A_380, %dma_start3A_381] : memref<20000x128xbf16, #tpu.memory_space<hbm>> -> memref<20000x128xbf16, #tpu.memory_space<hbm>>
      tpu.enqueue_indirect_dma source(%dma_start3A_382 : memref<20000x128xbf16, #tpu.memory_space<hbm>>) target(%arg12 : memref<128x128xbf16, #tpu.memory_space<vmem>>) offsets(%dma_start3A_379 : memref<128xi32, #tpu.memory_space<vmem>>) semaphore(%arg17 : memref<!tpu.dma_semaphore, #tpu.memory_space<semaphore_mem>>)
      %dma_wait3A_383 = arith.constant 6 : i32
      %dma_wait3A_384 = arith.constant 0 : i32
      %dma_wait3A_385 = tpu.memref_slice %arg9[%dma_wait3A_383, %dma_wait3A_384] : memref<8x128xi32, #tpu.memory_space<vmem>> -> memref<1x128xi32, #tpu.memory_space<vmem>>
      %dma_wait3A_386 = tpu.memref_squeeze %dma_wait3A_385 : memref<1x128xi32, #tpu.memory_space<vmem>> -> memref<128xi32, #tpu.memory_space<vmem>>
      %dma_wait3A_387 = arith.constant 0 : i32
      %dma_wait3A_388 = arith.constant 0 : i32
      %dma_wait3A_389 = tpu.memref_slice %arg2[%dma_wait3A_387, %dma_wait3A_388] : memref<20000x128xbf16, #tpu.memory_space<hbm>> -> memref<20000x128xbf16, #tpu.memory_space<hbm>>
      tpu.wait_indirect_dma semaphore(%arg16 : memref<!tpu.dma_semaphore, #tpu.memory_space<semaphore_mem>>) src(%dma_wait3A_389 : memref<20000x128xbf16, #tpu.memory_space<hbm>>) dst(%arg11 : memref<128x128xbf16, #tpu.memory_space<vmem>>)
      %run_scoped3A_390 = arith.constant 6 : i32
      "tpu.region"() ({
        %run_scoped3A_416 = tpu.sem_alloc : memref<!tpu.dma_semaphore, #tpu.memory_space<semaphore_mem>>
        %dma_start3A_417 = arith.constant 0 : i32
        %dma_start3A_418 = tpu.memref_slice %arg10[%run_scoped3A_390, %dma_start3A_417] : memref<8x128xi32, #tpu.memory_space<vmem>> -> memref<1x128xi32, #tpu.memory_space<vmem>>
        %dma_start3A_419 = tpu.memref_squeeze %dma_start3A_418 : memref<1x128xi32, #tpu.memory_space<vmem>> -> memref<128xi32, #tpu.memory_space<vmem>>
        %dma_start3A_420 = arith.constant 0 : i32
        %dma_start3A_421 = arith.constant 0 : i32
        %dma_start3A_422 = tpu.memref_slice %arg14[%dma_start3A_420, %dma_start3A_421] : memref<10112x128xbf16, #tpu.memory_space<vmem_shared>> -> memref<10112x128xbf16, #tpu.memory_space<vmem_shared>>
        tpu.enqueue_indirect_dma source(%arg11 : memref<128x128xbf16, #tpu.memory_space<vmem>>) target(%dma_start3A_422 : memref<10112x128xbf16, #tpu.memory_space<vmem_shared>>) offsets(%dma_start3A_419 : memref<128xi32, #tpu.memory_space<vmem>>) semaphore(%run_scoped3A_416 : memref<!tpu.dma_semaphore, #tpu.memory_space<semaphore_mem>>) {add = true}
        %dma_wait3A_423 = arith.constant 0 : i32
        %dma_wait3A_424 = tpu.memref_slice %arg10[%run_scoped3A_390, %dma_wait3A_423] : memref<8x128xi32, #tpu.memory_space<vmem>> -> memref<1x128xi32, #tpu.memory_space<vmem>>
        %dma_wait3A_425 = tpu.memref_squeeze %dma_wait3A_424 : memref<1x128xi32, #tpu.memory_space<vmem>> -> memref<128xi32, #tpu.memory_space<vmem>>
        %dma_wait3A_426 = arith.constant 0 : i32
        %dma_wait3A_427 = arith.constant 0 : i32
        %dma_wait3A_428 = tpu.memref_slice %arg14[%dma_wait3A_426, %dma_wait3A_427] : memref<10112x128xbf16, #tpu.memory_space<vmem_shared>> -> memref<10112x128xbf16, #tpu.memory_space<vmem_shared>>
        tpu.wait_indirect_dma semaphore(%run_scoped3A_416 : memref<!tpu.dma_semaphore, #tpu.memory_space<semaphore_mem>>) src(%arg11 : memref<128x128xbf16, #tpu.memory_space<vmem>>) dst(%dma_wait3A_428 : memref<10112x128xbf16, #tpu.memory_space<vmem_shared>>)
        tpu.yield
      }) : () -> ()
      %eq3A_391 = arith.constant 0 : i32
      %eq3A_392 = arith.cmpi eq, %arg0, %eq3A_391 : i32
      %convert_element_type3A_393 = arith.extui %eq3A_392 : i1 to i32
      %cond3A_394 = arith.constant 6 : i32
      %cond3A_395 = arith.constant 0 : i32
      %cond3A_396 = arith.cmpi ne, %convert_element_type3A_393, %cond3A_395 : i32
      scf.if %cond3A_396 {
        "tpu.region"() ({
          %run_scoped3A_416 = tpu.sem_alloc : memref<!tpu.dma_semaphore, #tpu.memory_space<semaphore_mem>>
          %dma_start3A_417 = arith.constant 0 : i32
          %dma_start3A_418 = tpu.memref_slice %arg10[%cond3A_394, %dma_start3A_417] : memref<8x128xi32, #tpu.memory_space<vmem>> -> memref<1x128xi32, #tpu.memory_space<vmem>>
          %dma_start3A_419 = tpu.memref_squeeze %dma_start3A_418 : memref<1x128xi32, #tpu.memory_space<vmem>> -> memref<128xi32, #tpu.memory_space<vmem>>
          %dma_start3A_420 = arith.constant 0 : i32
          %dma_start3A_421 = arith.constant 0 : i32
          %dma_start3A_422 = tpu.memref_slice %arg15[%dma_start3A_420, %dma_start3A_421] : memref<10112x32xbf16, #tpu.memory_space<vmem_shared>> -> memref<10112x32xbf16, #tpu.memory_space<vmem_shared>>
          tpu.enqueue_indirect_dma source(%arg13 : memref<128x32xbf16, #tpu.memory_space<vmem>>) target(%dma_start3A_422 : memref<10112x32xbf16, #tpu.memory_space<vmem_shared>>) offsets(%dma_start3A_419 : memref<128xi32, #tpu.memory_space<vmem>>) semaphore(%run_scoped3A_416 : memref<!tpu.dma_semaphore, #tpu.memory_space<semaphore_mem>>) {add = true}
          %dma_wait3A_423 = arith.constant 0 : i32
          %dma_wait3A_424 = tpu.memref_slice %arg10[%cond3A_394, %dma_wait3A_423] : memref<8x128xi32, #tpu.memory_space<vmem>> -> memref<1x128xi32, #tpu.memory_space<vmem>>
          %dma_wait3A_425 = tpu.memref_squeeze %dma_wait3A_424 : memref<1x128xi32, #tpu.memory_space<vmem>> -> memref<128xi32, #tpu.memory_space<vmem>>
          %dma_wait3A_426 = arith.constant 0 : i32
          %dma_wait3A_427 = arith.constant 0 : i32
          %dma_wait3A_428 = tpu.memref_slice %arg15[%dma_wait3A_426, %dma_wait3A_427] : memref<10112x32xbf16, #tpu.memory_space<vmem_shared>> -> memref<10112x32xbf16, #tpu.memory_space<vmem_shared>>
          tpu.wait_indirect_dma semaphore(%run_scoped3A_416 : memref<!tpu.dma_semaphore, #tpu.memory_space<semaphore_mem>>) src(%arg13 : memref<128x32xbf16, #tpu.memory_space<vmem>>) dst(%dma_wait3A_428 : memref<10112x32xbf16, #tpu.memory_space<vmem_shared>>)
          tpu.yield
        }) : () -> ()
      } else {
      }
      %ne3A_397 = arith.constant 4 : i32
      %ne3A_398 = arith.cmpi ne, %scan3A_63, %ne3A_397 : i32
      %convert_element_type3A_399 = arith.extui %ne3A_398 : i1 to i32
      %cond3A_400 = arith.constant 0 : i32
      %cond3A_401 = arith.cmpi ne, %convert_element_type3A_399, %cond3A_400 : i32
      scf.if %cond3A_401 {
        %dma_start3A_416 = arith.constant 0 : i32
        %dma_start3A_417 = arith.constant 0 : i32
        %dma_start3A_418 = tpu.memref_slice %arg7[%dma_start3A_416, %dma_start3A_417] : memref<8x128xi32, #tpu.memory_space<vmem>> -> memref<1x128xi32, #tpu.memory_space<vmem>>
        %dma_start3A_419 = tpu.memref_squeeze %dma_start3A_418 : memref<1x128xi32, #tpu.memory_space<vmem>> -> memref<128xi32, #tpu.memory_space<vmem>>
        %dma_start3A_420 = arith.constant 0 : i32
        %dma_start3A_421 = arith.constant 0 : i32
        %dma_start3A_422 = tpu.memref_slice %arg2[%dma_start3A_420, %dma_start3A_421] : memref<20000x128xbf16, #tpu.memory_space<hbm>> -> memref<20000x128xbf16, #tpu.memory_space<hbm>>
        tpu.enqueue_indirect_dma source(%dma_start3A_422 : memref<20000x128xbf16, #tpu.memory_space<hbm>>) target(%arg11 : memref<128x128xbf16, #tpu.memory_space<vmem>>) offsets(%dma_start3A_419 : memref<128xi32, #tpu.memory_space<vmem>>) semaphore(%arg16 : memref<!tpu.dma_semaphore, #tpu.memory_space<semaphore_mem>>)
      } else {
      }
      %dma_wait3A_402 = arith.constant 7 : i32
      %dma_wait3A_403 = arith.constant 0 : i32
      %dma_wait3A_404 = tpu.memref_slice %arg9[%dma_wait3A_402, %dma_wait3A_403] : memref<8x128xi32, #tpu.memory_space<vmem>> -> memref<1x128xi32, #tpu.memory_space<vmem>>
      %dma_wait3A_405 = tpu.memref_squeeze %dma_wait3A_404 : memref<1x128xi32, #tpu.memory_space<vmem>> -> memref<128xi32, #tpu.memory_space<vmem>>
      %dma_wait3A_406 = arith.constant 0 : i32
      %dma_wait3A_407 = arith.constant 0 : i32
      %dma_wait3A_408 = tpu.memref_slice %arg2[%dma_wait3A_406, %dma_wait3A_407] : memref<20000x128xbf16, #tpu.memory_space<hbm>> -> memref<20000x128xbf16, #tpu.memory_space<hbm>>
      tpu.wait_indirect_dma semaphore(%arg17 : memref<!tpu.dma_semaphore, #tpu.memory_space<semaphore_mem>>) src(%dma_wait3A_408 : memref<20000x128xbf16, #tpu.memory_space<hbm>>) dst(%arg12 : memref<128x128xbf16, #tpu.memory_space<vmem>>)
      %run_scoped3A_409 = arith.constant 7 : i32
      "tpu.region"() ({
        %run_scoped3A_416 = tpu.sem_alloc : memref<!tpu.dma_semaphore, #tpu.memory_space<semaphore_mem>>
        %dma_start3A_417 = arith.constant 0 : i32
        %dma_start3A_418 = tpu.memref_slice %arg10[%run_scoped3A_409, %dma_start3A_417] : memref<8x128xi32, #tpu.memory_space<vmem>> -> memref<1x128xi32, #tpu.memory_space<vmem>>
        %dma_start3A_419 = tpu.memref_squeeze %dma_start3A_418 : memref<1x128xi32, #tpu.memory_space<vmem>> -> memref<128xi32, #tpu.memory_space<vmem>>
        %dma_start3A_420 = arith.constant 0 : i32
        %dma_start3A_421 = arith.constant 0 : i32
        %dma_start3A_422 = tpu.memref_slice %arg14[%dma_start3A_420, %dma_start3A_421] : memref<10112x128xbf16, #tpu.memory_space<vmem_shared>> -> memref<10112x128xbf16, #tpu.memory_space<vmem_shared>>
        tpu.enqueue_indirect_dma source(%arg12 : memref<128x128xbf16, #tpu.memory_space<vmem>>) target(%dma_start3A_422 : memref<10112x128xbf16, #tpu.memory_space<vmem_shared>>) offsets(%dma_start3A_419 : memref<128xi32, #tpu.memory_space<vmem>>) semaphore(%run_scoped3A_416 : memref<!tpu.dma_semaphore, #tpu.memory_space<semaphore_mem>>) {add = true}
        %dma_wait3A_423 = arith.constant 0 : i32
        %dma_wait3A_424 = tpu.memref_slice %arg10[%run_scoped3A_409, %dma_wait3A_423] : memref<8x128xi32, #tpu.memory_space<vmem>> -> memref<1x128xi32, #tpu.memory_space<vmem>>
        %dma_wait3A_425 = tpu.memref_squeeze %dma_wait3A_424 : memref<1x128xi32, #tpu.memory_space<vmem>> -> memref<128xi32, #tpu.memory_space<vmem>>
        %dma_wait3A_426 = arith.constant 0 : i32
        %dma_wait3A_427 = arith.constant 0 : i32
        %dma_wait3A_428 = tpu.memref_slice %arg14[%dma_wait3A_426, %dma_wait3A_427] : memref<10112x128xbf16, #tpu.memory_space<vmem_shared>> -> memref<10112x128xbf16, #tpu.memory_space<vmem_shared>>
        tpu.wait_indirect_dma semaphore(%run_scoped3A_416 : memref<!tpu.dma_semaphore, #tpu.memory_space<semaphore_mem>>) src(%arg12 : memref<128x128xbf16, #tpu.memory_space<vmem>>) dst(%dma_wait3A_428 : memref<10112x128xbf16, #tpu.memory_space<vmem_shared>>)
        tpu.yield
      }) : () -> ()
      %eq3A_410 = arith.constant 1 : i32
      %eq3A_411 = arith.cmpi eq, %arg0, %eq3A_410 : i32
      %convert_element_type3A_412 = arith.extui %eq3A_411 : i1 to i32
      %cond3A_413 = arith.constant 7 : i32
      %cond3A_414 = arith.constant 0 : i32
      %cond3A_415 = arith.cmpi ne, %convert_element_type3A_412, %cond3A_414 : i32
      scf.if %cond3A_415 {
        "tpu.region"() ({
          %run_scoped3A_416 = tpu.sem_alloc : memref<!tpu.dma_semaphore, #tpu.memory_space<semaphore_mem>>
          %dma_start3A_417 = arith.constant 0 : i32
          %dma_start3A_418 = tpu.memref_slice %arg10[%cond3A_413, %dma_start3A_417] : memref<8x128xi32, #tpu.memory_space<vmem>> -> memref<1x128xi32, #tpu.memory_space<vmem>>
          %dma_start3A_419 = tpu.memref_squeeze %dma_start3A_418 : memref<1x128xi32, #tpu.memory_space<vmem>> -> memref<128xi32, #tpu.memory_space<vmem>>
          %dma_start3A_420 = arith.constant 0 : i32
          %dma_start3A_421 = arith.constant 0 : i32
          %dma_start3A_422 = tpu.memref_slice %arg15[%dma_start3A_420, %dma_start3A_421] : memref<10112x32xbf16, #tpu.memory_space<vmem_shared>> -> memref<10112x32xbf16, #tpu.memory_space<vmem_shared>>
          tpu.enqueue_indirect_dma source(%arg13 : memref<128x32xbf16, #tpu.memory_space<vmem>>) target(%dma_start3A_422 : memref<10112x32xbf16, #tpu.memory_space<vmem_shared>>) offsets(%dma_start3A_419 : memref<128xi32, #tpu.memory_space<vmem>>) semaphore(%run_scoped3A_416 : memref<!tpu.dma_semaphore, #tpu.memory_space<semaphore_mem>>) {add = true}
          %dma_wait3A_423 = arith.constant 0 : i32
          %dma_wait3A_424 = tpu.memref_slice %arg10[%cond3A_413, %dma_wait3A_423] : memref<8x128xi32, #tpu.memory_space<vmem>> -> memref<1x128xi32, #tpu.memory_space<vmem>>
          %dma_wait3A_425 = tpu.memref_squeeze %dma_wait3A_424 : memref<1x128xi32, #tpu.memory_space<vmem>> -> memref<128xi32, #tpu.memory_space<vmem>>
          %dma_wait3A_426 = arith.constant 0 : i32
          %dma_wait3A_427 = arith.constant 0 : i32
          %dma_wait3A_428 = tpu.memref_slice %arg15[%dma_wait3A_426, %dma_wait3A_427] : memref<10112x32xbf16, #tpu.memory_space<vmem_shared>> -> memref<10112x32xbf16, #tpu.memory_space<vmem_shared>>
          tpu.wait_indirect_dma semaphore(%run_scoped3A_416 : memref<!tpu.dma_semaphore, #tpu.memory_space<semaphore_mem>>) src(%arg13 : memref<128x32xbf16, #tpu.memory_space<vmem>>) dst(%dma_wait3A_428 : memref<10112x32xbf16, #tpu.memory_space<vmem_shared>>)
          tpu.yield
        }) : () -> ()
      } else {
      }
    }
    %scan3A_55 = arith.constant 5 : i32
    %barrier3A_56 = arith.constant 0 : index
    tpu.barrier barrier_id(%barrier3A_56)
    %lt3A = arith.constant 15 : i32
    %lt3A_57 = arith.cmpi slt, %arg1, %lt3A : i32
    %convert_element_type3A = arith.extui %lt3A_57 : i1 to i32
    %cond3A = arith.constant 0 : i32
    %cond3A_58 = arith.cmpi ne, %convert_element_type3A, %cond3A : i32
    scf.if %cond3A_58 {
      "tpu.region"() ({
        %run_scoped3A = tpu.sem_alloc : memref<!tpu.dma_semaphore, #tpu.memory_space<semaphore_mem>>
        %dma_start3A_63 = arith.constant 0 : i32
        %dma_start3A_64 = tpu.memref_slice %arg5[%arg0, %mul3A_0, %dma_start3A_63] : memref<2x10000x128xbf16, #tpu.memory_space<hbm>> -> memref<1x632x128xbf16, #tpu.memory_space<hbm>>
        %dma_start3A_65 = tpu.memref_squeeze %dma_start3A_64 : memref<1x632x128xbf16, #tpu.memory_space<hbm>> -> memref<632x128xbf16, #tpu.memory_space<hbm>>
        %dma_start3A_66 = arith.constant 0 : i32
        %dma_start3A_67 = tpu.memref_slice %arg14[%mul3A_0, %dma_start3A_66] : memref<10112x128xbf16, #tpu.memory_space<vmem_shared>> -> memref<632x128xbf16, #tpu.memory_space<vmem_shared>>
        tpu.enqueue_dma source(%dma_start3A_67 : memref<632x128xbf16, #tpu.memory_space<vmem_shared>>) target(%dma_start3A_65 : memref<632x128xbf16, #tpu.memory_space<hbm>>) target_semaphore(%run_scoped3A : memref<!tpu.dma_semaphore, #tpu.memory_space<semaphore_mem>>)
        %dma_wait3A = arith.constant 0 : i32
        %dma_wait3A_68 = tpu.memref_slice %arg5[%arg0, %mul3A_0, %dma_wait3A] : memref<2x10000x128xbf16, #tpu.memory_space<hbm>> -> memref<1x632x128xbf16, #tpu.memory_space<hbm>>
        %dma_wait3A_69 = tpu.memref_squeeze %dma_wait3A_68 : memref<1x632x128xbf16, #tpu.memory_space<hbm>> -> memref<632x128xbf16, #tpu.memory_space<hbm>>
        %dma_wait3A_70 = arith.constant 0 : i32
        %dma_wait3A_71 = tpu.memref_slice %arg14[%mul3A_0, %dma_wait3A_70] : memref<10112x128xbf16, #tpu.memory_space<vmem_shared>> -> memref<632x128xbf16, #tpu.memory_space<vmem_shared>>
        tpu.wait_dma2 semaphore(%run_scoped3A : memref<!tpu.dma_semaphore, #tpu.memory_space<semaphore_mem>>) src(%dma_wait3A_71 : memref<632x128xbf16, #tpu.memory_space<vmem_shared>>) dst(%dma_wait3A_69 : memref<632x128xbf16, #tpu.memory_space<hbm>>)
        tpu.yield
      }) : () -> ()
      "tpu.region"() ({
        %run_scoped3A = tpu.sem_alloc : memref<!tpu.dma_semaphore, #tpu.memory_space<semaphore_mem>>
        %dma_start3A_63 = arith.constant 0 : i32
        %dma_start3A_64 = tpu.memref_slice %arg6[%arg0, %mul3A_0, %dma_start3A_63] : memref<2x10000x32xbf16, #tpu.memory_space<hbm>> -> memref<1x632x32xbf16, #tpu.memory_space<hbm>>
        %dma_start3A_65 = tpu.memref_squeeze %dma_start3A_64 : memref<1x632x32xbf16, #tpu.memory_space<hbm>> -> memref<632x32xbf16, #tpu.memory_space<hbm>>
        %dma_start3A_66 = arith.constant 0 : i32
        %dma_start3A_67 = tpu.memref_slice %arg15[%mul3A_0, %dma_start3A_66] : memref<10112x32xbf16, #tpu.memory_space<vmem_shared>> -> memref<632x32xbf16, #tpu.memory_space<vmem_shared>>
        tpu.enqueue_dma source(%dma_start3A_67 : memref<632x32xbf16, #tpu.memory_space<vmem_shared>>) target(%dma_start3A_65 : memref<632x32xbf16, #tpu.memory_space<hbm>>) target_semaphore(%run_scoped3A : memref<!tpu.dma_semaphore, #tpu.memory_space<semaphore_mem>>)
        %dma_wait3A = arith.constant 0 : i32
        %dma_wait3A_68 = tpu.memref_slice %arg6[%arg0, %mul3A_0, %dma_wait3A] : memref<2x10000x32xbf16, #tpu.memory_space<hbm>> -> memref<1x632x32xbf16, #tpu.memory_space<hbm>>
        %dma_wait3A_69 = tpu.memref_squeeze %dma_wait3A_68 : memref<1x632x32xbf16, #tpu.memory_space<hbm>> -> memref<632x32xbf16, #tpu.memory_space<hbm>>
        %dma_wait3A_70 = arith.constant 0 : i32
        %dma_wait3A_71 = tpu.memref_slice %arg15[%mul3A_0, %dma_wait3A_70] : memref<10112x32xbf16, #tpu.memory_space<vmem_shared>> -> memref<632x32xbf16, #tpu.memory_space<vmem_shared>>
        tpu.wait_dma2 semaphore(%run_scoped3A : memref<!tpu.dma_semaphore, #tpu.memory_space<semaphore_mem>>) src(%dma_wait3A_71 : memref<632x32xbf16, #tpu.memory_space<vmem_shared>>) dst(%dma_wait3A_69 : memref<632x32xbf16, #tpu.memory_space<hbm>>)
        tpu.yield
      }) : () -> ()
    } else {
    }
    %eq3A = arith.constant 15 : i32
    %eq3A_59 = arith.cmpi eq, %arg1, %eq3A : i32
    %convert_element_type3A_60 = arith.extui %eq3A_59 : i1 to i32
    %cond3A_61 = arith.constant 0 : i32
    %cond3A_62 = arith.cmpi ne, %convert_element_type3A_60, %cond3A_61 : i32
    scf.if %cond3A_62 {
      "tpu.region"() ({
        %run_scoped3A = tpu.sem_alloc : memref<!tpu.dma_semaphore, #tpu.memory_space<semaphore_mem>>
        %dma_start3A_63 = arith.constant 0 : i32
        %dma_start3A_64 = tpu.memref_slice %arg5[%arg0, %mul3A_0, %dma_start3A_63] : memref<2x10000x128xbf16, #tpu.memory_space<hbm>> -> memref<1x520x128xbf16, #tpu.memory_space<hbm>>
        %dma_start3A_65 = tpu.memref_squeeze %dma_start3A_64 : memref<1x520x128xbf16, #tpu.memory_space<hbm>> -> memref<520x128xbf16, #tpu.memory_space<hbm>>
        %dma_start3A_66 = arith.constant 0 : i32
        %dma_start3A_67 = tpu.memref_slice %arg14[%mul3A_0, %dma_start3A_66] : memref<10112x128xbf16, #tpu.memory_space<vmem_shared>> -> memref<520x128xbf16, #tpu.memory_space<vmem_shared>>
        tpu.enqueue_dma source(%dma_start3A_67 : memref<520x128xbf16, #tpu.memory_space<vmem_shared>>) target(%dma_start3A_65 : memref<520x128xbf16, #tpu.memory_space<hbm>>) target_semaphore(%run_scoped3A : memref<!tpu.dma_semaphore, #tpu.memory_space<semaphore_mem>>)
        %dma_wait3A = arith.constant 0 : i32
        %dma_wait3A_68 = tpu.memref_slice %arg5[%arg0, %mul3A_0, %dma_wait3A] : memref<2x10000x128xbf16, #tpu.memory_space<hbm>> -> memref<1x520x128xbf16, #tpu.memory_space<hbm>>
        %dma_wait3A_69 = tpu.memref_squeeze %dma_wait3A_68 : memref<1x520x128xbf16, #tpu.memory_space<hbm>> -> memref<520x128xbf16, #tpu.memory_space<hbm>>
        %dma_wait3A_70 = arith.constant 0 : i32
        %dma_wait3A_71 = tpu.memref_slice %arg14[%mul3A_0, %dma_wait3A_70] : memref<10112x128xbf16, #tpu.memory_space<vmem_shared>> -> memref<520x128xbf16, #tpu.memory_space<vmem_shared>>
        tpu.wait_dma2 semaphore(%run_scoped3A : memref<!tpu.dma_semaphore, #tpu.memory_space<semaphore_mem>>) src(%dma_wait3A_71 : memref<520x128xbf16, #tpu.memory_space<vmem_shared>>) dst(%dma_wait3A_69 : memref<520x128xbf16, #tpu.memory_space<hbm>>)
        tpu.yield
      }) : () -> ()
      "tpu.region"() ({
        %run_scoped3A = tpu.sem_alloc : memref<!tpu.dma_semaphore, #tpu.memory_space<semaphore_mem>>
        %dma_start3A_63 = arith.constant 0 : i32
        %dma_start3A_64 = tpu.memref_slice %arg6[%arg0, %mul3A_0, %dma_start3A_63] : memref<2x10000x32xbf16, #tpu.memory_space<hbm>> -> memref<1x520x32xbf16, #tpu.memory_space<hbm>>
        %dma_start3A_65 = tpu.memref_squeeze %dma_start3A_64 : memref<1x520x32xbf16, #tpu.memory_space<hbm>> -> memref<520x32xbf16, #tpu.memory_space<hbm>>
        %dma_start3A_66 = arith.constant 0 : i32
        %dma_start3A_67 = tpu.memref_slice %arg15[%mul3A_0, %dma_start3A_66] : memref<10112x32xbf16, #tpu.memory_space<vmem_shared>> -> memref<520x32xbf16, #tpu.memory_space<vmem_shared>>
        tpu.enqueue_dma source(%dma_start3A_67 : memref<520x32xbf16, #tpu.memory_space<vmem_shared>>) target(%dma_start3A_65 : memref<520x32xbf16, #tpu.memory_space<hbm>>) target_semaphore(%run_scoped3A : memref<!tpu.dma_semaphore, #tpu.memory_space<semaphore_mem>>)
        %dma_wait3A = arith.constant 0 : i32
        %dma_wait3A_68 = tpu.memref_slice %arg6[%arg0, %mul3A_0, %dma_wait3A] : memref<2x10000x32xbf16, #tpu.memory_space<hbm>> -> memref<1x520x32xbf16, #tpu.memory_space<hbm>>
        %dma_wait3A_69 = tpu.memref_squeeze %dma_wait3A_68 : memref<1x520x32xbf16, #tpu.memory_space<hbm>> -> memref<520x32xbf16, #tpu.memory_space<hbm>>
        %dma_wait3A_70 = arith.constant 0 : i32
        %dma_wait3A_71 = tpu.memref_slice %arg15[%mul3A_0, %dma_wait3A_70] : memref<10112x32xbf16, #tpu.memory_space<vmem_shared>> -> memref<520x32xbf16, #tpu.memory_space<vmem_shared>>
        tpu.wait_dma2 semaphore(%run_scoped3A : memref<!tpu.dma_semaphore, #tpu.memory_space<semaphore_mem>>) src(%dma_wait3A_71 : memref<520x32xbf16, #tpu.memory_space<vmem_shared>>) dst(%dma_wait3A_69 : memref<520x32xbf16, #tpu.memory_space<hbm>>)
        tpu.yield
      }) : () -> ()
    } else {
    }
    return
  }
}

module attributes {stable_mosaic.version = 14 : i64} {
  func.func @_mlp_body(%arg0: i32, %arg1: memref<1x1000x128xbf16, #tpu.memory_space<vmem>>, %arg2: memref<1x1000x128xbf16, #tpu.memory_space<vmem>>, %arg3: memref<1x1000x32xbf16, #tpu.memory_space<vmem>>, %arg4: memref<1x1000x32xbf16, #tpu.memory_space<vmem>>, %arg5: memref<256x256xf32, #tpu.memory_space<vmem>>, %arg6: memref<1x256xf32, #tpu.memory_space<vmem>>, %arg7: memref<1000x256xf32, #tpu.memory_space<vmem>>) attributes {dimension_semantics = [#tpu.dimension_semantics<arbitrary>], iteration_bounds = array<i64: 10>, scalar_prefetch = 0 : i64, scratch_operands = 0 : i64, tpu.core_type = #tpu.core_type<tc>, window_params = [{transform_indices = @transform_0, window_bounds = array<i64: 1, 1000, 128>}, {transform_indices = @transform_1, window_bounds = array<i64: 1, 1000, 128>}, {transform_indices = @transform_2, window_bounds = array<i64: 1, 1000, 32>}, {transform_indices = @transform_3, window_bounds = array<i64: 1, 1000, 32>}, {pipeline_mode = #tpu.pipeline_mode<synchronous>, transform_indices = @transform_4, window_bounds = array<i64: 256, 256>}, {pipeline_mode = #tpu.pipeline_mode<synchronous>, transform_indices = @transform_5, window_bounds = array<i64: 1, 256>}, {transform_indices = @transform_6, window_bounds = array<i64: 1000, 256>}]} {
    %get3A = arith.constant 0 : index
    %get3A_0 = arith.constant 0 : index
    %get3A_1 = arith.constant 0 : index
    %get3A_2 = vector.load %arg3[%get3A, %get3A_0, %get3A_1] : memref<1x1000x32xbf16, #tpu.memory_space<vmem>>, vector<1x1000x32xbf16>
    %get3A_3 = vector.shape_cast %get3A_2 : vector<1x1000x32xbf16> to vector<1000x32xbf16>
    %convert_element_type3A = arith.extf %get3A_3 : vector<1000x32xbf16> to vector<1000x32xf32>
    %reduce_sum3A = arith.constant dense<0.000000e+00> : vector<1000xf32>
    %reduce_sum3A_4 = vector.multi_reduction <add>, %convert_element_type3A, %reduce_sum3A [1] : vector<1000x32xf32> to vector<1000xf32>
    %get3A_5 = arith.constant 0 : index
    %get3A_6 = arith.constant 0 : index
    %get3A_7 = arith.constant 0 : index
    %get3A_8 = vector.load %arg4[%get3A_5, %get3A_6, %get3A_7] : memref<1x1000x32xbf16, #tpu.memory_space<vmem>>, vector<1x1000x32xbf16>
    %get3A_9 = vector.shape_cast %get3A_8 : vector<1x1000x32xbf16> to vector<1000x32xbf16>
    %convert_element_type3A_10 = arith.extf %get3A_9 : vector<1000x32xbf16> to vector<1000x32xf32>
    %reduce_sum3A_11 = arith.constant dense<0.000000e+00> : vector<1000xf32>
    %reduce_sum3A_12 = vector.multi_reduction <add>, %convert_element_type3A_10, %reduce_sum3A_11 [1] : vector<1000x32xf32> to vector<1000xf32>
    %add3A = arith.addf %reduce_sum3A_4, %reduce_sum3A_12 : vector<1000xf32>
    %mul3A = arith.constant 3.125000e-02 : f32
    %mul3A_13 = vector.broadcast %mul3A : f32 to vector<1000xf32>
    %mul3A_14 = arith.mulf %add3A, %mul3A_13 : vector<1000xf32>
    %max3A = arith.constant 1.000000e+00 : f32
    %max3A_15 = vector.broadcast %max3A : f32 to vector<1000xf32>
    %max3A_16 = arith.maximumf %mul3A_14, %max3A_15 : vector<1000xf32>
    %div3A = arith.constant 1.000000e+00 : f32
    %div3A_17 = vector.broadcast %div3A : f32 to vector<1000xf32>
    %div3A_18 = arith.divf %div3A_17, %max3A_16 : vector<1000xf32>
    %get3A_19 = arith.constant 0 : index
    %get3A_20 = arith.constant 0 : index
    %get3A_21 = arith.constant 0 : index
    %get3A_22 = vector.load %arg1[%get3A_19, %get3A_20, %get3A_21] : memref<1x1000x128xbf16, #tpu.memory_space<vmem>>, vector<1x1000x128xbf16>
    %get3A_23 = vector.shape_cast %get3A_22 : vector<1x1000x128xbf16> to vector<1000x128xbf16>
    %convert_element_type3A_24 = arith.extf %get3A_23 : vector<1000x128xbf16> to vector<1000x128xf32>
    %broadcast_in_dim3A = vector.shape_cast %div3A_18 : vector<1000xf32> to vector<1000x1xf32>
    %mul3A_25 = vector.broadcast %broadcast_in_dim3A : vector<1000x1xf32> to vector<1000x128xf32>
    %mul3A_26 = arith.mulf %convert_element_type3A_24, %mul3A_25 : vector<1000x128xf32>
    %get3A_27 = arith.constant 0 : index
    %get3A_28 = arith.constant 0 : index
    %get3A_29 = arith.constant 0 : index
    %get3A_30 = vector.load %arg2[%get3A_27, %get3A_28, %get3A_29] : memref<1x1000x128xbf16, #tpu.memory_space<vmem>>, vector<1x1000x128xbf16>
    %get3A_31 = vector.shape_cast %get3A_30 : vector<1x1000x128xbf16> to vector<1000x128xbf16>
    %convert_element_type3A_32 = arith.extf %get3A_31 : vector<1000x128xbf16> to vector<1000x128xf32>
    %broadcast_in_dim3A_33 = vector.shape_cast %div3A_18 : vector<1000xf32> to vector<1000x1xf32>
    %mul3A_34 = vector.broadcast %broadcast_in_dim3A_33 : vector<1000x1xf32> to vector<1000x128xf32>
    %mul3A_35 = arith.mulf %convert_element_type3A_32, %mul3A_34 : vector<1000x128xf32>
    %get3A_36 = arith.constant 0 : index
    %get3A_37 = arith.constant 0 : index
    %get3A_38 = vector.load %arg5[%get3A_36, %get3A_37] : memref<256x256xf32, #tpu.memory_space<vmem>>, vector<128x256xf32>
    %dot_general3A = arith.constant dense<0.000000e+00> : vector<1000x256xf32>
    %dot_general3A_39 = tpu.matmul %mul3A_26, %get3A_38, %dot_general3A {dimension_numbers = #tpu.dot_dimension_numbers<[1], [0], [0], [1], [0, 0, 1, 1], [], []>, transpose_lhs_hint = false} : vector<1000x128xf32>, vector<128x256xf32>, vector<1000x256xf32> -> vector<1000x256xf32>
    %get3A_40 = arith.constant 128 : index
    %get3A_41 = arith.constant 0 : index
    %get3A_42 = vector.load %arg5[%get3A_40, %get3A_41] : memref<256x256xf32, #tpu.memory_space<vmem>>, vector<128x256xf32>
    %dot_general3A_43 = arith.constant dense<0.000000e+00> : vector<1000x256xf32>
    %dot_general3A_44 = tpu.matmul %mul3A_35, %get3A_42, %dot_general3A_43 {dimension_numbers = #tpu.dot_dimension_numbers<[1], [0], [0], [1], [0, 0, 1, 1], [], []>, transpose_lhs_hint = false} : vector<1000x128xf32>, vector<128x256xf32>, vector<1000x256xf32> -> vector<1000x256xf32>
    %add3A_45 = arith.addf %dot_general3A_39, %dot_general3A_44 : vector<1000x256xf32>
    %get3A_46 = arith.constant 0 : index
    %get3A_47 = arith.constant 0 : index
    %get3A_48 = vector.load %arg6[%get3A_46, %get3A_47] : memref<1x256xf32, #tpu.memory_space<vmem>>, vector<1x256xf32>
    %add3A_49 = vector.broadcast %get3A_48 : vector<1x256xf32> to vector<1000x256xf32>
    %add3A_50 = arith.addf %add3A_45, %add3A_49 : vector<1000x256xf32>
    %max3A_51 = arith.constant 0.000000e+00 : f32
    %max3A_52 = vector.broadcast %max3A_51 : f32 to vector<1000x256xf32>
    %max3A_53 = arith.maximumf %add3A_50, %max3A_52 : vector<1000x256xf32>
    %swap3A = arith.constant 0 : index
    %swap3A_54 = arith.constant 0 : index
    %swap3A_55 = vector.load %arg7[%swap3A, %swap3A_54] : memref<1000x256xf32, #tpu.memory_space<vmem>>, vector<1000x256xf32>
    tpu.vector_store %arg7[%swap3A, %swap3A_54], %max3A_53 {strides = array<i32>} : memref<1000x256xf32, #tpu.memory_space<vmem>>, vector<1000x256xf32>,
    return
  }
  func.func @transform_0(%arg0: i32) -> (i32, i32, i32) {
    %c0_i32 = arith.constant 0 : i32
    %c0_i32_0 = arith.constant 0 : i32
    %c0_i32_1 = arith.constant 0 : i32
    return %c0_i32, %arg0, %c0_i32_0 : i32, i32, i32
  }
  func.func @transform_1(%arg0: i32) -> (i32, i32, i32) {
    %c1_i32 = arith.constant 1 : i32
    %c0_i32 = arith.constant 0 : i32
    %c0_i32_0 = arith.constant 0 : i32
    return %c1_i32, %arg0, %c0_i32 : i32, i32, i32
  }
  func.func @transform_2(%arg0: i32) -> (i32, i32, i32) {
    %c0_i32 = arith.constant 0 : i32
    %c0_i32_0 = arith.constant 0 : i32
    %c0_i32_1 = arith.constant 0 : i32
    return %c0_i32, %arg0, %c0_i32_0 : i32, i32, i32
  }
  func.func @transform_3(%arg0: i32) -> (i32, i32, i32) {
    %c1_i32 = arith.constant 1 : i32
    %c0_i32 = arith.constant 0 : i32
    %c0_i32_0 = arith.constant 0 : i32
    return %c1_i32, %arg0, %c0_i32 : i32, i32, i32
  }
  func.func @transform_4(%arg0: i32) -> (i32, i32) {
    %c0_i32 = arith.constant 0 : i32
    %c0_i32_0 = arith.constant 0 : i32
    %c0_i32_1 = arith.constant 0 : i32
    return %c0_i32, %c0_i32_0 : i32, i32
  }
  func.func @transform_5(%arg0: i32) -> (i32, i32) {
    %c0_i32 = arith.constant 0 : i32
    %c0_i32_0 = arith.constant 0 : i32
    %c0_i32_1 = arith.constant 0 : i32
    return %c0_i32, %c0_i32_0 : i32, i32
  }
  func.func @transform_6(%arg0: i32) -> (i32, i32) {
    %c0_i32 = arith.constant 0 : i32
    %c0_i32_0 = arith.constant 0 : i32
    return %arg0, %c0_i32 : i32, i32
  }
}

</mosaic_0001>

<sc_bundles>
// kernel: kernel.6.cloned.1.call-start
scs
__scs_entry_jumppad:
0x0: {  	(pc) =	sbr.rel $0x88, $3  }
0x1: {  	(tag) =	ssettag $0x0;
	lr =	simm.s32 $0x1  }
0x2: {  	[smem:$0x3F99] =	sst lr;
	_ =	strace $0xD0000000  }
0x3: {  	_ = 	snop  }
0x4: {  	_ = 	snop  }
0x5: {  	_ = 	snop  }
0x6: {  	_ = 	snop  }
0x7: {  	_ = 	snop  }
__scs_overlays_trampoline_lowered:
0x8: {  	[smem:$0x3FA8] =	sst s0  }
0x9: {  	[smem:$0x3FA9] =	sst s1  }
0xa: {  	[smem:$0x3FAA] =	sst s2  }
0xb: {  	[smem:$0x3FAB] =	sst s3  }
0xc: {  	[smem:$0x3FAC] =	sst s4  }
0xd: {  	[smem:$0x3FAD] =	sst s5  }
0xe: {  	[smem:$0x3FAE] =	sst s6  }
0xf: {  	[smem:$0x3FAF] =	sst s7  }
0x10: {  	[smem:$0x3FB0] =	sst s8  }
0x11: {  	[smem:$0x3FB1] =	sst s9;
	s0 =	simm.s32 @!p0 $0x0  }
0x12: {  	s1 =	sld [smem:$0x3F97];
	s0 =	simm.s32 @p0 $0x1  }
0x13: {  	[smem:$0x3FB2] =	sst s0;
	s0 =	simm.s32 @!p1 $0x0  }
0x14: {  	s2 =	sld [smem:$0x3F96];
	s0 =	simm.s32 @p1 $0x1  }
0x15: {  	[smem:$0x3FB3] =	sst s0;
	s0 =	simm.s32 @!p2 $0x0  }
0x16: {  	s3 =	sld [smem:$0x3FDB];
	s0 =	simm.s32 @p2 $0x1  }
0x17: {  	s4 =	simm.s32 $0x1BF5;
	[smem:$0x3FB5] =	sst s0  }
0x18: {  	s0 =	sld [smem:$0x3F98];
	_ =	swait.ge [sflag:s4], $0x0  }
0x19: {  	s7 =	sld [smem:$0x3F99]  }
0x1a: {  	s8 =	sadd.s32 $0xFFFFE003, lr  }
0x1b: {  	s9 =	sadd.s32 $0xFFFFFEF7, lr;
	s5 =	simm.s32 $0xFFFFFFFF;
	p2 =	slt.u32 s8, $0xFFFFF086  }
0x1c: {  	p1 =	slt.u32 s9, $0xF7A;
	s5 =	simm.s32 @!p2 $0x0  }
0x1d: {  	s5 =	simm.s32 @p1 $0x1;
	p0 =	seq.s32 s7, s2  }
0x1e: {  	s7 =	smul.u32 @!p0 $0xF7A, s2;
	p2 =	seq.s32 @!p0 s5, $0x0  }
0x1f: {  	s9 =	smul.u32 $0xF7A, s1;
	s8 =	simm.s32 @!p0 $0x1BF5;
	p2 =	por !p2, p0  }
0x20: {  	[sflag:s8] =	ssyncset.s32 @!p0 $0xFFFFF086;
	s6 =	sadd.s32 @!p0 s3, s7;
	s7 =	simm.s32 @!p0 $0x108  }
0x21: {  	s3 =	sadd.s32 s3, s9;
	s6 =	sadd.s32 @!p0 $0x88, s6;
	s7 =	simm.s32 @p2 $0x1082  }
0x22: {  	[simem:s7], [sflag:s8] =	dma.local @!p0 [hbm:s6], $0xF7A  }
0x23: {  	s9 =	sor.u32 $0xD0000000, s2;
	s6 =	simm.s32 $0x108;
	_ =	swait.ge @!p0 [sflag:s8], $0x0  }
0x24: {  	s3 =	sadd.s32 $0x88, s3;
	s6 =	simm.s32 @!p1 $0x1082;
	[sflag:s4] =	ssyncset.s32 $0xFFFFF086  }
0x25: {  	[simem:s6], [sflag:s4] =	dma.local [hbm:s3], $0xF7A  }
0x26: {  	[smem:$0x3F99] =	sst s1;
	(tag) =	ssettag s2;
	_ =	strace s9  }
0x27: {  	s1 =	sld [smem:$0x3FA9]  }
0x28: {  	s2 =	sld [smem:$0x3FAA]  }
0x29: {  	s4 =	sld [smem:$0x3FAC]  }
0x2a: {  	p0 =	seq.s32 s5, $0x0;
	s5 =	sld [smem:$0x3FAD]  }
0x2b: {  	s6 =	sld [smem:$0x3FAE]  }
0x2c: {  	s7 =	sld [smem:$0x3FAF]  }
0x2d: {  	s3 =	simm.s32 $0x108;
	s8 =	sld [smem:$0x3FB0]  }
0x2e: {  	s3 =	simm.s32 @!p0 $0x1082;
	s9 =	sld [smem:$0x3FB1]  }
0x2f: {  	lr =	sadd.s32 s0, s3;
	s0 =	sld [smem:$0x3FA8]  }
0x30: {  	s3 =	sld [smem:$0x3FAB]  }
0x31: {  	[smem:$0x3FB4] =	sst s10  }
0x32: {  	s10 =	sld [smem:$0x3FB2];
	_ =	sdelay $0x3  }
0x33: {  	p0 =	seq.s32 s10, $0x1;
	s10 =	sld [smem:$0x3FB4];
	_ =	sdelay $0x3  }
0x34: {  	[smem:$0x3FB4] =	sst s10  }
0x35: {  	s10 =	sld [smem:$0x3FB3];
	_ =	sdelay $0x3  }
0x36: {  	p1 =	seq.s32 s10, $0x1;
	s10 =	sld [smem:$0x3FB4];
	_ =	sdelay $0x3  }
0x37: {  	[smem:$0x3FB4] =	sst s10  }
0x38: {  	s10 =	sld [smem:$0x3FB5]  }
0x39: {  	_ = 	snop;
	(pc) =	sbr.ind lr, $3  }
0x3a: {  	_ = 	snop  }
0x3b: {  	_ = 	snop  }
0x3c: {  	p2 =	seq.s32 s10, $0x1;
	s10 =	sld [smem:$0x3FB4]  }
0x3d: {  	_ =	shalt  }
0x3e: {  	_ =	shalt  }
0x3f: {  	_ =	shalt  }
0x40: {  	_ =	shalt  }
0x41: {  	_ =	shalt  }
0x42: {  	_ =	shalt  }
0x43: {  	_ =	shalt  }
0x44: {  	_ =	shalt  }
0x45: {  	_ =	shalt  }
0x46: {  	_ =	shalt  }
0x47: {  	_ =	shalt  }
0x48: {  	_ =	shalt  }
0x49: {  	_ =	shalt  }
0x4a: {  	_ =	shalt  }
0x4b: {  	_ =	shalt  }
0x4c: {  	_ =	shalt  }
0x4d: {  	_ =	shalt  }
0x4e: {  	_ =	shalt  }
0x4f: {  	_ =	shalt  }
0x50: {  	_ =	shalt  }
0x51: {  	_ =	shalt  }
0x52: {  	_ =	shalt  }
0x53: {  	_ =	shalt  }
0x54: {  	_ =	shalt  }
0x55: {  	_ =	shalt  }
0x56: {  	_ =	shalt  }
0x57: {  	_ =	shalt  }
0x58: {  	_ =	shalt  }
0x59: {  	_ =	shalt  }
0x5a: {  	_ =	shalt  }
0x5b: {  	_ =	shalt  }
0x5c: {  	_ =	shalt  }
0x5d: {  	_ =	shalt  }
0x5e: {  	_ =	shalt  }
0x5f: {  	_ =	shalt  }
0x60: {  	_ =	shalt  }
0x61: {  	_ =	shalt  }
0x62: {  	_ =	shalt  }
0x63: {  	_ =	shalt  }
0x64: {  	_ =	shalt  }
0x65: {  	_ =	shalt  }
0x66: {  	_ =	shalt  }
0x67: {  	_ =	shalt  }
0x68: {  	_ =	shalt  }
0x69: {  	_ =	shalt  }
0x6a: {  	_ =	shalt  }
0x6b: {  	_ =	shalt  }
0x6c: {  	_ =	shalt  }
0x6d: {  	_ =	shalt  }
0x6e: {  	_ =	shalt  }
0x6f: {  	_ =	shalt  }
0x70: {  	_ =	shalt  }
0x71: {  	_ =	shalt  }
0x72: {  	_ =	shalt  }
0x73: {  	_ =	shalt  }
0x74: {  	_ =	shalt  }
0x75: {  	_ =	shalt  }
0x76: {  	_ =	shalt  }
0x77: {  	_ =	shalt  }
0x78: {  	_ =	shalt  }
0x79: {  	_ =	shalt  }
0x7a: {  	_ =	shalt  }
0x7b: {  	_ =	shalt  }
0x7c: {  	_ =	shalt  }
0x7d: {  	_ =	shalt  }
0x7e: {  	_ =	shalt  }
0x7f: {  	_ =	shalt  }
0x80: {  	_ =	shalt  }
0x81: {  	_ =	shalt  }
0x82: {  	_ =	shalt  }
0x83: {  	_ =	shalt  }
0x84: {  	_ =	shalt  }
0x85: {  	_ =	shalt  }
0x86: {  	_ =	shalt  }
0x87: {  	_ =	shalt  }
.Lfunc_end0:
.L_simem_size_0:
called_computation_lowered:
.L_overlay_start_0:
0x88: {  	s2 =	sld [smem:$0x3FD9]  }
0x89: {  	s3 =	sld [smem:$0x3FFE];
	_ =	sdelay $0x1  }
0x8a: {  	s1 =	srdreg.scid  }
0x8b: {  	s0 =	sand.u32 $0x1, s1  }
0x8c: {  	s15 =	sshll.u32 s0, $0xA;
	s2 =	sadd.s32 s3, s2  }
0x8d: {  	s2 =	sadd.s32 s2, s15  }
0x8e: {  	[smem:$0x3FC0] =	sst s2  }
0x8f: {  	_ = 	snop  }
0x90: {  	s2 =	sld [smem:$0x3FD0];
	_ =	sdelay $0x2  }
0x91: {  	s16 =	simm.s32 $0xB;
	s4 =	simm.s32 $0x10  }
0x92: {  	[smem:s4], [sflag:s16] =	dma.local [hbm:s2], $0x1  }
0x93: {  	_ =	swait.eq [sflag:s16], $0x1  }
0x94: {  	[sflag:s16] =	ssyncset.done $0x0  }
0x95: {  	[sflag:s16] =	ssyncadd.s32 $0xFFFFFFFF  }
0x96: {  	s17 =	sld [smem:$0x11];
	(tm) =	ssettm $0x1  }
0x97: {  	s18 =	sld [smem:$0x3FFB];
	_ =	sdelay $0x3  }
0x98: {  	_ =	strace s18  }
0x99: {  	s2 =	sld [smem:$0x3FFC];
	_ =	sdelay $0x3  }
0x9a: {  	_ =	strace s2  }
0x9b: {  	s2 =	sld [smem:$0x3FFD];
	_ =	sdelay $0x3  }
0x9c: {  	_ =	strace s2  }
0x9d: {  	_ =	strace $0x8FFFFFFF  }
0x9e: {  	s19 =	sld [smem:$0x3FDB];
	_ =	sdelay $0x1  }
0x9f: {  	s20 =	simm.s32 $_scs_section_size  }
0xa0: {  	s5 =	simm.s32 $_size__tile_overlayer_lowered;
	s6 =	simm.s32 $_tile_overlayer_lowered  }
0xa1: {  	s7 =	simm.s32 $0x1BFF;
	s21 =	sshll.u32 s6, $0x1;
	s4 =	sadd.s32 s20, s19  }
0xa2: {  	s22 =	simm.s32 $0x0;
	s5 =	sshll.u32 s5, $0x1;
	s6 =	sadd.s32 s21, s4  }
0xa3: {  	[timem:s22], [sflag:s7] =	dma.local [hbm:s6], s5  }
0xa4: {  	_ =	swait.ge [sflag:s7], s5  }
0xa5: {  	s5 =	ssub.s32 $0x0, s5;
	[sflag:s7] =	ssyncset.done $0x0  }
0xa6: {  	[sflag:s7] =	ssyncadd.s32 s5;
	_ =	sdelay $0x1  }
0xa7: {  	s23 =	simm.s32 $0x1B8B  }
0xa8: {  	_ =	swait.ge [sflag:s23], $0x1  }
0xa9: {  	[sflag:s23] =	ssyncset.done $0x0  }
0xaa: {  	[sflag:s23] =	ssyncadd.s32 $0xFFFFFFFF  }
0xab: {  	s5 =	sld [smem:$0x0]  }
0xac: {  	s6 =	sand.u32 $0xFFFFFFFE, s1  }
0xad: {  	p0 =	sne.s32 s1, s6  }
0xae: {  	s6 =	sshll.u32 @p0 s6, $0xE  }
0xaf: {  	s6 =	sadd.s32 @p0 $0x11B8D, s6;
	s7 =	sshll.u32 @p0 s5, $0x11  }
0xb0: {  	s6 =	sor.u32 @p0 s7, s6  }
0xb1: {  	[sflag:s6] =	ssyncadd.remote.s32 @p0 $0x1;
	_ =	sdelay $0x1  }
0xb2: {  	s6 =	simm.s32 @p0 $0x1B8D  }
0xb3: {  	_ =	swait.eq @p0 [sflag:s6], $0x1  }
0xb4: {  	[sflag:s6] =	ssyncadd.s32 @p0 $0xFFFFFFFF  }
0xb5: {  	s7 =	sshll.u32 @!p0 s1, $0xE  }
0xb6: {  	s7 =	sor.u32 @!p0 $0x4000, s7;
	s6 =	simm.s32 @!p0 $0x1B8D  }
0xb7: {  	s5 =	sshll.u32 @!p0 s5, $0x11;
	s7 =	sadd.s32 @!p0 $0x11B8D, s7;
	_ =	swait.eq @!p0 [sflag:s6], $0x1  }
0xb8: {  	s5 =	sor.u32 @!p0 s5, s7;
	[sflag:s6] =	ssyncadd.s32 @!p0 $0xFFFFFFFF  }
0xb9: {  	s25 =	simm.s32 $0x1B8E;
	s24 =	sld [smem:$0x3FFE];
	[sflag:s5] =	ssyncadd.remote.s32 @!p0 $0x1  }
0xba: {  	s26 =	simm.s32 $execute0_lowered;
	[smem:$0x3FD2] =	sst s25  }
0xbb: {  	s6 =	sshll.u32 s26, $0x1;
	_ =	strace $0x80000049;
	[dreg:$0x1] =	wrdreg $0xFFFFFFFF  }
0xbc: {  	s28 =	simm.s32 $_size_execute0_lowered;
	s4 =	sadd.s32 s4, s6;
	[dreg:$0x0] =	wrdreg $0x0  }
0xbd: {  	s6 =	sshll.u32 s28, $0x1;
	[dreg:$0x2] =	wrdreg s4  }
0xbe: {  	[dreg:$0x3] =	wrdreg s6  }
0xbf: {  	[dreg:$0x4] =	wrdreg $0xC0  }
0xc0: {  	_ =	task [dreg:s22], $0x5FFFF  }
0xc1: {  	[dreg:$0x1] =	wrdreg $0xFFFFFFFF  }
0xc2: {  	[dreg:$0x0] =	wrdreg $0x60  }
0xc3: {  	[dreg:$0x2] =	wrdreg s17  }
0xc4: {  	[dreg:$0x3] =	wrdreg s24  }
0xc5: {  	[dreg:$0x4] =	wrdreg $0x58000  }
0xc6: {  	[dreg:$0x5] =	wrdreg $0xF6000  }
0xc7: {  	[dreg:$0x6] =	wrdreg $0x9  }
0xc8: {  	_ =	task.clear_ibuf [dreg:s22], $0x7FFFF;
	_ =	strace $0x90000049  }
0xc9: {  	s29 =	simm.s32 $0x9;
	_ =	strace $0x8000004B  }
0xca: {  	_ =	swait.ge [sflag:s29], $0x1  }
0xcb: {  	[sflag:s29] =	ssyncadd.s32 $0xFFFFFFFF  }
0xcc: {  	_ =	strace $0x9000004B  }
0xcd: {  	_ =	sfence  }
0xce: {  	s30 =	sld [smem:$0x0];
	_ =	sdelay $0x2  }
0xcf: {  	s31 =	sshll.u32 s1, $0xD;
	s1 =	sshrl.u32 s1, $0x2  }
0xd0: {  	s4 =	sand.u32 $0x4000, s31;
	s1 =	sadd.s32 s1, s30  }
0xd1: {  	s0 =	sor.u32 s4, s0;
	s1 =	sshll.u32 s1, $0x11  }
0xd2: {  	s0 =	sor.u32 s1, s0  }
0xd3: {  	s0 =	sadd.s32 $0x8F2B, s0  }
0xd4: {  	[sflag:s0] =	ssyncadd.remote.s32 $0x1  }
0xd5: {  	_ =	sfence.sel $0xFFFF  }
0xd6: {  	[dreg:$0x0] =	wrdreg $0xFFFFFFFF;
	(pc) =	sbr.abs _section_cstart, $3  }
0xd7: {  	[dreg:$0x1] =	wrdreg $0xFFFFFFFF  }
0xd8: {  	_ =	task.clear_ibuf [dreg:s22], $0x2FFFF;
	_ =	strace $0x9FFFFFFF  }
0xd9: {  	(tm) =	ssettm $0x7FFFFFFF  }
tec
execute0_lowered:
.L_overlay_start_1:
0x0: {  	(tag) =	ssettag $0x1  }
0x1: {  	s1 =	rddreg [dreg:$0x0]  }
0x2: {  	s0 =	rddreg [dreg:$0x1]  }
0x3: {  	s2 =	rddreg [dreg:$0x2]  }
0x4: {  	s3 =	rddreg [dreg:$0x3];
	s21 =	simm.s32 $0x0  }
0x5: {  	s4 =	srdreg.scid;
	s20 =	stileid.u32;
	s28 =	simm.s32 $0x400  }
0x6: {  	s30 =	simm.s32 $0x80;
	s31 =	simm.s32 $0x1000;
	s29 =	simm.s32 $0x780  }
0x7: {  	[smem:$0x7FF] =	sst s21;
	s6 =	sadd.s32 $0xB800, s0;
	s5 =	smul.u32 $0x278, s20  }
0x8: {  	s7 =	sadd.s32 $0x10800, s0;
	s4 =	sand.u32 $0x1, s4;
	s10 =	smul.u32 $0x13C00, s20  }
0x9: {  	s8 =	sadd.s32 $0x46800, s0;
	s0 =	sadd.s32 $0x6DA00, s0;
	s17 =	smul.u32 $0x4F00, s20  }
0xa: {  	p2 =	seq.s32 s20, $0xF;
	_ =	strace $0x8000004A;
	s9 =	ssub.s32 $0x2, s4  }
0xb: {  	s18 =	smul.u32 $0x138800, s4;
	p0 =	sne.s32 s4, $0x0;
	p1 =	seq.s32 s4, $0x0  }
0xc: {  	s11 =	sshrl.u32 s9, $0x1;
	s12 =	sadd.s32 $0x80, s5;
	s19 =	sshrl.u32 s10, $0x1  }
0xd: {  	s24 =	sadd.s32 $0x100, s5;
	s15 =	sadd.s32 $0x180, s5;
	s5 =	sadd.s32 $0x200, s5  }
0xe: {  	s9 =	ssub.s32 s9, s11;
	s13 =	sshll.u32 s12, $0x6;
	s23 =	sadd.s32 s19, s2  }
0xf: {  	s25 =	sshll.u32 s24, $0x6;
	s14 =	sshll.u32 s15, $0x6;
	s16 =	sshll.u32 s5, $0x6  }
0x10: {  	s12 =	sshll.u32 s12, $0x4;
	s11 =	sshll.u32 s24, $0x4;
	s19 =	sshll.u32 s15, $0x4  }
0x11: {  	s10 =	sadd.s32 s10, s18;
	s22 =	sadd.s32 s13, s2;
	[dreg:$0x6] =	wrdreg s23  }
0x12: {  	s5 =	sshll.u32 s5, $0x4;
	s13 =	sadd.s32 s25, s2;
	[dreg:$0x7] =	wrdreg s22  }
0x13: {  	s26 =	sadd.s32 s14, s2;
	s14 =	sadd.s32 s16, s2;
	[dreg:$0x8] =	wrdreg s13  }
0x14: {  	s16 =	sshrl.u32 s17, $0x1;
	s10 =	sshrl.u32 s10, $0x4;
	[dreg:$0x9] =	wrdreg s26  }
0x15: {  	s25 =	smul.u32 $0x50, s20;
	[dreg:$0xa] =	wrdreg s14;
	s13 =	sadd.s32 s16, s3  }
0x16: {  	s14 =	sadd.s32 s12, s3;
	s22 =	smul.u32 $0x4E200, s4;
	s16 =	sshrl.u32 s18, $0x4  }
0x17: {  	s10 =	sadd.s32 s8, s10;
	s26 =	smul.u32 $0x500, s20;
	s18 =	sadd.s32 s19, s3  }
0x18: {  	s19 =	sadd.s32 s5, s3;
	s5 =	simm.s32 $0x4;
	s20 =	simm.s32 $0xE00  }
0x19: {  	[dreg:$0xb] =	wrdreg s10;
	s8 =	sadd.s32 s8, s16;
	s16 =	simm.s32 $0x2  }
0x1a: {  	s24 =	sadd.s32 s17, s22;
	s15 =	sshrl.u32 s22, $0x4;
	s12 =	sadd.s32 s6, s26  }
0x1b: {  	s17 =	sadd.s32 s11, s3;
	s22 =	sor.u32 $0x8, s25;
	[dreg:$0xd] =	wrdreg s12  }
0x1c: {  	s11 =	simm.s32 $0x1;
	s10 =	sshrl.u32 s24, $0x4;
	[dreg:$0x13] =	wrdreg s22  }
0x1d: {  	s24 =	sadd.s32 $0x10, s25;
	s25 =	sadd.s32 $0x12840, s8;
	s12 =	simm.s32 $0x5000  }
0x1e: {  	s22 =	simm.s32 $0x680;
	s10 =	sadd.s32 s0, s10;
	[dreg:$0xf] =	wrdreg s24  }
.Ltmp0:
0x1f: {  	s0 =	sadd.s32 s0, s15;
	[dreg:$0x10] =	wrdreg s25;
	(pc) =	sbr.rel .LBB2_1-.Ltmp0, $4  }
0x20: {  	s15 =	sadd.s32 s7, s26;
	s26 =	smax.u32 s9, $0x1;
	[dreg:$0xc] =	wrdreg s10  }
0x21: {  	s9 =	simm.s32 $0xC00;
	s24 =	simm.s32 $0xE80;
	[dreg:$0xe] =	wrdreg s15  }
0x22: {  	s0 =	sadd.s32 $0x4A10, s0;
	[dreg:$0x12] =	wrdreg s26;
	s10 =	simm.s32 $0x3000  }
0x23: {  	v1 =	vimm.bf16 $0.0e+00;
	v2 =	vimm.bf16 $1.0000e+00;
	v0 =	vmov s4;
	s26 =	simm.s32 $0xF00;
	[dreg:$0x11] =	wrdreg s0;
	s0 =	simm.s32 $0x700  }
.LBB2_29:
0x24: {  	[bflag:$0x0] =	sbarrier.arrive $0xFFFF  }
0x25: {  	s23 =	rddreg [dreg:$0x6]  }
0x26: {  	s8 =	simm.s32 @p2 $0x1FC3;
	s15 =	rddreg [dreg:$0x10];
	s4 =	sshrl.u32 @p2 s23, $0x3  }
0x27: {  	[hbm:s15], [sflag:s8] =	dma.local @p2 [spmem:s4], $0x1040  }
0x28: {  	s4 =	simm.s32 @p2 $0x3  }
0x29: {  	_ =	swait.ge @p2 [sflag:s4], $0x1040  }
0x2a: {  	[sflag:s4] =	ssyncset.done @p2 $0x0  }
0x2b: {  	s15 =	sshrl.u32 @p2 s13, $0x3;
	s21 =	rddreg [dreg:$0x11];
	[sflag:s4] =	ssyncadd.s32 @p2 $0xFFFFEFC0  }
0x2c: {  	[hbm:s21], [sflag:s8] =	dma.local @p2 [spmem:s15], $0x410  }
0x2d: {  	s8 =	stileid.u32;
	_ =	swait.ge @p2 [sflag:s4], $0x410  }
0x2e: {  	s8 =	sshll.u32 @!p2 s8, $0x6;
	[sflag:s4] =	ssyncset.done @p2 $0x0;
	s15 =	rddreg [dreg:$0xb]  }
0x2f: {  	[sflag:s4] =	ssyncadd.s32 @p2 $0xFFFFFBF0;
	s4 =	sor.u32 @!p2 $0x1C03, s8;
	s8 =	sshrl.u32 @!p2 s23, $0x3  }
0x30: {  	[hbm:s15], [sflag:s4] =	dma.local @!p2 [spmem:s8], $0x13C0  }
0x31: {  	s8 =	simm.s32 @!p2 $0x3  }
0x32: {  	_ =	swait.ge @!p2 [sflag:s8], $0x13C0  }
0x33: {  	[sflag:s8] =	ssyncset.done @!p2 $0x0  }
0x34: {  	s15 =	sshrl.u32 @!p2 s13, $0x3;
	s21 =	rddreg [dreg:$0xc];
	[sflag:s8] =	ssyncadd.s32 @!p2 $0xFFFFEC40  }
0x35: {  	[hbm:s21], [sflag:s4] =	dma.local @!p2 [spmem:s15], $0x4F0  }
0x36: {  	_ =	swait.ge @!p2 [sflag:s8], $0x4F0  }
0x37: {  	s15 =	rddreg [dreg:$0x5]  }
0x38: {  	s25 =	rddreg [dreg:$0x12];
	s21 =	sadd.s32 $0x1, s15  }
0x39: {  	p3 =	sne.s32 s21, s25  }
.Ltmp1:
0x3a: {  	_ = 	snop;
	(pc) =	sbr.rel @!p3 .LBB2_30-.Ltmp1, $3  }
0x3b: {  	_ =	sdelay $0x1  }
0x3c: {  	[sflag:s8] =	ssyncset.done @!p2 $0x0  }
0x3d: {  	[sflag:s8] =	ssyncadd.s32 @!p2 $0xFFFFFB10  }
.LBB2_1:
0x3e: {  	s4 =	simm.s32 $0x1020  }
0x3f: {  	[tilespmem:s4+$0x0] =	vst v1  }
0x40: {  	[tilespmem:s4+$0xFFFFFFE0] =	vst v1  }
0x41: {  	[tilespmem:s4+$0x10] =	vst v1  }
0x42: {  	s8 =	simm.s32 $0x40;
	s15 =	simm.s32 $0x0;
	[tilespmem:s4+$0xFFFFFFF0] =	vst v1  }
.LBB2_2:
0x43: {  	p3 =	sne.s32 s8, $0x1FC0  }
0x44: {  	[tilespmem:s15+$0x5000] =	vst v2;
	s4 =	sadd.s32 $0x40, s4;
	s15 =	smov.u32 s8;
	s8 =	sadd.s32 $0x40, s8  }
.Ltmp2:
0x45: {  	[tilespmem:s4+$0x0] =	vst v1;
	(pc) =	sbr.rel @p3 .LBB2_2-.Ltmp2, $4  }
0x46: {  	_ = 	snop  }
0x47: {  	[tilespmem:s4+$0xFFFFFFE0] =	vst v1  }
0x48: {  	[tilespmem:s4+$0x10] =	vst v1  }
0x49: {  	s15 =	sshra.s32 s15, $0x2;
	[tilespmem:s4+$0xFFFFFFF0] =	vst v1  }
0x4a: {  	[tilespmem:s15+$0x5000] =	vst v2;
	s4 =	simm.s32 $0x1000;
	s15 =	simm.s32 $0x3  }
0x4b: {  	[spmem:s23] =	stream.linear.scatter [tilespmem:s4], [sflag:$0x3], $0x2000, $0x38;
	[tilespmem:$0x11D80] =	vst v63  }
0x4c: {  	_ =	swait.ge [sflag:s15], $0x2000  }
0x4d: {  	[sflag:s15] =	ssyncset.done $0x0  }
0x4e: {  	s8 =	rddreg [dreg:$0x7];
	[sflag:s15] =	ssyncadd.s32 $0xFFFFE000  }
0x4f: {  	[spmem:s8] =	stream.linear.scatter [tilespmem:s4], [sflag:$0x3], $0x2000, $0x38;
	[tilespmem:$0x11D80] =	vst v63  }
0x50: {  	_ =	swait.ge [sflag:s15], $0x2000  }
0x51: {  	[sflag:s15] =	ssyncset.done $0x0  }
0x52: {  	s23 =	rddreg [dreg:$0x8];
	[sflag:s15] =	ssyncadd.s32 $0xFFFFE000  }
0x53: {  	[spmem:s23] =	stream.linear.scatter [tilespmem:s4], [sflag:$0x3], $0x2000, $0x38;
	[tilespmem:$0x11D80] =	vst v63  }
0x54: {  	_ =	swait.ge [sflag:s15], $0x2000  }
0x55: {  	[sflag:s15] =	ssyncset.done $0x0  }
0x56: {  	s25 =	rddreg [dreg:$0x9];
	[sflag:s15] =	ssyncadd.s32 $0xFFFFE000  }
0x57: {  	[spmem:s25] =	stream.linear.scatter [tilespmem:s4], [sflag:$0x3], $0x2000, $0x38;
	[tilespmem:$0x11D80] =	vst v63  }
0x58: {  	_ =	swait.ge [sflag:s15], $0x2000  }
0x59: {  	[sflag:s15] =	ssyncset.done $0x0  }
0x5a: {  	s23 =	rddreg [dreg:$0xa];
	[sflag:s15] =	ssyncadd.s32 $0xFFFFE000  }
0x5b: {  	[spmem:s23] =	stream.linear.scatter [tilespmem:s4], [sflag:$0x3], $0x1E00, $0x38;
	[tilespmem:$0x11D80] =	vst v63  }
0x5c: {  	_ =	swait.ge [sflag:s15], $0x1E00  }
0x5d: {  	[sflag:s15] =	ssyncset.done $0x0  }
0x5e: {  	s8 =	simm.s32 $0x40;
	s25 =	sadd.s32 $0x0, s13;
	[sflag:s15] =	ssyncadd.s32 $0xFFFFE200  }
0x5f: {  	[spmem:s25] =	stream.linear.scatter [tilespmem:s4], [sflag:$0x3], $0x10, $0x38;
	[tilespmem:$0x11D80] =	vst v63  }
.LBB2_4:
0x60: {  	p3 =	sne.s32 s8, $0x1FC0  }
.Ltmp3:
0x61: {  	_ = 	snop;
	(pc) =	sbr.rel @p3 .LBB2_4-.Ltmp3, $4  }
0x62: {  	_ = 	snop  }
0x63: {  	s15 =	sshra.s32 s8, $0x2;
	s8 =	sadd.s32 $0x40, s8  }
0x64: {  	s4 =	sadd.s32 $0x40, s4;
	s15 =	sadd.s32 s15, s13  }
0x65: {  	[spmem:s15] =	stream.linear.scatter [tilespmem:s4], [sflag:$0x3], $0x10, $0x38;
	[tilespmem:$0x11D80] =	vst v63  }
0x66: {  	s4 =	simm.s32 $0x3  }
0x67: {  	_ =	swait.ge [sflag:s4], $0x800  }
0x68: {  	[sflag:s4] =	ssyncset.done $0x0  }
0x69: {  	s8 =	sadd.s32 $0x0, s14;
	[sflag:s4] =	ssyncadd.s32 $0xFFFFF800;
	s4 =	simm.s32 $0x1000  }
0x6a: {  	[spmem:s8] =	stream.linear.scatter [tilespmem:s4], [sflag:$0x3], $0x10, $0x38;
	[tilespmem:$0x11D80] =	vst v63  }
0x6b: {  	s8 =	simm.s32 $0x40  }
.LBB2_6:
0x6c: {  	p3 =	sne.s32 s8, $0x1FC0  }
.Ltmp4:
0x6d: {  	_ = 	snop;
	(pc) =	sbr.rel @p3 .LBB2_6-.Ltmp4, $4  }
0x6e: {  	_ = 	snop  }
0x6f: {  	s15 =	sshra.s32 s8, $0x2;
	s8 =	sadd.s32 $0x40, s8  }
0x70: {  	s4 =	sadd.s32 $0x40, s4;
	s15 =	sadd.s32 s15, s14  }
0x71: {  	[spmem:s15] =	stream.linear.scatter [tilespmem:s4], [sflag:$0x3], $0x10, $0x38;
	[tilespmem:$0x11D80] =	vst v63  }
0x72: {  	s4 =	simm.s32 $0x3  }
0x73: {  	_ =	swait.ge [sflag:s4], $0x800  }
0x74: {  	[sflag:s4] =	ssyncset.done $0x0  }
0x75: {  	s8 =	sadd.s32 $0x0, s17;
	[sflag:s4] =	ssyncadd.s32 $0xFFFFF800;
	s4 =	simm.s32 $0x1000  }
0x76: {  	[spmem:s8] =	stream.linear.scatter [tilespmem:s4], [sflag:$0x3], $0x10, $0x38;
	[tilespmem:$0x11D80] =	vst v63  }
0x77: {  	s8 =	simm.s32 $0x40  }
.LBB2_8:
0x78: {  	p3 =	sne.s32 s8, $0x1FC0  }
.Ltmp5:
0x79: {  	_ = 	snop;
	(pc) =	sbr.rel @p3 .LBB2_8-.Ltmp5, $4  }
0x7a: {  	_ = 	snop  }
0x7b: {  	s15 =	sshra.s32 s8, $0x2;
	s8 =	sadd.s32 $0x40, s8  }
0x7c: {  	s4 =	sadd.s32 $0x40, s4;
	s15 =	sadd.s32 s15, s17  }
0x7d: {  	[spmem:s15] =	stream.linear.scatter [tilespmem:s4], [sflag:$0x3], $0x10, $0x38;
	[tilespmem:$0x11D80] =	vst v63  }
0x7e: {  	s4 =	simm.s32 $0x3  }
0x7f: {  	_ =	swait.ge [sflag:s4], $0x800  }
0x80: {  	[sflag:s4] =	ssyncset.done $0x0  }
0x81: {  	s8 =	sadd.s32 $0x0, s18;
	[sflag:s4] =	ssyncadd.s32 $0xFFFFF800;
	s4 =	simm.s32 $0x1000  }
0x82: {  	[spmem:s8] =	stream.linear.scatter [tilespmem:s4], [sflag:$0x3], $0x10, $0x38;
	[tilespmem:$0x11D80] =	vst v63  }
0x83: {  	s8 =	simm.s32 $0x40  }
.LBB2_10:
0x84: {  	p3 =	sne.s32 s8, $0x1FC0  }
.Ltmp6:
0x85: {  	_ = 	snop;
	(pc) =	sbr.rel @p3 .LBB2_10-.Ltmp6, $4  }
0x86: {  	_ = 	snop  }
0x87: {  	s15 =	sshra.s32 s8, $0x2;
	s8 =	sadd.s32 $0x40, s8  }
0x88: {  	s4 =	sadd.s32 $0x40, s4;
	s15 =	sadd.s32 s15, s18  }
0x89: {  	[spmem:s15] =	stream.linear.scatter [tilespmem:s4], [sflag:$0x3], $0x10, $0x38;
	[tilespmem:$0x11D80] =	vst v63  }
0x8a: {  	s4 =	simm.s32 $0x3  }
0x8b: {  	_ =	swait.ge [sflag:s4], $0x800  }
0x8c: {  	[sflag:s4] =	ssyncset.done $0x0  }
0x8d: {  	s8 =	sadd.s32 $0x0, s19;
	[sflag:s4] =	ssyncadd.s32 $0xFFFFF800;
	s4 =	simm.s32 $0x1000  }
0x8e: {  	[spmem:s8] =	stream.linear.scatter [tilespmem:s4], [sflag:$0x3], $0x10, $0x38;
	[tilespmem:$0x11D80] =	vst v63  }
0x8f: {  	s8 =	simm.s32 $0x40  }
.LBB2_12:
0x90: {  	p3 =	sne.s32 s8, $0x1DC0  }
.Ltmp7:
0x91: {  	_ = 	snop;
	(pc) =	sbr.rel @p3 .LBB2_12-.Ltmp7, $4  }
0x92: {  	_ = 	snop  }
0x93: {  	s15 =	sshra.s32 s8, $0x2;
	s8 =	sadd.s32 $0x40, s8  }
0x94: {  	s4 =	sadd.s32 $0x40, s4;
	s15 =	sadd.s32 s15, s19  }
0x95: {  	[spmem:s15] =	stream.linear.scatter [tilespmem:s4], [sflag:$0x3], $0x10, $0x38;
	[tilespmem:$0x11D80] =	vst v63  }
0x96: {  	[dreg:$0x5] =	wrdreg s21;
	s15 =	simm.s32 $0x3  }
0x97: {  	_ =	swait.ge [sflag:s15], $0x780  }
0x98: {  	[sflag:s15] =	ssyncset.done $0x0  }
0x99: {  	s4 =	simm.s32 $0x0;
	s8 =	rddreg [dreg:$0xd];
	[sflag:s15] =	ssyncadd.s32 $0xFFFFF880  }
0x9a: {  	[tilespmem:s4], [sflag:$0x3] =	stream.linear.gather [hbm4b:s8+s4], $0x400, $0x38;
	[tilespmem:$0x11D80] =	vst v63  }
0x9b: {  	_ =	swait.ge [sflag:s15], $0x400  }
0x9c: {  	[sflag:s15] =	ssyncset.done $0x0  }
0x9d: {  	s25 =	rddreg [dreg:$0xe];
	[sflag:s15] =	ssyncadd.s32 $0xFFFFFC00  }
0x9e: {  	[tilespmem:s28], [sflag:$0x3] =	stream.linear.gather [hbm4b:s25+s4], $0x400, $0x38;
	[tilespmem:$0x11D80] =	vst v63  }
0x9f: {  	_ =	swait.ge [sflag:s15], $0x400  }
0xa0: {  	[sflag:s15] =	ssyncset.done $0x0  }
0xa1: {  	s4 =	simm.s32 $0x0;
	[sflag:s15] =	ssyncadd.s32 $0xFFFFFC00  }
0xa2: {  	v4 =	vld [tilespmem:s4+$0x0]  }
0xa3: {  	v5 =	vld [tilespmem:s4+$0x10]  }
0xa4: {  	v7 =	vld [tilespmem:s4+$0x20]  }
0xa5: {  	v6 =	vld [tilespmem:s4+$0x30]  }
0xa6: {  	v3 =	vld [tilespmem:s4+$0x40]  }
0xa7: {  	v8 =	vshll.u32 v4, $0x1;
	v4 =	vld [tilespmem:s4+$0x50]  }
0xa8: {  	s8 =	simm.s32 $0x200;
	v9 =	vshll.u32 v5, $0x1;
	v5 =	vld [tilespmem:s4+$0x60];
	v8 =	vor.u32 v0, v8  }
.LBB2_14:
0xa9: {  	s15 =	sshra.s32 s8, $0x2;
	p3 =	sne.s32 s8, $0xE00;
	[tilespmem:s4+$0x0] =	vst v8;
	v8 =	vor.u32 v0, v9;
	v7 =	vshll.u32 v7, $0x1;
	v9 =	vld [tilespmem:s4+$0x70]  }
0xaa: {  	v10 =	vld [tilespmem:s15+$0x0];
	[tilespmem:s4+$0x10] =	vst v8;
	v7 =	vor.u32 v0, v7;
	v6 =	vshll.u32 v6, $0x1  }
0xab: {  	v11 =	vld [tilespmem:s15+$0x10];
	[tilespmem:s4+$0x20] =	vst v7;
	v6 =	vor.u32 v0, v6;
	v3 =	vshll.u32 v3, $0x1  }
.Ltmp8:
0xac: {  	v7 =	vld [tilespmem:s15+$0x20];
	[tilespmem:s4+$0x30] =	vst v6;
	v3 =	vor.u32 v0, v3;
	v4 =	vshll.u32 v4, $0x1;
	(pc) =	sbr.rel @p3 .LBB2_14-.Ltmp8, $4  }
0xad: {  	v6 =	vld [tilespmem:s15+$0x30];
	[tilespmem:s4+$0x40] =	vst v3;
	v4 =	vor.u32 v0, v4;
	v5 =	vshll.u32 v5, $0x1  }
0xae: {  	v3 =	vld [tilespmem:s15+$0x40];
	[tilespmem:s4+$0x50] =	vst v4;
	v5 =	vor.u32 v0, v5;
	v8 =	vshll.u32 v9, $0x1  }
0xaf: {  	v9 =	vshll.u32 v10, $0x1;
	v4 =	vld [tilespmem:s15+$0x50];
	[tilespmem:s4+$0x60] =	vst v5;
	v10 =	vor.u32 v0, v8  }
0xb0: {  	s8 =	sadd.s32 $0x200, s8;
	v8 =	vor.u32 v0, v9;
	v9 =	vshll.u32 v11, $0x1;
	v5 =	vld [tilespmem:s15+$0x60];
	[tilespmem:s4+$0x70] =	vst v10;
	s4 =	smov.u32 s15  }
0xb1: {  	[tilespmem:s4+$0x0] =	vst v8;
	v60 =	vor.u32 v0, v9;
	v7 =	vshll.u32 v7, $0x1;
	v61 =	vld [tilespmem:s4+$0x70]  }
0xb2: {  	[tilespmem:s4+$0x10] =	vst v60;
	v7 =	vor.u32 v0, v7;
	v6 =	vshll.u32 v6, $0x1  }
0xb3: {  	[tilespmem:s4+$0x20] =	vst v7;
	v6 =	vor.u32 v0, v6;
	v3 =	vshll.u32 v3, $0x1  }
0xb4: {  	[tilespmem:s4+$0x30] =	vst v6;
	v3 =	vor.u32 v0, v3;
	v4 =	vshll.u32 v4, $0x1  }
0xb5: {  	[tilespmem:s4+$0x40] =	vst v3;
	v3 =	vor.u32 v0, v4;
	v62 =	vshll.u32 v5, $0x1  }
0xb6: {  	[tilespmem:s4+$0x50] =	vst v3;
	v3 =	vor.u32 v0, v62;
	v63 =	vshll.u32 v61, $0x1  }
.Ltmp9:
0xb7: {  	[tilespmem:s4+$0x60] =	vst v3;
	v3 =	vor.u32 v0, v63;
	(pc) =	sbr.rel .LBB2_16-.Ltmp9, $4  }
0xb8: {  	[tilespmem:s4+$0x70] =	vst v3;
	s4 =	simm.s32 $0x0  }
0xb9: {  	[tilespmem:s31], [sflag:$0x1] =	stream.indirect.gather [hbm4b:s1+s30], $0x40, s4, s30, $0xb8;
	[tilespmem:$0x11D80] =	vst v63  }
0xba: {  	[bflag:$0x0] =	sbarrier.arrive $0xFFFF  }
0xbb: {  	s15 =	simm.s32 $0x0  }
.LBB2_27:
0xbc: {  	s8 =	simm.s32 $0x900  }
0xbd: {  	[tilespmem:s31], [sflag:$0x1] =	stream.indirect.gather [hbm4b:s1+s30], $0x40, s8, s30, $0xb8;
	[tilespmem:$0x11D80] =	vst v63  }
0xbe: {  	_ =	swait.ge [sflag:s16], $0x2000  }
0xbf: {  	[sflag:s16] =	ssyncset.done $0x0  }
0xc0: {  	s24 =	simm.s32 $0xC80;
	[sflag:s16] =	ssyncadd.s32 $0xFFFFE000  }
0xc1: {  	[spmem:s2] =	stream.indirect.scatter.add.bf16 [tilespmem:s10], [sflag:$0x4], $0x40, s24, s30, $0xb8;
	[tilespmem:$0x11D80] =	vst v63  }
0xc2: {  	_ =	swait.ge [sflag:s5], $0x2000  }
0xc3: {  	[sflag:s5] =	ssyncset.done $0x0  }
0xc4: {  	[sflag:s5] =	ssyncadd.s32 $0xFFFFE000  }
0xc5: {  	[spmem:s3] =	stream.indirect.scatter.add.bf16 [tilespmem:s12], [sflag:$0x4], $0x10, s24, s30, $0xb8;
	[tilespmem:$0x11D80] =	vst v63  }
0xc6: {  	_ =	swait.ge [sflag:s5], $0x800  }
0xc7: {  	[sflag:s5] =	ssyncset.done $0x0  }
0xc8: {  	s25 =	simm.s32 $0x980;
	[sflag:s5] =	ssyncadd.s32 $0xFFFFF800  }
0xc9: {  	[tilespmem:s10], [sflag:$0x2] =	stream.indirect.gather [hbm4b:s1+s30], $0x40, s25, s30, $0xb8;
	[tilespmem:$0x11D80] =	vst v63  }
0xca: {  	_ =	swait.ge [sflag:s11], $0x2000  }
0xcb: {  	[sflag:s11] =	ssyncset.done $0x0  }
0xcc: {  	s21 =	simm.s32 $0xD00;
	[sflag:s11] =	ssyncadd.s32 $0xFFFFE000  }
0xcd: {  	[spmem:s2] =	stream.indirect.scatter.add.bf16 [tilespmem:s31], [sflag:$0x4], $0x40, s21, s30, $0xb8;
	[tilespmem:$0x11D80] =	vst v63  }
0xce: {  	_ =	swait.ge [sflag:s5], $0x2000  }
0xcf: {  	[sflag:s5] =	ssyncset.done $0x0  }
0xd0: {  	s23 =	simm.s32 $0xA00;
	[sflag:s5] =	ssyncadd.s32 $0xFFFFE000  }
0xd1: {  	[tilespmem:s31], [sflag:$0x1] =	stream.indirect.gather [hbm4b:s1+s30], $0x40, s23, s30, $0xb8;
	[tilespmem:$0x11D80] =	vst v63  }
0xd2: {  	_ =	swait.ge [sflag:s16], $0x2000  }
0xd3: {  	[sflag:s16] =	ssyncset.done $0x0  }
0xd4: {  	s24 =	simm.s32 $0xD80;
	[sflag:s16] =	ssyncadd.s32 $0xFFFFE000  }
0xd5: {  	[spmem:s2] =	stream.indirect.scatter.add.bf16 [tilespmem:s10], [sflag:$0x4], $0x40, s24, s30, $0xb8;
	[tilespmem:$0x11D80] =	vst v63  }
0xd6: {  	_ =	swait.ge [sflag:s5], $0x2000  }
0xd7: {  	[sflag:s5] =	ssyncset.done $0x0  }
0xd8: {  	[sflag:s5] =	ssyncadd.s32 $0xFFFFE000  }
0xd9: {  	[spmem:s3] =	stream.indirect.scatter.add.bf16 [tilespmem:s12], [sflag:$0x4], $0x10, s24, s30, $0xb8;
	[tilespmem:$0x11D80] =	vst v63  }
0xda: {  	_ =	swait.ge [sflag:s5], $0x800  }
0xdb: {  	[sflag:s5] =	ssyncset.done $0x0  }
0xdc: {  	s25 =	simm.s32 $0xA80;
	[sflag:s5] =	ssyncadd.s32 $0xFFFFF800  }
0xdd: {  	[tilespmem:s10], [sflag:$0x2] =	stream.indirect.gather [hbm4b:s1+s30], $0x40, s25, s30, $0xb8;
	[tilespmem:$0x11D80] =	vst v63  }
0xde: {  	_ =	swait.ge [sflag:s11], $0x2000  }
0xdf: {  	[sflag:s11] =	ssyncset.done $0x0  }
0xe0: {  	[sflag:s11] =	ssyncadd.s32 $0xFFFFE000  }
0xe1: {  	[spmem:s2] =	stream.indirect.scatter.add.bf16 [tilespmem:s31], [sflag:$0x4], $0x40, s20, s30, $0xb8;
	[tilespmem:$0x11D80] =	vst v63  }
0xe2: {  	_ =	swait.ge [sflag:s5], $0x2000  }
0xe3: {  	[sflag:s5] =	ssyncset.done $0x0  }
0xe4: {  	s21 =	simm.s32 $0xB00;
	[sflag:s5] =	ssyncadd.s32 $0xFFFFE000  }
0xe5: {  	[tilespmem:s31], [sflag:$0x1] =	stream.indirect.gather [hbm4b:s1+s30], $0x40, s21, s30, $0xb8;
	[tilespmem:$0x11D80] =	vst v63  }
0xe6: {  	_ =	swait.ge [sflag:s16], $0x2000  }
0xe7: {  	[sflag:s16] =	ssyncset.done $0x0  }
0xe8: {  	s23 =	simm.s32 $0xE80;
	[sflag:s16] =	ssyncadd.s32 $0xFFFFE000  }
0xe9: {  	[spmem:s2] =	stream.indirect.scatter.add.bf16 [tilespmem:s10], [sflag:$0x4], $0x40, s23, s30, $0xb8;
	[tilespmem:$0x11D80] =	vst v63  }
0xea: {  	_ =	swait.ge [sflag:s5], $0x2000  }
0xeb: {  	[sflag:s5] =	ssyncset.done $0x0  }
0xec: {  	[sflag:s5] =	ssyncadd.s32 $0xFFFFE000  }
0xed: {  	[spmem:s3] =	stream.indirect.scatter.add.bf16 [tilespmem:s12], [sflag:$0x4], $0x10, s23, s30, $0xb8;
	[tilespmem:$0x11D80] =	vst v63  }
0xee: {  	_ =	swait.ge [sflag:s5], $0x800  }
0xef: {  	[sflag:s5] =	ssyncset.done $0x0  }
0xf0: {  	s25 =	simm.s32 $0xB80;
	[sflag:s5] =	ssyncadd.s32 $0xFFFFF800  }
0xf1: {  	[tilespmem:s10], [sflag:$0x2] =	stream.indirect.gather [hbm4b:s1+s30], $0x40, s25, s30, $0xb8;
	[tilespmem:$0x11D80] =	vst v63  }
0xf2: {  	_ =	swait.ge [sflag:s11], $0x2000  }
0xf3: {  	[sflag:s11] =	ssyncset.done $0x0  }
0xf4: {  	[sflag:s11] =	ssyncadd.s32 $0xFFFFE000  }
0xf5: {  	[spmem:s2] =	stream.indirect.scatter.add.bf16 [tilespmem:s31], [sflag:$0x4], $0x40, s26, s30, $0xb8;
	[tilespmem:$0x11D80] =	vst v63  }
0xf6: {  	_ =	swait.ge [sflag:s5], $0x2000  }
0xf7: {  	[sflag:s5] =	ssyncset.done $0x0  }
0xf8: {  	s24 =	simm.s32 $0xE80;
	[sflag:s5] =	ssyncadd.s32 $0xFFFFE000  }
.LBB2_28:
0xf9: {  	s8 =	simm.s32 @!p3 $0x80;
	s21 =	simm.s32 @!p3 $0x0;
	s23 =	simm.s32 @!p3 $0x1000  }
0xfa: {  	[tilespmem:s23], [sflag:$0x1] =	stream.indirect.gather @!p3 [hbm4b:s1+s8], $0x40, s21, s8, $0xb8;
	[tilespmem:$0x11D80] =	vst v63  }
0xfb: {  	_ =	swait.ge [sflag:s16], $0x2000  }
0xfc: {  	[sflag:s16] =	ssyncset.done $0x0  }
0xfd: {  	s25 =	simm.s32 $0xF80;
	[sflag:s16] =	ssyncadd.s32 $0xFFFFE000  }
0xfe: {  	[spmem:s2] =	stream.indirect.scatter.add.bf16 [tilespmem:s10], [sflag:$0x4], $0x40, s25, s30, $0xb8;
	[tilespmem:$0x11D80] =	vst v63  }
0xff: {  	s15 =	sadd.s32 $0x1, s15;
	_ =	swait.ge [sflag:s5], $0x2000  }
0x100: {  	s8 =	simm.s32 @!p1 $0x80;
	s21 =	simm.s32 @!p1 $0xF80;
	[sflag:s5] =	ssyncset.done $0x0  }
0x101: {  	s23 =	simm.s32 @!p1 $0x5000;
	p3 =	sne.s32 s15, $0x5;
	[sflag:s5] =	ssyncadd.s32 $0xFFFFE000  }
0x102: {  	[spmem:s3] =	stream.indirect.scatter.add.bf16 @!p1 [tilespmem:s23], [sflag:$0x3], $0x10, s21, s8, $0xb8;
	[tilespmem:$0x11D80] =	vst v63  }
.Ltmp10:
0x103: {  	_ = 	snop;
	(pc) =	sbr.rel @!p3 .LBB2_29-.Ltmp10, $4  }
0x104: {  	s8 =	simm.s32 @!p1 $0x3  }
0x105: {  	_ =	swait.ge @!p1 [sflag:s8], $0x800  }
0x106: {  	[sflag:s8] =	ssyncset.done @!p1 $0x0  }
0x107: {  	[sflag:s8] =	ssyncadd.s32 @!p1 $0xFFFFF800  }
.LBB2_16:
0x108: {  	s25 =	sshll.u32 s15, $0x4;
	s8 =	rddreg [dreg:$0x13]  }
0x109: {  	s8 =	sadd.s32 s25, s8  }
0x10a: {  	s8 =	sshll.u32 s8, $0x4  }
0x10b: {  	s21 =	simm.s32 $0x800;
	s23 =	sadd.s32 s6, s8  }
0x10c: {  	[tilespmem:s21], [sflag:$0x4] =	stream.linear.gather [hbm4b:s23+s4], $0x400, $0x38;
	[tilespmem:$0x11D80] =	vst v63  }
0x10d: {  	_ =	swait.ge [sflag:s5], $0x400  }
0x10e: {  	[sflag:s5] =	ssyncset.done $0x0  }
0x10f: {  	s8 =	sadd.s32 s7, s8;
	[sflag:s5] =	ssyncadd.s32 $0xFFFFFC00  }
0x110: {  	[tilespmem:s9], [sflag:$0x4] =	stream.linear.gather [hbm4b:s8+s4], $0x400, $0x38;
	[tilespmem:$0x11D80] =	vst v63  }
0x111: {  	_ =	swait.ge [sflag:s5], $0x400  }
0x112: {  	[sflag:s5] =	ssyncset.done $0x0  }
0x113: {  	s8 =	simm.s32 $0x0;
	[sflag:s5] =	ssyncadd.s32 $0xFFFFFC00  }
0x114: {  	v4 =	vld [tilespmem:s8+$0x800]  }
0x115: {  	v5 =	vld [tilespmem:s8+$0x810]  }
0x116: {  	v7 =	vld [tilespmem:s8+$0x820]  }
0x117: {  	v6 =	vld [tilespmem:s8+$0x830]  }
0x118: {  	v3 =	vld [tilespmem:s8+$0x840]  }
0x119: {  	v8 =	vshll.u32 v4, $0x1;
	v4 =	vld [tilespmem:s8+$0x850]  }
0x11a: {  	s23 =	simm.s32 $0x200;
	v9 =	vshll.u32 v5, $0x1;
	v5 =	vld [tilespmem:s8+$0x860];
	v8 =	vor.u32 v0, v8  }
.LBB2_17:
0x11b: {  	s21 =	sshra.s32 s23, $0x2;
	p3 =	sne.s32 s23, $0xE00;
	[tilespmem:s8+$0x800] =	vst v8;
	v8 =	vor.u32 v0, v9;
	v7 =	vshll.u32 v7, $0x1;
	v9 =	vld [tilespmem:s8+$0x870]  }
0x11c: {  	v10 =	vld [tilespmem:s21+$0x800];
	[tilespmem:s8+$0x810] =	vst v8;
	v7 =	vor.u32 v0, v7;
	v6 =	vshll.u32 v6, $0x1  }
0x11d: {  	v11 =	vld [tilespmem:s21+$0x810];
	[tilespmem:s8+$0x820] =	vst v7;
	v6 =	vor.u32 v0, v6;
	v3 =	vshll.u32 v3, $0x1  }
.Ltmp11:
0x11e: {  	v7 =	vld [tilespmem:s21+$0x820];
	[tilespmem:s8+$0x830] =	vst v6;
	v3 =	vor.u32 v0, v3;
	v4 =	vshll.u32 v4, $0x1;
	(pc) =	sbr.rel @p3 .LBB2_17-.Ltmp11, $4  }
0x11f: {  	v6 =	vld [tilespmem:s21+$0x830];
	[tilespmem:s8+$0x840] =	vst v3;
	v4 =	vor.u32 v0, v4;
	v5 =	vshll.u32 v5, $0x1  }
0x120: {  	v3 =	vld [tilespmem:s21+$0x840];
	[tilespmem:s8+$0x850] =	vst v4;
	v5 =	vor.u32 v0, v5;
	v8 =	vshll.u32 v9, $0x1  }
0x121: {  	v9 =	vshll.u32 v10, $0x1;
	v4 =	vld [tilespmem:s21+$0x850];
	[tilespmem:s8+$0x860] =	vst v5;
	v10 =	vor.u32 v0, v8  }
0x122: {  	s23 =	sadd.s32 $0x200, s23;
	v8 =	vor.u32 v0, v9;
	v9 =	vshll.u32 v11, $0x1;
	v5 =	vld [tilespmem:s21+$0x860];
	[tilespmem:s8+$0x870] =	vst v10;
	s8 =	smov.u32 s21  }
0x123: {  	[tilespmem:s8+$0x800] =	vst v8;
	v60 =	vor.u32 v0, v9;
	v7 =	vshll.u32 v7, $0x1;
	v61 =	vld [tilespmem:s8+$0x870]  }
0x124: {  	[tilespmem:s8+$0x810] =	vst v60;
	v7 =	vor.u32 v0, v7;
	v6 =	vshll.u32 v6, $0x1  }
0x125: {  	[tilespmem:s8+$0x820] =	vst v7;
	v6 =	vor.u32 v0, v6;
	v3 =	vshll.u32 v3, $0x1  }
0x126: {  	[tilespmem:s8+$0x830] =	vst v6;
	v3 =	vor.u32 v0, v3;
	v4 =	vshll.u32 v4, $0x1  }
0x127: {  	[tilespmem:s8+$0x840] =	vst v3;
	v3 =	vor.u32 v0, v4;
	v62 =	vshll.u32 v5, $0x1  }
0x128: {  	[tilespmem:s8+$0x850] =	vst v3;
	v3 =	vor.u32 v0, v62;
	v63 =	vshll.u32 v61, $0x1  }
0x129: {  	[tilespmem:s8+$0x860] =	vst v3;
	v3 =	vor.u32 v0, v63  }
0x12a: {  	[tilespmem:s8+$0x870] =	vst v3  }
0x12b: {  	[tilespmem:s10], [sflag:$0x2] =	stream.indirect.gather [hbm4b:s1+s30], $0x40, s30, s30, $0xb8;
	[tilespmem:$0x11D80] =	vst v63  }
0x12c: {  	_ =	swait.ge [sflag:s11], $0x2000  }
0x12d: {  	[sflag:s11] =	ssyncset.done $0x0  }
.Ltmp12:
0x12e: {  	s8 =	simm.s32 $0x400;
	[sflag:s11] =	ssyncadd.s32 $0xFFFFE000;
	(pc) =	sbr.rel @p0 .LBB2_20-.Ltmp12, $4  }
0x12f: {  	[spmem:s2] =	stream.indirect.scatter.add.bf16 [tilespmem:s31], [sflag:$0x4], $0x40, s8, s30, $0xb8;
	[tilespmem:$0x11D80] =	vst v63  }
0x130: {  	_ =	swait.ge [sflag:s5], $0x2000  }
0x131: {  	[sflag:s5] =	ssyncset.done $0x0  }
0x132: {  	s28 =	simm.s32 $0x400;
	[sflag:s5] =	ssyncadd.s32 $0xFFFFE000  }
0x133: {  	[spmem:s3] =	stream.indirect.scatter.add.bf16 [tilespmem:s12], [sflag:$0x4], $0x10, s8, s30, $0xb8;
	[tilespmem:$0x11D80] =	vst v63  }
0x134: {  	_ =	swait.ge [sflag:s5], $0x800  }
0x135: {  	[sflag:s5] =	ssyncset.done $0x0  }
0x136: {  	s21 =	simm.s32 $0x100;
	[sflag:s5] =	ssyncadd.s32 $0xFFFFF800  }
0x137: {  	[tilespmem:s31], [sflag:$0x1] =	stream.indirect.gather [hbm4b:s1+s30], $0x40, s21, s30, $0xb8;
	[tilespmem:$0x11D80] =	vst v63  }
0x138: {  	_ =	swait.ge [sflag:s16], $0x2000  }
0x139: {  	[sflag:s16] =	ssyncset.done $0x0  }
0x13a: {  	s0 =	simm.s32 $0x480;
	[sflag:s16] =	ssyncadd.s32 $0xFFFFE000  }
0x13b: {  	[spmem:s2] =	stream.indirect.scatter.add.bf16 [tilespmem:s10], [sflag:$0x4], $0x40, s0, s30, $0xb8;
	[tilespmem:$0x11D80] =	vst v63  }
0x13c: {  	_ =	swait.ge [sflag:s5], $0x2000  }
0x13d: {  	[sflag:s5] =	ssyncset.done $0x0  }
0x13e: {  	s23 =	simm.s32 $0x180;
	[sflag:s5] =	ssyncadd.s32 $0xFFFFE000  }
0x13f: {  	[tilespmem:s10], [sflag:$0x2] =	stream.indirect.gather [hbm4b:s1+s30], $0x40, s23, s30, $0xb8;
	[tilespmem:$0x11D80] =	vst v63  }
0x140: {  	_ =	swait.ge [sflag:s11], $0x2000  }
0x141: {  	[sflag:s11] =	ssyncset.done $0x0  }
0x142: {  	s0 =	simm.s32 $0x500;
	[sflag:s11] =	ssyncadd.s32 $0xFFFFE000  }
0x143: {  	[spmem:s2] =	stream.indirect.scatter.add.bf16 [tilespmem:s31], [sflag:$0x4], $0x40, s0, s30, $0xb8;
	[tilespmem:$0x11D80] =	vst v63  }
0x144: {  	_ =	swait.ge [sflag:s5], $0x2000  }
0x145: {  	[sflag:s5] =	ssyncset.done $0x0  }
0x146: {  	[sflag:s5] =	ssyncadd.s32 $0xFFFFE000  }
0x147: {  	[spmem:s3] =	stream.indirect.scatter.add.bf16 [tilespmem:s12], [sflag:$0x4], $0x10, s0, s30, $0xb8;
	[tilespmem:$0x11D80] =	vst v63  }
0x148: {  	_ =	swait.ge [sflag:s5], $0x800  }
0x149: {  	[sflag:s5] =	ssyncset.done $0x0  }
0x14a: {  	s21 =	simm.s32 $0x200;
	[sflag:s5] =	ssyncadd.s32 $0xFFFFF800  }
0x14b: {  	[tilespmem:s31], [sflag:$0x1] =	stream.indirect.gather [hbm4b:s1+s30], $0x40, s21, s30, $0xb8;
	[tilespmem:$0x11D80] =	vst v63  }
0x14c: {  	_ =	swait.ge [sflag:s16], $0x2000  }
0x14d: {  	[sflag:s16] =	ssyncset.done $0x0  }
0x14e: {  	s23 =	simm.s32 $0x580;
	[sflag:s16] =	ssyncadd.s32 $0xFFFFE000  }
0x14f: {  	[spmem:s2] =	stream.indirect.scatter.add.bf16 [tilespmem:s10], [sflag:$0x4], $0x40, s23, s30, $0xb8;
	[tilespmem:$0x11D80] =	vst v63  }
0x150: {  	_ =	swait.ge [sflag:s5], $0x2000  }
0x151: {  	[sflag:s5] =	ssyncset.done $0x0  }
0x152: {  	s0 =	simm.s32 $0x280;
	[sflag:s5] =	ssyncadd.s32 $0xFFFFE000  }
0x153: {  	[tilespmem:s10], [sflag:$0x2] =	stream.indirect.gather [hbm4b:s1+s30], $0x40, s0, s30, $0xb8;
	[tilespmem:$0x11D80] =	vst v63  }
0x154: {  	_ =	swait.ge [sflag:s11], $0x2000  }
0x155: {  	[sflag:s11] =	ssyncset.done $0x0  }
0x156: {  	s21 =	simm.s32 $0x600;
	[sflag:s11] =	ssyncadd.s32 $0xFFFFE000  }
0x157: {  	[spmem:s2] =	stream.indirect.scatter.add.bf16 [tilespmem:s31], [sflag:$0x4], $0x40, s21, s30, $0xb8;
	[tilespmem:$0x11D80] =	vst v63  }
0x158: {  	_ =	swait.ge [sflag:s5], $0x2000  }
0x159: {  	[sflag:s5] =	ssyncset.done $0x0  }
0x15a: {  	[sflag:s5] =	ssyncadd.s32 $0xFFFFE000  }
0x15b: {  	[spmem:s3] =	stream.indirect.scatter.add.bf16 [tilespmem:s12], [sflag:$0x4], $0x10, s21, s30, $0xb8;
	[tilespmem:$0x11D80] =	vst v63  }
0x15c: {  	_ =	swait.ge [sflag:s5], $0x800  }
0x15d: {  	[sflag:s5] =	ssyncset.done $0x0  }
0x15e: {  	s23 =	simm.s32 $0x300;
	[sflag:s5] =	ssyncadd.s32 $0xFFFFF800  }
0x15f: {  	[tilespmem:s31], [sflag:$0x1] =	stream.indirect.gather [hbm4b:s1+s30], $0x40, s23, s30, $0xb8;
	[tilespmem:$0x11D80] =	vst v63  }
0x160: {  	_ =	swait.ge [sflag:s16], $0x2000  }
0x161: {  	[sflag:s16] =	ssyncset.done $0x0  }
0x162: {  	[sflag:s16] =	ssyncadd.s32 $0xFFFFE000  }
0x163: {  	[spmem:s2] =	stream.indirect.scatter.add.bf16 [tilespmem:s10], [sflag:$0x4], $0x40, s22, s30, $0xb8;
	[tilespmem:$0x11D80] =	vst v63  }
0x164: {  	_ =	swait.ge [sflag:s5], $0x2000  }
0x165: {  	[sflag:s5] =	ssyncset.done $0x0  }
0x166: {  	s0 =	simm.s32 $0x380;
	[sflag:s5] =	ssyncadd.s32 $0xFFFFE000  }
0x167: {  	[tilespmem:s10], [sflag:$0x2] =	stream.indirect.gather [hbm4b:s1+s30], $0x40, s0, s30, $0xb8;
	[tilespmem:$0x11D80] =	vst v63  }
0x168: {  	_ =	swait.ge [sflag:s11], $0x2000  }
0x169: {  	[sflag:s11] =	ssyncset.done $0x0  }
0x16a: {  	s21 =	simm.s32 $0x700;
	[sflag:s11] =	ssyncadd.s32 $0xFFFFE000  }
0x16b: {  	[spmem:s2] =	stream.indirect.scatter.add.bf16 [tilespmem:s31], [sflag:$0x4], $0x40, s21, s30, $0xb8;
	[tilespmem:$0x11D80] =	vst v63  }
0x16c: {  	_ =	swait.ge [sflag:s5], $0x2000  }
0x16d: {  	[sflag:s5] =	ssyncset.done $0x0  }
0x16e: {  	[sflag:s5] =	ssyncadd.s32 $0xFFFFE000  }
0x16f: {  	[spmem:s3] =	stream.indirect.scatter.add.bf16 [tilespmem:s12], [sflag:$0x4], $0x10, s21, s30, $0xb8;
	[tilespmem:$0x11D80] =	vst v63  }
0x170: {  	_ =	swait.ge [sflag:s5], $0x800  }
0x171: {  	[sflag:s5] =	ssyncset.done $0x0  }
0x172: {  	s23 =	simm.s32 $0x800;
	[sflag:s5] =	ssyncadd.s32 $0xFFFFF800  }
0x173: {  	[tilespmem:s31], [sflag:$0x1] =	stream.indirect.gather [hbm4b:s1+s30], $0x40, s23, s30, $0xb8;
	[tilespmem:$0x11D80] =	vst v63  }
0x174: {  	_ =	swait.ge [sflag:s16], $0x2000  }
0x175: {  	[sflag:s16] =	ssyncset.done $0x0  }
.Ltmp13:
0x176: {  	[sflag:s16] =	ssyncadd.s32 $0xFFFFE000;
	(pc) =	sbr.rel .LBB2_21-.Ltmp13, $4  }
0x177: {  	[spmem:s2] =	stream.indirect.scatter.add.bf16 [tilespmem:s10], [sflag:$0x4], $0x40, s29, s30, $0xb8;
	[tilespmem:$0x11D80] =	vst v63  }
0x178: {  	_ =	swait.ge [sflag:s5], $0x2000  }
0x179: {  	[sflag:s5] =	ssyncset.done $0x0  }
0x17a: {  	s0 =	simm.s32 $0x700;
	[sflag:s5] =	ssyncadd.s32 $0xFFFFE000  }
.LBB2_20:
0x17b: {  	s8 =	simm.s32 $0x100  }
0x17c: {  	[tilespmem:s31], [sflag:$0x1] =	stream.indirect.gather [hbm4b:s1+s30], $0x40, s8, s30, $0xb8;
	[tilespmem:$0x11D80] =	vst v63  }
0x17d: {  	_ =	swait.ge [sflag:s16], $0x2000  }
0x17e: {  	[sflag:s16] =	ssyncset.done $0x0  }
0x17f: {  	s22 =	simm.s32 $0x480;
	[sflag:s16] =	ssyncadd.s32 $0xFFFFE000  }
0x180: {  	[spmem:s2] =	stream.indirect.scatter.add.bf16 [tilespmem:s10], [sflag:$0x4], $0x40, s22, s30, $0xb8;
	[tilespmem:$0x11D80] =	vst v63  }
0x181: {  	_ =	swait.ge [sflag:s5], $0x2000  }
0x182: {  	[sflag:s5] =	ssyncset.done $0x0  }
0x183: {  	[sflag:s5] =	ssyncadd.s32 $0xFFFFE000  }
0x184: {  	[spmem:s3] =	stream.indirect.scatter.add.bf16 [tilespmem:s12], [sflag:$0x4], $0x10, s22, s30, $0xb8;
	[tilespmem:$0x11D80] =	vst v63  }
0x185: {  	_ =	swait.ge [sflag:s5], $0x800  }
0x186: {  	[sflag:s5] =	ssyncset.done $0x0  }
0x187: {  	s23 =	simm.s32 $0x180;
	[sflag:s5] =	ssyncadd.s32 $0xFFFFF800  }
0x188: {  	[tilespmem:s10], [sflag:$0x2] =	stream.indirect.gather [hbm4b:s1+s30], $0x40, s23, s30, $0xb8;
	[tilespmem:$0x11D80] =	vst v63  }
0x189: {  	_ =	swait.ge [sflag:s11], $0x2000  }
0x18a: {  	[sflag:s11] =	ssyncset.done $0x0  }
0x18b: {  	s21 =	simm.s32 $0x500;
	[sflag:s11] =	ssyncadd.s32 $0xFFFFE000  }
0x18c: {  	[spmem:s2] =	stream.indirect.scatter.add.bf16 [tilespmem:s31], [sflag:$0x4], $0x40, s21, s30, $0xb8;
	[tilespmem:$0x11D80] =	vst v63  }
0x18d: {  	_ =	swait.ge [sflag:s5], $0x2000  }
0x18e: {  	[sflag:s5] =	ssyncset.done $0x0  }
0x18f: {  	s22 =	simm.s32 $0x200;
	[sflag:s5] =	ssyncadd.s32 $0xFFFFE000  }
0x190: {  	[tilespmem:s31], [sflag:$0x1] =	stream.indirect.gather [hbm4b:s1+s30], $0x40, s22, s30, $0xb8;
	[tilespmem:$0x11D80] =	vst v63  }
0x191: {  	_ =	swait.ge [sflag:s16], $0x2000  }
0x192: {  	[sflag:s16] =	ssyncset.done $0x0  }
0x193: {  	s23 =	simm.s32 $0x580;
	[sflag:s16] =	ssyncadd.s32 $0xFFFFE000  }
0x194: {  	[spmem:s2] =	stream.indirect.scatter.add.bf16 [tilespmem:s10], [sflag:$0x4], $0x40, s23, s30, $0xb8;
	[tilespmem:$0x11D80] =	vst v63  }
0x195: {  	_ =	swait.ge [sflag:s5], $0x2000  }
0x196: {  	[sflag:s5] =	ssyncset.done $0x0  }
0x197: {  	[sflag:s5] =	ssyncadd.s32 $0xFFFFE000  }
0x198: {  	[spmem:s3] =	stream.indirect.scatter.add.bf16 [tilespmem:s12], [sflag:$0x4], $0x10, s23, s30, $0xb8;
	[tilespmem:$0x11D80] =	vst v63  }
0x199: {  	_ =	swait.ge [sflag:s5], $0x800  }
0x19a: {  	[sflag:s5] =	ssyncset.done $0x0  }
0x19b: {  	s21 =	simm.s32 $0x280;
	[sflag:s5] =	ssyncadd.s32 $0xFFFFF800  }
0x19c: {  	[tilespmem:s10], [sflag:$0x2] =	stream.indirect.gather [hbm4b:s1+s30], $0x40, s21, s30, $0xb8;
	[tilespmem:$0x11D80] =	vst v63  }
0x19d: {  	_ =	swait.ge [sflag:s11], $0x2000  }
0x19e: {  	[sflag:s11] =	ssyncset.done $0x0  }
0x19f: {  	s22 =	simm.s32 $0x600;
	[sflag:s11] =	ssyncadd.s32 $0xFFFFE000  }
0x1a0: {  	[spmem:s2] =	stream.indirect.scatter.add.bf16 [tilespmem:s31], [sflag:$0x4], $0x40, s22, s30, $0xb8;
	[tilespmem:$0x11D80] =	vst v63  }
0x1a1: {  	_ =	swait.ge [sflag:s5], $0x2000  }
0x1a2: {  	[sflag:s5] =	ssyncset.done $0x0  }
0x1a3: {  	s23 =	simm.s32 $0x300;
	[sflag:s5] =	ssyncadd.s32 $0xFFFFE000  }
0x1a4: {  	[tilespmem:s31], [sflag:$0x1] =	stream.indirect.gather [hbm4b:s1+s30], $0x40, s23, s30, $0xb8;
	[tilespmem:$0x11D80] =	vst v63  }
0x1a5: {  	_ =	swait.ge [sflag:s16], $0x2000  }
0x1a6: {  	[sflag:s16] =	ssyncset.done $0x0  }
0x1a7: {  	s21 =	simm.s32 $0x680;
	[sflag:s16] =	ssyncadd.s32 $0xFFFFE000  }
0x1a8: {  	[spmem:s2] =	stream.indirect.scatter.add.bf16 [tilespmem:s10], [sflag:$0x4], $0x40, s21, s30, $0xb8;
	[tilespmem:$0x11D80] =	vst v63  }
0x1a9: {  	_ =	swait.ge [sflag:s5], $0x2000  }
0x1aa: {  	[sflag:s5] =	ssyncset.done $0x0  }
0x1ab: {  	[sflag:s5] =	ssyncadd.s32 $0xFFFFE000  }
0x1ac: {  	[spmem:s3] =	stream.indirect.scatter.add.bf16 [tilespmem:s12], [sflag:$0x4], $0x10, s21, s30, $0xb8;
	[tilespmem:$0x11D80] =	vst v63  }
0x1ad: {  	_ =	swait.ge [sflag:s5], $0x800  }
0x1ae: {  	[sflag:s5] =	ssyncset.done $0x0  }
0x1af: {  	s23 =	simm.s32 $0x380;
	[sflag:s5] =	ssyncadd.s32 $0xFFFFF800  }
0x1b0: {  	[tilespmem:s10], [sflag:$0x2] =	stream.indirect.gather [hbm4b:s1+s30], $0x40, s23, s30, $0xb8;
	[tilespmem:$0x11D80] =	vst v63  }
0x1b1: {  	_ =	swait.ge [sflag:s11], $0x2000  }
0x1b2: {  	[sflag:s11] =	ssyncset.done $0x0  }
0x1b3: {  	[sflag:s11] =	ssyncadd.s32 $0xFFFFE000  }
0x1b4: {  	[spmem:s2] =	stream.indirect.scatter.add.bf16 [tilespmem:s31], [sflag:$0x4], $0x40, s0, s30, $0xb8;
	[tilespmem:$0x11D80] =	vst v63  }
0x1b5: {  	_ =	swait.ge [sflag:s5], $0x2000  }
0x1b6: {  	[sflag:s5] =	ssyncset.done $0x0  }
0x1b7: {  	s21 =	simm.s32 $0x800;
	[sflag:s5] =	ssyncadd.s32 $0xFFFFE000  }
0x1b8: {  	[tilespmem:s31], [sflag:$0x1] =	stream.indirect.gather [hbm4b:s1+s30], $0x40, s21, s30, $0xb8;
	[tilespmem:$0x11D80] =	vst v63  }
0x1b9: {  	_ =	swait.ge [sflag:s16], $0x2000  }
0x1ba: {  	[sflag:s16] =	ssyncset.done $0x0  }
0x1bb: {  	s23 =	simm.s32 $0x780;
	[sflag:s16] =	ssyncadd.s32 $0xFFFFE000  }
0x1bc: {  	[spmem:s2] =	stream.indirect.scatter.add.bf16 [tilespmem:s10], [sflag:$0x4], $0x40, s23, s30, $0xb8;
	[tilespmem:$0x11D80] =	vst v63  }
0x1bd: {  	_ =	swait.ge [sflag:s5], $0x2000  }
0x1be: {  	[sflag:s5] =	ssyncset.done $0x0  }
0x1bf: {  	[sflag:s5] =	ssyncadd.s32 $0xFFFFE000  }
0x1c0: {  	[spmem:s3] =	stream.indirect.scatter.add.bf16 [tilespmem:s12], [sflag:$0x4], $0x10, s23, s30, $0xb8;
	[tilespmem:$0x11D80] =	vst v63  }
0x1c1: {  	_ =	swait.ge [sflag:s5], $0x800  }
0x1c2: {  	[sflag:s5] =	ssyncset.done $0x0  }
0x1c3: {  	s29 =	simm.s32 $0x780;
	s22 =	simm.s32 $0x680;
	[sflag:s5] =	ssyncadd.s32 $0xFFFFF800  }
.LBB2_21:
0x1c4: {  	p3 =	seq.s32 s15, $0x4  }
.Ltmp14:
0x1c5: {  	_ = 	snop;
	(pc) =	sbr.rel @p3 .LBB2_25-.Ltmp14, $1  }
0x1c6: {  	_ =	sdelay $0x3  }
0x1c7: {  	s8 =	rddreg [dreg:$0xf]  }
0x1c8: {  	s8 =	sadd.s32 s25, s8  }
0x1c9: {  	s8 =	sshll.u32 s8, $0x4  }
0x1ca: {  	s23 =	simm.s32 $0x0;
	s21 =	sadd.s32 s6, s8  }
0x1cb: {  	[tilespmem:s23], [sflag:$0x4] =	stream.linear.gather [hbm4b:s21+s23], $0x400, $0x38;
	[tilespmem:$0x11D80] =	vst v63  }
0x1cc: {  	_ =	swait.ge [sflag:s5], $0x400  }
0x1cd: {  	[sflag:s5] =	ssyncset.done $0x0  }
0x1ce: {  	s8 =	sadd.s32 s7, s8;
	[sflag:s5] =	ssyncadd.s32 $0xFFFFFC00  }
0x1cf: {  	[tilespmem:s28], [sflag:$0x4] =	stream.linear.gather [hbm4b:s8+s23], $0x400, $0x38;
	[tilespmem:$0x11D80] =	vst v63  }
0x1d0: {  	_ =	swait.ge [sflag:s5], $0x400  }
0x1d1: {  	[sflag:s5] =	ssyncset.done $0x0  }
0x1d2: {  	s8 =	simm.s32 $0x0;
	[sflag:s5] =	ssyncadd.s32 $0xFFFFFC00  }
0x1d3: {  	v4 =	vld [tilespmem:s8+$0x0]  }
0x1d4: {  	v5 =	vld [tilespmem:s8+$0x10]  }
0x1d5: {  	v7 =	vld [tilespmem:s8+$0x20]  }
0x1d6: {  	v6 =	vld [tilespmem:s8+$0x30]  }
0x1d7: {  	v3 =	vld [tilespmem:s8+$0x40]  }
0x1d8: {  	v8 =	vshll.u32 v4, $0x1;
	v4 =	vld [tilespmem:s8+$0x50]  }
0x1d9: {  	s23 =	simm.s32 $0x200;
	v9 =	vshll.u32 v5, $0x1;
	v5 =	vld [tilespmem:s8+$0x60];
	v8 =	vor.u32 v0, v8  }
.LBB2_23:
0x1da: {  	s21 =	sshra.s32 s23, $0x2;
	p4 =	sne.s32 s23, $0xE00;
	[tilespmem:s8+$0x0] =	vst v8;
	v8 =	vor.u32 v0, v9;
	v7 =	vshll.u32 v7, $0x1;
	v9 =	vld [tilespmem:s8+$0x70]  }
0x1db: {  	v10 =	vld [tilespmem:s21+$0x0];
	[tilespmem:s8+$0x10] =	vst v8;
	v7 =	vor.u32 v0, v7;
	v6 =	vshll.u32 v6, $0x1  }
0x1dc: {  	v11 =	vld [tilespmem:s21+$0x10];
	[tilespmem:s8+$0x20] =	vst v7;
	v6 =	vor.u32 v0, v6;
	v3 =	vshll.u32 v3, $0x1  }
.Ltmp15:
0x1dd: {  	v7 =	vld [tilespmem:s21+$0x20];
	[tilespmem:s8+$0x30] =	vst v6;
	v3 =	vor.u32 v0, v3;
	v4 =	vshll.u32 v4, $0x1;
	(pc) =	sbr.rel @p4 .LBB2_23-.Ltmp15, $4  }
0x1de: {  	v6 =	vld [tilespmem:s21+$0x30];
	[tilespmem:s8+$0x40] =	vst v3;
	v4 =	vor.u32 v0, v4;
	v5 =	vshll.u32 v5, $0x1  }
0x1df: {  	v3 =	vld [tilespmem:s21+$0x40];
	[tilespmem:s8+$0x50] =	vst v4;
	v5 =	vor.u32 v0, v5;
	v8 =	vshll.u32 v9, $0x1  }
0x1e0: {  	v9 =	vshll.u32 v10, $0x1;
	v4 =	vld [tilespmem:s21+$0x50];
	[tilespmem:s8+$0x60] =	vst v5;
	v10 =	vor.u32 v0, v8  }
0x1e1: {  	s23 =	sadd.s32 $0x200, s23;
	v8 =	vor.u32 v0, v9;
	v9 =	vshll.u32 v11, $0x1;
	v5 =	vld [tilespmem:s21+$0x60];
	[tilespmem:s8+$0x70] =	vst v10;
	s8 =	smov.u32 s21  }
0x1e2: {  	[tilespmem:s8+$0x0] =	vst v8;
	v60 =	vor.u32 v0, v9;
	v7 =	vshll.u32 v7, $0x1;
	v61 =	vld [tilespmem:s8+$0x70]  }
0x1e3: {  	[tilespmem:s8+$0x10] =	vst v60;
	v7 =	vor.u32 v0, v7;
	v6 =	vshll.u32 v6, $0x1  }
0x1e4: {  	[tilespmem:s8+$0x20] =	vst v7;
	v6 =	vor.u32 v0, v6;
	v3 =	vshll.u32 v3, $0x1  }
0x1e5: {  	[tilespmem:s8+$0x30] =	vst v6;
	v3 =	vor.u32 v0, v3;
	v4 =	vshll.u32 v4, $0x1  }
0x1e6: {  	[tilespmem:s8+$0x40] =	vst v3;
	v3 =	vor.u32 v0, v4;
	v62 =	vshll.u32 v5, $0x1  }
0x1e7: {  	[tilespmem:s8+$0x50] =	vst v3;
	v3 =	vor.u32 v0, v62;
	v63 =	vshll.u32 v61, $0x1  }
0x1e8: {  	[tilespmem:s8+$0x60] =	vst v3;
	v3 =	vor.u32 v0, v63  }
0x1e9: {  	[tilespmem:s8+$0x70] =	vst v3  }
.LBB2_25:
0x1ea: {  	s8 =	simm.s32 $0x880  }
0x1eb: {  	[tilespmem:s10], [sflag:$0x2] =	stream.indirect.gather [hbm4b:s1+s30], $0x40, s8, s30, $0xb8;
	[tilespmem:$0x11D80] =	vst v63  }
0x1ec: {  	_ =	swait.ge [sflag:s11], $0x2000  }
0x1ed: {  	[sflag:s11] =	ssyncset.done $0x0  }
.Ltmp16:
0x1ee: {  	[sflag:s11] =	ssyncadd.s32 $0xFFFFE000;
	(pc) =	sbr.rel @p0 .LBB2_27-.Ltmp16, $4  }
0x1ef: {  	[spmem:s2] =	stream.indirect.scatter.add.bf16 [tilespmem:s31], [sflag:$0x4], $0x40, s9, s30, $0xb8;
	[tilespmem:$0x11D80] =	vst v63  }
0x1f0: {  	_ =	swait.ge [sflag:s5], $0x2000  }
0x1f1: {  	[sflag:s5] =	ssyncset.done $0x0  }
0x1f2: {  	[sflag:s5] =	ssyncadd.s32 $0xFFFFE000  }
0x1f3: {  	[spmem:s3] =	stream.indirect.scatter.add.bf16 [tilespmem:s12], [sflag:$0x4], $0x10, s9, s30, $0xb8;
	[tilespmem:$0x11D80] =	vst v63  }
0x1f4: {  	_ =	swait.ge [sflag:s5], $0x800  }
0x1f5: {  	[sflag:s5] =	ssyncset.done $0x0  }
0x1f6: {  	s8 =	simm.s32 $0x900;
	[sflag:s5] =	ssyncadd.s32 $0xFFFFF800  }
0x1f7: {  	[tilespmem:s31], [sflag:$0x1] =	stream.indirect.gather [hbm4b:s1+s30], $0x40, s8, s30, $0xb8;
	[tilespmem:$0x11D80] =	vst v63  }
0x1f8: {  	_ =	swait.ge [sflag:s16], $0x2000  }
0x1f9: {  	[sflag:s16] =	ssyncset.done $0x0  }
0x1fa: {  	s25 =	simm.s32 $0xC80;
	[sflag:s16] =	ssyncadd.s32 $0xFFFFE000  }
0x1fb: {  	[spmem:s2] =	stream.indirect.scatter.add.bf16 [tilespmem:s10], [sflag:$0x4], $0x40, s25, s30, $0xb8;
	[tilespmem:$0x11D80] =	vst v63  }
0x1fc: {  	_ =	swait.ge [sflag:s5], $0x2000  }
0x1fd: {  	[sflag:s5] =	ssyncset.done $0x0  }
0x1fe: {  	s26 =	simm.s32 $0x980;
	[sflag:s5] =	ssyncadd.s32 $0xFFFFE000  }
0x1ff: {  	[tilespmem:s10], [sflag:$0x2] =	stream.indirect.gather [hbm4b:s1+s30], $0x40, s26, s30, $0xb8;
	[tilespmem:$0x11D80] =	vst v63  }
0x200: {  	_ =	swait.ge [sflag:s11], $0x2000  }
0x201: {  	[sflag:s11] =	ssyncset.done $0x0  }
0x202: {  	s20 =	simm.s32 $0xD00;
	[sflag:s11] =	ssyncadd.s32 $0xFFFFE000  }
0x203: {  	[spmem:s2] =	stream.indirect.scatter.add.bf16 [tilespmem:s31], [sflag:$0x4], $0x40, s20, s30, $0xb8;
	[tilespmem:$0x11D80] =	vst v63  }
0x204: {  	_ =	swait.ge [sflag:s5], $0x2000  }
0x205: {  	[sflag:s5] =	ssyncset.done $0x0  }
0x206: {  	[sflag:s5] =	ssyncadd.s32 $0xFFFFE000  }
0x207: {  	[spmem:s3] =	stream.indirect.scatter.add.bf16 [tilespmem:s12], [sflag:$0x4], $0x10, s20, s30, $0xb8;
	[tilespmem:$0x11D80] =	vst v63  }
0x208: {  	_ =	swait.ge [sflag:s5], $0x800  }
0x209: {  	[sflag:s5] =	ssyncset.done $0x0  }
0x20a: {  	s21 =	simm.s32 $0xA00;
	[sflag:s5] =	ssyncadd.s32 $0xFFFFF800  }
0x20b: {  	[tilespmem:s31], [sflag:$0x1] =	stream.indirect.gather [hbm4b:s1+s30], $0x40, s21, s30, $0xb8;
	[tilespmem:$0x11D80] =	vst v63  }
0x20c: {  	_ =	swait.ge [sflag:s16], $0x2000  }
0x20d: {  	[sflag:s16] =	ssyncset.done $0x0  }
0x20e: {  	s23 =	simm.s32 $0xD80;
	[sflag:s16] =	ssyncadd.s32 $0xFFFFE000  }
0x20f: {  	[spmem:s2] =	stream.indirect.scatter.add.bf16 [tilespmem:s10], [sflag:$0x4], $0x40, s23, s30, $0xb8;
	[tilespmem:$0x11D80] =	vst v63  }
0x210: {  	_ =	swait.ge [sflag:s5], $0x2000  }
0x211: {  	[sflag:s5] =	ssyncset.done $0x0  }
0x212: {  	s25 =	simm.s32 $0xA80;
	[sflag:s5] =	ssyncadd.s32 $0xFFFFE000  }
0x213: {  	[tilespmem:s10], [sflag:$0x2] =	stream.indirect.gather [hbm4b:s1+s30], $0x40, s25, s30, $0xb8;
	[tilespmem:$0x11D80] =	vst v63  }
0x214: {  	_ =	swait.ge [sflag:s11], $0x2000  }
0x215: {  	[sflag:s11] =	ssyncset.done $0x0  }
0x216: {  	s26 =	simm.s32 $0xE00;
	[sflag:s11] =	ssyncadd.s32 $0xFFFFE000  }
0x217: {  	[spmem:s2] =	stream.indirect.scatter.add.bf16 [tilespmem:s31], [sflag:$0x4], $0x40, s26, s30, $0xb8;
	[tilespmem:$0x11D80] =	vst v63  }
0x218: {  	_ =	swait.ge [sflag:s5], $0x2000  }
0x219: {  	[sflag:s5] =	ssyncset.done $0x0  }
0x21a: {  	[sflag:s5] =	ssyncadd.s32 $0xFFFFE000  }
0x21b: {  	[spmem:s3] =	stream.indirect.scatter.add.bf16 [tilespmem:s12], [sflag:$0x4], $0x10, s26, s30, $0xb8;
	[tilespmem:$0x11D80] =	vst v63  }
0x21c: {  	_ =	swait.ge [sflag:s5], $0x800  }
0x21d: {  	[sflag:s5] =	ssyncset.done $0x0  }
0x21e: {  	s21 =	simm.s32 $0xB00;
	[sflag:s5] =	ssyncadd.s32 $0xFFFFF800  }
0x21f: {  	[tilespmem:s31], [sflag:$0x1] =	stream.indirect.gather [hbm4b:s1+s30], $0x40, s21, s30, $0xb8;
	[tilespmem:$0x11D80] =	vst v63  }
0x220: {  	_ =	swait.ge [sflag:s16], $0x2000  }
0x221: {  	[sflag:s16] =	ssyncset.done $0x0  }
0x222: {  	[sflag:s16] =	ssyncadd.s32 $0xFFFFE000  }
0x223: {  	[spmem:s2] =	stream.indirect.scatter.add.bf16 [tilespmem:s10], [sflag:$0x4], $0x40, s24, s30, $0xb8;
	[tilespmem:$0x11D80] =	vst v63  }
0x224: {  	_ =	swait.ge [sflag:s5], $0x2000  }
0x225: {  	[sflag:s5] =	ssyncset.done $0x0  }
0x226: {  	s23 =	simm.s32 $0xB80;
	[sflag:s5] =	ssyncadd.s32 $0xFFFFE000  }
0x227: {  	[tilespmem:s10], [sflag:$0x2] =	stream.indirect.gather [hbm4b:s1+s30], $0x40, s23, s30, $0xb8;
	[tilespmem:$0x11D80] =	vst v63  }
0x228: {  	_ =	swait.ge [sflag:s11], $0x2000  }
0x229: {  	[sflag:s11] =	ssyncset.done $0x0  }
0x22a: {  	s25 =	simm.s32 $0xF00;
	[sflag:s11] =	ssyncadd.s32 $0xFFFFE000  }
0x22b: {  	[spmem:s2] =	stream.indirect.scatter.add.bf16 [tilespmem:s31], [sflag:$0x4], $0x40, s25, s30, $0xb8;
	[tilespmem:$0x11D80] =	vst v63  }
0x22c: {  	_ =	swait.ge [sflag:s5], $0x2000  }
0x22d: {  	[sflag:s5] =	ssyncset.done $0x0  }
.Ltmp17:
0x22e: {  	[sflag:s5] =	ssyncadd.s32 $0xFFFFE000;
	(pc) =	sbr.rel .LBB2_28-.Ltmp17, $4  }
0x22f: {  	[spmem:s3] =	stream.indirect.scatter.add.bf16 [tilespmem:s12], [sflag:$0x4], $0x10, s25, s30, $0xb8;
	[tilespmem:$0x11D80] =	vst v63  }
0x230: {  	_ =	swait.ge [sflag:s5], $0x800  }
0x231: {  	[sflag:s5] =	ssyncset.done $0x0  }
0x232: {  	s20 =	simm.s32 $0xE00;
	s26 =	simm.s32 $0xF00;
	[sflag:s5] =	ssyncadd.s32 $0xFFFFF800  }
.LBB2_30:
0x233: {  	_ =	sfence.sel $0x180000  }
0x234: {  	[bflag:$0x0] =	sbarrier.arrive $0xFFFF  }
0x235: {  	_ =	strace $0x9000004A  }
0x236: {  	s0 =	stileid.u32;
	[bflag:$0x2] =	sbarrier.arrive $0xFFFF  }
0x237: {  	p0 =	sne.s32 s0, $0x0;
	s0 =	rddreg [dreg:$0x4]  }
0x238: {  	s0 =	sadd.s32 @!p0 $0x100000, s0  }
0x239: {  	[sflag:s0] =	ssyncadd.tile.s32 @!p0 $0x1;
	_ =	shalt  }
.Lfunc_end2:
_tile_overlayer_lowered:
.L_overlay_start_2:
0x23a: {  	(tag) =	ssettag $0x2  }
0x23b: {  	s0 =	rddreg [dreg:$0x0];
	s2 =	stileid.u32  }
0x23c: {  	s1 =	rddreg [dreg:$0x1];
	p0 =	sne.s32 s2, $0x0  }
0x23d: {  	s3 =	rddreg [dreg:$0x2];
	[bflag:$0x3] =	sbarrier.arrive $0xFFFF;
	s2 =	simm.s32 @!p0 $0x1C03  }
0x23e: {  	[timem:s3], [sflag:s2] =	dma.local @!p0 [hbm:s0], s1  }
0x23f: {  	s0 =	simm.s32 @!p0 $0x3  }
0x240: {  	_ =	swait.ge @!p0 [sflag:s0], s1  }
0x241: {  	s1 =	ssub.s32 @!p0 $0x0, s1;
	[sflag:s0] =	ssyncset.done @!p0 $0x0  }
0x242: {  	[sflag:s0] =	ssyncadd.s32 @!p0 s1  }
0x243: {  	[bflag:$0x3] =	sbarrier.arrive $0xFFFF  }
0x244: {  	_ =	shalt  }

// kernel: kernel.9.cloned.1.call-start
scs
__scs_entry_jumppad:
0x0: {  	(pc) =	sbr.rel $0x88, $3  }
0x1: {  	(tag) =	ssettag $0x0;
	lr =	simm.s32 $0x1  }
0x2: {  	[smem:$0x3F99] =	sst lr;
	_ =	strace $0xD0000000  }
0x3: {  	_ = 	snop  }
0x4: {  	_ = 	snop  }
0x5: {  	_ = 	snop  }
0x6: {  	_ = 	snop  }
0x7: {  	_ = 	snop  }
__scs_overlays_trampoline_lowered:
0x8: {  	[smem:$0x3FA8] =	sst s0  }
0x9: {  	[smem:$0x3FA9] =	sst s1  }
0xa: {  	[smem:$0x3FAA] =	sst s2  }
0xb: {  	[smem:$0x3FAB] =	sst s3  }
0xc: {  	[smem:$0x3FAC] =	sst s4  }
0xd: {  	[smem:$0x3FAD] =	sst s5  }
0xe: {  	[smem:$0x3FAE] =	sst s6  }
0xf: {  	[smem:$0x3FAF] =	sst s7  }
0x10: {  	[smem:$0x3FB0] =	sst s8  }
0x11: {  	[smem:$0x3FB1] =	sst s9;
	s0 =	simm.s32 @!p0 $0x0  }
0x12: {  	s1 =	sld [smem:$0x3F97];
	s0 =	simm.s32 @p0 $0x1  }
0x13: {  	[smem:$0x3FB2] =	sst s0;
	s0 =	simm.s32 @!p1 $0x0  }
0x14: {  	s2 =	sld [smem:$0x3F96];
	s0 =	simm.s32 @p1 $0x1  }
0x15: {  	[smem:$0x3FB3] =	sst s0;
	s0 =	simm.s32 @!p2 $0x0  }
0x16: {  	s3 =	sld [smem:$0x3FDB];
	s0 =	simm.s32 @p2 $0x1  }
0x17: {  	s4 =	simm.s32 $0x1BF5;
	[smem:$0x3FB5] =	sst s0  }
0x18: {  	s0 =	sld [smem:$0x3F98];
	_ =	swait.ge [sflag:s4], $0x0  }
0x19: {  	s7 =	sld [smem:$0x3F99]  }
0x1a: {  	s8 =	sadd.s32 $0xFFFFE003, lr  }
0x1b: {  	s9 =	sadd.s32 $0xFFFFFEF7, lr;
	s5 =	simm.s32 $0xFFFFFFFF;
	p2 =	slt.u32 s8, $0xFFFFF086  }
0x1c: {  	p1 =	slt.u32 s9, $0xF7A;
	s5 =	simm.s32 @!p2 $0x0  }
0x1d: {  	s5 =	simm.s32 @p1 $0x1;
	p0 =	seq.s32 s7, s2  }
0x1e: {  	s7 =	smul.u32 @!p0 $0xF7A, s2;
	p2 =	seq.s32 @!p0 s5, $0x0  }
0x1f: {  	s9 =	smul.u32 $0xF7A, s1;
	s8 =	simm.s32 @!p0 $0x1BF5;
	p2 =	por !p2, p0  }
0x20: {  	[sflag:s8] =	ssyncset.s32 @!p0 $0xFFFFF086;
	s6 =	sadd.s32 @!p0 s3, s7;
	s7 =	simm.s32 @!p0 $0x108  }
0x21: {  	s3 =	sadd.s32 s3, s9;
	s6 =	sadd.s32 @!p0 $0x88, s6;
	s7 =	simm.s32 @p2 $0x1082  }
0x22: {  	[simem:s7], [sflag:s8] =	dma.local @!p0 [hbm:s6], $0xF7A  }
0x23: {  	s9 =	sor.u32 $0xD0000000, s2;
	s6 =	simm.s32 $0x108;
	_ =	swait.ge @!p0 [sflag:s8], $0x0  }
0x24: {  	s3 =	sadd.s32 $0x88, s3;
	s6 =	simm.s32 @!p1 $0x1082;
	[sflag:s4] =	ssyncset.s32 $0xFFFFF086  }
0x25: {  	[simem:s6], [sflag:s4] =	dma.local [hbm:s3], $0xF7A  }
0x26: {  	[smem:$0x3F99] =	sst s1;
	(tag) =	ssettag s2;
	_ =	strace s9  }
0x27: {  	s1 =	sld [smem:$0x3FA9]  }
0x28: {  	s2 =	sld [smem:$0x3FAA]  }
0x29: {  	s4 =	sld [smem:$0x3FAC]  }
0x2a: {  	p0 =	seq.s32 s5, $0x0;
	s5 =	sld [smem:$0x3FAD]  }
0x2b: {  	s6 =	sld [smem:$0x3FAE]  }
0x2c: {  	s7 =	sld [smem:$0x3FAF]  }
0x2d: {  	s3 =	simm.s32 $0x108;
	s8 =	sld [smem:$0x3FB0]  }
0x2e: {  	s3 =	simm.s32 @!p0 $0x1082;
	s9 =	sld [smem:$0x3FB1]  }
0x2f: {  	lr =	sadd.s32 s0, s3;
	s0 =	sld [smem:$0x3FA8]  }
0x30: {  	s3 =	sld [smem:$0x3FAB]  }
0x31: {  	[smem:$0x3FB4] =	sst s10  }
0x32: {  	s10 =	sld [smem:$0x3FB2];
	_ =	sdelay $0x3  }
0x33: {  	p0 =	seq.s32 s10, $0x1;
	s10 =	sld [smem:$0x3FB4];
	_ =	sdelay $0x3  }
0x34: {  	[smem:$0x3FB4] =	sst s10  }
0x35: {  	s10 =	sld [smem:$0x3FB3];
	_ =	sdelay $0x3  }
0x36: {  	p1 =	seq.s32 s10, $0x1;
	s10 =	sld [smem:$0x3FB4];
	_ =	sdelay $0x3  }
0x37: {  	[smem:$0x3FB4] =	sst s10  }
0x38: {  	s10 =	sld [smem:$0x3FB5]  }
0x39: {  	_ = 	snop;
	(pc) =	sbr.ind lr, $3  }
0x3a: {  	_ = 	snop  }
0x3b: {  	_ = 	snop  }
0x3c: {  	p2 =	seq.s32 s10, $0x1;
	s10 =	sld [smem:$0x3FB4]  }
0x3d: {  	_ =	shalt  }
0x3e: {  	_ =	shalt  }
0x3f: {  	_ =	shalt  }
0x40: {  	_ =	shalt  }
0x41: {  	_ =	shalt  }
0x42: {  	_ =	shalt  }
0x43: {  	_ =	shalt  }
0x44: {  	_ =	shalt  }
0x45: {  	_ =	shalt  }
0x46: {  	_ =	shalt  }
0x47: {  	_ =	shalt  }
0x48: {  	_ =	shalt  }
0x49: {  	_ =	shalt  }
0x4a: {  	_ =	shalt  }
0x4b: {  	_ =	shalt  }
0x4c: {  	_ =	shalt  }
0x4d: {  	_ =	shalt  }
0x4e: {  	_ =	shalt  }
0x4f: {  	_ =	shalt  }
0x50: {  	_ =	shalt  }
0x51: {  	_ =	shalt  }
0x52: {  	_ =	shalt  }
0x53: {  	_ =	shalt  }
0x54: {  	_ =	shalt  }
0x55: {  	_ =	shalt  }
0x56: {  	_ =	shalt  }
0x57: {  	_ =	shalt  }
0x58: {  	_ =	shalt  }
0x59: {  	_ =	shalt  }
0x5a: {  	_ =	shalt  }
0x5b: {  	_ =	shalt  }
0x5c: {  	_ =	shalt  }
0x5d: {  	_ =	shalt  }
0x5e: {  	_ =	shalt  }
0x5f: {  	_ =	shalt  }
0x60: {  	_ =	shalt  }
0x61: {  	_ =	shalt  }
0x62: {  	_ =	shalt  }
0x63: {  	_ =	shalt  }
0x64: {  	_ =	shalt  }
0x65: {  	_ =	shalt  }
0x66: {  	_ =	shalt  }
0x67: {  	_ =	shalt  }
0x68: {  	_ =	shalt  }
0x69: {  	_ =	shalt  }
0x6a: {  	_ =	shalt  }
0x6b: {  	_ =	shalt  }
0x6c: {  	_ =	shalt  }
0x6d: {  	_ =	shalt  }
0x6e: {  	_ =	shalt  }
0x6f: {  	_ =	shalt  }
0x70: {  	_ =	shalt  }
0x71: {  	_ =	shalt  }
0x72: {  	_ =	shalt  }
0x73: {  	_ =	shalt  }
0x74: {  	_ =	shalt  }
0x75: {  	_ =	shalt  }
0x76: {  	_ =	shalt  }
0x77: {  	_ =	shalt  }
0x78: {  	_ =	shalt  }
0x79: {  	_ =	shalt  }
0x7a: {  	_ =	shalt  }
0x7b: {  	_ =	shalt  }
0x7c: {  	_ =	shalt  }
0x7d: {  	_ =	shalt  }
0x7e: {  	_ =	shalt  }
0x7f: {  	_ =	shalt  }
0x80: {  	_ =	shalt  }
0x81: {  	_ =	shalt  }
0x82: {  	_ =	shalt  }
0x83: {  	_ =	shalt  }
0x84: {  	_ =	shalt  }
0x85: {  	_ =	shalt  }
0x86: {  	_ =	shalt  }
0x87: {  	_ =	shalt  }
.Lfunc_end0:
.L_simem_size_0:
called_computation.1_lowered:
.L_overlay_start_0:
0x88: {  	s2 =	sld [smem:$0x3FD9]  }
0x89: {  	s3 =	sld [smem:$0x3FFE];
	_ =	sdelay $0x1  }
0x8a: {  	s1 =	srdreg.scid  }
0x8b: {  	s0 =	sand.u32 $0x1, s1  }
0x8c: {  	s14 =	sshll.u32 s0, $0xA;
	s2 =	sadd.s32 s3, s2  }
0x8d: {  	s2 =	sadd.s32 s2, s14  }
0x8e: {  	[smem:$0x3FC0] =	sst s2  }
0x8f: {  	_ = 	snop  }
0x90: {  	s2 =	sld [smem:$0x3FD0];
	_ =	sdelay $0x2  }
0x91: {  	s15 =	simm.s32 $0xB;
	s4 =	simm.s32 $0x10  }
0x92: {  	[smem:s4], [sflag:s15] =	dma.local [hbm:s2], $0x1  }
0x93: {  	_ =	swait.eq [sflag:s15], $0x1  }
0x94: {  	[sflag:s15] =	ssyncset.done $0x0  }
0x95: {  	[sflag:s15] =	ssyncadd.s32 $0xFFFFFFFF  }
0x96: {  	s16 =	sld [smem:$0x10];
	(tm) =	ssettm $0x1  }
0x97: {  	s17 =	sld [smem:$0x3FFB];
	_ =	sdelay $0x3  }
0x98: {  	_ =	strace s17  }
0x99: {  	s3 =	sld [smem:$0x3FFC];
	_ =	sdelay $0x3  }
0x9a: {  	_ =	strace s3  }
0x9b: {  	s3 =	sld [smem:$0x3FFD];
	_ =	sdelay $0x3  }
0x9c: {  	_ =	strace s3  }
0x9d: {  	_ =	strace $0x8FFFFFFF  }
0x9e: {  	s18 =	sld [smem:$0x3FDB];
	_ =	sdelay $0x1  }
0x9f: {  	s19 =	simm.s32 $_scs_section_size  }
0xa0: {  	s5 =	simm.s32 $_size__tile_overlayer_lowered;
	s6 =	simm.s32 $_tile_overlayer_lowered  }
0xa1: {  	s22 =	simm.s32 $0x1BFF;
	s21 =	sshll.u32 s6, $0x1;
	s3 =	sadd.s32 s19, s18  }
0xa2: {  	s7 =	simm.s32 $0x0;
	s20 =	sshll.u32 s5, $0x1;
	s5 =	sadd.s32 s21, s3  }
0xa3: {  	[timem:s7], [sflag:s22] =	dma.local [hbm:s5], s20  }
0xa4: {  	_ =	swait.ge [sflag:s22], s20  }
0xa5: {  	s4 =	ssub.s32 $0x0, s20;
	[sflag:s22] =	ssyncset.done $0x0  }
0xa6: {  	[sflag:s22] =	ssyncadd.s32 s4;
	_ =	sdelay $0x1  }
0xa7: {  	s23 =	simm.s32 $0x1B8B  }
0xa8: {  	_ =	swait.ge [sflag:s23], $0x1  }
0xa9: {  	[sflag:s23] =	ssyncset.done $0x0  }
0xaa: {  	s25 =	simm.s32 $0x1B8E;
	s24 =	sld [smem:$0x3FFE];
	[sflag:s23] =	ssyncadd.s32 $0xFFFFFFFF  }
0xab: {  	s26 =	simm.s32 $execute0_lowered;
	[smem:$0x3FD2] =	sst s25  }
0xac: {  	s5 =	sshll.u32 s26, $0x1;
	_ =	strace $0x80000046;
	[dreg:$0x1] =	wrdreg $0xFFFFFFFF  }
0xad: {  	s28 =	simm.s32 $_size_execute0_lowered;
	s3 =	sadd.s32 s3, s5;
	[dreg:$0x0] =	wrdreg $0x0  }
0xae: {  	s5 =	sshll.u32 s28, $0x1;
	[dreg:$0x2] =	wrdreg s3  }
0xaf: {  	[dreg:$0x3] =	wrdreg s5  }
0xb0: {  	[dreg:$0x4] =	wrdreg $0xC0  }
0xb1: {  	_ =	task [dreg:s7], $0x5FFFF  }
0xb2: {  	[dreg:$0x1] =	wrdreg $0xFFFFFFFF  }
0xb3: {  	[dreg:$0x0] =	wrdreg $0x60  }
0xb4: {  	[dreg:$0x2] =	wrdreg s16  }
0xb5: {  	[dreg:$0x3] =	wrdreg s24  }
0xb6: {  	[dreg:$0x4] =	wrdreg $0x58000  }
0xb7: {  	[dreg:$0x5] =	wrdreg $0xF6000  }
0xb8: {  	[dreg:$0x6] =	wrdreg $0xA  }
0xb9: {  	_ =	task.clear_ibuf [dreg:s7], $0x7FFFF;
	_ =	strace $0x90000046  }
0xba: {  	s29 =	simm.s32 $0xA;
	_ =	strace $0x80000048  }
0xbb: {  	_ =	swait.ge [sflag:s29], $0x1  }
0xbc: {  	[sflag:s29] =	ssyncadd.s32 $0xFFFFFFFF  }
0xbd: {  	_ =	strace $0x90000048  }
0xbe: {  	_ =	sfence  }
0xbf: {  	s30 =	sld [smem:$0x0];
	_ =	sdelay $0x2  }
0xc0: {  	s31 =	sshll.u32 s1, $0xD;
	s1 =	sshrl.u32 s1, $0x2  }
0xc1: {  	s3 =	sand.u32 $0x4000, s31;
	s1 =	sadd.s32 s1, s30  }
0xc2: {  	s0 =	sor.u32 s3, s0;
	s1 =	sshll.u32 s1, $0x11  }
0xc3: {  	s0 =	sor.u32 s1, s0  }
0xc4: {  	s0 =	sadd.s32 $0x8F2B, s0  }
0xc5: {  	[sflag:s0] =	ssyncadd.remote.s32 $0x1  }
0xc6: {  	_ =	sfence.sel $0xFFFF  }
0xc7: {  	[dreg:$0x0] =	wrdreg $0xFFFFFFFF;
	(pc) =	sbr.abs _section_cstart, $3  }
0xc8: {  	[dreg:$0x1] =	wrdreg $0xFFFFFFFF  }
0xc9: {  	_ =	task.clear_ibuf [dreg:s7], $0x2FFFF;
	_ =	strace $0x9FFFFFFF  }
0xca: {  	(tm) =	ssettm $0x7FFFFFFF  }
0xcb: {  	_ =	shalt  }
tec
execute0_lowered:
.L_overlay_start_1:
0x0: {  	(tag) =	ssettag $0x1  }
0x1: {  	s1 =	rddreg [dreg:$0x0]  }
0x2: {  	s0 =	rddreg [dreg:$0x1]  }
0x3: {  	s2 =	rddreg [dreg:$0x2]  }
0x4: {  	s3 =	rddreg [dreg:$0x3];
	s21 =	simm.s32 $0x0  }
0x5: {  	s4 =	srdreg.scid;
	s20 =	stileid.u32;
	s28 =	simm.s32 $0x400  }
0x6: {  	s30 =	simm.s32 $0x80;
	s31 =	simm.s32 $0x1000;
	s29 =	simm.s32 $0x780  }
0x7: {  	[smem:$0x7FF] =	sst s21;
	s6 =	sadd.s32 $0x1800, s0;
	s5 =	smul.u32 $0x278, s20  }
0x8: {  	s7 =	sadd.s32 $0x6800, s0;
	s4 =	sand.u32 $0x1, s4;
	s10 =	smul.u32 $0x13C00, s20  }
0x9: {  	s8 =	sadd.s32 $0x15800, s0;
	s0 =	sadd.s32 $0x3CA00, s0;
	s17 =	smul.u32 $0x4F00, s20  }
0xa: {  	p2 =	seq.s32 s20, $0xF;
	_ =	strace $0x80000047;
	s9 =	ssub.s32 $0x2, s4  }
0xb: {  	s18 =	smul.u32 $0x138800, s4;
	p0 =	sne.s32 s4, $0x0;
	p1 =	seq.s32 s4, $0x0  }
0xc: {  	s11 =	sshrl.u32 s9, $0x1;
	s12 =	sadd.s32 $0x80, s5;
	s19 =	sshrl.u32 s10, $0x1  }
0xd: {  	s24 =	sadd.s32 $0x100, s5;
	s15 =	sadd.s32 $0x180, s5;
	s5 =	sadd.s32 $0x200, s5  }
0xe: {  	s9 =	ssub.s32 s9, s11;
	s13 =	sshll.u32 s12, $0x6;
	s23 =	sadd.s32 s19, s2  }
0xf: {  	s25 =	sshll.u32 s24, $0x6;
	s14 =	sshll.u32 s15, $0x6;
	s16 =	sshll.u32 s5, $0x6  }
0x10: {  	s12 =	sshll.u32 s12, $0x4;
	s11 =	sshll.u32 s24, $0x4;
	s19 =	sshll.u32 s15, $0x4  }
0x11: {  	s10 =	sadd.s32 s10, s18;
	s22 =	sadd.s32 s13, s2;
	[dreg:$0x6] =	wrdreg s23  }
0x12: {  	s5 =	sshll.u32 s5, $0x4;
	s13 =	sadd.s32 s25, s2;
	[dreg:$0x7] =	wrdreg s22  }
0x13: {  	s26 =	sadd.s32 s14, s2;
	s14 =	sadd.s32 s16, s2;
	[dreg:$0x8] =	wrdreg s13  }
0x14: {  	s16 =	sshrl.u32 s17, $0x1;
	s10 =	sshrl.u32 s10, $0x4;
	[dreg:$0x9] =	wrdreg s26  }
0x15: {  	s25 =	smul.u32 $0x50, s20;
	[dreg:$0xa] =	wrdreg s14;
	s13 =	sadd.s32 s16, s3  }
0x16: {  	s14 =	sadd.s32 s12, s3;
	s22 =	smul.u32 $0x4E200, s4;
	s16 =	sshrl.u32 s18, $0x4  }
0x17: {  	s10 =	sadd.s32 s8, s10;
	s26 =	smul.u32 $0x500, s20;
	s18 =	sadd.s32 s19, s3  }
0x18: {  	s19 =	sadd.s32 s5, s3;
	s5 =	simm.s32 $0x4;
	s20 =	simm.s32 $0xE00  }
0x19: {  	[dreg:$0xb] =	wrdreg s10;
	s8 =	sadd.s32 s8, s16;
	s16 =	simm.s32 $0x2  }
0x1a: {  	s24 =	sadd.s32 s17, s22;
	s15 =	sshrl.u32 s22, $0x4;
	s12 =	sadd.s32 s6, s26  }
0x1b: {  	s17 =	sadd.s32 s11, s3;
	s22 =	sor.u32 $0x8, s25;
	[dreg:$0xd] =	wrdreg s12  }
0x1c: {  	s11 =	simm.s32 $0x1;
	s10 =	sshrl.u32 s24, $0x4;
	[dreg:$0x13] =	wrdreg s22  }
0x1d: {  	s24 =	sadd.s32 $0x10, s25;
	s25 =	sadd.s32 $0x12840, s8;
	s12 =	simm.s32 $0x5000  }
0x1e: {  	s22 =	simm.s32 $0x680;
	s10 =	sadd.s32 s0, s10;
	[dreg:$0xf] =	wrdreg s24  }
.Ltmp0:
0x1f: {  	s0 =	sadd.s32 s0, s15;
	[dreg:$0x10] =	wrdreg s25;
	(pc) =	sbr.rel .LBB2_1-.Ltmp0, $4  }
0x20: {  	s15 =	sadd.s32 s7, s26;
	s26 =	smax.u32 s9, $0x1;
	[dreg:$0xc] =	wrdreg s10  }
0x21: {  	s9 =	simm.s32 $0xC00;
	s24 =	simm.s32 $0xE80;
	[dreg:$0xe] =	wrdreg s15  }
0x22: {  	s0 =	sadd.s32 $0x4A10, s0;
	[dreg:$0x12] =	wrdreg s26;
	s10 =	simm.s32 $0x3000  }
0x23: {  	v1 =	vimm.bf16 $0.0e+00;
	v2 =	vimm.bf16 $1.0000e+00;
	v0 =	vmov s4;
	s26 =	simm.s32 $0xF00;
	[dreg:$0x11] =	wrdreg s0;
	s0 =	simm.s32 $0x700  }
.LBB2_29:
0x24: {  	[bflag:$0x0] =	sbarrier.arrive $0xFFFF  }
0x25: {  	s23 =	rddreg [dreg:$0x6]  }
0x26: {  	s8 =	simm.s32 @p2 $0x1FC3;
	s15 =	rddreg [dreg:$0x10];
	s4 =	sshrl.u32 @p2 s23, $0x3  }
0x27: {  	[hbm:s15], [sflag:s8] =	dma.local @p2 [spmem:s4], $0x1040  }
0x28: {  	s4 =	simm.s32 @p2 $0x3  }
0x29: {  	_ =	swait.ge @p2 [sflag:s4], $0x1040  }
0x2a: {  	[sflag:s4] =	ssyncset.done @p2 $0x0  }
0x2b: {  	s15 =	sshrl.u32 @p2 s13, $0x3;
	s21 =	rddreg [dreg:$0x11];
	[sflag:s4] =	ssyncadd.s32 @p2 $0xFFFFEFC0  }
0x2c: {  	[hbm:s21], [sflag:s8] =	dma.local @p2 [spmem:s15], $0x410  }
0x2d: {  	s8 =	stileid.u32;
	_ =	swait.ge @p2 [sflag:s4], $0x410  }
0x2e: {  	s8 =	sshll.u32 @!p2 s8, $0x6;
	[sflag:s4] =	ssyncset.done @p2 $0x0;
	s15 =	rddreg [dreg:$0xb]  }
0x2f: {  	[sflag:s4] =	ssyncadd.s32 @p2 $0xFFFFFBF0;
	s4 =	sor.u32 @!p2 $0x1C03, s8;
	s8 =	sshrl.u32 @!p2 s23, $0x3  }
0x30: {  	[hbm:s15], [sflag:s4] =	dma.local @!p2 [spmem:s8], $0x13C0  }
0x31: {  	s8 =	simm.s32 @!p2 $0x3  }
0x32: {  	_ =	swait.ge @!p2 [sflag:s8], $0x13C0  }
0x33: {  	[sflag:s8] =	ssyncset.done @!p2 $0x0  }
0x34: {  	s15 =	sshrl.u32 @!p2 s13, $0x3;
	s21 =	rddreg [dreg:$0xc];
	[sflag:s8] =	ssyncadd.s32 @!p2 $0xFFFFEC40  }
0x35: {  	[hbm:s21], [sflag:s4] =	dma.local @!p2 [spmem:s15], $0x4F0  }
0x36: {  	_ =	swait.ge @!p2 [sflag:s8], $0x4F0  }
0x37: {  	s15 =	rddreg [dreg:$0x5]  }
0x38: {  	s25 =	rddreg [dreg:$0x12];
	s21 =	sadd.s32 $0x1, s15  }
0x39: {  	p3 =	sne.s32 s21, s25  }
.Ltmp1:
0x3a: {  	_ = 	snop;
	(pc) =	sbr.rel @!p3 .LBB2_30-.Ltmp1, $3  }
0x3b: {  	_ =	sdelay $0x1  }
0x3c: {  	[sflag:s8] =	ssyncset.done @!p2 $0x0  }
0x3d: {  	[sflag:s8] =	ssyncadd.s32 @!p2 $0xFFFFFB10  }
.LBB2_1:
0x3e: {  	s4 =	simm.s32 $0x1020  }
0x3f: {  	[tilespmem:s4+$0x0] =	vst v1  }
0x40: {  	[tilespmem:s4+$0xFFFFFFE0] =	vst v1  }
0x41: {  	[tilespmem:s4+$0x10] =	vst v1  }
0x42: {  	s8 =	simm.s32 $0x40;
	s15 =	simm.s32 $0x0;
	[tilespmem:s4+$0xFFFFFFF0] =	vst v1  }
.LBB2_2:
0x43: {  	p3 =	sne.s32 s8, $0x1FC0  }
0x44: {  	[tilespmem:s15+$0x5000] =	vst v2;
	s4 =	sadd.s32 $0x40, s4;
	s15 =	smov.u32 s8;
	s8 =	sadd.s32 $0x40, s8  }
.Ltmp2:
0x45: {  	[tilespmem:s4+$0x0] =	vst v1;
	(pc) =	sbr.rel @p3 .LBB2_2-.Ltmp2, $4  }
0x46: {  	_ = 	snop  }
0x47: {  	[tilespmem:s4+$0xFFFFFFE0] =	vst v1  }
0x48: {  	[tilespmem:s4+$0x10] =	vst v1  }
0x49: {  	s15 =	sshra.s32 s15, $0x2;
	[tilespmem:s4+$0xFFFFFFF0] =	vst v1  }
0x4a: {  	[tilespmem:s15+$0x5000] =	vst v2;
	s4 =	simm.s32 $0x1000;
	s15 =	simm.s32 $0x3  }
0x4b: {  	[spmem:s23] =	stream.linear.scatter [tilespmem:s4], [sflag:$0x3], $0x2000, $0x38;
	[tilespmem:$0x11D80] =	vst v63  }
0x4c: {  	_ =	swait.ge [sflag:s15], $0x2000  }
0x4d: {  	[sflag:s15] =	ssyncset.done $0x0  }
0x4e: {  	s8 =	rddreg [dreg:$0x7];
	[sflag:s15] =	ssyncadd.s32 $0xFFFFE000  }
0x4f: {  	[spmem:s8] =	stream.linear.scatter [tilespmem:s4], [sflag:$0x3], $0x2000, $0x38;
	[tilespmem:$0x11D80] =	vst v63  }
0x50: {  	_ =	swait.ge [sflag:s15], $0x2000  }
0x51: {  	[sflag:s15] =	ssyncset.done $0x0  }
0x52: {  	s23 =	rddreg [dreg:$0x8];
	[sflag:s15] =	ssyncadd.s32 $0xFFFFE000  }
0x53: {  	[spmem:s23] =	stream.linear.scatter [tilespmem:s4], [sflag:$0x3], $0x2000, $0x38;
	[tilespmem:$0x11D80] =	vst v63  }
0x54: {  	_ =	swait.ge [sflag:s15], $0x2000  }
0x55: {  	[sflag:s15] =	ssyncset.done $0x0  }
0x56: {  	s25 =	rddreg [dreg:$0x9];
	[sflag:s15] =	ssyncadd.s32 $0xFFFFE000  }
0x57: {  	[spmem:s25] =	stream.linear.scatter [tilespmem:s4], [sflag:$0x3], $0x2000, $0x38;
	[tilespmem:$0x11D80] =	vst v63  }
0x58: {  	_ =	swait.ge [sflag:s15], $0x2000  }
0x59: {  	[sflag:s15] =	ssyncset.done $0x0  }
0x5a: {  	s23 =	rddreg [dreg:$0xa];
	[sflag:s15] =	ssyncadd.s32 $0xFFFFE000  }
0x5b: {  	[spmem:s23] =	stream.linear.scatter [tilespmem:s4], [sflag:$0x3], $0x1E00, $0x38;
	[tilespmem:$0x11D80] =	vst v63  }
0x5c: {  	_ =	swait.ge [sflag:s15], $0x1E00  }
0x5d: {  	[sflag:s15] =	ssyncset.done $0x0  }
0x5e: {  	s8 =	simm.s32 $0x40;
	s25 =	sadd.s32 $0x0, s13;
	[sflag:s15] =	ssyncadd.s32 $0xFFFFE200  }
0x5f: {  	[spmem:s25] =	stream.linear.scatter [tilespmem:s4], [sflag:$0x3], $0x10, $0x38;
	[tilespmem:$0x11D80] =	vst v63  }
.LBB2_4:
0x60: {  	p3 =	sne.s32 s8, $0x1FC0  }
.Ltmp3:
0x61: {  	_ = 	snop;
	(pc) =	sbr.rel @p3 .LBB2_4-.Ltmp3, $4  }
0x62: {  	_ = 	snop  }
0x63: {  	s15 =	sshra.s32 s8, $0x2;
	s8 =	sadd.s32 $0x40, s8  }
0x64: {  	s4 =	sadd.s32 $0x40, s4;
	s15 =	sadd.s32 s15, s13  }
0x65: {  	[spmem:s15] =	stream.linear.scatter [tilespmem:s4], [sflag:$0x3], $0x10, $0x38;
	[tilespmem:$0x11D80] =	vst v63  }
0x66: {  	s4 =	simm.s32 $0x3  }
0x67: {  	_ =	swait.ge [sflag:s4], $0x800  }
0x68: {  	[sflag:s4] =	ssyncset.done $0x0  }
0x69: {  	s8 =	sadd.s32 $0x0, s14;
	[sflag:s4] =	ssyncadd.s32 $0xFFFFF800;
	s4 =	simm.s32 $0x1000  }
0x6a: {  	[spmem:s8] =	stream.linear.scatter [tilespmem:s4], [sflag:$0x3], $0x10, $0x38;
	[tilespmem:$0x11D80] =	vst v63  }
0x6b: {  	s8 =	simm.s32 $0x40  }
.LBB2_6:
0x6c: {  	p3 =	sne.s32 s8, $0x1FC0  }
.Ltmp4:
0x6d: {  	_ = 	snop;
	(pc) =	sbr.rel @p3 .LBB2_6-.Ltmp4, $4  }
0x6e: {  	_ = 	snop  }
0x6f: {  	s15 =	sshra.s32 s8, $0x2;
	s8 =	sadd.s32 $0x40, s8  }
0x70: {  	s4 =	sadd.s32 $0x40, s4;
	s15 =	sadd.s32 s15, s14  }
0x71: {  	[spmem:s15] =	stream.linear.scatter [tilespmem:s4], [sflag:$0x3], $0x10, $0x38;
	[tilespmem:$0x11D80] =	vst v63  }
0x72: {  	s4 =	simm.s32 $0x3  }
0x73: {  	_ =	swait.ge [sflag:s4], $0x800  }
0x74: {  	[sflag:s4] =	ssyncset.done $0x0  }
0x75: {  	s8 =	sadd.s32 $0x0, s17;
	[sflag:s4] =	ssyncadd.s32 $0xFFFFF800;
	s4 =	simm.s32 $0x1000  }
0x76: {  	[spmem:s8] =	stream.linear.scatter [tilespmem:s4], [sflag:$0x3], $0x10, $0x38;
	[tilespmem:$0x11D80] =	vst v63  }
0x77: {  	s8 =	simm.s32 $0x40  }
.LBB2_8:
0x78: {  	p3 =	sne.s32 s8, $0x1FC0  }
.Ltmp5:
0x79: {  	_ = 	snop;
	(pc) =	sbr.rel @p3 .LBB2_8-.Ltmp5, $4  }
0x7a: {  	_ = 	snop  }
0x7b: {  	s15 =	sshra.s32 s8, $0x2;
	s8 =	sadd.s32 $0x40, s8  }
0x7c: {  	s4 =	sadd.s32 $0x40, s4;
	s15 =	sadd.s32 s15, s17  }
0x7d: {  	[spmem:s15] =	stream.linear.scatter [tilespmem:s4], [sflag:$0x3], $0x10, $0x38;
	[tilespmem:$0x11D80] =	vst v63  }
0x7e: {  	s4 =	simm.s32 $0x3  }
0x7f: {  	_ =	swait.ge [sflag:s4], $0x800  }
0x80: {  	[sflag:s4] =	ssyncset.done $0x0  }
0x81: {  	s8 =	sadd.s32 $0x0, s18;
	[sflag:s4] =	ssyncadd.s32 $0xFFFFF800;
	s4 =	simm.s32 $0x1000  }
0x82: {  	[spmem:s8] =	stream.linear.scatter [tilespmem:s4], [sflag:$0x3], $0x10, $0x38;
	[tilespmem:$0x11D80] =	vst v63  }
0x83: {  	s8 =	simm.s32 $0x40  }
.LBB2_10:
0x84: {  	p3 =	sne.s32 s8, $0x1FC0  }
.Ltmp6:
0x85: {  	_ = 	snop;
	(pc) =	sbr.rel @p3 .LBB2_10-.Ltmp6, $4  }
0x86: {  	_ = 	snop  }
0x87: {  	s15 =	sshra.s32 s8, $0x2;
	s8 =	sadd.s32 $0x40, s8  }
0x88: {  	s4 =	sadd.s32 $0x40, s4;
	s15 =	sadd.s32 s15, s18  }
0x89: {  	[spmem:s15] =	stream.linear.scatter [tilespmem:s4], [sflag:$0x3], $0x10, $0x38;
	[tilespmem:$0x11D80] =	vst v63  }
0x8a: {  	s4 =	simm.s32 $0x3  }
0x8b: {  	_ =	swait.ge [sflag:s4], $0x800  }
0x8c: {  	[sflag:s4] =	ssyncset.done $0x0  }
0x8d: {  	s8 =	sadd.s32 $0x0, s19;
	[sflag:s4] =	ssyncadd.s32 $0xFFFFF800;
	s4 =	simm.s32 $0x1000  }
0x8e: {  	[spmem:s8] =	stream.linear.scatter [tilespmem:s4], [sflag:$0x3], $0x10, $0x38;
	[tilespmem:$0x11D80] =	vst v63  }
0x8f: {  	s8 =	simm.s32 $0x40  }
.LBB2_12:
0x90: {  	p3 =	sne.s32 s8, $0x1DC0  }
.Ltmp7:
0x91: {  	_ = 	snop;
	(pc) =	sbr.rel @p3 .LBB2_12-.Ltmp7, $4  }
0x92: {  	_ = 	snop  }
0x93: {  	s15 =	sshra.s32 s8, $0x2;
	s8 =	sadd.s32 $0x40, s8  }
0x94: {  	s4 =	sadd.s32 $0x40, s4;
	s15 =	sadd.s32 s15, s19  }
0x95: {  	[spmem:s15] =	stream.linear.scatter [tilespmem:s4], [sflag:$0x3], $0x10, $0x38;
	[tilespmem:$0x11D80] =	vst v63  }
0x96: {  	[dreg:$0x5] =	wrdreg s21;
	s15 =	simm.s32 $0x3  }
0x97: {  	_ =	swait.ge [sflag:s15], $0x780  }
0x98: {  	[sflag:s15] =	ssyncset.done $0x0  }
0x99: {  	s4 =	simm.s32 $0x0;
	s8 =	rddreg [dreg:$0xd];
	[sflag:s15] =	ssyncadd.s32 $0xFFFFF880  }
0x9a: {  	[tilespmem:s4], [sflag:$0x3] =	stream.linear.gather [hbm4b:s8+s4], $0x400, $0x38;
	[tilespmem:$0x11D80] =	vst v63  }
0x9b: {  	_ =	swait.ge [sflag:s15], $0x400  }
0x9c: {  	[sflag:s15] =	ssyncset.done $0x0  }
0x9d: {  	s25 =	rddreg [dreg:$0xe];
	[sflag:s15] =	ssyncadd.s32 $0xFFFFFC00  }
0x9e: {  	[tilespmem:s28], [sflag:$0x3] =	stream.linear.gather [hbm4b:s25+s4], $0x400, $0x38;
	[tilespmem:$0x11D80] =	vst v63  }
0x9f: {  	_ =	swait.ge [sflag:s15], $0x400  }
0xa0: {  	[sflag:s15] =	ssyncset.done $0x0  }
0xa1: {  	s4 =	simm.s32 $0x0;
	[sflag:s15] =	ssyncadd.s32 $0xFFFFFC00  }
0xa2: {  	v4 =	vld [tilespmem:s4+$0x0]  }
0xa3: {  	v5 =	vld [tilespmem:s4+$0x10]  }
0xa4: {  	v7 =	vld [tilespmem:s4+$0x20]  }
0xa5: {  	v6 =	vld [tilespmem:s4+$0x30]  }
0xa6: {  	v3 =	vld [tilespmem:s4+$0x40]  }
0xa7: {  	v8 =	vshll.u32 v4, $0x1;
	v4 =	vld [tilespmem:s4+$0x50]  }
0xa8: {  	s8 =	simm.s32 $0x200;
	v9 =	vshll.u32 v5, $0x1;
	v5 =	vld [tilespmem:s4+$0x60];
	v8 =	vor.u32 v0, v8  }
.LBB2_14:
0xa9: {  	s15 =	sshra.s32 s8, $0x2;
	p3 =	sne.s32 s8, $0xE00;
	[tilespmem:s4+$0x0] =	vst v8;
	v8 =	vor.u32 v0, v9;
	v7 =	vshll.u32 v7, $0x1;
	v9 =	vld [tilespmem:s4+$0x70]  }
0xaa: {  	v10 =	vld [tilespmem:s15+$0x0];
	[tilespmem:s4+$0x10] =	vst v8;
	v7 =	vor.u32 v0, v7;
	v6 =	vshll.u32 v6, $0x1  }
0xab: {  	v11 =	vld [tilespmem:s15+$0x10];
	[tilespmem:s4+$0x20] =	vst v7;
	v6 =	vor.u32 v0, v6;
	v3 =	vshll.u32 v3, $0x1  }
.Ltmp8:
0xac: {  	v7 =	vld [tilespmem:s15+$0x20];
	[tilespmem:s4+$0x30] =	vst v6;
	v3 =	vor.u32 v0, v3;
	v4 =	vshll.u32 v4, $0x1;
	(pc) =	sbr.rel @p3 .LBB2_14-.Ltmp8, $4  }
0xad: {  	v6 =	vld [tilespmem:s15+$0x30];
	[tilespmem:s4+$0x40] =	vst v3;
	v4 =	vor.u32 v0, v4;
	v5 =	vshll.u32 v5, $0x1  }
0xae: {  	v3 =	vld [tilespmem:s15+$0x40];
	[tilespmem:s4+$0x50] =	vst v4;
	v5 =	vor.u32 v0, v5;
	v8 =	vshll.u32 v9, $0x1  }
0xaf: {  	v9 =	vshll.u32 v10, $0x1;
	v4 =	vld [tilespmem:s15+$0x50];
	[tilespmem:s4+$0x60] =	vst v5;
	v10 =	vor.u32 v0, v8  }
0xb0: {  	s8 =	sadd.s32 $0x200, s8;
	v8 =	vor.u32 v0, v9;
	v9 =	vshll.u32 v11, $0x1;
	v5 =	vld [tilespmem:s15+$0x60];
	[tilespmem:s4+$0x70] =	vst v10;
	s4 =	smov.u32 s15  }
0xb1: {  	[tilespmem:s4+$0x0] =	vst v8;
	v60 =	vor.u32 v0, v9;
	v7 =	vshll.u32 v7, $0x1;
	v61 =	vld [tilespmem:s4+$0x70]  }
0xb2: {  	[tilespmem:s4+$0x10] =	vst v60;
	v7 =	vor.u32 v0, v7;
	v6 =	vshll.u32 v6, $0x1  }
0xb3: {  	[tilespmem:s4+$0x20] =	vst v7;
	v6 =	vor.u32 v0, v6;
	v3 =	vshll.u32 v3, $0x1  }
0xb4: {  	[tilespmem:s4+$0x30] =	vst v6;
	v3 =	vor.u32 v0, v3;
	v4 =	vshll.u32 v4, $0x1  }
0xb5: {  	[tilespmem:s4+$0x40] =	vst v3;
	v3 =	vor.u32 v0, v4;
	v62 =	vshll.u32 v5, $0x1  }
0xb6: {  	[tilespmem:s4+$0x50] =	vst v3;
	v3 =	vor.u32 v0, v62;
	v63 =	vshll.u32 v61, $0x1  }
.Ltmp9:
0xb7: {  	[tilespmem:s4+$0x60] =	vst v3;
	v3 =	vor.u32 v0, v63;
	(pc) =	sbr.rel .LBB2_16-.Ltmp9, $4  }
0xb8: {  	[tilespmem:s4+$0x70] =	vst v3;
	s4 =	simm.s32 $0x0  }
0xb9: {  	[tilespmem:s31], [sflag:$0x1] =	stream.indirect.gather [hbm4b:s1+s30], $0x40, s4, s30, $0xb8;
	[tilespmem:$0x11D80] =	vst v63  }
0xba: {  	[bflag:$0x0] =	sbarrier.arrive $0xFFFF  }
0xbb: {  	s15 =	simm.s32 $0x0  }
.LBB2_27:
0xbc: {  	s8 =	simm.s32 $0x900  }
0xbd: {  	[tilespmem:s31], [sflag:$0x1] =	stream.indirect.gather [hbm4b:s1+s30], $0x40, s8, s30, $0xb8;
	[tilespmem:$0x11D80] =	vst v63  }
0xbe: {  	_ =	swait.ge [sflag:s16], $0x2000  }
0xbf: {  	[sflag:s16] =	ssyncset.done $0x0  }
0xc0: {  	s24 =	simm.s32 $0xC80;
	[sflag:s16] =	ssyncadd.s32 $0xFFFFE000  }
0xc1: {  	[spmem:s2] =	stream.indirect.scatter.add.bf16 [tilespmem:s10], [sflag:$0x4], $0x40, s24, s30, $0xb8;
	[tilespmem:$0x11D80] =	vst v63  }
0xc2: {  	_ =	swait.ge [sflag:s5], $0x2000  }
0xc3: {  	[sflag:s5] =	ssyncset.done $0x0  }
0xc4: {  	[sflag:s5] =	ssyncadd.s32 $0xFFFFE000  }
0xc5: {  	[spmem:s3] =	stream.indirect.scatter.add.bf16 [tilespmem:s12], [sflag:$0x4], $0x10, s24, s30, $0xb8;
	[tilespmem:$0x11D80] =	vst v63  }
0xc6: {  	_ =	swait.ge [sflag:s5], $0x800  }
0xc7: {  	[sflag:s5] =	ssyncset.done $0x0  }
0xc8: {  	s25 =	simm.s32 $0x980;
	[sflag:s5] =	ssyncadd.s32 $0xFFFFF800  }
0xc9: {  	[tilespmem:s10], [sflag:$0x2] =	stream.indirect.gather [hbm4b:s1+s30], $0x40, s25, s30, $0xb8;
	[tilespmem:$0x11D80] =	vst v63  }
0xca: {  	_ =	swait.ge [sflag:s11], $0x2000  }
0xcb: {  	[sflag:s11] =	ssyncset.done $0x0  }
0xcc: {  	s21 =	simm.s32 $0xD00;
	[sflag:s11] =	ssyncadd.s32 $0xFFFFE000  }
0xcd: {  	[spmem:s2] =	stream.indirect.scatter.add.bf16 [tilespmem:s31], [sflag:$0x4], $0x40, s21, s30, $0xb8;
	[tilespmem:$0x11D80] =	vst v63  }
0xce: {  	_ =	swait.ge [sflag:s5], $0x2000  }
0xcf: {  	[sflag:s5] =	ssyncset.done $0x0  }
0xd0: {  	s23 =	simm.s32 $0xA00;
	[sflag:s5] =	ssyncadd.s32 $0xFFFFE000  }
0xd1: {  	[tilespmem:s31], [sflag:$0x1] =	stream.indirect.gather [hbm4b:s1+s30], $0x40, s23, s30, $0xb8;
	[tilespmem:$0x11D80] =	vst v63  }
0xd2: {  	_ =	swait.ge [sflag:s16], $0x2000  }
0xd3: {  	[sflag:s16] =	ssyncset.done $0x0  }
0xd4: {  	s24 =	simm.s32 $0xD80;
	[sflag:s16] =	ssyncadd.s32 $0xFFFFE000  }
0xd5: {  	[spmem:s2] =	stream.indirect.scatter.add.bf16 [tilespmem:s10], [sflag:$0x4], $0x40, s24, s30, $0xb8;
	[tilespmem:$0x11D80] =	vst v63  }
0xd6: {  	_ =	swait.ge [sflag:s5], $0x2000  }
0xd7: {  	[sflag:s5] =	ssyncset.done $0x0  }
0xd8: {  	[sflag:s5] =	ssyncadd.s32 $0xFFFFE000  }
0xd9: {  	[spmem:s3] =	stream.indirect.scatter.add.bf16 [tilespmem:s12], [sflag:$0x4], $0x10, s24, s30, $0xb8;
	[tilespmem:$0x11D80] =	vst v63  }
0xda: {  	_ =	swait.ge [sflag:s5], $0x800  }
0xdb: {  	[sflag:s5] =	ssyncset.done $0x0  }
0xdc: {  	s25 =	simm.s32 $0xA80;
	[sflag:s5] =	ssyncadd.s32 $0xFFFFF800  }
0xdd: {  	[tilespmem:s10], [sflag:$0x2] =	stream.indirect.gather [hbm4b:s1+s30], $0x40, s25, s30, $0xb8;
	[tilespmem:$0x11D80] =	vst v63  }
0xde: {  	_ =	swait.ge [sflag:s11], $0x2000  }
0xdf: {  	[sflag:s11] =	ssyncset.done $0x0  }
0xe0: {  	[sflag:s11] =	ssyncadd.s32 $0xFFFFE000  }
0xe1: {  	[spmem:s2] =	stream.indirect.scatter.add.bf16 [tilespmem:s31], [sflag:$0x4], $0x40, s20, s30, $0xb8;
	[tilespmem:$0x11D80] =	vst v63  }
0xe2: {  	_ =	swait.ge [sflag:s5], $0x2000  }
0xe3: {  	[sflag:s5] =	ssyncset.done $0x0  }
0xe4: {  	s21 =	simm.s32 $0xB00;
	[sflag:s5] =	ssyncadd.s32 $0xFFFFE000  }
0xe5: {  	[tilespmem:s31], [sflag:$0x1] =	stream.indirect.gather [hbm4b:s1+s30], $0x40, s21, s30, $0xb8;
	[tilespmem:$0x11D80] =	vst v63  }
0xe6: {  	_ =	swait.ge [sflag:s16], $0x2000  }
0xe7: {  	[sflag:s16] =	ssyncset.done $0x0  }
0xe8: {  	s23 =	simm.s32 $0xE80;
	[sflag:s16] =	ssyncadd.s32 $0xFFFFE000  }
0xe9: {  	[spmem:s2] =	stream.indirect.scatter.add.bf16 [tilespmem:s10], [sflag:$0x4], $0x40, s23, s30, $0xb8;
	[tilespmem:$0x11D80] =	vst v63  }
0xea: {  	_ =	swait.ge [sflag:s5], $0x2000  }
0xeb: {  	[sflag:s5] =	ssyncset.done $0x0  }
0xec: {  	[sflag:s5] =	ssyncadd.s32 $0xFFFFE000  }
0xed: {  	[spmem:s3] =	stream.indirect.scatter.add.bf16 [tilespmem:s12], [sflag:$0x4], $0x10, s23, s30, $0xb8;
	[tilespmem:$0x11D80] =	vst v63  }
0xee: {  	_ =	swait.ge [sflag:s5], $0x800  }
0xef: {  	[sflag:s5] =	ssyncset.done $0x0  }
0xf0: {  	s25 =	simm.s32 $0xB80;
	[sflag:s5] =	ssyncadd.s32 $0xFFFFF800  }
0xf1: {  	[tilespmem:s10], [sflag:$0x2] =	stream.indirect.gather [hbm4b:s1+s30], $0x40, s25, s30, $0xb8;
	[tilespmem:$0x11D80] =	vst v63  }
0xf2: {  	_ =	swait.ge [sflag:s11], $0x2000  }
0xf3: {  	[sflag:s11] =	ssyncset.done $0x0  }
0xf4: {  	[sflag:s11] =	ssyncadd.s32 $0xFFFFE000  }
0xf5: {  	[spmem:s2] =	stream.indirect.scatter.add.bf16 [tilespmem:s31], [sflag:$0x4], $0x40, s26, s30, $0xb8;
	[tilespmem:$0x11D80] =	vst v63  }
0xf6: {  	_ =	swait.ge [sflag:s5], $0x2000  }
0xf7: {  	[sflag:s5] =	ssyncset.done $0x0  }
0xf8: {  	s24 =	simm.s32 $0xE80;
	[sflag:s5] =	ssyncadd.s32 $0xFFFFE000  }
.LBB2_28:
0xf9: {  	s8 =	simm.s32 @!p3 $0x80;
	s21 =	simm.s32 @!p3 $0x0;
	s23 =	simm.s32 @!p3 $0x1000  }
0xfa: {  	[tilespmem:s23], [sflag:$0x1] =	stream.indirect.gather @!p3 [hbm4b:s1+s8], $0x40, s21, s8, $0xb8;
	[tilespmem:$0x11D80] =	vst v63  }
0xfb: {  	_ =	swait.ge [sflag:s16], $0x2000  }
0xfc: {  	[sflag:s16] =	ssyncset.done $0x0  }
0xfd: {  	s25 =	simm.s32 $0xF80;
	[sflag:s16] =	ssyncadd.s32 $0xFFFFE000  }
0xfe: {  	[spmem:s2] =	stream.indirect.scatter.add.bf16 [tilespmem:s10], [sflag:$0x4], $0x40, s25, s30, $0xb8;
	[tilespmem:$0x11D80] =	vst v63  }
0xff: {  	s15 =	sadd.s32 $0x1, s15;
	_ =	swait.ge [sflag:s5], $0x2000  }
0x100: {  	s8 =	simm.s32 @!p1 $0x80;
	s21 =	simm.s32 @!p1 $0xF80;
	[sflag:s5] =	ssyncset.done $0x0  }
0x101: {  	s23 =	simm.s32 @!p1 $0x5000;
	p3 =	sne.s32 s15, $0x5;
	[sflag:s5] =	ssyncadd.s32 $0xFFFFE000  }
0x102: {  	[spmem:s3] =	stream.indirect.scatter.add.bf16 @!p1 [tilespmem:s23], [sflag:$0x3], $0x10, s21, s8, $0xb8;
	[tilespmem:$0x11D80] =	vst v63  }
.Ltmp10:
0x103: {  	_ = 	snop;
	(pc) =	sbr.rel @!p3 .LBB2_29-.Ltmp10, $4  }
0x104: {  	s8 =	simm.s32 @!p1 $0x3  }
0x105: {  	_ =	swait.ge @!p1 [sflag:s8], $0x800  }
0x106: {  	[sflag:s8] =	ssyncset.done @!p1 $0x0  }
0x107: {  	[sflag:s8] =	ssyncadd.s32 @!p1 $0xFFFFF800  }
.LBB2_16:
0x108: {  	s25 =	sshll.u32 s15, $0x4;
	s8 =	rddreg [dreg:$0x13]  }
0x109: {  	s8 =	sadd.s32 s25, s8  }
0x10a: {  	s8 =	sshll.u32 s8, $0x4  }
0x10b: {  	s21 =	simm.s32 $0x800;
	s23 =	sadd.s32 s6, s8  }
0x10c: {  	[tilespmem:s21], [sflag:$0x4] =	stream.linear.gather [hbm4b:s23+s4], $0x400, $0x38;
	[tilespmem:$0x11D80] =	vst v63  }
0x10d: {  	_ =	swait.ge [sflag:s5], $0x400  }
0x10e: {  	[sflag:s5] =	ssyncset.done $0x0  }
0x10f: {  	s8 =	sadd.s32 s7, s8;
	[sflag:s5] =	ssyncadd.s32 $0xFFFFFC00  }
0x110: {  	[tilespmem:s9], [sflag:$0x4] =	stream.linear.gather [hbm4b:s8+s4], $0x400, $0x38;
	[tilespmem:$0x11D80] =	vst v63  }
0x111: {  	_ =	swait.ge [sflag:s5], $0x400  }
0x112: {  	[sflag:s5] =	ssyncset.done $0x0  }
0x113: {  	s8 =	simm.s32 $0x0;
	[sflag:s5] =	ssyncadd.s32 $0xFFFFFC00  }
0x114: {  	v4 =	vld [tilespmem:s8+$0x800]  }
0x115: {  	v5 =	vld [tilespmem:s8+$0x810]  }
0x116: {  	v7 =	vld [tilespmem:s8+$0x820]  }
0x117: {  	v6 =	vld [tilespmem:s8+$0x830]  }
0x118: {  	v3 =	vld [tilespmem:s8+$0x840]  }
0x119: {  	v8 =	vshll.u32 v4, $0x1;
	v4 =	vld [tilespmem:s8+$0x850]  }
0x11a: {  	s23 =	simm.s32 $0x200;
	v9 =	vshll.u32 v5, $0x1;
	v5 =	vld [tilespmem:s8+$0x860];
	v8 =	vor.u32 v0, v8  }
.LBB2_17:
0x11b: {  	s21 =	sshra.s32 s23, $0x2;
	p3 =	sne.s32 s23, $0xE00;
	[tilespmem:s8+$0x800] =	vst v8;
	v8 =	vor.u32 v0, v9;
	v7 =	vshll.u32 v7, $0x1;
	v9 =	vld [tilespmem:s8+$0x870]  }
0x11c: {  	v10 =	vld [tilespmem:s21+$0x800];
	[tilespmem:s8+$0x810] =	vst v8;
	v7 =	vor.u32 v0, v7;
	v6 =	vshll.u32 v6, $0x1  }
0x11d: {  	v11 =	vld [tilespmem:s21+$0x810];
	[tilespmem:s8+$0x820] =	vst v7;
	v6 =	vor.u32 v0, v6;
	v3 =	vshll.u32 v3, $0x1  }
.Ltmp11:
0x11e: {  	v7 =	vld [tilespmem:s21+$0x820];
	[tilespmem:s8+$0x830] =	vst v6;
	v3 =	vor.u32 v0, v3;
	v4 =	vshll.u32 v4, $0x1;
	(pc) =	sbr.rel @p3 .LBB2_17-.Ltmp11, $4  }
0x11f: {  	v6 =	vld [tilespmem:s21+$0x830];
	[tilespmem:s8+$0x840] =	vst v3;
	v4 =	vor.u32 v0, v4;
	v5 =	vshll.u32 v5, $0x1  }
0x120: {  	v3 =	vld [tilespmem:s21+$0x840];
	[tilespmem:s8+$0x850] =	vst v4;
	v5 =	vor.u32 v0, v5;
	v8 =	vshll.u32 v9, $0x1  }
0x121: {  	v9 =	vshll.u32 v10, $0x1;
	v4 =	vld [tilespmem:s21+$0x850];
	[tilespmem:s8+$0x860] =	vst v5;
	v10 =	vor.u32 v0, v8  }
0x122: {  	s23 =	sadd.s32 $0x200, s23;
	v8 =	vor.u32 v0, v9;
	v9 =	vshll.u32 v11, $0x1;
	v5 =	vld [tilespmem:s21+$0x860];
	[tilespmem:s8+$0x870] =	vst v10;
	s8 =	smov.u32 s21  }
0x123: {  	[tilespmem:s8+$0x800] =	vst v8;
	v60 =	vor.u32 v0, v9;
	v7 =	vshll.u32 v7, $0x1;
	v61 =	vld [tilespmem:s8+$0x870]  }
0x124: {  	[tilespmem:s8+$0x810] =	vst v60;
	v7 =	vor.u32 v0, v7;
	v6 =	vshll.u32 v6, $0x1  }
0x125: {  	[tilespmem:s8+$0x820] =	vst v7;
	v6 =	vor.u32 v0, v6;
	v3 =	vshll.u32 v3, $0x1  }
0x126: {  	[tilespmem:s8+$0x830] =	vst v6;
	v3 =	vor.u32 v0, v3;
	v4 =	vshll.u32 v4, $0x1  }
0x127: {  	[tilespmem:s8+$0x840] =	vst v3;
	v3 =	vor.u32 v0, v4;
	v62 =	vshll.u32 v5, $0x1  }
0x128: {  	[tilespmem:s8+$0x850] =	vst v3;
	v3 =	vor.u32 v0, v62;
	v63 =	vshll.u32 v61, $0x1  }
0x129: {  	[tilespmem:s8+$0x860] =	vst v3;
	v3 =	vor.u32 v0, v63  }
0x12a: {  	[tilespmem:s8+$0x870] =	vst v3  }
0x12b: {  	[tilespmem:s10], [sflag:$0x2] =	stream.indirect.gather [hbm4b:s1+s30], $0x40, s30, s30, $0xb8;
	[tilespmem:$0x11D80] =	vst v63  }
0x12c: {  	_ =	swait.ge [sflag:s11], $0x2000  }
0x12d: {  	[sflag:s11] =	ssyncset.done $0x0  }
.Ltmp12:
0x12e: {  	s8 =	simm.s32 $0x400;
	[sflag:s11] =	ssyncadd.s32 $0xFFFFE000;
	(pc) =	sbr.rel @p0 .LBB2_20-.Ltmp12, $4  }
0x12f: {  	[spmem:s2] =	stream.indirect.scatter.add.bf16 [tilespmem:s31], [sflag:$0x4], $0x40, s8, s30, $0xb8;
	[tilespmem:$0x11D80] =	vst v63  }
0x130: {  	_ =	swait.ge [sflag:s5], $0x2000  }
0x131: {  	[sflag:s5] =	ssyncset.done $0x0  }
0x132: {  	s28 =	simm.s32 $0x400;
	[sflag:s5] =	ssyncadd.s32 $0xFFFFE000  }
0x133: {  	[spmem:s3] =	stream.indirect.scatter.add.bf16 [tilespmem:s12], [sflag:$0x4], $0x10, s8, s30, $0xb8;
	[tilespmem:$0x11D80] =	vst v63  }
0x134: {  	_ =	swait.ge [sflag:s5], $0x800  }
0x135: {  	[sflag:s5] =	ssyncset.done $0x0  }
0x136: {  	s21 =	simm.s32 $0x100;
	[sflag:s5] =	ssyncadd.s32 $0xFFFFF800  }
0x137: {  	[tilespmem:s31], [sflag:$0x1] =	stream.indirect.gather [hbm4b:s1+s30], $0x40, s21, s30, $0xb8;
	[tilespmem:$0x11D80] =	vst v63  }
0x138: {  	_ =	swait.ge [sflag:s16], $0x2000  }
0x139: {  	[sflag:s16] =	ssyncset.done $0x0  }
0x13a: {  	s0 =	simm.s32 $0x480;
	[sflag:s16] =	ssyncadd.s32 $0xFFFFE000  }
0x13b: {  	[spmem:s2] =	stream.indirect.scatter.add.bf16 [tilespmem:s10], [sflag:$0x4], $0x40, s0, s30, $0xb8;
	[tilespmem:$0x11D80] =	vst v63  }
0x13c: {  	_ =	swait.ge [sflag:s5], $0x2000  }
0x13d: {  	[sflag:s5] =	ssyncset.done $0x0  }
0x13e: {  	s23 =	simm.s32 $0x180;
	[sflag:s5] =	ssyncadd.s32 $0xFFFFE000  }
0x13f: {  	[tilespmem:s10], [sflag:$0x2] =	stream.indirect.gather [hbm4b:s1+s30], $0x40, s23, s30, $0xb8;
	[tilespmem:$0x11D80] =	vst v63  }
0x140: {  	_ =	swait.ge [sflag:s11], $0x2000  }
0x141: {  	[sflag:s11] =	ssyncset.done $0x0  }
0x142: {  	s0 =	simm.s32 $0x500;
	[sflag:s11] =	ssyncadd.s32 $0xFFFFE000  }
0x143: {  	[spmem:s2] =	stream.indirect.scatter.add.bf16 [tilespmem:s31], [sflag:$0x4], $0x40, s0, s30, $0xb8;
	[tilespmem:$0x11D80] =	vst v63  }
0x144: {  	_ =	swait.ge [sflag:s5], $0x2000  }
0x145: {  	[sflag:s5] =	ssyncset.done $0x0  }
0x146: {  	[sflag:s5] =	ssyncadd.s32 $0xFFFFE000  }
0x147: {  	[spmem:s3] =	stream.indirect.scatter.add.bf16 [tilespmem:s12], [sflag:$0x4], $0x10, s0, s30, $0xb8;
	[tilespmem:$0x11D80] =	vst v63  }
0x148: {  	_ =	swait.ge [sflag:s5], $0x800  }
0x149: {  	[sflag:s5] =	ssyncset.done $0x0  }
0x14a: {  	s21 =	simm.s32 $0x200;
	[sflag:s5] =	ssyncadd.s32 $0xFFFFF800  }
0x14b: {  	[tilespmem:s31], [sflag:$0x1] =	stream.indirect.gather [hbm4b:s1+s30], $0x40, s21, s30, $0xb8;
	[tilespmem:$0x11D80] =	vst v63  }
0x14c: {  	_ =	swait.ge [sflag:s16], $0x2000  }
0x14d: {  	[sflag:s16] =	ssyncset.done $0x0  }
0x14e: {  	s23 =	simm.s32 $0x580;
	[sflag:s16] =	ssyncadd.s32 $0xFFFFE000  }
0x14f: {  	[spmem:s2] =	stream.indirect.scatter.add.bf16 [tilespmem:s10], [sflag:$0x4], $0x40, s23, s30, $0xb8;
	[tilespmem:$0x11D80] =	vst v63  }
0x150: {  	_ =	swait.ge [sflag:s5], $0x2000  }
0x151: {  	[sflag:s5] =	ssyncset.done $0x0  }
0x152: {  	s0 =	simm.s32 $0x280;
	[sflag:s5] =	ssyncadd.s32 $0xFFFFE000  }
0x153: {  	[tilespmem:s10], [sflag:$0x2] =	stream.indirect.gather [hbm4b:s1+s30], $0x40, s0, s30, $0xb8;
	[tilespmem:$0x11D80] =	vst v63  }
0x154: {  	_ =	swait.ge [sflag:s11], $0x2000  }
0x155: {  	[sflag:s11] =	ssyncset.done $0x0  }
0x156: {  	s21 =	simm.s32 $0x600;
	[sflag:s11] =	ssyncadd.s32 $0xFFFFE000  }
0x157: {  	[spmem:s2] =	stream.indirect.scatter.add.bf16 [tilespmem:s31], [sflag:$0x4], $0x40, s21, s30, $0xb8;
	[tilespmem:$0x11D80] =	vst v63  }
0x158: {  	_ =	swait.ge [sflag:s5], $0x2000  }
0x159: {  	[sflag:s5] =	ssyncset.done $0x0  }
0x15a: {  	[sflag:s5] =	ssyncadd.s32 $0xFFFFE000  }
0x15b: {  	[spmem:s3] =	stream.indirect.scatter.add.bf16 [tilespmem:s12], [sflag:$0x4], $0x10, s21, s30, $0xb8;
	[tilespmem:$0x11D80] =	vst v63  }
0x15c: {  	_ =	swait.ge [sflag:s5], $0x800  }
0x15d: {  	[sflag:s5] =	ssyncset.done $0x0  }
0x15e: {  	s23 =	simm.s32 $0x300;
	[sflag:s5] =	ssyncadd.s32 $0xFFFFF800  }
0x15f: {  	[tilespmem:s31], [sflag:$0x1] =	stream.indirect.gather [hbm4b:s1+s30], $0x40, s23, s30, $0xb8;
	[tilespmem:$0x11D80] =	vst v63  }
0x160: {  	_ =	swait.ge [sflag:s16], $0x2000  }
0x161: {  	[sflag:s16] =	ssyncset.done $0x0  }
0x162: {  	[sflag:s16] =	ssyncadd.s32 $0xFFFFE000  }
0x163: {  	[spmem:s2] =	stream.indirect.scatter.add.bf16 [tilespmem:s10], [sflag:$0x4], $0x40, s22, s30, $0xb8;
	[tilespmem:$0x11D80] =	vst v63  }
0x164: {  	_ =	swait.ge [sflag:s5], $0x2000  }
0x165: {  	[sflag:s5] =	ssyncset.done $0x0  }
0x166: {  	s0 =	simm.s32 $0x380;
	[sflag:s5] =	ssyncadd.s32 $0xFFFFE000  }
0x167: {  	[tilespmem:s10], [sflag:$0x2] =	stream.indirect.gather [hbm4b:s1+s30], $0x40, s0, s30, $0xb8;
	[tilespmem:$0x11D80] =	vst v63  }
0x168: {  	_ =	swait.ge [sflag:s11], $0x2000  }
0x169: {  	[sflag:s11] =	ssyncset.done $0x0  }
0x16a: {  	s21 =	simm.s32 $0x700;
	[sflag:s11] =	ssyncadd.s32 $0xFFFFE000  }
0x16b: {  	[spmem:s2] =	stream.indirect.scatter.add.bf16 [tilespmem:s31], [sflag:$0x4], $0x40, s21, s30, $0xb8;
	[tilespmem:$0x11D80] =	vst v63  }
0x16c: {  	_ =	swait.ge [sflag:s5], $0x2000  }
0x16d: {  	[sflag:s5] =	ssyncset.done $0x0  }
0x16e: {  	[sflag:s5] =	ssyncadd.s32 $0xFFFFE000  }
0x16f: {  	[spmem:s3] =	stream.indirect.scatter.add.bf16 [tilespmem:s12], [sflag:$0x4], $0x10, s21, s30, $0xb8;
	[tilespmem:$0x11D80] =	vst v63  }
0x170: {  	_ =	swait.ge [sflag:s5], $0x800  }
0x171: {  	[sflag:s5] =	ssyncset.done $0x0  }
0x172: {  	s23 =	simm.s32 $0x800;
	[sflag:s5] =	ssyncadd.s32 $0xFFFFF800  }
0x173: {  	[tilespmem:s31], [sflag:$0x1] =	stream.indirect.gather [hbm4b:s1+s30], $0x40, s23, s30, $0xb8;
	[tilespmem:$0x11D80] =	vst v63  }
0x174: {  	_ =	swait.ge [sflag:s16], $0x2000  }
0x175: {  	[sflag:s16] =	ssyncset.done $0x0  }
.Ltmp13:
0x176: {  	[sflag:s16] =	ssyncadd.s32 $0xFFFFE000;
	(pc) =	sbr.rel .LBB2_21-.Ltmp13, $4  }
0x177: {  	[spmem:s2] =	stream.indirect.scatter.add.bf16 [tilespmem:s10], [sflag:$0x4], $0x40, s29, s30, $0xb8;
	[tilespmem:$0x11D80] =	vst v63  }
0x178: {  	_ =	swait.ge [sflag:s5], $0x2000  }
0x179: {  	[sflag:s5] =	ssyncset.done $0x0  }
0x17a: {  	s0 =	simm.s32 $0x700;
	[sflag:s5] =	ssyncadd.s32 $0xFFFFE000  }
.LBB2_20:
0x17b: {  	s8 =	simm.s32 $0x100  }
0x17c: {  	[tilespmem:s31], [sflag:$0x1] =	stream.indirect.gather [hbm4b:s1+s30], $0x40, s8, s30, $0xb8;
	[tilespmem:$0x11D80] =	vst v63  }
0x17d: {  	_ =	swait.ge [sflag:s16], $0x2000  }
0x17e: {  	[sflag:s16] =	ssyncset.done $0x0  }
0x17f: {  	s22 =	simm.s32 $0x480;
	[sflag:s16] =	ssyncadd.s32 $0xFFFFE000  }
0x180: {  	[spmem:s2] =	stream.indirect.scatter.add.bf16 [tilespmem:s10], [sflag:$0x4], $0x40, s22, s30, $0xb8;
	[tilespmem:$0x11D80] =	vst v63  }
0x181: {  	_ =	swait.ge [sflag:s5], $0x2000  }
0x182: {  	[sflag:s5] =	ssyncset.done $0x0  }
0x183: {  	[sflag:s5] =	ssyncadd.s32 $0xFFFFE000  }
0x184: {  	[spmem:s3] =	stream.indirect.scatter.add.bf16 [tilespmem:s12], [sflag:$0x4], $0x10, s22, s30, $0xb8;
	[tilespmem:$0x11D80] =	vst v63  }
0x185: {  	_ =	swait.ge [sflag:s5], $0x800  }
0x186: {  	[sflag:s5] =	ssyncset.done $0x0  }
0x187: {  	s23 =	simm.s32 $0x180;
	[sflag:s5] =	ssyncadd.s32 $0xFFFFF800  }
0x188: {  	[tilespmem:s10], [sflag:$0x2] =	stream.indirect.gather [hbm4b:s1+s30], $0x40, s23, s30, $0xb8;
	[tilespmem:$0x11D80] =	vst v63  }
0x189: {  	_ =	swait.ge [sflag:s11], $0x2000  }
0x18a: {  	[sflag:s11] =	ssyncset.done $0x0  }
0x18b: {  	s21 =	simm.s32 $0x500;
	[sflag:s11] =	ssyncadd.s32 $0xFFFFE000  }
0x18c: {  	[spmem:s2] =	stream.indirect.scatter.add.bf16 [tilespmem:s31], [sflag:$0x4], $0x40, s21, s30, $0xb8;
	[tilespmem:$0x11D80] =	vst v63  }
0x18d: {  	_ =	swait.ge [sflag:s5], $0x2000  }
0x18e: {  	[sflag:s5] =	ssyncset.done $0x0  }
0x18f: {  	s22 =	simm.s32 $0x200;
	[sflag:s5] =	ssyncadd.s32 $0xFFFFE000  }
0x190: {  	[tilespmem:s31], [sflag:$0x1] =	stream.indirect.gather [hbm4b:s1+s30], $0x40, s22, s30, $0xb8;
	[tilespmem:$0x11D80] =	vst v63  }
0x191: {  	_ =	swait.ge [sflag:s16], $0x2000  }
0x192: {  	[sflag:s16] =	ssyncset.done $0x0  }
0x193: {  	s23 =	simm.s32 $0x580;
	[sflag:s16] =	ssyncadd.s32 $0xFFFFE000  }
0x194: {  	[spmem:s2] =	stream.indirect.scatter.add.bf16 [tilespmem:s10], [sflag:$0x4], $0x40, s23, s30, $0xb8;
	[tilespmem:$0x11D80] =	vst v63  }
0x195: {  	_ =	swait.ge [sflag:s5], $0x2000  }
0x196: {  	[sflag:s5] =	ssyncset.done $0x0  }
0x197: {  	[sflag:s5] =	ssyncadd.s32 $0xFFFFE000  }
0x198: {  	[spmem:s3] =	stream.indirect.scatter.add.bf16 [tilespmem:s12], [sflag:$0x4], $0x10, s23, s30, $0xb8;
	[tilespmem:$0x11D80] =	vst v63  }
0x199: {  	_ =	swait.ge [sflag:s5], $0x800  }
0x19a: {  	[sflag:s5] =	ssyncset.done $0x0  }
0x19b: {  	s21 =	simm.s32 $0x280;
	[sflag:s5] =	ssyncadd.s32 $0xFFFFF800  }
0x19c: {  	[tilespmem:s10], [sflag:$0x2] =	stream.indirect.gather [hbm4b:s1+s30], $0x40, s21, s30, $0xb8;
	[tilespmem:$0x11D80] =	vst v63  }
0x19d: {  	_ =	swait.ge [sflag:s11], $0x2000  }
0x19e: {  	[sflag:s11] =	ssyncset.done $0x0  }
0x19f: {  	s22 =	simm.s32 $0x600;
	[sflag:s11] =	ssyncadd.s32 $0xFFFFE000  }
0x1a0: {  	[spmem:s2] =	stream.indirect.scatter.add.bf16 [tilespmem:s31], [sflag:$0x4], $0x40, s22, s30, $0xb8;
	[tilespmem:$0x11D80] =	vst v63  }
0x1a1: {  	_ =	swait.ge [sflag:s5], $0x2000  }
0x1a2: {  	[sflag:s5] =	ssyncset.done $0x0  }
0x1a3: {  	s23 =	simm.s32 $0x300;
	[sflag:s5] =	ssyncadd.s32 $0xFFFFE000  }
0x1a4: {  	[tilespmem:s31], [sflag:$0x1] =	stream.indirect.gather [hbm4b:s1+s30], $0x40, s23, s30, $0xb8;
	[tilespmem:$0x11D80] =	vst v63  }
0x1a5: {  	_ =	swait.ge [sflag:s16], $0x2000  }
0x1a6: {  	[sflag:s16] =	ssyncset.done $0x0  }
0x1a7: {  	s21 =	simm.s32 $0x680;
	[sflag:s16] =	ssyncadd.s32 $0xFFFFE000  }
0x1a8: {  	[spmem:s2] =	stream.indirect.scatter.add.bf16 [tilespmem:s10], [sflag:$0x4], $0x40, s21, s30, $0xb8;
	[tilespmem:$0x11D80] =	vst v63  }
0x1a9: {  	_ =	swait.ge [sflag:s5], $0x2000  }
0x1aa: {  	[sflag:s5] =	ssyncset.done $0x0  }
0x1ab: {  	[sflag:s5] =	ssyncadd.s32 $0xFFFFE000  }
0x1ac: {  	[spmem:s3] =	stream.indirect.scatter.add.bf16 [tilespmem:s12], [sflag:$0x4], $0x10, s21, s30, $0xb8;
	[tilespmem:$0x11D80] =	vst v63  }
0x1ad: {  	_ =	swait.ge [sflag:s5], $0x800  }
0x1ae: {  	[sflag:s5] =	ssyncset.done $0x0  }
0x1af: {  	s23 =	simm.s32 $0x380;
	[sflag:s5] =	ssyncadd.s32 $0xFFFFF800  }
0x1b0: {  	[tilespmem:s10], [sflag:$0x2] =	stream.indirect.gather [hbm4b:s1+s30], $0x40, s23, s30, $0xb8;
	[tilespmem:$0x11D80] =	vst v63  }
0x1b1: {  	_ =	swait.ge [sflag:s11], $0x2000  }
0x1b2: {  	[sflag:s11] =	ssyncset.done $0x0  }
0x1b3: {  	[sflag:s11] =	ssyncadd.s32 $0xFFFFE000  }
0x1b4: {  	[spmem:s2] =	stream.indirect.scatter.add.bf16 [tilespmem:s31], [sflag:$0x4], $0x40, s0, s30, $0xb8;
	[tilespmem:$0x11D80] =	vst v63  }
0x1b5: {  	_ =	swait.ge [sflag:s5], $0x2000  }
0x1b6: {  	[sflag:s5] =	ssyncset.done $0x0  }
0x1b7: {  	s21 =	simm.s32 $0x800;
	[sflag:s5] =	ssyncadd.s32 $0xFFFFE000  }
0x1b8: {  	[tilespmem:s31], [sflag:$0x1] =	stream.indirect.gather [hbm4b:s1+s30], $0x40, s21, s30, $0xb8;
	[tilespmem:$0x11D80] =	vst v63  }
0x1b9: {  	_ =	swait.ge [sflag:s16], $0x2000  }
0x1ba: {  	[sflag:s16] =	ssyncset.done $0x0  }
0x1bb: {  	s23 =	simm.s32 $0x780;
	[sflag:s16] =	ssyncadd.s32 $0xFFFFE000  }
0x1bc: {  	[spmem:s2] =	stream.indirect.scatter.add.bf16 [tilespmem:s10], [sflag:$0x4], $0x40, s23, s30, $0xb8;
	[tilespmem:$0x11D80] =	vst v63  }
0x1bd: {  	_ =	swait.ge [sflag:s5], $0x2000  }
0x1be: {  	[sflag:s5] =	ssyncset.done $0x0  }
0x1bf: {  	[sflag:s5] =	ssyncadd.s32 $0xFFFFE000  }
0x1c0: {  	[spmem:s3] =	stream.indirect.scatter.add.bf16 [tilespmem:s12], [sflag:$0x4], $0x10, s23, s30, $0xb8;
	[tilespmem:$0x11D80] =	vst v63  }
0x1c1: {  	_ =	swait.ge [sflag:s5], $0x800  }
0x1c2: {  	[sflag:s5] =	ssyncset.done $0x0  }
0x1c3: {  	s29 =	simm.s32 $0x780;
	s22 =	simm.s32 $0x680;
	[sflag:s5] =	ssyncadd.s32 $0xFFFFF800  }
.LBB2_21:
0x1c4: {  	p3 =	seq.s32 s15, $0x4  }
.Ltmp14:
0x1c5: {  	_ = 	snop;
	(pc) =	sbr.rel @p3 .LBB2_25-.Ltmp14, $1  }
0x1c6: {  	_ =	sdelay $0x3  }
0x1c7: {  	s8 =	rddreg [dreg:$0xf]  }
0x1c8: {  	s8 =	sadd.s32 s25, s8  }
0x1c9: {  	s8 =	sshll.u32 s8, $0x4  }
0x1ca: {  	s23 =	simm.s32 $0x0;
	s21 =	sadd.s32 s6, s8  }
0x1cb: {  	[tilespmem:s23], [sflag:$0x4] =	stream.linear.gather [hbm4b:s21+s23], $0x400, $0x38;
	[tilespmem:$0x11D80] =	vst v63  }
0x1cc: {  	_ =	swait.ge [sflag:s5], $0x400  }
0x1cd: {  	[sflag:s5] =	ssyncset.done $0x0  }
0x1ce: {  	s8 =	sadd.s32 s7, s8;
	[sflag:s5] =	ssyncadd.s32 $0xFFFFFC00  }
0x1cf: {  	[tilespmem:s28], [sflag:$0x4] =	stream.linear.gather [hbm4b:s8+s23], $0x400, $0x38;
	[tilespmem:$0x11D80] =	vst v63  }
0x1d0: {  	_ =	swait.ge [sflag:s5], $0x400  }
0x1d1: {  	[sflag:s5] =	ssyncset.done $0x0  }
0x1d2: {  	s8 =	simm.s32 $0x0;
	[sflag:s5] =	ssyncadd.s32 $0xFFFFFC00  }
0x1d3: {  	v4 =	vld [tilespmem:s8+$0x0]  }
0x1d4: {  	v5 =	vld [tilespmem:s8+$0x10]  }
0x1d5: {  	v7 =	vld [tilespmem:s8+$0x20]  }
0x1d6: {  	v6 =	vld [tilespmem:s8+$0x30]  }
0x1d7: {  	v3 =	vld [tilespmem:s8+$0x40]  }
0x1d8: {  	v8 =	vshll.u32 v4, $0x1;
	v4 =	vld [tilespmem:s8+$0x50]  }
0x1d9: {  	s23 =	simm.s32 $0x200;
	v9 =	vshll.u32 v5, $0x1;
	v5 =	vld [tilespmem:s8+$0x60];
	v8 =	vor.u32 v0, v8  }
.LBB2_23:
0x1da: {  	s21 =	sshra.s32 s23, $0x2;
	p4 =	sne.s32 s23, $0xE00;
	[tilespmem:s8+$0x0] =	vst v8;
	v8 =	vor.u32 v0, v9;
	v7 =	vshll.u32 v7, $0x1;
	v9 =	vld [tilespmem:s8+$0x70]  }
0x1db: {  	v10 =	vld [tilespmem:s21+$0x0];
	[tilespmem:s8+$0x10] =	vst v8;
	v7 =	vor.u32 v0, v7;
	v6 =	vshll.u32 v6, $0x1  }
0x1dc: {  	v11 =	vld [tilespmem:s21+$0x10];
	[tilespmem:s8+$0x20] =	vst v7;
	v6 =	vor.u32 v0, v6;
	v3 =	vshll.u32 v3, $0x1  }
.Ltmp15:
0x1dd: {  	v7 =	vld [tilespmem:s21+$0x20];
	[tilespmem:s8+$0x30] =	vst v6;
	v3 =	vor.u32 v0, v3;
	v4 =	vshll.u32 v4, $0x1;
	(pc) =	sbr.rel @p4 .LBB2_23-.Ltmp15, $4  }
0x1de: {  	v6 =	vld [tilespmem:s21+$0x30];
	[tilespmem:s8+$0x40] =	vst v3;
	v4 =	vor.u32 v0, v4;
	v5 =	vshll.u32 v5, $0x1  }
0x1df: {  	v3 =	vld [tilespmem:s21+$0x40];
	[tilespmem:s8+$0x50] =	vst v4;
	v5 =	vor.u32 v0, v5;
	v8 =	vshll.u32 v9, $0x1  }
0x1e0: {  	v9 =	vshll.u32 v10, $0x1;
	v4 =	vld [tilespmem:s21+$0x50];
	[tilespmem:s8+$0x60] =	vst v5;
	v10 =	vor.u32 v0, v8  }
0x1e1: {  	s23 =	sadd.s32 $0x200, s23;
	v8 =	vor.u32 v0, v9;
	v9 =	vshll.u32 v11, $0x1;
	v5 =	vld [tilespmem:s21+$0x60];
	[tilespmem:s8+$0x70] =	vst v10;
	s8 =	smov.u32 s21  }
0x1e2: {  	[tilespmem:s8+$0x0] =	vst v8;
	v60 =	vor.u32 v0, v9;
	v7 =	vshll.u32 v7, $0x1;
	v61 =	vld [tilespmem:s8+$0x70]  }
0x1e3: {  	[tilespmem:s8+$0x10] =	vst v60;
	v7 =	vor.u32 v0, v7;
	v6 =	vshll.u32 v6, $0x1  }
0x1e4: {  	[tilespmem:s8+$0x20] =	vst v7;
	v6 =	vor.u32 v0, v6;
	v3 =	vshll.u32 v3, $0x1  }
0x1e5: {  	[tilespmem:s8+$0x30] =	vst v6;
	v3 =	vor.u32 v0, v3;
	v4 =	vshll.u32 v4, $0x1  }
0x1e6: {  	[tilespmem:s8+$0x40] =	vst v3;
	v3 =	vor.u32 v0, v4;
	v62 =	vshll.u32 v5, $0x1  }
0x1e7: {  	[tilespmem:s8+$0x50] =	vst v3;
	v3 =	vor.u32 v0, v62;
	v63 =	vshll.u32 v61, $0x1  }
0x1e8: {  	[tilespmem:s8+$0x60] =	vst v3;
	v3 =	vor.u32 v0, v63  }
0x1e9: {  	[tilespmem:s8+$0x70] =	vst v3  }
.LBB2_25:
0x1ea: {  	s8 =	simm.s32 $0x880  }
0x1eb: {  	[tilespmem:s10], [sflag:$0x2] =	stream.indirect.gather [hbm4b:s1+s30], $0x40, s8, s30, $0xb8;
	[tilespmem:$0x11D80] =	vst v63  }
0x1ec: {  	_ =	swait.ge [sflag:s11], $0x2000  }
0x1ed: {  	[sflag:s11] =	ssyncset.done $0x0  }
.Ltmp16:
0x1ee: {  	[sflag:s11] =	ssyncadd.s32 $0xFFFFE000;
	(pc) =	sbr.rel @p0 .LBB2_27-.Ltmp16, $4  }
0x1ef: {  	[spmem:s2] =	stream.indirect.scatter.add.bf16 [tilespmem:s31], [sflag:$0x4], $0x40, s9, s30, $0xb8;
	[tilespmem:$0x11D80] =	vst v63  }
0x1f0: {  	_ =	swait.ge [sflag:s5], $0x2000  }
0x1f1: {  	[sflag:s5] =	ssyncset.done $0x0  }
0x1f2: {  	[sflag:s5] =	ssyncadd.s32 $0xFFFFE000  }
0x1f3: {  	[spmem:s3] =	stream.indirect.scatter.add.bf16 [tilespmem:s12], [sflag:$0x4], $0x10, s9, s30, $0xb8;
	[tilespmem:$0x11D80] =	vst v63  }
0x1f4: {  	_ =	swait.ge [sflag:s5], $0x800  }
0x1f5: {  	[sflag:s5] =	ssyncset.done $0x0  }
0x1f6: {  	s8 =	simm.s32 $0x900;
	[sflag:s5] =	ssyncadd.s32 $0xFFFFF800  }
0x1f7: {  	[tilespmem:s31], [sflag:$0x1] =	stream.indirect.gather [hbm4b:s1+s30], $0x40, s8, s30, $0xb8;
	[tilespmem:$0x11D80] =	vst v63  }
0x1f8: {  	_ =	swait.ge [sflag:s16], $0x2000  }
0x1f9: {  	[sflag:s16] =	ssyncset.done $0x0  }
0x1fa: {  	s25 =	simm.s32 $0xC80;
	[sflag:s16] =	ssyncadd.s32 $0xFFFFE000  }
0x1fb: {  	[spmem:s2] =	stream.indirect.scatter.add.bf16 [tilespmem:s10], [sflag:$0x4], $0x40, s25, s30, $0xb8;
	[tilespmem:$0x11D80] =	vst v63  }
0x1fc: {  	_ =	swait.ge [sflag:s5], $0x2000  }
0x1fd: {  	[sflag:s5] =	ssyncset.done $0x0  }
0x1fe: {  	s26 =	simm.s32 $0x980;
	[sflag:s5] =	ssyncadd.s32 $0xFFFFE000  }
0x1ff: {  	[tilespmem:s10], [sflag:$0x2] =	stream.indirect.gather [hbm4b:s1+s30], $0x40, s26, s30, $0xb8;
	[tilespmem:$0x11D80] =	vst v63  }
0x200: {  	_ =	swait.ge [sflag:s11], $0x2000  }
0x201: {  	[sflag:s11] =	ssyncset.done $0x0  }
0x202: {  	s20 =	simm.s32 $0xD00;
	[sflag:s11] =	ssyncadd.s32 $0xFFFFE000  }
0x203: {  	[spmem:s2] =	stream.indirect.scatter.add.bf16 [tilespmem:s31], [sflag:$0x4], $0x40, s20, s30, $0xb8;
	[tilespmem:$0x11D80] =	vst v63  }
0x204: {  	_ =	swait.ge [sflag:s5], $0x2000  }
0x205: {  	[sflag:s5] =	ssyncset.done $0x0  }
0x206: {  	[sflag:s5] =	ssyncadd.s32 $0xFFFFE000  }
0x207: {  	[spmem:s3] =	stream.indirect.scatter.add.bf16 [tilespmem:s12], [sflag:$0x4], $0x10, s20, s30, $0xb8;
	[tilespmem:$0x11D80] =	vst v63  }
0x208: {  	_ =	swait.ge [sflag:s5], $0x800  }
0x209: {  	[sflag:s5] =	ssyncset.done $0x0  }
0x20a: {  	s21 =	simm.s32 $0xA00;
	[sflag:s5] =	ssyncadd.s32 $0xFFFFF800  }
0x20b: {  	[tilespmem:s31], [sflag:$0x1] =	stream.indirect.gather [hbm4b:s1+s30], $0x40, s21, s30, $0xb8;
	[tilespmem:$0x11D80] =	vst v63  }
0x20c: {  	_ =	swait.ge [sflag:s16], $0x2000  }
0x20d: {  	[sflag:s16] =	ssyncset.done $0x0  }
0x20e: {  	s23 =	simm.s32 $0xD80;
	[sflag:s16] =	ssyncadd.s32 $0xFFFFE000  }
0x20f: {  	[spmem:s2] =	stream.indirect.scatter.add.bf16 [tilespmem:s10], [sflag:$0x4], $0x40, s23, s30, $0xb8;
	[tilespmem:$0x11D80] =	vst v63  }
0x210: {  	_ =	swait.ge [sflag:s5], $0x2000  }
0x211: {  	[sflag:s5] =	ssyncset.done $0x0  }
0x212: {  	s25 =	simm.s32 $0xA80;
	[sflag:s5] =	ssyncadd.s32 $0xFFFFE000  }
0x213: {  	[tilespmem:s10], [sflag:$0x2] =	stream.indirect.gather [hbm4b:s1+s30], $0x40, s25, s30, $0xb8;
	[tilespmem:$0x11D80] =	vst v63  }
0x214: {  	_ =	swait.ge [sflag:s11], $0x2000  }
0x215: {  	[sflag:s11] =	ssyncset.done $0x0  }
0x216: {  	s26 =	simm.s32 $0xE00;
	[sflag:s11] =	ssyncadd.s32 $0xFFFFE000  }
0x217: {  	[spmem:s2] =	stream.indirect.scatter.add.bf16 [tilespmem:s31], [sflag:$0x4], $0x40, s26, s30, $0xb8;
	[tilespmem:$0x11D80] =	vst v63  }
0x218: {  	_ =	swait.ge [sflag:s5], $0x2000  }
0x219: {  	[sflag:s5] =	ssyncset.done $0x0  }
0x21a: {  	[sflag:s5] =	ssyncadd.s32 $0xFFFFE000  }
0x21b: {  	[spmem:s3] =	stream.indirect.scatter.add.bf16 [tilespmem:s12], [sflag:$0x4], $0x10, s26, s30, $0xb8;
	[tilespmem:$0x11D80] =	vst v63  }
0x21c: {  	_ =	swait.ge [sflag:s5], $0x800  }
0x21d: {  	[sflag:s5] =	ssyncset.done $0x0  }
0x21e: {  	s21 =	simm.s32 $0xB00;
	[sflag:s5] =	ssyncadd.s32 $0xFFFFF800  }
0x21f: {  	[tilespmem:s31], [sflag:$0x1] =	stream.indirect.gather [hbm4b:s1+s30], $0x40, s21, s30, $0xb8;
	[tilespmem:$0x11D80] =	vst v63  }
0x220: {  	_ =	swait.ge [sflag:s16], $0x2000  }
0x221: {  	[sflag:s16] =	ssyncset.done $0x0  }
0x222: {  	[sflag:s16] =	ssyncadd.s32 $0xFFFFE000  }
0x223: {  	[spmem:s2] =	stream.indirect.scatter.add.bf16 [tilespmem:s10], [sflag:$0x4], $0x40, s24, s30, $0xb8;
	[tilespmem:$0x11D80] =	vst v63  }
0x224: {  	_ =	swait.ge [sflag:s5], $0x2000  }
0x225: {  	[sflag:s5] =	ssyncset.done $0x0  }
0x226: {  	s23 =	simm.s32 $0xB80;
	[sflag:s5] =	ssyncadd.s32 $0xFFFFE000  }
0x227: {  	[tilespmem:s10], [sflag:$0x2] =	stream.indirect.gather [hbm4b:s1+s30], $0x40, s23, s30, $0xb8;
	[tilespmem:$0x11D80] =	vst v63  }
0x228: {  	_ =	swait.ge [sflag:s11], $0x2000  }
0x229: {  	[sflag:s11] =	ssyncset.done $0x0  }
0x22a: {  	s25 =	simm.s32 $0xF00;
	[sflag:s11] =	ssyncadd.s32 $0xFFFFE000  }
0x22b: {  	[spmem:s2] =	stream.indirect.scatter.add.bf16 [tilespmem:s31], [sflag:$0x4], $0x40, s25, s30, $0xb8;
	[tilespmem:$0x11D80] =	vst v63  }
0x22c: {  	_ =	swait.ge [sflag:s5], $0x2000  }
0x22d: {  	[sflag:s5] =	ssyncset.done $0x0  }
.Ltmp17:
0x22e: {  	[sflag:s5] =	ssyncadd.s32 $0xFFFFE000;
	(pc) =	sbr.rel .LBB2_28-.Ltmp17, $4  }
0x22f: {  	[spmem:s3] =	stream.indirect.scatter.add.bf16 [tilespmem:s12], [sflag:$0x4], $0x10, s25, s30, $0xb8;
	[tilespmem:$0x11D80] =	vst v63  }
0x230: {  	_ =	swait.ge [sflag:s5], $0x800  }
0x231: {  	[sflag:s5] =	ssyncset.done $0x0  }
0x232: {  	s20 =	simm.s32 $0xE00;
	s26 =	simm.s32 $0xF00;
	[sflag:s5] =	ssyncadd.s32 $0xFFFFF800  }
.LBB2_30:
0x233: {  	_ =	sfence.sel $0x180000  }
0x234: {  	[bflag:$0x0] =	sbarrier.arrive $0xFFFF  }
0x235: {  	_ =	strace $0x90000047  }
0x236: {  	s0 =	stileid.u32;
	[bflag:$0x2] =	sbarrier.arrive $0xFFFF  }
0x237: {  	p0 =	sne.s32 s0, $0x0;
	s0 =	rddreg [dreg:$0x4]  }
0x238: {  	s0 =	sadd.s32 @!p0 $0x100000, s0  }
0x239: {  	[sflag:s0] =	ssyncadd.tile.s32 @!p0 $0x1;
	_ =	shalt  }
.Lfunc_end2:
_tile_overlayer_lowered:
.L_overlay_start_2:
0x23a: {  	(tag) =	ssettag $0x2  }
0x23b: {  	s0 =	rddreg [dreg:$0x0];
	s2 =	stileid.u32  }
0x23c: {  	s1 =	rddreg [dreg:$0x1];
	p0 =	sne.s32 s2, $0x0  }
0x23d: {  	s3 =	rddreg [dreg:$0x2];
	[bflag:$0x3] =	sbarrier.arrive $0xFFFF;
	s2 =	simm.s32 @!p0 $0x1C03  }
0x23e: {  	[timem:s3], [sflag:s2] =	dma.local @!p0 [hbm:s0], s1  }
0x23f: {  	s0 =	simm.s32 @!p0 $0x3  }
0x240: {  	_ =	swait.ge @!p0 [sflag:s0], s1  }
0x241: {  	s1 =	ssub.s32 @!p0 $0x0, s1;
	[sflag:s0] =	ssyncset.done @!p0 $0x0  }
0x242: {  	[sflag:s0] =	ssyncadd.s32 @!p0 s1  }
0x243: {  	[bflag:$0x3] =	sbarrier.arrive $0xFFFF  }
0x244: {  	_ =	shalt  }

</sc_bundles>
